<compile_context>
chip_gen: v7x
topology: tpu7x:2x2x1
jax: 0.10.2.dev20260603
libtpu: 0.0.44.dev20260713+nightly
codegen_flags: <defaults>
</compile_context>

<pallas_src>
import jax
import jax.numpy as jnp
from jax import lax
from jax.experimental import pallas as pl
from jax.experimental.pallas import tpu as pltpu
from jax.experimental.pallas import tpu_sc as plsc

_B = 16384
_ND = 13
_NS = 26
_VOCAB = 100000
_XC = _ND + _NS
_NW = 32
_RPW = _B // _NW
_NCHUNK = _NS * _RPW // 128
_SPLITS = (12, 8, 6)


def _wid(c, s):
    return s * 2 + c


def _body_a(xt_hbm, w_hbm, idx_hbm, dense_hbm, xcv, idxv, wv, accv, sem):
    wid = _wid(lax.axis_index("c"), lax.axis_index("s"))
    base = wid * _RPW

    def stage_body(j, carry):
        pltpu.make_async_copy(
            xt_hbm.at[pl.ds(j * _B + base, _RPW)], xcv.at[j], sem
        ).start()
        return carry

    lax.fori_loop(0, _XC, stage_body, 0)
    pltpu.sync_copy(w_hbm, wv)

    def stage_wait(j, carry):
        pltpu.make_async_copy(
            xt_hbm.at[pl.ds(j * _B + base, _RPW)], xcv.at[j], sem
        ).wait()
        return carry

    lax.fori_loop(0, _XC, stage_wait, 0)

    def idx_body(cc, carry):
        f = cc // 4
        r0 = (cc % 4) * 128
        for vv in range(8):
            vals = xcv[_ND + f, pl.ds(r0 + vv * 16, 16)]
            idxv[cc, pl.ds(vv * 16, 16)] = vals.astype(jnp.int32)
        return carry

    lax.fori_loop(0, _NCHUNK, idx_body, 0)

    wvec = wv[pl.ds(0, 16)]

    def dense_body(cc, carry):
        for vv in range(8):
            b0 = cc * 128 + vv * 16
            acc = xcv[0, pl.ds(b0, 16)] * wvec[0]
            for j in range(1, _ND):
                acc = acc + xcv[j, pl.ds(b0, 16)] * wvec[j]
            accv[pl.ds(b0, 16)] = acc
        return carry

    lax.fori_loop(0, 4, dense_body, 0)

    pltpu.sync_copy(idxv, idx_hbm.at[pl.ds(wid * _NCHUNK, _NCHUNK)])
    pltpu.sync_copy(accv, dense_hbm.at[pl.ds(base, _RPW)])


def _make_body_b(f0, nf):
    nch = nf * 4

    def body(idx_hbm, *rest):
        tbls = rest[:nf]
        part_hbm, out_hbm, idxv, gv, accv, sem = rest[nf:]
        wid = _wid(lax.axis_index("c"), lax.axis_index("s"))
        base = wid * _RPW

        pltpu.sync_copy(
            idx_hbm.at[pl.ds(wid * _NCHUNK + f0 * 4, nch)], idxv
        )
        pltpu.make_async_copy(
            part_hbm.at[pl.ds(base, _RPW)], accv, sem
        ).start()

        for k in range(nf):
            def fire_body(cc, carry, k=k):
                pltpu.make_async_copy(
                    tbls[k].at[idxv.at[k * 4 + cc]], gv.at[k * 4 + cc], sem
                ).start()
                return carry

            lax.fori_loop(0, 4, fire_body, 0)

        pltpu.make_async_copy(
            part_hbm.at[pl.ds(base, _RPW)], accv, sem
        ).wait()

        def drain_body(cc, carry):
            pltpu.make_async_copy(
                tbls[0].at[idxv.at[cc]], gv.at[cc], sem
            ).wait()
            return carry

        lax.fori_loop(0, nch, drain_body, 0)

        def acc_body(cc, carry):
            for vv in range(8):
                b0 = cc * 128 + vv * 16
                acc = accv[pl.ds(b0, 16)]
                for k in range(nf):
                    acc = acc + gv[k * 4 + cc, pl.ds(vv * 16, 16)]
                accv[pl.ds(b0, 16)] = acc
            return carry

        lax.fori_loop(0, 4, acc_body, 0)

        pltpu.sync_copy(accv, out_hbm.at[pl.ds(base, _RPW)])

    return body


@jax.jit
def _run(xt_flat, tbl_list, w_pad):
    mesh = plsc.VectorSubcoreMesh(
        core_axis_name="c", subcore_axis_name="s", num_cores=2, num_subcores=16
    )
    phase_a = pl.kernel(
        _body_a,
        out_type=(
            jax.ShapeDtypeStruct((_NW * _NCHUNK, 128), jnp.int32),
            jax.ShapeDtypeStruct((_B,), jnp.float32),
        ),
        mesh=mesh,
        scratch_types=[
            pltpu.VMEM((_XC, _RPW), jnp.float32),
            pltpu.VMEM((_NCHUNK, 128), jnp.int32),
            pltpu.VMEM((16,), jnp.float32),
            pltpu.VMEM((_RPW,), jnp.float32),
            pltpu.SemaphoreType.DMA,
        ],
    )

    def make_phase_b(f0, nf):
        return pl.kernel(
            _make_body_b(f0, nf),
            out_type=jax.ShapeDtypeStruct((_B,), jnp.float32),
            mesh=mesh,
            scratch_types=[
                pltpu.VMEM((nf * 4, 128), jnp.int32),
                pltpu.VMEM((nf * 4, 128), jnp.float32),
                pltpu.VMEM((_RPW,), jnp.float32),
                pltpu.SemaphoreType.DMA,
            ],
        )

    idx_hbm, part = phase_a(xt_flat, w_pad)
    f0 = 0
    for nf in _SPLITS:
        part = make_phase_b(f0, nf)(idx_hbm, *tbl_list[f0:f0 + nf], part)
        f0 += nf
    return part


def kernel(X, tables, weight):
    xt_flat = X.T.reshape(_XC * _B)
    tbl_list = []
    src = tables
    f0 = 0
    for nf in _SPLITS:
        tbl_list += [src[f, :, 0] for f in range(f0, f0 + nf)]
        f0 += nf
        src = lax.optimization_barrier(src)
    w_pad = jnp.pad(weight.reshape(_ND), (0, 16 - _ND))
    return _run(xt_flat, tbl_list, w_pad).reshape(_B, 1)

# --- scband reference (transcript-rebuilt; emitter-appended) ---
"""Pipeline reference for scband-linear-20126216749643 (READ-ONLY COPY).

The authoritative reference and input builder live on the scoring server;
editing this copy changes nothing except your own understanding.
"""

import jax, jax.numpy as jnp
import numpy as np

B = 16384
N_DENSE = 13
N_SPARSE = 26
VOCAB = 100000
INIT_STD = 0.0001


def setup_inputs(seed: int = 0) -> dict:
    key = jax.random.key(seed)
    k1, k2, k3, k4 = jax.random.split(key, 4)
    dense = jax.random.uniform(k1, (B, N_DENSE), dtype=jnp.float32)
    sparse_idx = jax.random.randint(k2, (B, N_SPARSE), 0, VOCAB).astype(jnp.float32)
    X = jnp.concatenate([dense, sparse_idx], axis=1)
    # 26 embedding tables of shape [VOCAB, 1], stacked: [N_SPARSE, VOCAB, 1]
    tables = jax.random.normal(k3, (N_SPARSE, VOCAB, 1), dtype=jnp.float32) * INIT_STD
    # dense linear weight [N_DENSE, 1]
    weight = jax.random.normal(k4, (N_DENSE, 1), dtype=jnp.float32) * INIT_STD
    return {"X": X, "tables": tables, "weight": weight}


def reference(X, tables, weight):
    # sparse part: per-field embedding lookup (embedding_dim == 1)
    sparse_embedding_list = []
    for i in range(N_SPARSE):
        idx = X[:, N_DENSE + i:N_DENSE + i + 1].astype(jnp.int32)  # [B, 1]
        emb = jnp.take(tables[i], idx, axis=0)  # [B, 1, 1]
        sparse_embedding_list.append(emb)
    linear_sparse_logit = jnp.sum(jnp.concatenate(sparse_embedding_list, axis=-1), axis=-1)  # [B, 1]
    # dense part
    dense_values = X[:, :N_DENSE]  # [B, 13]
    linear_dense_logit = dense_values @ weight  # [B, 1]
    linear_logit = linear_sparse_logit + linear_dense_logit
    return linear_logit

if __name__ == "__main__":
    import jax
    _d = setup_inputs()
    print(jax.jit(kernel)(*tuple(_d.values())))

</pallas_src>

<mosaic_0001>
#map = affine_map<(d0, d1) -> (0, 0)>
#map1 = affine_map<(d0, d1) -> (0)>
module attributes {stable_mosaic.version = 14 : i64} {
  func.func @body(%arg0: i32, %arg1: i32, %arg2: memref<3328x128xi32, #tpu.memory_space<hbm>>, %arg3: memref<100000xf32, #tpu.memory_space<hbm>>, %arg4: memref<100000xf32, #tpu.memory_space<hbm>>, %arg5: memref<100000xf32, #tpu.memory_space<hbm>>, %arg6: memref<100000xf32, #tpu.memory_space<hbm>>, %arg7: memref<100000xf32, #tpu.memory_space<hbm>>, %arg8: memref<100000xf32, #tpu.memory_space<hbm>>, %arg9: memref<100000xf32, #tpu.memory_space<hbm>>, %arg10: memref<100000xf32, #tpu.memory_space<hbm>>, %arg11: memref<16384xf32, #tpu.memory_space<hbm>>, %arg12: memref<16384xf32, #tpu.memory_space<hbm>>, %arg13: memref<32x128xi32, #tpu.memory_space<vmem>>, %arg14: memref<32x128xf32, #tpu.memory_space<vmem>>, %arg15: memref<512xf32, #tpu.memory_space<vmem>>, %arg16: memref<!tpu.dma_semaphore, #tpu.memory_space<semaphore_mem>>) attributes {dimension_semantics = [#tpu.dimension_semantics<core_parallel>, #tpu.dimension_semantics<subcore_parallel>], iteration_bounds = array<i64: 2, 16>, scalar_prefetch = 0 : i64, scratch_operands = 4 : i64, tpu.core_type = #tpu.core_type<sc_vector_subcore>, window_params = [{transform_indices = #map}, {transform_indices = #map1}, {transform_indices = #map1}, {transform_indices = #map1}, {transform_indices = #map1}, {transform_indices = #map1}, {transform_indices = #map1}, {transform_indices = #map1}, {transform_indices = #map1}, {transform_indices = #map1}, {transform_indices = #map1}]} {
    %mul3A = arith.constant 2 : i32
    %mul3A_0 = arith.muli %arg1, %mul3A : i32
    %add3A = arith.addi %mul3A_0, %arg0 : i32
    %mul3A_1 = arith.constant 512 : i32
    %mul3A_2 = arith.muli %add3A, %mul3A_1 : i32
    %mul3A_3 = arith.constant 104 : i32
    %mul3A_4 = arith.muli %add3A, %mul3A_3 : i32
    %add3A_5 = arith.constant 48 : i32
    %add3A_6 = arith.addi %mul3A_4, %add3A_5 : i32
    "tpu.region"() ({
      %run_scoped3A = tpu.sem_alloc : memref<!tpu.dma_semaphore, #tpu.memory_space<semaphore_mem>>
      %dma_start3A_68 = arith.constant 0 : i32
      %dma_start3A_69 = tpu.memref_slice %arg2[%add3A_6, %dma_start3A_68] : memref<3328x128xi32, #tpu.memory_space<hbm>> -> memref<32x128xi32, #tpu.memory_space<hbm>>
      %dma_start3A_70 = arith.constant 0 : i32
      %dma_start3A_71 = tpu.memref_slice %arg2[%add3A_6, %dma_start3A_70] : memref<3328x128xi32, #tpu.memory_space<hbm>> -> memref<32x128xi32, #tpu.memory_space<hbm>>
      tpu.enqueue_dma source(%dma_start3A_71 : memref<32x128xi32, #tpu.memory_space<hbm>>) target(%arg13 : memref<32x128xi32, #tpu.memory_space<vmem>>) target_semaphore(%run_scoped3A : memref<!tpu.dma_semaphore, #tpu.memory_space<semaphore_mem>>)
      %dma_wait3A_72 = arith.constant 0 : i32
      %dma_wait3A_73 = tpu.memref_slice %arg2[%add3A_6, %dma_wait3A_72] : memref<3328x128xi32, #tpu.memory_space<hbm>> -> memref<32x128xi32, #tpu.memory_space<hbm>>
      %dma_wait3A_74 = arith.constant 0 : i32
      %dma_wait3A_75 = tpu.memref_slice %arg2[%add3A_6, %dma_wait3A_74] : memref<3328x128xi32, #tpu.memory_space<hbm>> -> memref<32x128xi32, #tpu.memory_space<hbm>>
      tpu.wait_dma2 semaphore(%run_scoped3A : memref<!tpu.dma_semaphore, #tpu.memory_space<semaphore_mem>>) src(%dma_wait3A_75 : memref<32x128xi32, #tpu.memory_space<hbm>>) dst(%arg13 : memref<32x128xi32, #tpu.memory_space<vmem>>)
      tpu.yield
    }) : () -> ()
    %dma_start3A = tpu.memref_slice %arg11[%mul3A_2] : memref<16384xf32, #tpu.memory_space<hbm>> -> memref<512xf32, #tpu.memory_space<hbm>>
    %dma_start3A_7 = tpu.memref_slice %arg11[%mul3A_2] : memref<16384xf32, #tpu.memory_space<hbm>> -> memref<512xf32, #tpu.memory_space<hbm>>
    tpu.enqueue_dma source(%dma_start3A_7 : memref<512xf32, #tpu.memory_space<hbm>>) target(%arg15 : memref<512xf32, #tpu.memory_space<vmem>>) target_semaphore(%arg16 : memref<!tpu.dma_semaphore, #tpu.memory_space<semaphore_mem>>)
    %scan3A = arith.constant 0 : i32
    %scan3A_8 = arith.constant 0 : i32
    %scan3A_9 = arith.constant 4 : i32
    %scan3A_10 = arith.addi %scan3A_8, %scan3A_9 : i32
    %scan3A_11 = arith.constant 1 : i32
    scf.for %scan3A_68 = %scan3A_8 to %scan3A_10 step %scan3A_11  : i32 {
      %add3A_69 = arith.constant 0 : i32
      %add3A_70 = arith.addi %add3A_69, %scan3A_68 : i32
      %add3A_71 = arith.constant 0 : i32
      %add3A_72 = arith.addi %add3A_71, %scan3A_68 : i32
      %dma_start3A_73 = arith.constant 0 : i32
      %dma_start3A_74 = tpu.memref_slice %arg14[%add3A_72, %dma_start3A_73] : memref<32x128xf32, #tpu.memory_space<vmem>> -> memref<1x128xf32, #tpu.memory_space<vmem>>
      %dma_start3A_75 = tpu.memref_squeeze %dma_start3A_74 : memref<1x128xf32, #tpu.memory_space<vmem>> -> memref<128xf32, #tpu.memory_space<vmem>>
      %dma_start3A_76 = arith.constant 0 : i32
      %dma_start3A_77 = tpu.memref_slice %arg13[%add3A_70, %dma_start3A_76] : memref<32x128xi32, #tpu.memory_space<vmem>> -> memref<1x128xi32, #tpu.memory_space<vmem>>
      %dma_start3A_78 = tpu.memref_squeeze %dma_start3A_77 : memref<1x128xi32, #tpu.memory_space<vmem>> -> memref<128xi32, #tpu.memory_space<vmem>>
      %dma_start3A_79 = arith.constant 0 : i32
      %dma_start3A_80 = tpu.memref_slice %arg3[%dma_start3A_79] : memref<100000xf32, #tpu.memory_space<hbm>> -> memref<100000xf32, #tpu.memory_space<hbm>>
      tpu.enqueue_indirect_dma source(%dma_start3A_80 : memref<100000xf32, #tpu.memory_space<hbm>>) target(%dma_start3A_75 : memref<128xf32, #tpu.memory_space<vmem>>) offsets(%dma_start3A_78 : memref<128xi32, #tpu.memory_space<vmem>>) semaphore(%arg16 : memref<!tpu.dma_semaphore, #tpu.memory_space<semaphore_mem>>)
    }
    %scan3A_12 = arith.constant 4 : i32
    %scan3A_13 = arith.constant 0 : i32
    %scan3A_14 = arith.constant 0 : i32
    %scan3A_15 = arith.constant 4 : i32
    %scan3A_16 = arith.addi %scan3A_14, %scan3A_15 : i32
    %scan3A_17 = arith.constant 1 : i32
    scf.for %scan3A_68 = %scan3A_14 to %scan3A_16 step %scan3A_17  : i32 {
      %add3A_69 = arith.constant 4 : i32
      %add3A_70 = arith.addi %add3A_69, %scan3A_68 : i32
      %add3A_71 = arith.constant 4 : i32
      %add3A_72 = arith.addi %add3A_71, %scan3A_68 : i32
      %dma_start3A_73 = arith.constant 0 : i32
      %dma_start3A_74 = tpu.memref_slice %arg14[%add3A_72, %dma_start3A_73] : memref<32x128xf32, #tpu.memory_space<vmem>> -> memref<1x128xf32, #tpu.memory_space<vmem>>
      %dma_start3A_75 = tpu.memref_squeeze %dma_start3A_74 : memref<1x128xf32, #tpu.memory_space<vmem>> -> memref<128xf32, #tpu.memory_space<vmem>>
      %dma_start3A_76 = arith.constant 0 : i32
      %dma_start3A_77 = tpu.memref_slice %arg13[%add3A_70, %dma_start3A_76] : memref<32x128xi32, #tpu.memory_space<vmem>> -> memref<1x128xi32, #tpu.memory_space<vmem>>
      %dma_start3A_78 = tpu.memref_squeeze %dma_start3A_77 : memref<1x128xi32, #tpu.memory_space<vmem>> -> memref<128xi32, #tpu.memory_space<vmem>>
      %dma_start3A_79 = arith.constant 0 : i32
      %dma_start3A_80 = tpu.memref_slice %arg4[%dma_start3A_79] : memref<100000xf32, #tpu.memory_space<hbm>> -> memref<100000xf32, #tpu.memory_space<hbm>>
      tpu.enqueue_indirect_dma source(%dma_start3A_80 : memref<100000xf32, #tpu.memory_space<hbm>>) target(%dma_start3A_75 : memref<128xf32, #tpu.memory_space<vmem>>) offsets(%dma_start3A_78 : memref<128xi32, #tpu.memory_space<vmem>>) semaphore(%arg16 : memref<!tpu.dma_semaphore, #tpu.memory_space<semaphore_mem>>)
    }
    %scan3A_18 = arith.constant 4 : i32
    %scan3A_19 = arith.constant 0 : i32
    %scan3A_20 = arith.constant 0 : i32
    %scan3A_21 = arith.constant 4 : i32
    %scan3A_22 = arith.addi %scan3A_20, %scan3A_21 : i32
    %scan3A_23 = arith.constant 1 : i32
    scf.for %scan3A_68 = %scan3A_20 to %scan3A_22 step %scan3A_23  : i32 {
      %add3A_69 = arith.constant 8 : i32
      %add3A_70 = arith.addi %add3A_69, %scan3A_68 : i32
      %add3A_71 = arith.constant 8 : i32
      %add3A_72 = arith.addi %add3A_71, %scan3A_68 : i32
      %dma_start3A_73 = arith.constant 0 : i32
      %dma_start3A_74 = tpu.memref_slice %arg14[%add3A_72, %dma_start3A_73] : memref<32x128xf32, #tpu.memory_space<vmem>> -> memref<1x128xf32, #tpu.memory_space<vmem>>
      %dma_start3A_75 = tpu.memref_squeeze %dma_start3A_74 : memref<1x128xf32, #tpu.memory_space<vmem>> -> memref<128xf32, #tpu.memory_space<vmem>>
      %dma_start3A_76 = arith.constant 0 : i32
      %dma_start3A_77 = tpu.memref_slice %arg13[%add3A_70, %dma_start3A_76] : memref<32x128xi32, #tpu.memory_space<vmem>> -> memref<1x128xi32, #tpu.memory_space<vmem>>
      %dma_start3A_78 = tpu.memref_squeeze %dma_start3A_77 : memref<1x128xi32, #tpu.memory_space<vmem>> -> memref<128xi32, #tpu.memory_space<vmem>>
      %dma_start3A_79 = arith.constant 0 : i32
      %dma_start3A_80 = tpu.memref_slice %arg5[%dma_start3A_79] : memref<100000xf32, #tpu.memory_space<hbm>> -> memref<100000xf32, #tpu.memory_space<hbm>>
      tpu.enqueue_indirect_dma source(%dma_start3A_80 : memref<100000xf32, #tpu.memory_space<hbm>>) target(%dma_start3A_75 : memref<128xf32, #tpu.memory_space<vmem>>) offsets(%dma_start3A_78 : memref<128xi32, #tpu.memory_space<vmem>>) semaphore(%arg16 : memref<!tpu.dma_semaphore, #tpu.memory_space<semaphore_mem>>)
    }
    %scan3A_24 = arith.constant 4 : i32
    %scan3A_25 = arith.constant 0 : i32
    %scan3A_26 = arith.constant 0 : i32
    %scan3A_27 = arith.constant 4 : i32
    %scan3A_28 = arith.addi %scan3A_26, %scan3A_27 : i32
    %scan3A_29 = arith.constant 1 : i32
    scf.for %scan3A_68 = %scan3A_26 to %scan3A_28 step %scan3A_29  : i32 {
      %add3A_69 = arith.constant 12 : i32
      %add3A_70 = arith.addi %add3A_69, %scan3A_68 : i32
      %add3A_71 = arith.constant 12 : i32
      %add3A_72 = arith.addi %add3A_71, %scan3A_68 : i32
      %dma_start3A_73 = arith.constant 0 : i32
      %dma_start3A_74 = tpu.memref_slice %arg14[%add3A_72, %dma_start3A_73] : memref<32x128xf32, #tpu.memory_space<vmem>> -> memref<1x128xf32, #tpu.memory_space<vmem>>
      %dma_start3A_75 = tpu.memref_squeeze %dma_start3A_74 : memref<1x128xf32, #tpu.memory_space<vmem>> -> memref<128xf32, #tpu.memory_space<vmem>>
      %dma_start3A_76 = arith.constant 0 : i32
      %dma_start3A_77 = tpu.memref_slice %arg13[%add3A_70, %dma_start3A_76] : memref<32x128xi32, #tpu.memory_space<vmem>> -> memref<1x128xi32, #tpu.memory_space<vmem>>
      %dma_start3A_78 = tpu.memref_squeeze %dma_start3A_77 : memref<1x128xi32, #tpu.memory_space<vmem>> -> memref<128xi32, #tpu.memory_space<vmem>>
      %dma_start3A_79 = arith.constant 0 : i32
      %dma_start3A_80 = tpu.memref_slice %arg6[%dma_start3A_79] : memref<100000xf32, #tpu.memory_space<hbm>> -> memref<100000xf32, #tpu.memory_space<hbm>>
      tpu.enqueue_indirect_dma source(%dma_start3A_80 : memref<100000xf32, #tpu.memory_space<hbm>>) target(%dma_start3A_75 : memref<128xf32, #tpu.memory_space<vmem>>) offsets(%dma_start3A_78 : memref<128xi32, #tpu.memory_space<vmem>>) semaphore(%arg16 : memref<!tpu.dma_semaphore, #tpu.memory_space<semaphore_mem>>)
    }
    %scan3A_30 = arith.constant 4 : i32
    %scan3A_31 = arith.constant 0 : i32
    %scan3A_32 = arith.constant 0 : i32
    %scan3A_33 = arith.constant 4 : i32
    %scan3A_34 = arith.addi %scan3A_32, %scan3A_33 : i32
    %scan3A_35 = arith.constant 1 : i32
    scf.for %scan3A_68 = %scan3A_32 to %scan3A_34 step %scan3A_35  : i32 {
      %add3A_69 = arith.constant 16 : i32
      %add3A_70 = arith.addi %add3A_69, %scan3A_68 : i32
      %add3A_71 = arith.constant 16 : i32
      %add3A_72 = arith.addi %add3A_71, %scan3A_68 : i32
      %dma_start3A_73 = arith.constant 0 : i32
      %dma_start3A_74 = tpu.memref_slice %arg14[%add3A_72, %dma_start3A_73] : memref<32x128xf32, #tpu.memory_space<vmem>> -> memref<1x128xf32, #tpu.memory_space<vmem>>
      %dma_start3A_75 = tpu.memref_squeeze %dma_start3A_74 : memref<1x128xf32, #tpu.memory_space<vmem>> -> memref<128xf32, #tpu.memory_space<vmem>>
      %dma_start3A_76 = arith.constant 0 : i32
      %dma_start3A_77 = tpu.memref_slice %arg13[%add3A_70, %dma_start3A_76] : memref<32x128xi32, #tpu.memory_space<vmem>> -> memref<1x128xi32, #tpu.memory_space<vmem>>
      %dma_start3A_78 = tpu.memref_squeeze %dma_start3A_77 : memref<1x128xi32, #tpu.memory_space<vmem>> -> memref<128xi32, #tpu.memory_space<vmem>>
      %dma_start3A_79 = arith.constant 0 : i32
      %dma_start3A_80 = tpu.memref_slice %arg7[%dma_start3A_79] : memref<100000xf32, #tpu.memory_space<hbm>> -> memref<100000xf32, #tpu.memory_space<hbm>>
      tpu.enqueue_indirect_dma source(%dma_start3A_80 : memref<100000xf32, #tpu.memory_space<hbm>>) target(%dma_start3A_75 : memref<128xf32, #tpu.memory_space<vmem>>) offsets(%dma_start3A_78 : memref<128xi32, #tpu.memory_space<vmem>>) semaphore(%arg16 : memref<!tpu.dma_semaphore, #tpu.memory_space<semaphore_mem>>)
    }
    %scan3A_36 = arith.constant 4 : i32
    %scan3A_37 = arith.constant 0 : i32
    %scan3A_38 = arith.constant 0 : i32
    %scan3A_39 = arith.constant 4 : i32
    %scan3A_40 = arith.addi %scan3A_38, %scan3A_39 : i32
    %scan3A_41 = arith.constant 1 : i32
    scf.for %scan3A_68 = %scan3A_38 to %scan3A_40 step %scan3A_41  : i32 {
      %add3A_69 = arith.constant 20 : i32
      %add3A_70 = arith.addi %add3A_69, %scan3A_68 : i32
      %add3A_71 = arith.constant 20 : i32
      %add3A_72 = arith.addi %add3A_71, %scan3A_68 : i32
      %dma_start3A_73 = arith.constant 0 : i32
      %dma_start3A_74 = tpu.memref_slice %arg14[%add3A_72, %dma_start3A_73] : memref<32x128xf32, #tpu.memory_space<vmem>> -> memref<1x128xf32, #tpu.memory_space<vmem>>
      %dma_start3A_75 = tpu.memref_squeeze %dma_start3A_74 : memref<1x128xf32, #tpu.memory_space<vmem>> -> memref<128xf32, #tpu.memory_space<vmem>>
      %dma_start3A_76 = arith.constant 0 : i32
      %dma_start3A_77 = tpu.memref_slice %arg13[%add3A_70, %dma_start3A_76] : memref<32x128xi32, #tpu.memory_space<vmem>> -> memref<1x128xi32, #tpu.memory_space<vmem>>
      %dma_start3A_78 = tpu.memref_squeeze %dma_start3A_77 : memref<1x128xi32, #tpu.memory_space<vmem>> -> memref<128xi32, #tpu.memory_space<vmem>>
      %dma_start3A_79 = arith.constant 0 : i32
      %dma_start3A_80 = tpu.memref_slice %arg8[%dma_start3A_79] : memref<100000xf32, #tpu.memory_space<hbm>> -> memref<100000xf32, #tpu.memory_space<hbm>>
      tpu.enqueue_indirect_dma source(%dma_start3A_80 : memref<100000xf32, #tpu.memory_space<hbm>>) target(%dma_start3A_75 : memref<128xf32, #tpu.memory_space<vmem>>) offsets(%dma_start3A_78 : memref<128xi32, #tpu.memory_space<vmem>>) semaphore(%arg16 : memref<!tpu.dma_semaphore, #tpu.memory_space<semaphore_mem>>)
    }
    %scan3A_42 = arith.constant 4 : i32
    %scan3A_43 = arith.constant 0 : i32
    %scan3A_44 = arith.constant 0 : i32
    %scan3A_45 = arith.constant 4 : i32
    %scan3A_46 = arith.addi %scan3A_44, %scan3A_45 : i32
    %scan3A_47 = arith.constant 1 : i32
    scf.for %scan3A_68 = %scan3A_44 to %scan3A_46 step %scan3A_47  : i32 {
      %add3A_69 = arith.constant 24 : i32
      %add3A_70 = arith.addi %add3A_69, %scan3A_68 : i32
      %add3A_71 = arith.constant 24 : i32
      %add3A_72 = arith.addi %add3A_71, %scan3A_68 : i32
      %dma_start3A_73 = arith.constant 0 : i32
      %dma_start3A_74 = tpu.memref_slice %arg14[%add3A_72, %dma_start3A_73] : memref<32x128xf32, #tpu.memory_space<vmem>> -> memref<1x128xf32, #tpu.memory_space<vmem>>
      %dma_start3A_75 = tpu.memref_squeeze %dma_start3A_74 : memref<1x128xf32, #tpu.memory_space<vmem>> -> memref<128xf32, #tpu.memory_space<vmem>>
      %dma_start3A_76 = arith.constant 0 : i32
      %dma_start3A_77 = tpu.memref_slice %arg13[%add3A_70, %dma_start3A_76] : memref<32x128xi32, #tpu.memory_space<vmem>> -> memref<1x128xi32, #tpu.memory_space<vmem>>
      %dma_start3A_78 = tpu.memref_squeeze %dma_start3A_77 : memref<1x128xi32, #tpu.memory_space<vmem>> -> memref<128xi32, #tpu.memory_space<vmem>>
      %dma_start3A_79 = arith.constant 0 : i32
      %dma_start3A_80 = tpu.memref_slice %arg9[%dma_start3A_79] : memref<100000xf32, #tpu.memory_space<hbm>> -> memref<100000xf32, #tpu.memory_space<hbm>>
      tpu.enqueue_indirect_dma source(%dma_start3A_80 : memref<100000xf32, #tpu.memory_space<hbm>>) target(%dma_start3A_75 : memref<128xf32, #tpu.memory_space<vmem>>) offsets(%dma_start3A_78 : memref<128xi32, #tpu.memory_space<vmem>>) semaphore(%arg16 : memref<!tpu.dma_semaphore, #tpu.memory_space<semaphore_mem>>)
    }
    %scan3A_48 = arith.constant 4 : i32
    %scan3A_49 = arith.constant 0 : i32
    %scan3A_50 = arith.constant 0 : i32
    %scan3A_51 = arith.constant 4 : i32
    %scan3A_52 = arith.addi %scan3A_50, %scan3A_51 : i32
    %scan3A_53 = arith.constant 1 : i32
    scf.for %scan3A_68 = %scan3A_50 to %scan3A_52 step %scan3A_53  : i32 {
      %add3A_69 = arith.constant 28 : i32
      %add3A_70 = arith.addi %add3A_69, %scan3A_68 : i32
      %add3A_71 = arith.constant 28 : i32
      %add3A_72 = arith.addi %add3A_71, %scan3A_68 : i32
      %dma_start3A_73 = arith.constant 0 : i32
      %dma_start3A_74 = tpu.memref_slice %arg14[%add3A_72, %dma_start3A_73] : memref<32x128xf32, #tpu.memory_space<vmem>> -> memref<1x128xf32, #tpu.memory_space<vmem>>
      %dma_start3A_75 = tpu.memref_squeeze %dma_start3A_74 : memref<1x128xf32, #tpu.memory_space<vmem>> -> memref<128xf32, #tpu.memory_space<vmem>>
      %dma_start3A_76 = arith.constant 0 : i32
      %dma_start3A_77 = tpu.memref_slice %arg13[%add3A_70, %dma_start3A_76] : memref<32x128xi32, #tpu.memory_space<vmem>> -> memref<1x128xi32, #tpu.memory_space<vmem>>
      %dma_start3A_78 = tpu.memref_squeeze %dma_start3A_77 : memref<1x128xi32, #tpu.memory_space<vmem>> -> memref<128xi32, #tpu.memory_space<vmem>>
      %dma_start3A_79 = arith.constant 0 : i32
      %dma_start3A_80 = tpu.memref_slice %arg10[%dma_start3A_79] : memref<100000xf32, #tpu.memory_space<hbm>> -> memref<100000xf32, #tpu.memory_space<hbm>>
      tpu.enqueue_indirect_dma source(%dma_start3A_80 : memref<100000xf32, #tpu.memory_space<hbm>>) target(%dma_start3A_75 : memref<128xf32, #tpu.memory_space<vmem>>) offsets(%dma_start3A_78 : memref<128xi32, #tpu.memory_space<vmem>>) semaphore(%arg16 : memref<!tpu.dma_semaphore, #tpu.memory_space<semaphore_mem>>)
    }
    %scan3A_54 = arith.constant 4 : i32
    %dma_wait3A = tpu.memref_slice %arg11[%mul3A_2] : memref<16384xf32, #tpu.memory_space<hbm>> -> memref<512xf32, #tpu.memory_space<hbm>>
    %dma_wait3A_55 = tpu.memref_slice %arg11[%mul3A_2] : memref<16384xf32, #tpu.memory_space<hbm>> -> memref<512xf32, #tpu.memory_space<hbm>>
    tpu.wait_dma2 semaphore(%arg16 : memref<!tpu.dma_semaphore, #tpu.memory_space<semaphore_mem>>) src(%dma_wait3A_55 : memref<512xf32, #tpu.memory_space<hbm>>) dst(%arg15 : memref<512xf32, #tpu.memory_space<vmem>>)
    %scan3A_56 = arith.constant 0 : i32
    %scan3A_57 = arith.constant 0 : i32
    %scan3A_58 = arith.constant 32 : i32
    %scan3A_59 = arith.addi %scan3A_57, %scan3A_58 : i32
    %scan3A_60 = arith.constant 1 : i32
    scf.for %scan3A_68 = %scan3A_57 to %scan3A_59 step %scan3A_60  : i32 {
      %dma_wait3A_69 = arith.constant 0 : i32
      %dma_wait3A_70 = tpu.memref_slice %arg14[%scan3A_68, %dma_wait3A_69] : memref<32x128xf32, #tpu.memory_space<vmem>> -> memref<1x128xf32, #tpu.memory_space<vmem>>
      %dma_wait3A_71 = tpu.memref_squeeze %dma_wait3A_70 : memref<1x128xf32, #tpu.memory_space<vmem>> -> memref<128xf32, #tpu.memory_space<vmem>>
      %dma_wait3A_72 = arith.constant 0 : i32
      %dma_wait3A_73 = tpu.memref_slice %arg13[%scan3A_68, %dma_wait3A_72] : memref<32x128xi32, #tpu.memory_space<vmem>> -> memref<1x128xi32, #tpu.memory_space<vmem>>
      %dma_wait3A_74 = tpu.memref_squeeze %dma_wait3A_73 : memref<1x128xi32, #tpu.memory_space<vmem>> -> memref<128xi32, #tpu.memory_space<vmem>>
      %dma_wait3A_75 = arith.constant 0 : i32
      %dma_wait3A_76 = tpu.memref_slice %arg3[%dma_wait3A_75] : memref<100000xf32, #tpu.memory_space<hbm>> -> memref<100000xf32, #tpu.memory_space<hbm>>
      tpu.wait_indirect_dma semaphore(%arg16 : memref<!tpu.dma_semaphore, #tpu.memory_space<semaphore_mem>>) src(%dma_wait3A_76 : memref<100000xf32, #tpu.memory_space<hbm>>) dst(%dma_wait3A_71 : memref<128xf32, #tpu.memory_space<vmem>>)
    }
    %scan3A_61 = arith.constant 32 : i32
    %scan3A_62 = arith.constant 0 : i32
    %scan3A_63 = arith.constant 0 : i32
    %scan3A_64 = arith.constant 4 : i32
    %scan3A_65 = arith.addi %scan3A_63, %scan3A_64 : i32
    %scan3A_66 = arith.constant 1 : i32
    scf.for %scan3A_68 = %scan3A_63 to %scan3A_65 step %scan3A_66  : i32 {
      %mul3A_69 = arith.constant 128 : i32
      %mul3A_70 = arith.muli %scan3A_68, %mul3A_69 : i32
      %add3A_71 = arith.constant 0 : i32
      %add3A_72 = arith.addi %mul3A_70, %add3A_71 : i32
      %get3A = arith.index_cast %add3A_72 : i32 to index
      %get3A_73 = tpu.vector_load %arg15[%get3A] {strides = array<i32>} : memref<512xf32, #tpu.memory_space<vmem>>, vector<16xf32>,
      %get3A_74 = vector.shape_cast %get3A_73 : vector<16xf32> to vector<16xf32>
      %add3A_75 = arith.constant 0 : i32
      %add3A_76 = arith.addi %add3A_75, %scan3A_68 : i32
      %get3A_77 = arith.index_cast %add3A_76 : i32 to index
      %get3A_78 = arith.constant 0 : index
      %get3A_79 = tpu.vector_load %arg14[%get3A_77, %get3A_78] {strides = array<i32>} : memref<32x128xf32, #tpu.memory_space<vmem>>, vector<1x16xf32>,
      %get3A_80 = vector.shape_cast %get3A_79 : vector<1x16xf32> to vector<16xf32>
      %add3A_81 = arith.addf %get3A_74, %get3A_80 : vector<16xf32>
      %add3A_82 = arith.constant 4 : i32
      %add3A_83 = arith.addi %add3A_82, %scan3A_68 : i32
      %get3A_84 = arith.index_cast %add3A_83 : i32 to index
      %get3A_85 = arith.constant 0 : index
      %get3A_86 = tpu.vector_load %arg14[%get3A_84, %get3A_85] {strides = array<i32>} : memref<32x128xf32, #tpu.memory_space<vmem>>, vector<1x16xf32>,
      %get3A_87 = vector.shape_cast %get3A_86 : vector<1x16xf32> to vector<16xf32>
      %add3A_88 = arith.addf %add3A_81, %get3A_87 : vector<16xf32>
      %add3A_89 = arith.constant 8 : i32
      %add3A_90 = arith.addi %add3A_89, %scan3A_68 : i32
      %get3A_91 = arith.index_cast %add3A_90 : i32 to index
      %get3A_92 = arith.constant 0 : index
      %get3A_93 = tpu.vector_load %arg14[%get3A_91, %get3A_92] {strides = array<i32>} : memref<32x128xf32, #tpu.memory_space<vmem>>, vector<1x16xf32>,
      %get3A_94 = vector.shape_cast %get3A_93 : vector<1x16xf32> to vector<16xf32>
      %add3A_95 = arith.addf %add3A_88, %get3A_94 : vector<16xf32>
      %add3A_96 = arith.constant 12 : i32
      %add3A_97 = arith.addi %add3A_96, %scan3A_68 : i32
      %get3A_98 = arith.index_cast %add3A_97 : i32 to index
      %get3A_99 = arith.constant 0 : index
      %get3A_100 = tpu.vector_load %arg14[%get3A_98, %get3A_99] {strides = array<i32>} : memref<32x128xf32, #tpu.memory_space<vmem>>, vector<1x16xf32>,
      %get3A_101 = vector.shape_cast %get3A_100 : vector<1x16xf32> to vector<16xf32>
      %add3A_102 = arith.addf %add3A_95, %get3A_101 : vector<16xf32>
      %add3A_103 = arith.constant 16 : i32
      %add3A_104 = arith.addi %add3A_103, %scan3A_68 : i32
      %get3A_105 = arith.index_cast %add3A_104 : i32 to index
      %get3A_106 = arith.constant 0 : index
      %get3A_107 = tpu.vector_load %arg14[%get3A_105, %get3A_106] {strides = array<i32>} : memref<32x128xf32, #tpu.memory_space<vmem>>, vector<1x16xf32>,
      %get3A_108 = vector.shape_cast %get3A_107 : vector<1x16xf32> to vector<16xf32>
      %add3A_109 = arith.addf %add3A_102, %get3A_108 : vector<16xf32>
      %add3A_110 = arith.constant 20 : i32
      %add3A_111 = arith.addi %add3A_110, %scan3A_68 : i32
      %get3A_112 = arith.index_cast %add3A_111 : i32 to index
      %get3A_113 = arith.constant 0 : index
      %get3A_114 = tpu.vector_load %arg14[%get3A_112, %get3A_113] {strides = array<i32>} : memref<32x128xf32, #tpu.memory_space<vmem>>, vector<1x16xf32>,
      %get3A_115 = vector.shape_cast %get3A_114 : vector<1x16xf32> to vector<16xf32>
      %add3A_116 = arith.addf %add3A_109, %get3A_115 : vector<16xf32>
      %add3A_117 = arith.constant 24 : i32
      %add3A_118 = arith.addi %add3A_117, %scan3A_68 : i32
      %get3A_119 = arith.index_cast %add3A_118 : i32 to index
      %get3A_120 = arith.constant 0 : index
      %get3A_121 = tpu.vector_load %arg14[%get3A_119, %get3A_120] {strides = array<i32>} : memref<32x128xf32, #tpu.memory_space<vmem>>, vector<1x16xf32>,
      %get3A_122 = vector.shape_cast %get3A_121 : vector<1x16xf32> to vector<16xf32>
      %add3A_123 = arith.addf %add3A_116, %get3A_122 : vector<16xf32>
      %add3A_124 = arith.constant 28 : i32
      %add3A_125 = arith.addi %add3A_124, %scan3A_68 : i32
      %get3A_126 = arith.index_cast %add3A_125 : i32 to index
      %get3A_127 = arith.constant 0 : index
      %get3A_128 = tpu.vector_load %arg14[%get3A_126, %get3A_127] {strides = array<i32>} : memref<32x128xf32, #tpu.memory_space<vmem>>, vector<1x16xf32>,
      %get3A_129 = vector.shape_cast %get3A_128 : vector<1x16xf32> to vector<16xf32>
      %add3A_130 = arith.addf %add3A_123, %get3A_129 : vector<16xf32>
      %swap3A = arith.index_cast %add3A_72 : i32 to index
      %swap3A_131 = tpu.vector_load %arg15[%swap3A] {strides = array<i32>} : memref<512xf32, #tpu.memory_space<vmem>>, vector<16xf32>,
      %swap3A_132 = vector.shape_cast %swap3A_131 : vector<16xf32> to vector<16xf32>
      %swap3A_133 = vector.shape_cast %add3A_130 : vector<16xf32> to vector<16xf32>
      tpu.vector_store %arg15[%swap3A], %swap3A_133 {strides = array<i32>} : memref<512xf32, #tpu.memory_space<vmem>>, vector<16xf32>,
      %mul3A_134 = arith.constant 128 : i32
      %mul3A_135 = arith.muli %scan3A_68, %mul3A_134 : i32
      %add3A_136 = arith.constant 16 : i32
      %add3A_137 = arith.addi %mul3A_135, %add3A_136 : i32
      %get3A_138 = arith.index_cast %add3A_137 : i32 to index
      %get3A_139 = tpu.vector_load %arg15[%get3A_138] {strides = array<i32>} : memref<512xf32, #tpu.memory_space<vmem>>, vector<16xf32>,
      %get3A_140 = vector.shape_cast %get3A_139 : vector<16xf32> to vector<16xf32>
      %add3A_141 = arith.constant 0 : i32
      %add3A_142 = arith.addi %add3A_141, %scan3A_68 : i32
      %get3A_143 = arith.index_cast %add3A_142 : i32 to index
      %get3A_144 = arith.constant 16 : index
      %get3A_145 = tpu.vector_load %arg14[%get3A_143, %get3A_144] {strides = array<i32>} : memref<32x128xf32, #tpu.memory_space<vmem>>, vector<1x16xf32>,
      %get3A_146 = vector.shape_cast %get3A_145 : vector<1x16xf32> to vector<16xf32>
      %add3A_147 = arith.addf %get3A_140, %get3A_146 : vector<16xf32>
      %add3A_148 = arith.constant 4 : i32
      %add3A_149 = arith.addi %add3A_148, %scan3A_68 : i32
      %get3A_150 = arith.index_cast %add3A_149 : i32 to index
      %get3A_151 = arith.constant 16 : index
      %get3A_152 = tpu.vector_load %arg14[%get3A_150, %get3A_151] {strides = array<i32>} : memref<32x128xf32, #tpu.memory_space<vmem>>, vector<1x16xf32>,
      %get3A_153 = vector.shape_cast %get3A_152 : vector<1x16xf32> to vector<16xf32>
      %add3A_154 = arith.addf %add3A_147, %get3A_153 : vector<16xf32>
      %add3A_155 = arith.constant 8 : i32
      %add3A_156 = arith.addi %add3A_155, %scan3A_68 : i32
      %get3A_157 = arith.index_cast %add3A_156 : i32 to index
      %get3A_158 = arith.constant 16 : index
      %get3A_159 = tpu.vector_load %arg14[%get3A_157, %get3A_158] {strides = array<i32>} : memref<32x128xf32, #tpu.memory_space<vmem>>, vector<1x16xf32>,
      %get3A_160 = vector.shape_cast %get3A_159 : vector<1x16xf32> to vector<16xf32>
      %add3A_161 = arith.addf %add3A_154, %get3A_160 : vector<16xf32>
      %add3A_162 = arith.constant 12 : i32
      %add3A_163 = arith.addi %add3A_162, %scan3A_68 : i32
      %get3A_164 = arith.index_cast %add3A_163 : i32 to index
      %get3A_165 = arith.constant 16 : index
      %get3A_166 = tpu.vector_load %arg14[%get3A_164, %get3A_165] {strides = array<i32>} : memref<32x128xf32, #tpu.memory_space<vmem>>, vector<1x16xf32>,
      %get3A_167 = vector.shape_cast %get3A_166 : vector<1x16xf32> to vector<16xf32>
      %add3A_168 = arith.addf %add3A_161, %get3A_167 : vector<16xf32>
      %add3A_169 = arith.constant 16 : i32
      %add3A_170 = arith.addi %add3A_169, %scan3A_68 : i32
      %get3A_171 = arith.index_cast %add3A_170 : i32 to index
      %get3A_172 = arith.constant 16 : index
      %get3A_173 = tpu.vector_load %arg14[%get3A_171, %get3A_172] {strides = array<i32>} : memref<32x128xf32, #tpu.memory_space<vmem>>, vector<1x16xf32>,
      %get3A_174 = vector.shape_cast %get3A_173 : vector<1x16xf32> to vector<16xf32>
      %add3A_175 = arith.addf %add3A_168, %get3A_174 : vector<16xf32>
      %add3A_176 = arith.constant 20 : i32
      %add3A_177 = arith.addi %add3A_176, %scan3A_68 : i32
      %get3A_178 = arith.index_cast %add3A_177 : i32 to index
      %get3A_179 = arith.constant 16 : index
      %get3A_180 = tpu.vector_load %arg14[%get3A_178, %get3A_179] {strides = array<i32>} : memref<32x128xf32, #tpu.memory_space<vmem>>, vector<1x16xf32>,
      %get3A_181 = vector.shape_cast %get3A_180 : vector<1x16xf32> to vector<16xf32>
      %add3A_182 = arith.addf %add3A_175, %get3A_181 : vector<16xf32>
      %add3A_183 = arith.constant 24 : i32
      %add3A_184 = arith.addi %add3A_183, %scan3A_68 : i32
      %get3A_185 = arith.index_cast %add3A_184 : i32 to index
      %get3A_186 = arith.constant 16 : index
      %get3A_187 = tpu.vector_load %arg14[%get3A_185, %get3A_186] {strides = array<i32>} : memref<32x128xf32, #tpu.memory_space<vmem>>, vector<1x16xf32>,
      %get3A_188 = vector.shape_cast %get3A_187 : vector<1x16xf32> to vector<16xf32>
      %add3A_189 = arith.addf %add3A_182, %get3A_188 : vector<16xf32>
      %add3A_190 = arith.constant 28 : i32
      %add3A_191 = arith.addi %add3A_190, %scan3A_68 : i32
      %get3A_192 = arith.index_cast %add3A_191 : i32 to index
      %get3A_193 = arith.constant 16 : index
      %get3A_194 = tpu.vector_load %arg14[%get3A_192, %get3A_193] {strides = array<i32>} : memref<32x128xf32, #tpu.memory_space<vmem>>, vector<1x16xf32>,
      %get3A_195 = vector.shape_cast %get3A_194 : vector<1x16xf32> to vector<16xf32>
      %add3A_196 = arith.addf %add3A_189, %get3A_195 : vector<16xf32>
      %swap3A_197 = arith.index_cast %add3A_137 : i32 to index
      %swap3A_198 = tpu.vector_load %arg15[%swap3A_197] {strides = array<i32>} : memref<512xf32, #tpu.memory_space<vmem>>, vector<16xf32>,
      %swap3A_199 = vector.shape_cast %swap3A_198 : vector<16xf32> to vector<16xf32>
      %swap3A_200 = vector.shape_cast %add3A_196 : vector<16xf32> to vector<16xf32>
      tpu.vector_store %arg15[%swap3A_197], %swap3A_200 {strides = array<i32>} : memref<512xf32, #tpu.memory_space<vmem>>, vector<16xf32>,
      %mul3A_201 = arith.constant 128 : i32
      %mul3A_202 = arith.muli %scan3A_68, %mul3A_201 : i32
      %add3A_203 = arith.constant 32 : i32
      %add3A_204 = arith.addi %mul3A_202, %add3A_203 : i32
      %get3A_205 = arith.index_cast %add3A_204 : i32 to index
      %get3A_206 = tpu.vector_load %arg15[%get3A_205] {strides = array<i32>} : memref<512xf32, #tpu.memory_space<vmem>>, vector<16xf32>,
      %get3A_207 = vector.shape_cast %get3A_206 : vector<16xf32> to vector<16xf32>
      %add3A_208 = arith.constant 0 : i32
      %add3A_209 = arith.addi %add3A_208, %scan3A_68 : i32
      %get3A_210 = arith.index_cast %add3A_209 : i32 to index
      %get3A_211 = arith.constant 32 : index
      %get3A_212 = tpu.vector_load %arg14[%get3A_210, %get3A_211] {strides = array<i32>} : memref<32x128xf32, #tpu.memory_space<vmem>>, vector<1x16xf32>,
      %get3A_213 = vector.shape_cast %get3A_212 : vector<1x16xf32> to vector<16xf32>
      %add3A_214 = arith.addf %get3A_207, %get3A_213 : vector<16xf32>
      %add3A_215 = arith.constant 4 : i32
      %add3A_216 = arith.addi %add3A_215, %scan3A_68 : i32
      %get3A_217 = arith.index_cast %add3A_216 : i32 to index
      %get3A_218 = arith.constant 32 : index
      %get3A_219 = tpu.vector_load %arg14[%get3A_217, %get3A_218] {strides = array<i32>} : memref<32x128xf32, #tpu.memory_space<vmem>>, vector<1x16xf32>,
      %get3A_220 = vector.shape_cast %get3A_219 : vector<1x16xf32> to vector<16xf32>
      %add3A_221 = arith.addf %add3A_214, %get3A_220 : vector<16xf32>
      %add3A_222 = arith.constant 8 : i32
      %add3A_223 = arith.addi %add3A_222, %scan3A_68 : i32
      %get3A_224 = arith.index_cast %add3A_223 : i32 to index
      %get3A_225 = arith.constant 32 : index
      %get3A_226 = tpu.vector_load %arg14[%get3A_224, %get3A_225] {strides = array<i32>} : memref<32x128xf32, #tpu.memory_space<vmem>>, vector<1x16xf32>,
      %get3A_227 = vector.shape_cast %get3A_226 : vector<1x16xf32> to vector<16xf32>
      %add3A_228 = arith.addf %add3A_221, %get3A_227 : vector<16xf32>
      %add3A_229 = arith.constant 12 : i32
      %add3A_230 = arith.addi %add3A_229, %scan3A_68 : i32
      %get3A_231 = arith.index_cast %add3A_230 : i32 to index
      %get3A_232 = arith.constant 32 : index
      %get3A_233 = tpu.vector_load %arg14[%get3A_231, %get3A_232] {strides = array<i32>} : memref<32x128xf32, #tpu.memory_space<vmem>>, vector<1x16xf32>,
      %get3A_234 = vector.shape_cast %get3A_233 : vector<1x16xf32> to vector<16xf32>
      %add3A_235 = arith.addf %add3A_228, %get3A_234 : vector<16xf32>
      %add3A_236 = arith.constant 16 : i32
      %add3A_237 = arith.addi %add3A_236, %scan3A_68 : i32
      %get3A_238 = arith.index_cast %add3A_237 : i32 to index
      %get3A_239 = arith.constant 32 : index
      %get3A_240 = tpu.vector_load %arg14[%get3A_238, %get3A_239] {strides = array<i32>} : memref<32x128xf32, #tpu.memory_space<vmem>>, vector<1x16xf32>,
      %get3A_241 = vector.shape_cast %get3A_240 : vector<1x16xf32> to vector<16xf32>
      %add3A_242 = arith.addf %add3A_235, %get3A_241 : vector<16xf32>
      %add3A_243 = arith.constant 20 : i32
      %add3A_244 = arith.addi %add3A_243, %scan3A_68 : i32
      %get3A_245 = arith.index_cast %add3A_244 : i32 to index
      %get3A_246 = arith.constant 32 : index
      %get3A_247 = tpu.vector_load %arg14[%get3A_245, %get3A_246] {strides = array<i32>} : memref<32x128xf32, #tpu.memory_space<vmem>>, vector<1x16xf32>,
      %get3A_248 = vector.shape_cast %get3A_247 : vector<1x16xf32> to vector<16xf32>
      %add3A_249 = arith.addf %add3A_242, %get3A_248 : vector<16xf32>
      %add3A_250 = arith.constant 24 : i32
      %add3A_251 = arith.addi %add3A_250, %scan3A_68 : i32
      %get3A_252 = arith.index_cast %add3A_251 : i32 to index
      %get3A_253 = arith.constant 32 : index
      %get3A_254 = tpu.vector_load %arg14[%get3A_252, %get3A_253] {strides = array<i32>} : memref<32x128xf32, #tpu.memory_space<vmem>>, vector<1x16xf32>,
      %get3A_255 = vector.shape_cast %get3A_254 : vector<1x16xf32> to vector<16xf32>
      %add3A_256 = arith.addf %add3A_249, %get3A_255 : vector<16xf32>
      %add3A_257 = arith.constant 28 : i32
      %add3A_258 = arith.addi %add3A_257, %scan3A_68 : i32
      %get3A_259 = arith.index_cast %add3A_258 : i32 to index
      %get3A_260 = arith.constant 32 : index
      %get3A_261 = tpu.vector_load %arg14[%get3A_259, %get3A_260] {strides = array<i32>} : memref<32x128xf32, #tpu.memory_space<vmem>>, vector<1x16xf32>,
      %get3A_262 = vector.shape_cast %get3A_261 : vector<1x16xf32> to vector<16xf32>
      %add3A_263 = arith.addf %add3A_256, %get3A_262 : vector<16xf32>
      %swap3A_264 = arith.index_cast %add3A_204 : i32 to index
      %swap3A_265 = tpu.vector_load %arg15[%swap3A_264] {strides = array<i32>} : memref<512xf32, #tpu.memory_space<vmem>>, vector<16xf32>,
      %swap3A_266 = vector.shape_cast %swap3A_265 : vector<16xf32> to vector<16xf32>
      %swap3A_267 = vector.shape_cast %add3A_263 : vector<16xf32> to vector<16xf32>
      tpu.vector_store %arg15[%swap3A_264], %swap3A_267 {strides = array<i32>} : memref<512xf32, #tpu.memory_space<vmem>>, vector<16xf32>,
      %mul3A_268 = arith.constant 128 : i32
      %mul3A_269 = arith.muli %scan3A_68, %mul3A_268 : i32
      %add3A_270 = arith.constant 48 : i32
      %add3A_271 = arith.addi %mul3A_269, %add3A_270 : i32
      %get3A_272 = arith.index_cast %add3A_271 : i32 to index
      %get3A_273 = tpu.vector_load %arg15[%get3A_272] {strides = array<i32>} : memref<512xf32, #tpu.memory_space<vmem>>, vector<16xf32>,
      %get3A_274 = vector.shape_cast %get3A_273 : vector<16xf32> to vector<16xf32>
      %add3A_275 = arith.constant 0 : i32
      %add3A_276 = arith.addi %add3A_275, %scan3A_68 : i32
      %get3A_277 = arith.index_cast %add3A_276 : i32 to index
      %get3A_278 = arith.constant 48 : index
      %get3A_279 = tpu.vector_load %arg14[%get3A_277, %get3A_278] {strides = array<i32>} : memref<32x128xf32, #tpu.memory_space<vmem>>, vector<1x16xf32>,
      %get3A_280 = vector.shape_cast %get3A_279 : vector<1x16xf32> to vector<16xf32>
      %add3A_281 = arith.addf %get3A_274, %get3A_280 : vector<16xf32>
      %add3A_282 = arith.constant 4 : i32
      %add3A_283 = arith.addi %add3A_282, %scan3A_68 : i32
      %get3A_284 = arith.index_cast %add3A_283 : i32 to index
      %get3A_285 = arith.constant 48 : index
      %get3A_286 = tpu.vector_load %arg14[%get3A_284, %get3A_285] {strides = array<i32>} : memref<32x128xf32, #tpu.memory_space<vmem>>, vector<1x16xf32>,
      %get3A_287 = vector.shape_cast %get3A_286 : vector<1x16xf32> to vector<16xf32>
      %add3A_288 = arith.addf %add3A_281, %get3A_287 : vector<16xf32>
      %add3A_289 = arith.constant 8 : i32
      %add3A_290 = arith.addi %add3A_289, %scan3A_68 : i32
      %get3A_291 = arith.index_cast %add3A_290 : i32 to index
      %get3A_292 = arith.constant 48 : index
      %get3A_293 = tpu.vector_load %arg14[%get3A_291, %get3A_292] {strides = array<i32>} : memref<32x128xf32, #tpu.memory_space<vmem>>, vector<1x16xf32>,
      %get3A_294 = vector.shape_cast %get3A_293 : vector<1x16xf32> to vector<16xf32>
      %add3A_295 = arith.addf %add3A_288, %get3A_294 : vector<16xf32>
      %add3A_296 = arith.constant 12 : i32
      %add3A_297 = arith.addi %add3A_296, %scan3A_68 : i32
      %get3A_298 = arith.index_cast %add3A_297 : i32 to index
      %get3A_299 = arith.constant 48 : index
      %get3A_300 = tpu.vector_load %arg14[%get3A_298, %get3A_299] {strides = array<i32>} : memref<32x128xf32, #tpu.memory_space<vmem>>, vector<1x16xf32>,
      %get3A_301 = vector.shape_cast %get3A_300 : vector<1x16xf32> to vector<16xf32>
      %add3A_302 = arith.addf %add3A_295, %get3A_301 : vector<16xf32>
      %add3A_303 = arith.constant 16 : i32
      %add3A_304 = arith.addi %add3A_303, %scan3A_68 : i32
      %get3A_305 = arith.index_cast %add3A_304 : i32 to index
      %get3A_306 = arith.constant 48 : index
      %get3A_307 = tpu.vector_load %arg14[%get3A_305, %get3A_306] {strides = array<i32>} : memref<32x128xf32, #tpu.memory_space<vmem>>, vector<1x16xf32>,
      %get3A_308 = vector.shape_cast %get3A_307 : vector<1x16xf32> to vector<16xf32>
      %add3A_309 = arith.addf %add3A_302, %get3A_308 : vector<16xf32>
      %add3A_310 = arith.constant 20 : i32
      %add3A_311 = arith.addi %add3A_310, %scan3A_68 : i32
      %get3A_312 = arith.index_cast %add3A_311 : i32 to index
      %get3A_313 = arith.constant 48 : index
      %get3A_314 = tpu.vector_load %arg14[%get3A_312, %get3A_313] {strides = array<i32>} : memref<32x128xf32, #tpu.memory_space<vmem>>, vector<1x16xf32>,
      %get3A_315 = vector.shape_cast %get3A_314 : vector<1x16xf32> to vector<16xf32>
      %add3A_316 = arith.addf %add3A_309, %get3A_315 : vector<16xf32>
      %add3A_317 = arith.constant 24 : i32
      %add3A_318 = arith.addi %add3A_317, %scan3A_68 : i32
      %get3A_319 = arith.index_cast %add3A_318 : i32 to index
      %get3A_320 = arith.constant 48 : index
      %get3A_321 = tpu.vector_load %arg14[%get3A_319, %get3A_320] {strides = array<i32>} : memref<32x128xf32, #tpu.memory_space<vmem>>, vector<1x16xf32>,
      %get3A_322 = vector.shape_cast %get3A_321 : vector<1x16xf32> to vector<16xf32>
      %add3A_323 = arith.addf %add3A_316, %get3A_322 : vector<16xf32>
      %add3A_324 = arith.constant 28 : i32
      %add3A_325 = arith.addi %add3A_324, %scan3A_68 : i32
      %get3A_326 = arith.index_cast %add3A_325 : i32 to index
      %get3A_327 = arith.constant 48 : index
      %get3A_328 = tpu.vector_load %arg14[%get3A_326, %get3A_327] {strides = array<i32>} : memref<32x128xf32, #tpu.memory_space<vmem>>, vector<1x16xf32>,
      %get3A_329 = vector.shape_cast %get3A_328 : vector<1x16xf32> to vector<16xf32>
      %add3A_330 = arith.addf %add3A_323, %get3A_329 : vector<16xf32>
      %swap3A_331 = arith.index_cast %add3A_271 : i32 to index
      %swap3A_332 = tpu.vector_load %arg15[%swap3A_331] {strides = array<i32>} : memref<512xf32, #tpu.memory_space<vmem>>, vector<16xf32>,
      %swap3A_333 = vector.shape_cast %swap3A_332 : vector<16xf32> to vector<16xf32>
      %swap3A_334 = vector.shape_cast %add3A_330 : vector<16xf32> to vector<16xf32>
      tpu.vector_store %arg15[%swap3A_331], %swap3A_334 {strides = array<i32>} : memref<512xf32, #tpu.memory_space<vmem>>, vector<16xf32>,
      %mul3A_335 = arith.constant 128 : i32
      %mul3A_336 = arith.muli %scan3A_68, %mul3A_335 : i32
      %add3A_337 = arith.constant 64 : i32
      %add3A_338 = arith.addi %mul3A_336, %add3A_337 : i32
      %get3A_339 = arith.index_cast %add3A_338 : i32 to index
      %get3A_340 = tpu.vector_load %arg15[%get3A_339] {strides = array<i32>} : memref<512xf32, #tpu.memory_space<vmem>>, vector<16xf32>,
      %get3A_341 = vector.shape_cast %get3A_340 : vector<16xf32> to vector<16xf32>
      %add3A_342 = arith.constant 0 : i32
      %add3A_343 = arith.addi %add3A_342, %scan3A_68 : i32
      %get3A_344 = arith.index_cast %add3A_343 : i32 to index
      %get3A_345 = arith.constant 64 : index
      %get3A_346 = tpu.vector_load %arg14[%get3A_344, %get3A_345] {strides = array<i32>} : memref<32x128xf32, #tpu.memory_space<vmem>>, vector<1x16xf32>,
      %get3A_347 = vector.shape_cast %get3A_346 : vector<1x16xf32> to vector<16xf32>
      %add3A_348 = arith.addf %get3A_341, %get3A_347 : vector<16xf32>
      %add3A_349 = arith.constant 4 : i32
      %add3A_350 = arith.addi %add3A_349, %scan3A_68 : i32
      %get3A_351 = arith.index_cast %add3A_350 : i32 to index
      %get3A_352 = arith.constant 64 : index
      %get3A_353 = tpu.vector_load %arg14[%get3A_351, %get3A_352] {strides = array<i32>} : memref<32x128xf32, #tpu.memory_space<vmem>>, vector<1x16xf32>,
      %get3A_354 = vector.shape_cast %get3A_353 : vector<1x16xf32> to vector<16xf32>
      %add3A_355 = arith.addf %add3A_348, %get3A_354 : vector<16xf32>
      %add3A_356 = arith.constant 8 : i32
      %add3A_357 = arith.addi %add3A_356, %scan3A_68 : i32
      %get3A_358 = arith.index_cast %add3A_357 : i32 to index
      %get3A_359 = arith.constant 64 : index
      %get3A_360 = tpu.vector_load %arg14[%get3A_358, %get3A_359] {strides = array<i32>} : memref<32x128xf32, #tpu.memory_space<vmem>>, vector<1x16xf32>,
      %get3A_361 = vector.shape_cast %get3A_360 : vector<1x16xf32> to vector<16xf32>
      %add3A_362 = arith.addf %add3A_355, %get3A_361 : vector<16xf32>
      %add3A_363 = arith.constant 12 : i32
      %add3A_364 = arith.addi %add3A_363, %scan3A_68 : i32
      %get3A_365 = arith.index_cast %add3A_364 : i32 to index
      %get3A_366 = arith.constant 64 : index
      %get3A_367 = tpu.vector_load %arg14[%get3A_365, %get3A_366] {strides = array<i32>} : memref<32x128xf32, #tpu.memory_space<vmem>>, vector<1x16xf32>,
      %get3A_368 = vector.shape_cast %get3A_367 : vector<1x16xf32> to vector<16xf32>
      %add3A_369 = arith.addf %add3A_362, %get3A_368 : vector<16xf32>
      %add3A_370 = arith.constant 16 : i32
      %add3A_371 = arith.addi %add3A_370, %scan3A_68 : i32
      %get3A_372 = arith.index_cast %add3A_371 : i32 to index
      %get3A_373 = arith.constant 64 : index
      %get3A_374 = tpu.vector_load %arg14[%get3A_372, %get3A_373] {strides = array<i32>} : memref<32x128xf32, #tpu.memory_space<vmem>>, vector<1x16xf32>,
      %get3A_375 = vector.shape_cast %get3A_374 : vector<1x16xf32> to vector<16xf32>
      %add3A_376 = arith.addf %add3A_369, %get3A_375 : vector<16xf32>
      %add3A_377 = arith.constant 20 : i32
      %add3A_378 = arith.addi %add3A_377, %scan3A_68 : i32
      %get3A_379 = arith.index_cast %add3A_378 : i32 to index
      %get3A_380 = arith.constant 64 : index
      %get3A_381 = tpu.vector_load %arg14[%get3A_379, %get3A_380] {strides = array<i32>} : memref<32x128xf32, #tpu.memory_space<vmem>>, vector<1x16xf32>,
      %get3A_382 = vector.shape_cast %get3A_381 : vector<1x16xf32> to vector<16xf32>
      %add3A_383 = arith.addf %add3A_376, %get3A_382 : vector<16xf32>
      %add3A_384 = arith.constant 24 : i32
      %add3A_385 = arith.addi %add3A_384, %scan3A_68 : i32
      %get3A_386 = arith.index_cast %add3A_385 : i32 to index
      %get3A_387 = arith.constant 64 : index
      %get3A_388 = tpu.vector_load %arg14[%get3A_386, %get3A_387] {strides = array<i32>} : memref<32x128xf32, #tpu.memory_space<vmem>>, vector<1x16xf32>,
      %get3A_389 = vector.shape_cast %get3A_388 : vector<1x16xf32> to vector<16xf32>
      %add3A_390 = arith.addf %add3A_383, %get3A_389 : vector<16xf32>
      %add3A_391 = arith.constant 28 : i32
      %add3A_392 = arith.addi %add3A_391, %scan3A_68 : i32
      %get3A_393 = arith.index_cast %add3A_392 : i32 to index
      %get3A_394 = arith.constant 64 : index
      %get3A_395 = tpu.vector_load %arg14[%get3A_393, %get3A_394] {strides = array<i32>} : memref<32x128xf32, #tpu.memory_space<vmem>>, vector<1x16xf32>,
      %get3A_396 = vector.shape_cast %get3A_395 : vector<1x16xf32> to vector<16xf32>
      %add3A_397 = arith.addf %add3A_390, %get3A_396 : vector<16xf32>
      %swap3A_398 = arith.index_cast %add3A_338 : i32 to index
      %swap3A_399 = tpu.vector_load %arg15[%swap3A_398] {strides = array<i32>} : memref<512xf32, #tpu.memory_space<vmem>>, vector<16xf32>,
      %swap3A_400 = vector.shape_cast %swap3A_399 : vector<16xf32> to vector<16xf32>
      %swap3A_401 = vector.shape_cast %add3A_397 : vector<16xf32> to vector<16xf32>
      tpu.vector_store %arg15[%swap3A_398], %swap3A_401 {strides = array<i32>} : memref<512xf32, #tpu.memory_space<vmem>>, vector<16xf32>,
      %mul3A_402 = arith.constant 128 : i32
      %mul3A_403 = arith.muli %scan3A_68, %mul3A_402 : i32
      %add3A_404 = arith.constant 80 : i32
      %add3A_405 = arith.addi %mul3A_403, %add3A_404 : i32
      %get3A_406 = arith.index_cast %add3A_405 : i32 to index
      %get3A_407 = tpu.vector_load %arg15[%get3A_406] {strides = array<i32>} : memref<512xf32, #tpu.memory_space<vmem>>, vector<16xf32>,
      %get3A_408 = vector.shape_cast %get3A_407 : vector<16xf32> to vector<16xf32>
      %add3A_409 = arith.constant 0 : i32
      %add3A_410 = arith.addi %add3A_409, %scan3A_68 : i32
      %get3A_411 = arith.index_cast %add3A_410 : i32 to index
      %get3A_412 = arith.constant 80 : index
      %get3A_413 = tpu.vector_load %arg14[%get3A_411, %get3A_412] {strides = array<i32>} : memref<32x128xf32, #tpu.memory_space<vmem>>, vector<1x16xf32>,
      %get3A_414 = vector.shape_cast %get3A_413 : vector<1x16xf32> to vector<16xf32>
      %add3A_415 = arith.addf %get3A_408, %get3A_414 : vector<16xf32>
      %add3A_416 = arith.constant 4 : i32
      %add3A_417 = arith.addi %add3A_416, %scan3A_68 : i32
      %get3A_418 = arith.index_cast %add3A_417 : i32 to index
      %get3A_419 = arith.constant 80 : index
      %get3A_420 = tpu.vector_load %arg14[%get3A_418, %get3A_419] {strides = array<i32>} : memref<32x128xf32, #tpu.memory_space<vmem>>, vector<1x16xf32>,
      %get3A_421 = vector.shape_cast %get3A_420 : vector<1x16xf32> to vector<16xf32>
      %add3A_422 = arith.addf %add3A_415, %get3A_421 : vector<16xf32>
      %add3A_423 = arith.constant 8 : i32
      %add3A_424 = arith.addi %add3A_423, %scan3A_68 : i32
      %get3A_425 = arith.index_cast %add3A_424 : i32 to index
      %get3A_426 = arith.constant 80 : index
      %get3A_427 = tpu.vector_load %arg14[%get3A_425, %get3A_426] {strides = array<i32>} : memref<32x128xf32, #tpu.memory_space<vmem>>, vector<1x16xf32>,
      %get3A_428 = vector.shape_cast %get3A_427 : vector<1x16xf32> to vector<16xf32>
      %add3A_429 = arith.addf %add3A_422, %get3A_428 : vector<16xf32>
      %add3A_430 = arith.constant 12 : i32
      %add3A_431 = arith.addi %add3A_430, %scan3A_68 : i32
      %get3A_432 = arith.index_cast %add3A_431 : i32 to index
      %get3A_433 = arith.constant 80 : index
      %get3A_434 = tpu.vector_load %arg14[%get3A_432, %get3A_433] {strides = array<i32>} : memref<32x128xf32, #tpu.memory_space<vmem>>, vector<1x16xf32>,
      %get3A_435 = vector.shape_cast %get3A_434 : vector<1x16xf32> to vector<16xf32>
      %add3A_436 = arith.addf %add3A_429, %get3A_435 : vector<16xf32>
      %add3A_437 = arith.constant 16 : i32
      %add3A_438 = arith.addi %add3A_437, %scan3A_68 : i32
      %get3A_439 = arith.index_cast %add3A_438 : i32 to index
      %get3A_440 = arith.constant 80 : index
      %get3A_441 = tpu.vector_load %arg14[%get3A_439, %get3A_440] {strides = array<i32>} : memref<32x128xf32, #tpu.memory_space<vmem>>, vector<1x16xf32>,
      %get3A_442 = vector.shape_cast %get3A_441 : vector<1x16xf32> to vector<16xf32>
      %add3A_443 = arith.addf %add3A_436, %get3A_442 : vector<16xf32>
      %add3A_444 = arith.constant 20 : i32
      %add3A_445 = arith.addi %add3A_444, %scan3A_68 : i32
      %get3A_446 = arith.index_cast %add3A_445 : i32 to index
      %get3A_447 = arith.constant 80 : index
      %get3A_448 = tpu.vector_load %arg14[%get3A_446, %get3A_447] {strides = array<i32>} : memref<32x128xf32, #tpu.memory_space<vmem>>, vector<1x16xf32>,
      %get3A_449 = vector.shape_cast %get3A_448 : vector<1x16xf32> to vector<16xf32>
      %add3A_450 = arith.addf %add3A_443, %get3A_449 : vector<16xf32>
      %add3A_451 = arith.constant 24 : i32
      %add3A_452 = arith.addi %add3A_451, %scan3A_68 : i32
      %get3A_453 = arith.index_cast %add3A_452 : i32 to index
      %get3A_454 = arith.constant 80 : index
      %get3A_455 = tpu.vector_load %arg14[%get3A_453, %get3A_454] {strides = array<i32>} : memref<32x128xf32, #tpu.memory_space<vmem>>, vector<1x16xf32>,
      %get3A_456 = vector.shape_cast %get3A_455 : vector<1x16xf32> to vector<16xf32>
      %add3A_457 = arith.addf %add3A_450, %get3A_456 : vector<16xf32>
      %add3A_458 = arith.constant 28 : i32
      %add3A_459 = arith.addi %add3A_458, %scan3A_68 : i32
      %get3A_460 = arith.index_cast %add3A_459 : i32 to index
      %get3A_461 = arith.constant 80 : index
      %get3A_462 = tpu.vector_load %arg14[%get3A_460, %get3A_461] {strides = array<i32>} : memref<32x128xf32, #tpu.memory_space<vmem>>, vector<1x16xf32>,
      %get3A_463 = vector.shape_cast %get3A_462 : vector<1x16xf32> to vector<16xf32>
      %add3A_464 = arith.addf %add3A_457, %get3A_463 : vector<16xf32>
      %swap3A_465 = arith.index_cast %add3A_405 : i32 to index
      %swap3A_466 = tpu.vector_load %arg15[%swap3A_465] {strides = array<i32>} : memref<512xf32, #tpu.memory_space<vmem>>, vector<16xf32>,
      %swap3A_467 = vector.shape_cast %swap3A_466 : vector<16xf32> to vector<16xf32>
      %swap3A_468 = vector.shape_cast %add3A_464 : vector<16xf32> to vector<16xf32>
      tpu.vector_store %arg15[%swap3A_465], %swap3A_468 {strides = array<i32>} : memref<512xf32, #tpu.memory_space<vmem>>, vector<16xf32>,
      %mul3A_469 = arith.constant 128 : i32
      %mul3A_470 = arith.muli %scan3A_68, %mul3A_469 : i32
      %add3A_471 = arith.constant 96 : i32
      %add3A_472 = arith.addi %mul3A_470, %add3A_471 : i32
      %get3A_473 = arith.index_cast %add3A_472 : i32 to index
      %get3A_474 = tpu.vector_load %arg15[%get3A_473] {strides = array<i32>} : memref<512xf32, #tpu.memory_space<vmem>>, vector<16xf32>,
      %get3A_475 = vector.shape_cast %get3A_474 : vector<16xf32> to vector<16xf32>
      %add3A_476 = arith.constant 0 : i32
      %add3A_477 = arith.addi %add3A_476, %scan3A_68 : i32
      %get3A_478 = arith.index_cast %add3A_477 : i32 to index
      %get3A_479 = arith.constant 96 : index
      %get3A_480 = tpu.vector_load %arg14[%get3A_478, %get3A_479] {strides = array<i32>} : memref<32x128xf32, #tpu.memory_space<vmem>>, vector<1x16xf32>,
      %get3A_481 = vector.shape_cast %get3A_480 : vector<1x16xf32> to vector<16xf32>
      %add3A_482 = arith.addf %get3A_475, %get3A_481 : vector<16xf32>
      %add3A_483 = arith.constant 4 : i32
      %add3A_484 = arith.addi %add3A_483, %scan3A_68 : i32
      %get3A_485 = arith.index_cast %add3A_484 : i32 to index
      %get3A_486 = arith.constant 96 : index
      %get3A_487 = tpu.vector_load %arg14[%get3A_485, %get3A_486] {strides = array<i32>} : memref<32x128xf32, #tpu.memory_space<vmem>>, vector<1x16xf32>,
      %get3A_488 = vector.shape_cast %get3A_487 : vector<1x16xf32> to vector<16xf32>
      %add3A_489 = arith.addf %add3A_482, %get3A_488 : vector<16xf32>
      %add3A_490 = arith.constant 8 : i32
      %add3A_491 = arith.addi %add3A_490, %scan3A_68 : i32
      %get3A_492 = arith.index_cast %add3A_491 : i32 to index
      %get3A_493 = arith.constant 96 : index
      %get3A_494 = tpu.vector_load %arg14[%get3A_492, %get3A_493] {strides = array<i32>} : memref<32x128xf32, #tpu.memory_space<vmem>>, vector<1x16xf32>,
      %get3A_495 = vector.shape_cast %get3A_494 : vector<1x16xf32> to vector<16xf32>
      %add3A_496 = arith.addf %add3A_489, %get3A_495 : vector<16xf32>
      %add3A_497 = arith.constant 12 : i32
      %add3A_498 = arith.addi %add3A_497, %scan3A_68 : i32
      %get3A_499 = arith.index_cast %add3A_498 : i32 to index
      %get3A_500 = arith.constant 96 : index
      %get3A_501 = tpu.vector_load %arg14[%get3A_499, %get3A_500] {strides = array<i32>} : memref<32x128xf32, #tpu.memory_space<vmem>>, vector<1x16xf32>,
      %get3A_502 = vector.shape_cast %get3A_501 : vector<1x16xf32> to vector<16xf32>
      %add3A_503 = arith.addf %add3A_496, %get3A_502 : vector<16xf32>
      %add3A_504 = arith.constant 16 : i32
      %add3A_505 = arith.addi %add3A_504, %scan3A_68 : i32
      %get3A_506 = arith.index_cast %add3A_505 : i32 to index
      %get3A_507 = arith.constant 96 : index
      %get3A_508 = tpu.vector_load %arg14[%get3A_506, %get3A_507] {strides = array<i32>} : memref<32x128xf32, #tpu.memory_space<vmem>>, vector<1x16xf32>,
      %get3A_509 = vector.shape_cast %get3A_508 : vector<1x16xf32> to vector<16xf32>
      %add3A_510 = arith.addf %add3A_503, %get3A_509 : vector<16xf32>
      %add3A_511 = arith.constant 20 : i32
      %add3A_512 = arith.addi %add3A_511, %scan3A_68 : i32
      %get3A_513 = arith.index_cast %add3A_512 : i32 to index
      %get3A_514 = arith.constant 96 : index
      %get3A_515 = tpu.vector_load %arg14[%get3A_513, %get3A_514] {strides = array<i32>} : memref<32x128xf32, #tpu.memory_space<vmem>>, vector<1x16xf32>,
      %get3A_516 = vector.shape_cast %get3A_515 : vector<1x16xf32> to vector<16xf32>
      %add3A_517 = arith.addf %add3A_510, %get3A_516 : vector<16xf32>
      %add3A_518 = arith.constant 24 : i32
      %add3A_519 = arith.addi %add3A_518, %scan3A_68 : i32
      %get3A_520 = arith.index_cast %add3A_519 : i32 to index
      %get3A_521 = arith.constant 96 : index
      %get3A_522 = tpu.vector_load %arg14[%get3A_520, %get3A_521] {strides = array<i32>} : memref<32x128xf32, #tpu.memory_space<vmem>>, vector<1x16xf32>,
      %get3A_523 = vector.shape_cast %get3A_522 : vector<1x16xf32> to vector<16xf32>
      %add3A_524 = arith.addf %add3A_517, %get3A_523 : vector<16xf32>
      %add3A_525 = arith.constant 28 : i32
      %add3A_526 = arith.addi %add3A_525, %scan3A_68 : i32
      %get3A_527 = arith.index_cast %add3A_526 : i32 to index
      %get3A_528 = arith.constant 96 : index
      %get3A_529 = tpu.vector_load %arg14[%get3A_527, %get3A_528] {strides = array<i32>} : memref<32x128xf32, #tpu.memory_space<vmem>>, vector<1x16xf32>,
      %get3A_530 = vector.shape_cast %get3A_529 : vector<1x16xf32> to vector<16xf32>
      %add3A_531 = arith.addf %add3A_524, %get3A_530 : vector<16xf32>
      %swap3A_532 = arith.index_cast %add3A_472 : i32 to index
      %swap3A_533 = tpu.vector_load %arg15[%swap3A_532] {strides = array<i32>} : memref<512xf32, #tpu.memory_space<vmem>>, vector<16xf32>,
      %swap3A_534 = vector.shape_cast %swap3A_533 : vector<16xf32> to vector<16xf32>
      %swap3A_535 = vector.shape_cast %add3A_531 : vector<16xf32> to vector<16xf32>
      tpu.vector_store %arg15[%swap3A_532], %swap3A_535 {strides = array<i32>} : memref<512xf32, #tpu.memory_space<vmem>>, vector<16xf32>,
      %mul3A_536 = arith.constant 128 : i32
      %mul3A_537 = arith.muli %scan3A_68, %mul3A_536 : i32
      %add3A_538 = arith.constant 112 : i32
      %add3A_539 = arith.addi %mul3A_537, %add3A_538 : i32
      %get3A_540 = arith.index_cast %add3A_539 : i32 to index
      %get3A_541 = tpu.vector_load %arg15[%get3A_540] {strides = array<i32>} : memref<512xf32, #tpu.memory_space<vmem>>, vector<16xf32>,
      %get3A_542 = vector.shape_cast %get3A_541 : vector<16xf32> to vector<16xf32>
      %add3A_543 = arith.constant 0 : i32
      %add3A_544 = arith.addi %add3A_543, %scan3A_68 : i32
      %get3A_545 = arith.index_cast %add3A_544 : i32 to index
      %get3A_546 = arith.constant 112 : index
      %get3A_547 = tpu.vector_load %arg14[%get3A_545, %get3A_546] {strides = array<i32>} : memref<32x128xf32, #tpu.memory_space<vmem>>, vector<1x16xf32>,
      %get3A_548 = vector.shape_cast %get3A_547 : vector<1x16xf32> to vector<16xf32>
      %add3A_549 = arith.addf %get3A_542, %get3A_548 : vector<16xf32>
      %add3A_550 = arith.constant 4 : i32
      %add3A_551 = arith.addi %add3A_550, %scan3A_68 : i32
      %get3A_552 = arith.index_cast %add3A_551 : i32 to index
      %get3A_553 = arith.constant 112 : index
      %get3A_554 = tpu.vector_load %arg14[%get3A_552, %get3A_553] {strides = array<i32>} : memref<32x128xf32, #tpu.memory_space<vmem>>, vector<1x16xf32>,
      %get3A_555 = vector.shape_cast %get3A_554 : vector<1x16xf32> to vector<16xf32>
      %add3A_556 = arith.addf %add3A_549, %get3A_555 : vector<16xf32>
      %add3A_557 = arith.constant 8 : i32
      %add3A_558 = arith.addi %add3A_557, %scan3A_68 : i32
      %get3A_559 = arith.index_cast %add3A_558 : i32 to index
      %get3A_560 = arith.constant 112 : index
      %get3A_561 = tpu.vector_load %arg14[%get3A_559, %get3A_560] {strides = array<i32>} : memref<32x128xf32, #tpu.memory_space<vmem>>, vector<1x16xf32>,
      %get3A_562 = vector.shape_cast %get3A_561 : vector<1x16xf32> to vector<16xf32>
      %add3A_563 = arith.addf %add3A_556, %get3A_562 : vector<16xf32>
      %add3A_564 = arith.constant 12 : i32
      %add3A_565 = arith.addi %add3A_564, %scan3A_68 : i32
      %get3A_566 = arith.index_cast %add3A_565 : i32 to index
      %get3A_567 = arith.constant 112 : index
      %get3A_568 = tpu.vector_load %arg14[%get3A_566, %get3A_567] {strides = array<i32>} : memref<32x128xf32, #tpu.memory_space<vmem>>, vector<1x16xf32>,
      %get3A_569 = vector.shape_cast %get3A_568 : vector<1x16xf32> to vector<16xf32>
      %add3A_570 = arith.addf %add3A_563, %get3A_569 : vector<16xf32>
      %add3A_571 = arith.constant 16 : i32
      %add3A_572 = arith.addi %add3A_571, %scan3A_68 : i32
      %get3A_573 = arith.index_cast %add3A_572 : i32 to index
      %get3A_574 = arith.constant 112 : index
      %get3A_575 = tpu.vector_load %arg14[%get3A_573, %get3A_574] {strides = array<i32>} : memref<32x128xf32, #tpu.memory_space<vmem>>, vector<1x16xf32>,
      %get3A_576 = vector.shape_cast %get3A_575 : vector<1x16xf32> to vector<16xf32>
      %add3A_577 = arith.addf %add3A_570, %get3A_576 : vector<16xf32>
      %add3A_578 = arith.constant 20 : i32
      %add3A_579 = arith.addi %add3A_578, %scan3A_68 : i32
      %get3A_580 = arith.index_cast %add3A_579 : i32 to index
      %get3A_581 = arith.constant 112 : index
      %get3A_582 = tpu.vector_load %arg14[%get3A_580, %get3A_581] {strides = array<i32>} : memref<32x128xf32, #tpu.memory_space<vmem>>, vector<1x16xf32>,
      %get3A_583 = vector.shape_cast %get3A_582 : vector<1x16xf32> to vector<16xf32>
      %add3A_584 = arith.addf %add3A_577, %get3A_583 : vector<16xf32>
      %add3A_585 = arith.constant 24 : i32
      %add3A_586 = arith.addi %add3A_585, %scan3A_68 : i32
      %get3A_587 = arith.index_cast %add3A_586 : i32 to index
      %get3A_588 = arith.constant 112 : index
      %get3A_589 = tpu.vector_load %arg14[%get3A_587, %get3A_588] {strides = array<i32>} : memref<32x128xf32, #tpu.memory_space<vmem>>, vector<1x16xf32>,
      %get3A_590 = vector.shape_cast %get3A_589 : vector<1x16xf32> to vector<16xf32>
      %add3A_591 = arith.addf %add3A_584, %get3A_590 : vector<16xf32>
      %add3A_592 = arith.constant 28 : i32
      %add3A_593 = arith.addi %add3A_592, %scan3A_68 : i32
      %get3A_594 = arith.index_cast %add3A_593 : i32 to index
      %get3A_595 = arith.constant 112 : index
      %get3A_596 = tpu.vector_load %arg14[%get3A_594, %get3A_595] {strides = array<i32>} : memref<32x128xf32, #tpu.memory_space<vmem>>, vector<1x16xf32>,
      %get3A_597 = vector.shape_cast %get3A_596 : vector<1x16xf32> to vector<16xf32>
      %add3A_598 = arith.addf %add3A_591, %get3A_597 : vector<16xf32>
      %swap3A_599 = arith.index_cast %add3A_539 : i32 to index
      %swap3A_600 = tpu.vector_load %arg15[%swap3A_599] {strides = array<i32>} : memref<512xf32, #tpu.memory_space<vmem>>, vector<16xf32>,
      %swap3A_601 = vector.shape_cast %swap3A_600 : vector<16xf32> to vector<16xf32>
      %swap3A_602 = vector.shape_cast %add3A_598 : vector<16xf32> to vector<16xf32>
      tpu.vector_store %arg15[%swap3A_599], %swap3A_602 {strides = array<i32>} : memref<512xf32, #tpu.memory_space<vmem>>, vector<16xf32>,
    }
    %scan3A_67 = arith.constant 4 : i32
    "tpu.region"() ({
      %run_scoped3A = tpu.sem_alloc : memref<!tpu.dma_semaphore, #tpu.memory_space<semaphore_mem>>
      %dma_start3A_68 = tpu.memref_slice %arg12[%mul3A_2] : memref<16384xf32, #tpu.memory_space<hbm>> -> memref<512xf32, #tpu.memory_space<hbm>>
      %dma_start3A_69 = tpu.memref_slice %arg12[%mul3A_2] : memref<16384xf32, #tpu.memory_space<hbm>> -> memref<512xf32, #tpu.memory_space<hbm>>
      tpu.enqueue_dma source(%arg15 : memref<512xf32, #tpu.memory_space<vmem>>) target(%dma_start3A_69 : memref<512xf32, #tpu.memory_space<hbm>>) target_semaphore(%run_scoped3A : memref<!tpu.dma_semaphore, #tpu.memory_space<semaphore_mem>>)
      %dma_wait3A_70 = tpu.memref_slice %arg12[%mul3A_2] : memref<16384xf32, #tpu.memory_space<hbm>> -> memref<512xf32, #tpu.memory_space<hbm>>
      %dma_wait3A_71 = tpu.memref_slice %arg12[%mul3A_2] : memref<16384xf32, #tpu.memory_space<hbm>> -> memref<512xf32, #tpu.memory_space<hbm>>
      tpu.wait_dma2 semaphore(%run_scoped3A : memref<!tpu.dma_semaphore, #tpu.memory_space<semaphore_mem>>) src(%arg15 : memref<512xf32, #tpu.memory_space<vmem>>) dst(%dma_wait3A_71 : memref<512xf32, #tpu.memory_space<hbm>>)
      tpu.yield
    }) : () -> ()
    return
  }
}

#map = affine_map<(d0, d1) -> (0)>
#map1 = affine_map<(d0, d1) -> (0, 0)>
module attributes {stable_mosaic.version = 14 : i64} {
  func.func @_body_a(%arg0: i32, %arg1: i32, %arg2: memref<638976xf32, #tpu.memory_space<hbm>>, %arg3: memref<16xf32, #tpu.memory_space<hbm>>, %arg4: memref<3328x128xi32, #tpu.memory_space<hbm>>, %arg5: memref<16384xf32, #tpu.memory_space<hbm>>, %arg6: memref<39x512xf32, #tpu.memory_space<vmem>>, %arg7: memref<104x128xi32, #tpu.memory_space<vmem>>, %arg8: memref<16xf32, #tpu.memory_space<vmem>>, %arg9: memref<512xf32, #tpu.memory_space<vmem>>, %arg10: memref<!tpu.dma_semaphore, #tpu.memory_space<semaphore_mem>>) attributes {dimension_semantics = [#tpu.dimension_semantics<core_parallel>, #tpu.dimension_semantics<subcore_parallel>], iteration_bounds = array<i64: 2, 16>, scalar_prefetch = 0 : i64, scratch_operands = 5 : i64, tpu.core_type = #tpu.core_type<sc_vector_subcore>, window_params = [{transform_indices = #map}, {transform_indices = #map}, {transform_indices = #map1}, {transform_indices = #map}]} {
    %mul3A = arith.constant 2 : i32
    %mul3A_0 = arith.muli %arg1, %mul3A : i32
    %add3A = arith.addi %mul3A_0, %arg0 : i32
    %mul3A_1 = arith.constant 512 : i32
    %mul3A_2 = arith.muli %add3A, %mul3A_1 : i32
    %scan3A = arith.constant 0 : i32
    %scan3A_3 = arith.constant 0 : i32
    %scan3A_4 = arith.constant 39 : i32
    %scan3A_5 = arith.addi %scan3A_3, %scan3A_4 : i32
    %scan3A_6 = arith.constant 1 : i32
    scf.for %scan3A_30 = %scan3A_3 to %scan3A_5 step %scan3A_6  : i32 {
      %mul3A_31 = arith.constant 16384 : i32
      %mul3A_32 = arith.muli %scan3A_30, %mul3A_31 : i32
      %add3A_33 = arith.addi %mul3A_32, %mul3A_2 : i32
      %dma_start3A = arith.constant 0 : i32
      %dma_start3A_34 = tpu.memref_slice %arg6[%scan3A_30, %dma_start3A] : memref<39x512xf32, #tpu.memory_space<vmem>> -> memref<1x512xf32, #tpu.memory_space<vmem>>
      %dma_start3A_35 = tpu.memref_squeeze %dma_start3A_34 : memref<1x512xf32, #tpu.memory_space<vmem>> -> memref<512xf32, #tpu.memory_space<vmem>>
      %dma_start3A_36 = tpu.memref_slice %arg2[%add3A_33] : memref<638976xf32, #tpu.memory_space<hbm>> -> memref<512xf32, #tpu.memory_space<hbm>>
      %dma_start3A_37 = arith.constant 0 : i32
      %dma_start3A_38 = tpu.memref_slice %arg6[%scan3A_30, %dma_start3A_37] : memref<39x512xf32, #tpu.memory_space<vmem>> -> memref<1x512xf32, #tpu.memory_space<vmem>>
      %dma_start3A_39 = tpu.memref_squeeze %dma_start3A_38 : memref<1x512xf32, #tpu.memory_space<vmem>> -> memref<512xf32, #tpu.memory_space<vmem>>
      %dma_start3A_40 = tpu.memref_slice %arg2[%add3A_33] : memref<638976xf32, #tpu.memory_space<hbm>> -> memref<512xf32, #tpu.memory_space<hbm>>
      tpu.enqueue_dma source(%dma_start3A_40 : memref<512xf32, #tpu.memory_space<hbm>>) target(%dma_start3A_39 : memref<512xf32, #tpu.memory_space<vmem>>) target_semaphore(%arg10 : memref<!tpu.dma_semaphore, #tpu.memory_space<semaphore_mem>>)
    }
    %scan3A_7 = arith.constant 39 : i32
    "tpu.region"() ({
      %run_scoped3A = tpu.sem_alloc : memref<!tpu.dma_semaphore, #tpu.memory_space<semaphore_mem>>
      tpu.enqueue_dma source(%arg3 : memref<16xf32, #tpu.memory_space<hbm>>) target(%arg8 : memref<16xf32, #tpu.memory_space<vmem>>) target_semaphore(%run_scoped3A : memref<!tpu.dma_semaphore, #tpu.memory_space<semaphore_mem>>)
      tpu.wait_dma2 semaphore(%run_scoped3A : memref<!tpu.dma_semaphore, #tpu.memory_space<semaphore_mem>>) src(%arg3 : memref<16xf32, #tpu.memory_space<hbm>>) dst(%arg8 : memref<16xf32, #tpu.memory_space<vmem>>)
      tpu.yield
    }) : () -> ()
    %scan3A_8 = arith.constant 0 : i32
    %scan3A_9 = arith.constant 0 : i32
    %scan3A_10 = arith.constant 39 : i32
    %scan3A_11 = arith.addi %scan3A_9, %scan3A_10 : i32
    %scan3A_12 = arith.constant 1 : i32
    scf.for %scan3A_30 = %scan3A_9 to %scan3A_11 step %scan3A_12  : i32 {
      %mul3A_31 = arith.constant 16384 : i32
      %mul3A_32 = arith.muli %scan3A_30, %mul3A_31 : i32
      %add3A_33 = arith.addi %mul3A_32, %mul3A_2 : i32
      %dma_wait3A = arith.constant 0 : i32
      %dma_wait3A_34 = tpu.memref_slice %arg6[%scan3A_30, %dma_wait3A] : memref<39x512xf32, #tpu.memory_space<vmem>> -> memref<1x512xf32, #tpu.memory_space<vmem>>
      %dma_wait3A_35 = tpu.memref_squeeze %dma_wait3A_34 : memref<1x512xf32, #tpu.memory_space<vmem>> -> memref<512xf32, #tpu.memory_space<vmem>>
      %dma_wait3A_36 = tpu.memref_slice %arg2[%add3A_33] : memref<638976xf32, #tpu.memory_space<hbm>> -> memref<512xf32, #tpu.memory_space<hbm>>
      %dma_wait3A_37 = arith.constant 0 : i32
      %dma_wait3A_38 = tpu.memref_slice %arg6[%scan3A_30, %dma_wait3A_37] : memref<39x512xf32, #tpu.memory_space<vmem>> -> memref<1x512xf32, #tpu.memory_space<vmem>>
      %dma_wait3A_39 = tpu.memref_squeeze %dma_wait3A_38 : memref<1x512xf32, #tpu.memory_space<vmem>> -> memref<512xf32, #tpu.memory_space<vmem>>
      %dma_wait3A_40 = tpu.memref_slice %arg2[%add3A_33] : memref<638976xf32, #tpu.memory_space<hbm>> -> memref<512xf32, #tpu.memory_space<hbm>>
      tpu.wait_dma2 semaphore(%arg10 : memref<!tpu.dma_semaphore, #tpu.memory_space<semaphore_mem>>) src(%dma_wait3A_40 : memref<512xf32, #tpu.memory_space<hbm>>) dst(%dma_wait3A_39 : memref<512xf32, #tpu.memory_space<vmem>>)
    }
    %scan3A_13 = arith.constant 39 : i32
    %scan3A_14 = arith.constant 0 : i32
    %scan3A_15 = arith.constant 0 : i32
    %scan3A_16 = arith.constant 104 : i32
    %scan3A_17 = arith.addi %scan3A_15, %scan3A_16 : i32
    %scan3A_18 = arith.constant 1 : i32
    scf.for %scan3A_30 = %scan3A_15 to %scan3A_17 step %scan3A_18  : i32 {
      %jit3A = arith.constant 4 : i32
      %div3A = arith.divsi %scan3A_30, %jit3A : i32
      %sign3A = arith.constant 0 : i32
      %sign3A_31 = arith.cmpi sgt, %scan3A_30, %sign3A : i32
      %sign3A_32 = arith.extui %sign3A_31 : i1 to i32
      %sign3A_33 = arith.constant 0 : i32
      %sign3A_34 = arith.cmpi slt, %scan3A_30, %sign3A_33 : i32
      %sign3A_35 = arith.extui %sign3A_34 : i1 to i32
      %sign3A_36 = arith.subi %sign3A_32, %sign3A_35 : i32
      %sign3A_37 = arith.constant 0 : i32
      %sign3A_38 = arith.cmpi sgt, %jit3A, %sign3A_37 : i32
      %sign3A_39 = arith.extui %sign3A_38 : i1 to i32
      %sign3A_40 = arith.constant 0 : i32
      %sign3A_41 = arith.cmpi slt, %jit3A, %sign3A_40 : i32
      %sign3A_42 = arith.extui %sign3A_41 : i1 to i32
      %sign3A_43 = arith.subi %sign3A_39, %sign3A_42 : i32
      %ne3A = arith.cmpi ne, %sign3A_36, %sign3A_43 : i32
      %rem3A = arith.remsi %scan3A_30, %jit3A : i32
      %ne3A_44 = arith.constant 0 : i32
      %ne3A_45 = arith.cmpi ne, %rem3A, %ne3A_44 : i32
      %and3A = arith.andi %ne3A, %ne3A_45 : i1
      %sub3A = arith.constant 1 : i32
      %sub3A_46 = arith.subi %div3A, %sub3A : i32
      %select_n3A = arith.select %and3A, %sub3A_46, %div3A : i32
      %jit3A_47 = arith.constant 4 : i32
      %eq3A = arith.constant 0 : i32
      %eq3A_48 = arith.cmpi eq, %jit3A_47, %eq3A : i32
      %jit3A_49 = arith.constant 1 : i32
      %select_n3A_50 = arith.select %eq3A_48, %jit3A_49, %jit3A_47 : i32
      %rem3A_51 = arith.remsi %scan3A_30, %select_n3A_50 : i32
      %ne3A_52 = arith.constant 0 : i32
      %ne3A_53 = arith.cmpi ne, %rem3A_51, %ne3A_52 : i32
      %lt3A = arith.constant 0 : i32
      %lt3A_54 = arith.cmpi slt, %rem3A_51, %lt3A : i32
      %lt3A_55 = arith.constant 0 : i32
      %lt3A_56 = arith.cmpi slt, %select_n3A_50, %lt3A_55 : i32
      %ne3A_57 = arith.xori %lt3A_54, %lt3A_56 : i1
      %and3A_58 = arith.andi %ne3A_57, %ne3A_53 : i1
      %add3A_59 = arith.addi %rem3A_51, %select_n3A_50 : i32
      %select_n3A_60 = arith.select %and3A_58, %add3A_59, %rem3A_51 : i32
      %mul3A_61 = arith.constant 128 : i32
      %mul3A_62 = arith.muli %select_n3A_60, %mul3A_61 : i32
      %add3A_63 = arith.constant 13 : i32
      %add3A_64 = arith.addi %add3A_63, %select_n3A : i32
      %add3A_65 = arith.constant 0 : i32
      %add3A_66 = arith.addi %mul3A_62, %add3A_65 : i32
      %get3A_67 = arith.index_cast %add3A_64 : i32 to index
      %get3A_68 = arith.index_cast %add3A_66 : i32 to index
      %get3A_69 = tpu.vector_load %arg6[%get3A_67, %get3A_68] {strides = array<i32>} : memref<39x512xf32, #tpu.memory_space<vmem>>, vector<1x16xf32>,
      %get3A_70 = vector.shape_cast %get3A_69 : vector<1x16xf32> to vector<16xf32>
      %convert_element_type3A = arith.fptosi %get3A_70 : vector<16xf32> to vector<16xi32>
      %swap3A = arith.index_cast %scan3A_30 : i32 to index
      %swap3A_71 = arith.constant 0 : index
      %swap3A_72 = tpu.vector_load %arg7[%swap3A, %swap3A_71] {strides = array<i32>} : memref<104x128xi32, #tpu.memory_space<vmem>>, vector<1x16xi32>,
      %swap3A_73 = vector.shape_cast %swap3A_72 : vector<1x16xi32> to vector<16xi32>
      %swap3A_74 = vector.shape_cast %convert_element_type3A : vector<16xi32> to vector<1x16xi32>
      tpu.vector_store %arg7[%swap3A, %swap3A_71], %swap3A_74 {strides = array<i32>} : memref<104x128xi32, #tpu.memory_space<vmem>>, vector<1x16xi32>,
      %add3A_75 = arith.constant 13 : i32
      %add3A_76 = arith.addi %add3A_75, %select_n3A : i32
      %add3A_77 = arith.constant 16 : i32
      %add3A_78 = arith.addi %mul3A_62, %add3A_77 : i32
      %get3A_79 = arith.index_cast %add3A_76 : i32 to index
      %get3A_80 = arith.index_cast %add3A_78 : i32 to index
      %get3A_81 = tpu.vector_load %arg6[%get3A_79, %get3A_80] {strides = array<i32>} : memref<39x512xf32, #tpu.memory_space<vmem>>, vector<1x16xf32>,
      %get3A_82 = vector.shape_cast %get3A_81 : vector<1x16xf32> to vector<16xf32>
      %convert_element_type3A_83 = arith.fptosi %get3A_82 : vector<16xf32> to vector<16xi32>
      %swap3A_84 = arith.index_cast %scan3A_30 : i32 to index
      %swap3A_85 = arith.constant 16 : index
      %swap3A_86 = tpu.vector_load %arg7[%swap3A_84, %swap3A_85] {strides = array<i32>} : memref<104x128xi32, #tpu.memory_space<vmem>>, vector<1x16xi32>,
      %swap3A_87 = vector.shape_cast %swap3A_86 : vector<1x16xi32> to vector<16xi32>
      %swap3A_88 = vector.shape_cast %convert_element_type3A_83 : vector<16xi32> to vector<1x16xi32>
      tpu.vector_store %arg7[%swap3A_84, %swap3A_85], %swap3A_88 {strides = array<i32>} : memref<104x128xi32, #tpu.memory_space<vmem>>, vector<1x16xi32>,
      %add3A_89 = arith.constant 13 : i32
      %add3A_90 = arith.addi %add3A_89, %select_n3A : i32
      %add3A_91 = arith.constant 32 : i32
      %add3A_92 = arith.addi %mul3A_62, %add3A_91 : i32
      %get3A_93 = arith.index_cast %add3A_90 : i32 to index
      %get3A_94 = arith.index_cast %add3A_92 : i32 to index
      %get3A_95 = tpu.vector_load %arg6[%get3A_93, %get3A_94] {strides = array<i32>} : memref<39x512xf32, #tpu.memory_space<vmem>>, vector<1x16xf32>,
      %get3A_96 = vector.shape_cast %get3A_95 : vector<1x16xf32> to vector<16xf32>
      %convert_element_type3A_97 = arith.fptosi %get3A_96 : vector<16xf32> to vector<16xi32>
      %swap3A_98 = arith.index_cast %scan3A_30 : i32 to index
      %swap3A_99 = arith.constant 32 : index
      %swap3A_100 = tpu.vector_load %arg7[%swap3A_98, %swap3A_99] {strides = array<i32>} : memref<104x128xi32, #tpu.memory_space<vmem>>, vector<1x16xi32>,
      %swap3A_101 = vector.shape_cast %swap3A_100 : vector<1x16xi32> to vector<16xi32>
      %swap3A_102 = vector.shape_cast %convert_element_type3A_97 : vector<16xi32> to vector<1x16xi32>
      tpu.vector_store %arg7[%swap3A_98, %swap3A_99], %swap3A_102 {strides = array<i32>} : memref<104x128xi32, #tpu.memory_space<vmem>>, vector<1x16xi32>,
      %add3A_103 = arith.constant 13 : i32
      %add3A_104 = arith.addi %add3A_103, %select_n3A : i32
      %add3A_105 = arith.constant 48 : i32
      %add3A_106 = arith.addi %mul3A_62, %add3A_105 : i32
      %get3A_107 = arith.index_cast %add3A_104 : i32 to index
      %get3A_108 = arith.index_cast %add3A_106 : i32 to index
      %get3A_109 = tpu.vector_load %arg6[%get3A_107, %get3A_108] {strides = array<i32>} : memref<39x512xf32, #tpu.memory_space<vmem>>, vector<1x16xf32>,
      %get3A_110 = vector.shape_cast %get3A_109 : vector<1x16xf32> to vector<16xf32>
      %convert_element_type3A_111 = arith.fptosi %get3A_110 : vector<16xf32> to vector<16xi32>
      %swap3A_112 = arith.index_cast %scan3A_30 : i32 to index
      %swap3A_113 = arith.constant 48 : index
      %swap3A_114 = tpu.vector_load %arg7[%swap3A_112, %swap3A_113] {strides = array<i32>} : memref<104x128xi32, #tpu.memory_space<vmem>>, vector<1x16xi32>,
      %swap3A_115 = vector.shape_cast %swap3A_114 : vector<1x16xi32> to vector<16xi32>
      %swap3A_116 = vector.shape_cast %convert_element_type3A_111 : vector<16xi32> to vector<1x16xi32>
      tpu.vector_store %arg7[%swap3A_112, %swap3A_113], %swap3A_116 {strides = array<i32>} : memref<104x128xi32, #tpu.memory_space<vmem>>, vector<1x16xi32>,
      %add3A_117 = arith.constant 13 : i32
      %add3A_118 = arith.addi %add3A_117, %select_n3A : i32
      %add3A_119 = arith.constant 64 : i32
      %add3A_120 = arith.addi %mul3A_62, %add3A_119 : i32
      %get3A_121 = arith.index_cast %add3A_118 : i32 to index
      %get3A_122 = arith.index_cast %add3A_120 : i32 to index
      %get3A_123 = tpu.vector_load %arg6[%get3A_121, %get3A_122] {strides = array<i32>} : memref<39x512xf32, #tpu.memory_space<vmem>>, vector<1x16xf32>,
      %get3A_124 = vector.shape_cast %get3A_123 : vector<1x16xf32> to vector<16xf32>
      %convert_element_type3A_125 = arith.fptosi %get3A_124 : vector<16xf32> to vector<16xi32>
      %swap3A_126 = arith.index_cast %scan3A_30 : i32 to index
      %swap3A_127 = arith.constant 64 : index
      %swap3A_128 = tpu.vector_load %arg7[%swap3A_126, %swap3A_127] {strides = array<i32>} : memref<104x128xi32, #tpu.memory_space<vmem>>, vector<1x16xi32>,
      %swap3A_129 = vector.shape_cast %swap3A_128 : vector<1x16xi32> to vector<16xi32>
      %swap3A_130 = vector.shape_cast %convert_element_type3A_125 : vector<16xi32> to vector<1x16xi32>
      tpu.vector_store %arg7[%swap3A_126, %swap3A_127], %swap3A_130 {strides = array<i32>} : memref<104x128xi32, #tpu.memory_space<vmem>>, vector<1x16xi32>,
      %add3A_131 = arith.constant 13 : i32
      %add3A_132 = arith.addi %add3A_131, %select_n3A : i32
      %add3A_133 = arith.constant 80 : i32
      %add3A_134 = arith.addi %mul3A_62, %add3A_133 : i32
      %get3A_135 = arith.index_cast %add3A_132 : i32 to index
      %get3A_136 = arith.index_cast %add3A_134 : i32 to index
      %get3A_137 = tpu.vector_load %arg6[%get3A_135, %get3A_136] {strides = array<i32>} : memref<39x512xf32, #tpu.memory_space<vmem>>, vector<1x16xf32>,
      %get3A_138 = vector.shape_cast %get3A_137 : vector<1x16xf32> to vector<16xf32>
      %convert_element_type3A_139 = arith.fptosi %get3A_138 : vector<16xf32> to vector<16xi32>
      %swap3A_140 = arith.index_cast %scan3A_30 : i32 to index
      %swap3A_141 = arith.constant 80 : index
      %swap3A_142 = tpu.vector_load %arg7[%swap3A_140, %swap3A_141] {strides = array<i32>} : memref<104x128xi32, #tpu.memory_space<vmem>>, vector<1x16xi32>,
      %swap3A_143 = vector.shape_cast %swap3A_142 : vector<1x16xi32> to vector<16xi32>
      %swap3A_144 = vector.shape_cast %convert_element_type3A_139 : vector<16xi32> to vector<1x16xi32>
      tpu.vector_store %arg7[%swap3A_140, %swap3A_141], %swap3A_144 {strides = array<i32>} : memref<104x128xi32, #tpu.memory_space<vmem>>, vector<1x16xi32>,
      %add3A_145 = arith.constant 13 : i32
      %add3A_146 = arith.addi %add3A_145, %select_n3A : i32
      %add3A_147 = arith.constant 96 : i32
      %add3A_148 = arith.addi %mul3A_62, %add3A_147 : i32
      %get3A_149 = arith.index_cast %add3A_146 : i32 to index
      %get3A_150 = arith.index_cast %add3A_148 : i32 to index
      %get3A_151 = tpu.vector_load %arg6[%get3A_149, %get3A_150] {strides = array<i32>} : memref<39x512xf32, #tpu.memory_space<vmem>>, vector<1x16xf32>,
      %get3A_152 = vector.shape_cast %get3A_151 : vector<1x16xf32> to vector<16xf32>
      %convert_element_type3A_153 = arith.fptosi %get3A_152 : vector<16xf32> to vector<16xi32>
      %swap3A_154 = arith.index_cast %scan3A_30 : i32 to index
      %swap3A_155 = arith.constant 96 : index
      %swap3A_156 = tpu.vector_load %arg7[%swap3A_154, %swap3A_155] {strides = array<i32>} : memref<104x128xi32, #tpu.memory_space<vmem>>, vector<1x16xi32>,
      %swap3A_157 = vector.shape_cast %swap3A_156 : vector<1x16xi32> to vector<16xi32>
      %swap3A_158 = vector.shape_cast %convert_element_type3A_153 : vector<16xi32> to vector<1x16xi32>
      tpu.vector_store %arg7[%swap3A_154, %swap3A_155], %swap3A_158 {strides = array<i32>} : memref<104x128xi32, #tpu.memory_space<vmem>>, vector<1x16xi32>,
      %add3A_159 = arith.constant 13 : i32
      %add3A_160 = arith.addi %add3A_159, %select_n3A : i32
      %add3A_161 = arith.constant 112 : i32
      %add3A_162 = arith.addi %mul3A_62, %add3A_161 : i32
      %get3A_163 = arith.index_cast %add3A_160 : i32 to index
      %get3A_164 = arith.index_cast %add3A_162 : i32 to index
      %get3A_165 = tpu.vector_load %arg6[%get3A_163, %get3A_164] {strides = array<i32>} : memref<39x512xf32, #tpu.memory_space<vmem>>, vector<1x16xf32>,
      %get3A_166 = vector.shape_cast %get3A_165 : vector<1x16xf32> to vector<16xf32>
      %convert_element_type3A_167 = arith.fptosi %get3A_166 : vector<16xf32> to vector<16xi32>
      %swap3A_168 = arith.index_cast %scan3A_30 : i32 to index
      %swap3A_169 = arith.constant 112 : index
      %swap3A_170 = tpu.vector_load %arg7[%swap3A_168, %swap3A_169] {strides = array<i32>} : memref<104x128xi32, #tpu.memory_space<vmem>>, vector<1x16xi32>,
      %swap3A_171 = vector.shape_cast %swap3A_170 : vector<1x16xi32> to vector<16xi32>
      %swap3A_172 = vector.shape_cast %convert_element_type3A_167 : vector<16xi32> to vector<1x16xi32>
      tpu.vector_store %arg7[%swap3A_168, %swap3A_169], %swap3A_172 {strides = array<i32>} : memref<104x128xi32, #tpu.memory_space<vmem>>, vector<1x16xi32>,
    }
    %scan3A_19 = arith.constant 104 : i32
    %get3A = arith.constant 0 : index
    %get3A_20 = tpu.vector_load %arg8[%get3A] {strides = array<i32>} : memref<16xf32, #tpu.memory_space<vmem>>, vector<16xf32>,
    %get3A_21 = vector.shape_cast %get3A_20 : vector<16xf32> to vector<16xf32>
    %scan3A_22 = arith.constant 0 : i32
    %scan3A_23 = arith.constant 0 : i32
    %scan3A_24 = arith.constant 4 : i32
    %scan3A_25 = arith.addi %scan3A_23, %scan3A_24 : i32
    %scan3A_26 = arith.constant 1 : i32
    scf.for %scan3A_30 = %scan3A_23 to %scan3A_25 step %scan3A_26  : i32 {
      %mul3A_31 = arith.constant 128 : i32
      %mul3A_32 = arith.muli %scan3A_30, %mul3A_31 : i32
      %add3A_33 = arith.constant 0 : i32
      %add3A_34 = arith.addi %mul3A_32, %add3A_33 : i32
      %get3A_35 = arith.constant 0 : i32
      %get3A_36 = arith.index_cast %get3A_35 : i32 to index
      %get3A_37 = arith.index_cast %add3A_34 : i32 to index
      %get3A_38 = tpu.vector_load %arg6[%get3A_36, %get3A_37] {strides = array<i32>} : memref<39x512xf32, #tpu.memory_space<vmem>>, vector<1x16xf32>,
      %get3A_39 = vector.shape_cast %get3A_38 : vector<1x16xf32> to vector<16xf32>
      %slice3A = vector.extract_strided_slice %get3A_21 {offsets = [0], sizes = [1], strides = [1]} : vector<16xf32> to vector<1xf32>
      %squeeze3A = vector.extract %slice3A[0] : f32 from vector<1xf32>
      %mul3A_40 = vector.broadcast %squeeze3A : f32 to vector<16xf32>
      %mul3A_41 = arith.mulf %get3A_39, %mul3A_40 : vector<16xf32>
      %get3A_42 = arith.constant 1 : i32
      %get3A_43 = arith.index_cast %get3A_42 : i32 to index
      %get3A_44 = arith.index_cast %add3A_34 : i32 to index
      %get3A_45 = tpu.vector_load %arg6[%get3A_43, %get3A_44] {strides = array<i32>} : memref<39x512xf32, #tpu.memory_space<vmem>>, vector<1x16xf32>,
      %get3A_46 = vector.shape_cast %get3A_45 : vector<1x16xf32> to vector<16xf32>
      %slice3A_47 = vector.extract_strided_slice %get3A_21 {offsets = [1], sizes = [1], strides = [1]} : vector<16xf32> to vector<1xf32>
      %squeeze3A_48 = vector.extract %slice3A_47[0] : f32 from vector<1xf32>
      %mul3A_49 = vector.broadcast %squeeze3A_48 : f32 to vector<16xf32>
      %mul3A_50 = arith.mulf %get3A_46, %mul3A_49 : vector<16xf32>
      %add3A_51 = arith.addf %mul3A_41, %mul3A_50 : vector<16xf32>
      %get3A_52 = arith.constant 2 : i32
      %get3A_53 = arith.index_cast %get3A_52 : i32 to index
      %get3A_54 = arith.index_cast %add3A_34 : i32 to index
      %get3A_55 = tpu.vector_load %arg6[%get3A_53, %get3A_54] {strides = array<i32>} : memref<39x512xf32, #tpu.memory_space<vmem>>, vector<1x16xf32>,
      %get3A_56 = vector.shape_cast %get3A_55 : vector<1x16xf32> to vector<16xf32>
      %slice3A_57 = vector.extract_strided_slice %get3A_21 {offsets = [2], sizes = [1], strides = [1]} : vector<16xf32> to vector<1xf32>
      %squeeze3A_58 = vector.extract %slice3A_57[0] : f32 from vector<1xf32>
      %mul3A_59 = vector.broadcast %squeeze3A_58 : f32 to vector<16xf32>
      %mul3A_60 = arith.mulf %get3A_56, %mul3A_59 : vector<16xf32>
      %add3A_61 = arith.addf %add3A_51, %mul3A_60 : vector<16xf32>
      %get3A_62 = arith.constant 3 : i32
      %get3A_63 = arith.index_cast %get3A_62 : i32 to index
      %get3A_64 = arith.index_cast %add3A_34 : i32 to index
      %get3A_65 = tpu.vector_load %arg6[%get3A_63, %get3A_64] {strides = array<i32>} : memref<39x512xf32, #tpu.memory_space<vmem>>, vector<1x16xf32>,
      %get3A_66 = vector.shape_cast %get3A_65 : vector<1x16xf32> to vector<16xf32>
      %slice3A_67 = vector.extract_strided_slice %get3A_21 {offsets = [3], sizes = [1], strides = [1]} : vector<16xf32> to vector<1xf32>
      %squeeze3A_68 = vector.extract %slice3A_67[0] : f32 from vector<1xf32>
      %mul3A_69 = vector.broadcast %squeeze3A_68 : f32 to vector<16xf32>
      %mul3A_70 = arith.mulf %get3A_66, %mul3A_69 : vector<16xf32>
      %add3A_71 = arith.addf %add3A_61, %mul3A_70 : vector<16xf32>
      %get3A_72 = arith.constant 4 : i32
      %get3A_73 = arith.index_cast %get3A_72 : i32 to index
      %get3A_74 = arith.index_cast %add3A_34 : i32 to index
      %get3A_75 = tpu.vector_load %arg6[%get3A_73, %get3A_74] {strides = array<i32>} : memref<39x512xf32, #tpu.memory_space<vmem>>, vector<1x16xf32>,
      %get3A_76 = vector.shape_cast %get3A_75 : vector<1x16xf32> to vector<16xf32>
      %slice3A_77 = vector.extract_strided_slice %get3A_21 {offsets = [4], sizes = [1], strides = [1]} : vector<16xf32> to vector<1xf32>
      %squeeze3A_78 = vector.extract %slice3A_77[0] : f32 from vector<1xf32>
      %mul3A_79 = vector.broadcast %squeeze3A_78 : f32 to vector<16xf32>
      %mul3A_80 = arith.mulf %get3A_76, %mul3A_79 : vector<16xf32>
      %add3A_81 = arith.addf %add3A_71, %mul3A_80 : vector<16xf32>
      %get3A_82 = arith.constant 5 : i32
      %get3A_83 = arith.index_cast %get3A_82 : i32 to index
      %get3A_84 = arith.index_cast %add3A_34 : i32 to index
      %get3A_85 = tpu.vector_load %arg6[%get3A_83, %get3A_84] {strides = array<i32>} : memref<39x512xf32, #tpu.memory_space<vmem>>, vector<1x16xf32>,
      %get3A_86 = vector.shape_cast %get3A_85 : vector<1x16xf32> to vector<16xf32>
      %slice3A_87 = vector.extract_strided_slice %get3A_21 {offsets = [5], sizes = [1], strides = [1]} : vector<16xf32> to vector<1xf32>
      %squeeze3A_88 = vector.extract %slice3A_87[0] : f32 from vector<1xf32>
      %mul3A_89 = vector.broadcast %squeeze3A_88 : f32 to vector<16xf32>
      %mul3A_90 = arith.mulf %get3A_86, %mul3A_89 : vector<16xf32>
      %add3A_91 = arith.addf %add3A_81, %mul3A_90 : vector<16xf32>
      %get3A_92 = arith.constant 6 : i32
      %get3A_93 = arith.index_cast %get3A_92 : i32 to index
      %get3A_94 = arith.index_cast %add3A_34 : i32 to index
      %get3A_95 = tpu.vector_load %arg6[%get3A_93, %get3A_94] {strides = array<i32>} : memref<39x512xf32, #tpu.memory_space<vmem>>, vector<1x16xf32>,
      %get3A_96 = vector.shape_cast %get3A_95 : vector<1x16xf32> to vector<16xf32>
      %slice3A_97 = vector.extract_strided_slice %get3A_21 {offsets = [6], sizes = [1], strides = [1]} : vector<16xf32> to vector<1xf32>
      %squeeze3A_98 = vector.extract %slice3A_97[0] : f32 from vector<1xf32>
      %mul3A_99 = vector.broadcast %squeeze3A_98 : f32 to vector<16xf32>
      %mul3A_100 = arith.mulf %get3A_96, %mul3A_99 : vector<16xf32>
      %add3A_101 = arith.addf %add3A_91, %mul3A_100 : vector<16xf32>
      %get3A_102 = arith.constant 7 : i32
      %get3A_103 = arith.index_cast %get3A_102 : i32 to index
      %get3A_104 = arith.index_cast %add3A_34 : i32 to index
      %get3A_105 = tpu.vector_load %arg6[%get3A_103, %get3A_104] {strides = array<i32>} : memref<39x512xf32, #tpu.memory_space<vmem>>, vector<1x16xf32>,
      %get3A_106 = vector.shape_cast %get3A_105 : vector<1x16xf32> to vector<16xf32>
      %slice3A_107 = vector.extract_strided_slice %get3A_21 {offsets = [7], sizes = [1], strides = [1]} : vector<16xf32> to vector<1xf32>
      %squeeze3A_108 = vector.extract %slice3A_107[0] : f32 from vector<1xf32>
      %mul3A_109 = vector.broadcast %squeeze3A_108 : f32 to vector<16xf32>
      %mul3A_110 = arith.mulf %get3A_106, %mul3A_109 : vector<16xf32>
      %add3A_111 = arith.addf %add3A_101, %mul3A_110 : vector<16xf32>
      %get3A_112 = arith.constant 8 : i32
      %get3A_113 = arith.index_cast %get3A_112 : i32 to index
      %get3A_114 = arith.index_cast %add3A_34 : i32 to index
      %get3A_115 = tpu.vector_load %arg6[%get3A_113, %get3A_114] {strides = array<i32>} : memref<39x512xf32, #tpu.memory_space<vmem>>, vector<1x16xf32>,
      %get3A_116 = vector.shape_cast %get3A_115 : vector<1x16xf32> to vector<16xf32>
      %slice3A_117 = vector.extract_strided_slice %get3A_21 {offsets = [8], sizes = [1], strides = [1]} : vector<16xf32> to vector<1xf32>
      %squeeze3A_118 = vector.extract %slice3A_117[0] : f32 from vector<1xf32>
      %mul3A_119 = vector.broadcast %squeeze3A_118 : f32 to vector<16xf32>
      %mul3A_120 = arith.mulf %get3A_116, %mul3A_119 : vector<16xf32>
      %add3A_121 = arith.addf %add3A_111, %mul3A_120 : vector<16xf32>
      %get3A_122 = arith.constant 9 : i32
      %get3A_123 = arith.index_cast %get3A_122 : i32 to index
      %get3A_124 = arith.index_cast %add3A_34 : i32 to index
      %get3A_125 = tpu.vector_load %arg6[%get3A_123, %get3A_124] {strides = array<i32>} : memref<39x512xf32, #tpu.memory_space<vmem>>, vector<1x16xf32>,
      %get3A_126 = vector.shape_cast %get3A_125 : vector<1x16xf32> to vector<16xf32>
      %slice3A_127 = vector.extract_strided_slice %get3A_21 {offsets = [9], sizes = [1], strides = [1]} : vector<16xf32> to vector<1xf32>
      %squeeze3A_128 = vector.extract %slice3A_127[0] : f32 from vector<1xf32>
      %mul3A_129 = vector.broadcast %squeeze3A_128 : f32 to vector<16xf32>
      %mul3A_130 = arith.mulf %get3A_126, %mul3A_129 : vector<16xf32>
      %add3A_131 = arith.addf %add3A_121, %mul3A_130 : vector<16xf32>
      %get3A_132 = arith.constant 10 : i32
      %get3A_133 = arith.index_cast %get3A_132 : i32 to index
      %get3A_134 = arith.index_cast %add3A_34 : i32 to index
      %get3A_135 = tpu.vector_load %arg6[%get3A_133, %get3A_134] {strides = array<i32>} : memref<39x512xf32, #tpu.memory_space<vmem>>, vector<1x16xf32>,
      %get3A_136 = vector.shape_cast %get3A_135 : vector<1x16xf32> to vector<16xf32>
      %slice3A_137 = vector.extract_strided_slice %get3A_21 {offsets = [10], sizes = [1], strides = [1]} : vector<16xf32> to vector<1xf32>
      %squeeze3A_138 = vector.extract %slice3A_137[0] : f32 from vector<1xf32>
      %mul3A_139 = vector.broadcast %squeeze3A_138 : f32 to vector<16xf32>
      %mul3A_140 = arith.mulf %get3A_136, %mul3A_139 : vector<16xf32>
      %add3A_141 = arith.addf %add3A_131, %mul3A_140 : vector<16xf32>
      %get3A_142 = arith.constant 11 : i32
      %get3A_143 = arith.index_cast %get3A_142 : i32 to index
      %get3A_144 = arith.index_cast %add3A_34 : i32 to index
      %get3A_145 = tpu.vector_load %arg6[%get3A_143, %get3A_144] {strides = array<i32>} : memref<39x512xf32, #tpu.memory_space<vmem>>, vector<1x16xf32>,
      %get3A_146 = vector.shape_cast %get3A_145 : vector<1x16xf32> to vector<16xf32>
      %slice3A_147 = vector.extract_strided_slice %get3A_21 {offsets = [11], sizes = [1], strides = [1]} : vector<16xf32> to vector<1xf32>
      %squeeze3A_148 = vector.extract %slice3A_147[0] : f32 from vector<1xf32>
      %mul3A_149 = vector.broadcast %squeeze3A_148 : f32 to vector<16xf32>
      %mul3A_150 = arith.mulf %get3A_146, %mul3A_149 : vector<16xf32>
      %add3A_151 = arith.addf %add3A_141, %mul3A_150 : vector<16xf32>
      %get3A_152 = arith.constant 12 : i32
      %get3A_153 = arith.index_cast %get3A_152 : i32 to index
      %get3A_154 = arith.index_cast %add3A_34 : i32 to index
      %get3A_155 = tpu.vector_load %arg6[%get3A_153, %get3A_154] {strides = array<i32>} : memref<39x512xf32, #tpu.memory_space<vmem>>, vector<1x16xf32>,
      %get3A_156 = vector.shape_cast %get3A_155 : vector<1x16xf32> to vector<16xf32>
      %slice3A_157 = vector.extract_strided_slice %get3A_21 {offsets = [12], sizes = [1], strides = [1]} : vector<16xf32> to vector<1xf32>
      %squeeze3A_158 = vector.extract %slice3A_157[0] : f32 from vector<1xf32>
      %mul3A_159 = vector.broadcast %squeeze3A_158 : f32 to vector<16xf32>
      %mul3A_160 = arith.mulf %get3A_156, %mul3A_159 : vector<16xf32>
      %add3A_161 = arith.addf %add3A_151, %mul3A_160 : vector<16xf32>
      %swap3A = arith.index_cast %add3A_34 : i32 to index
      %swap3A_162 = tpu.vector_load %arg9[%swap3A] {strides = array<i32>} : memref<512xf32, #tpu.memory_space<vmem>>, vector<16xf32>,
      %swap3A_163 = vector.shape_cast %swap3A_162 : vector<16xf32> to vector<16xf32>
      %swap3A_164 = vector.shape_cast %add3A_161 : vector<16xf32> to vector<16xf32>
      tpu.vector_store %arg9[%swap3A], %swap3A_164 {strides = array<i32>} : memref<512xf32, #tpu.memory_space<vmem>>, vector<16xf32>,
      %mul3A_165 = arith.constant 128 : i32
      %mul3A_166 = arith.muli %scan3A_30, %mul3A_165 : i32
      %add3A_167 = arith.constant 16 : i32
      %add3A_168 = arith.addi %mul3A_166, %add3A_167 : i32
      %get3A_169 = arith.constant 0 : i32
      %get3A_170 = arith.index_cast %get3A_169 : i32 to index
      %get3A_171 = arith.index_cast %add3A_168 : i32 to index
      %get3A_172 = tpu.vector_load %arg6[%get3A_170, %get3A_171] {strides = array<i32>} : memref<39x512xf32, #tpu.memory_space<vmem>>, vector<1x16xf32>,
      %get3A_173 = vector.shape_cast %get3A_172 : vector<1x16xf32> to vector<16xf32>
      %slice3A_174 = vector.extract_strided_slice %get3A_21 {offsets = [0], sizes = [1], strides = [1]} : vector<16xf32> to vector<1xf32>
      %squeeze3A_175 = vector.extract %slice3A_174[0] : f32 from vector<1xf32>
      %mul3A_176 = vector.broadcast %squeeze3A_175 : f32 to vector<16xf32>
      %mul3A_177 = arith.mulf %get3A_173, %mul3A_176 : vector<16xf32>
      %get3A_178 = arith.constant 1 : i32
      %get3A_179 = arith.index_cast %get3A_178 : i32 to index
      %get3A_180 = arith.index_cast %add3A_168 : i32 to index
      %get3A_181 = tpu.vector_load %arg6[%get3A_179, %get3A_180] {strides = array<i32>} : memref<39x512xf32, #tpu.memory_space<vmem>>, vector<1x16xf32>,
      %get3A_182 = vector.shape_cast %get3A_181 : vector<1x16xf32> to vector<16xf32>
      %slice3A_183 = vector.extract_strided_slice %get3A_21 {offsets = [1], sizes = [1], strides = [1]} : vector<16xf32> to vector<1xf32>
      %squeeze3A_184 = vector.extract %slice3A_183[0] : f32 from vector<1xf32>
      %mul3A_185 = vector.broadcast %squeeze3A_184 : f32 to vector<16xf32>
      %mul3A_186 = arith.mulf %get3A_182, %mul3A_185 : vector<16xf32>
      %add3A_187 = arith.addf %mul3A_177, %mul3A_186 : vector<16xf32>
      %get3A_188 = arith.constant 2 : i32
      %get3A_189 = arith.index_cast %get3A_188 : i32 to index
      %get3A_190 = arith.index_cast %add3A_168 : i32 to index
      %get3A_191 = tpu.vector_load %arg6[%get3A_189, %get3A_190] {strides = array<i32>} : memref<39x512xf32, #tpu.memory_space<vmem>>, vector<1x16xf32>,
      %get3A_192 = vector.shape_cast %get3A_191 : vector<1x16xf32> to vector<16xf32>
      %slice3A_193 = vector.extract_strided_slice %get3A_21 {offsets = [2], sizes = [1], strides = [1]} : vector<16xf32> to vector<1xf32>
      %squeeze3A_194 = vector.extract %slice3A_193[0] : f32 from vector<1xf32>
      %mul3A_195 = vector.broadcast %squeeze3A_194 : f32 to vector<16xf32>
      %mul3A_196 = arith.mulf %get3A_192, %mul3A_195 : vector<16xf32>
      %add3A_197 = arith.addf %add3A_187, %mul3A_196 : vector<16xf32>
      %get3A_198 = arith.constant 3 : i32
      %get3A_199 = arith.index_cast %get3A_198 : i32 to index
      %get3A_200 = arith.index_cast %add3A_168 : i32 to index
      %get3A_201 = tpu.vector_load %arg6[%get3A_199, %get3A_200] {strides = array<i32>} : memref<39x512xf32, #tpu.memory_space<vmem>>, vector<1x16xf32>,
      %get3A_202 = vector.shape_cast %get3A_201 : vector<1x16xf32> to vector<16xf32>
      %slice3A_203 = vector.extract_strided_slice %get3A_21 {offsets = [3], sizes = [1], strides = [1]} : vector<16xf32> to vector<1xf32>
      %squeeze3A_204 = vector.extract %slice3A_203[0] : f32 from vector<1xf32>
      %mul3A_205 = vector.broadcast %squeeze3A_204 : f32 to vector<16xf32>
      %mul3A_206 = arith.mulf %get3A_202, %mul3A_205 : vector<16xf32>
      %add3A_207 = arith.addf %add3A_197, %mul3A_206 : vector<16xf32>
      %get3A_208 = arith.constant 4 : i32
      %get3A_209 = arith.index_cast %get3A_208 : i32 to index
      %get3A_210 = arith.index_cast %add3A_168 : i32 to index
      %get3A_211 = tpu.vector_load %arg6[%get3A_209, %get3A_210] {strides = array<i32>} : memref<39x512xf32, #tpu.memory_space<vmem>>, vector<1x16xf32>,
      %get3A_212 = vector.shape_cast %get3A_211 : vector<1x16xf32> to vector<16xf32>
      %slice3A_213 = vector.extract_strided_slice %get3A_21 {offsets = [4], sizes = [1], strides = [1]} : vector<16xf32> to vector<1xf32>
      %squeeze3A_214 = vector.extract %slice3A_213[0] : f32 from vector<1xf32>
      %mul3A_215 = vector.broadcast %squeeze3A_214 : f32 to vector<16xf32>
      %mul3A_216 = arith.mulf %get3A_212, %mul3A_215 : vector<16xf32>
      %add3A_217 = arith.addf %add3A_207, %mul3A_216 : vector<16xf32>
      %get3A_218 = arith.constant 5 : i32
      %get3A_219 = arith.index_cast %get3A_218 : i32 to index
      %get3A_220 = arith.index_cast %add3A_168 : i32 to index
      %get3A_221 = tpu.vector_load %arg6[%get3A_219, %get3A_220] {strides = array<i32>} : memref<39x512xf32, #tpu.memory_space<vmem>>, vector<1x16xf32>,
      %get3A_222 = vector.shape_cast %get3A_221 : vector<1x16xf32> to vector<16xf32>
      %slice3A_223 = vector.extract_strided_slice %get3A_21 {offsets = [5], sizes = [1], strides = [1]} : vector<16xf32> to vector<1xf32>
      %squeeze3A_224 = vector.extract %slice3A_223[0] : f32 from vector<1xf32>
      %mul3A_225 = vector.broadcast %squeeze3A_224 : f32 to vector<16xf32>
      %mul3A_226 = arith.mulf %get3A_222, %mul3A_225 : vector<16xf32>
      %add3A_227 = arith.addf %add3A_217, %mul3A_226 : vector<16xf32>
      %get3A_228 = arith.constant 6 : i32
      %get3A_229 = arith.index_cast %get3A_228 : i32 to index
      %get3A_230 = arith.index_cast %add3A_168 : i32 to index
      %get3A_231 = tpu.vector_load %arg6[%get3A_229, %get3A_230] {strides = array<i32>} : memref<39x512xf32, #tpu.memory_space<vmem>>, vector<1x16xf32>,
      %get3A_232 = vector.shape_cast %get3A_231 : vector<1x16xf32> to vector<16xf32>
      %slice3A_233 = vector.extract_strided_slice %get3A_21 {offsets = [6], sizes = [1], strides = [1]} : vector<16xf32> to vector<1xf32>
      %squeeze3A_234 = vector.extract %slice3A_233[0] : f32 from vector<1xf32>
      %mul3A_235 = vector.broadcast %squeeze3A_234 : f32 to vector<16xf32>
      %mul3A_236 = arith.mulf %get3A_232, %mul3A_235 : vector<16xf32>
      %add3A_237 = arith.addf %add3A_227, %mul3A_236 : vector<16xf32>
      %get3A_238 = arith.constant 7 : i32
      %get3A_239 = arith.index_cast %get3A_238 : i32 to index
      %get3A_240 = arith.index_cast %add3A_168 : i32 to index
      %get3A_241 = tpu.vector_load %arg6[%get3A_239, %get3A_240] {strides = array<i32>} : memref<39x512xf32, #tpu.memory_space<vmem>>, vector<1x16xf32>,
      %get3A_242 = vector.shape_cast %get3A_241 : vector<1x16xf32> to vector<16xf32>
      %slice3A_243 = vector.extract_strided_slice %get3A_21 {offsets = [7], sizes = [1], strides = [1]} : vector<16xf32> to vector<1xf32>
      %squeeze3A_244 = vector.extract %slice3A_243[0] : f32 from vector<1xf32>
      %mul3A_245 = vector.broadcast %squeeze3A_244 : f32 to vector<16xf32>
      %mul3A_246 = arith.mulf %get3A_242, %mul3A_245 : vector<16xf32>
      %add3A_247 = arith.addf %add3A_237, %mul3A_246 : vector<16xf32>
      %get3A_248 = arith.constant 8 : i32
      %get3A_249 = arith.index_cast %get3A_248 : i32 to index
      %get3A_250 = arith.index_cast %add3A_168 : i32 to index
      %get3A_251 = tpu.vector_load %arg6[%get3A_249, %get3A_250] {strides = array<i32>} : memref<39x512xf32, #tpu.memory_space<vmem>>, vector<1x16xf32>,
      %get3A_252 = vector.shape_cast %get3A_251 : vector<1x16xf32> to vector<16xf32>
      %slice3A_253 = vector.extract_strided_slice %get3A_21 {offsets = [8], sizes = [1], strides = [1]} : vector<16xf32> to vector<1xf32>
      %squeeze3A_254 = vector.extract %slice3A_253[0] : f32 from vector<1xf32>
      %mul3A_255 = vector.broadcast %squeeze3A_254 : f32 to vector<16xf32>
      %mul3A_256 = arith.mulf %get3A_252, %mul3A_255 : vector<16xf32>
      %add3A_257 = arith.addf %add3A_247, %mul3A_256 : vector<16xf32>
      %get3A_258 = arith.constant 9 : i32
      %get3A_259 = arith.index_cast %get3A_258 : i32 to index
      %get3A_260 = arith.index_cast %add3A_168 : i32 to index
      %get3A_261 = tpu.vector_load %arg6[%get3A_259, %get3A_260] {strides = array<i32>} : memref<39x512xf32, #tpu.memory_space<vmem>>, vector<1x16xf32>,
      %get3A_262 = vector.shape_cast %get3A_261 : vector<1x16xf32> to vector<16xf32>
      %slice3A_263 = vector.extract_strided_slice %get3A_21 {offsets = [9], sizes = [1], strides = [1]} : vector<16xf32> to vector<1xf32>
      %squeeze3A_264 = vector.extract %slice3A_263[0] : f32 from vector<1xf32>
      %mul3A_265 = vector.broadcast %squeeze3A_264 : f32 to vector<16xf32>
      %mul3A_266 = arith.mulf %get3A_262, %mul3A_265 : vector<16xf32>
      %add3A_267 = arith.addf %add3A_257, %mul3A_266 : vector<16xf32>
      %get3A_268 = arith.constant 10 : i32
      %get3A_269 = arith.index_cast %get3A_268 : i32 to index
      %get3A_270 = arith.index_cast %add3A_168 : i32 to index
      %get3A_271 = tpu.vector_load %arg6[%get3A_269, %get3A_270] {strides = array<i32>} : memref<39x512xf32, #tpu.memory_space<vmem>>, vector<1x16xf32>,
      %get3A_272 = vector.shape_cast %get3A_271 : vector<1x16xf32> to vector<16xf32>
      %slice3A_273 = vector.extract_strided_slice %get3A_21 {offsets = [10], sizes = [1], strides = [1]} : vector<16xf32> to vector<1xf32>
      %squeeze3A_274 = vector.extract %slice3A_273[0] : f32 from vector<1xf32>
      %mul3A_275 = vector.broadcast %squeeze3A_274 : f32 to vector<16xf32>
      %mul3A_276 = arith.mulf %get3A_272, %mul3A_275 : vector<16xf32>
      %add3A_277 = arith.addf %add3A_267, %mul3A_276 : vector<16xf32>
      %get3A_278 = arith.constant 11 : i32
      %get3A_279 = arith.index_cast %get3A_278 : i32 to index
      %get3A_280 = arith.index_cast %add3A_168 : i32 to index
      %get3A_281 = tpu.vector_load %arg6[%get3A_279, %get3A_280] {strides = array<i32>} : memref<39x512xf32, #tpu.memory_space<vmem>>, vector<1x16xf32>,
      %get3A_282 = vector.shape_cast %get3A_281 : vector<1x16xf32> to vector<16xf32>
      %slice3A_283 = vector.extract_strided_slice %get3A_21 {offsets = [11], sizes = [1], strides = [1]} : vector<16xf32> to vector<1xf32>
      %squeeze3A_284 = vector.extract %slice3A_283[0] : f32 from vector<1xf32>
      %mul3A_285 = vector.broadcast %squeeze3A_284 : f32 to vector<16xf32>
      %mul3A_286 = arith.mulf %get3A_282, %mul3A_285 : vector<16xf32>
      %add3A_287 = arith.addf %add3A_277, %mul3A_286 : vector<16xf32>
      %get3A_288 = arith.constant 12 : i32
      %get3A_289 = arith.index_cast %get3A_288 : i32 to index
      %get3A_290 = arith.index_cast %add3A_168 : i32 to index
      %get3A_291 = tpu.vector_load %arg6[%get3A_289, %get3A_290] {strides = array<i32>} : memref<39x512xf32, #tpu.memory_space<vmem>>, vector<1x16xf32>,
      %get3A_292 = vector.shape_cast %get3A_291 : vector<1x16xf32> to vector<16xf32>
      %slice3A_293 = vector.extract_strided_slice %get3A_21 {offsets = [12], sizes = [1], strides = [1]} : vector<16xf32> to vector<1xf32>
      %squeeze3A_294 = vector.extract %slice3A_293[0] : f32 from vector<1xf32>
      %mul3A_295 = vector.broadcast %squeeze3A_294 : f32 to vector<16xf32>
      %mul3A_296 = arith.mulf %get3A_292, %mul3A_295 : vector<16xf32>
      %add3A_297 = arith.addf %add3A_287, %mul3A_296 : vector<16xf32>
      %swap3A_298 = arith.index_cast %add3A_168 : i32 to index
      %swap3A_299 = tpu.vector_load %arg9[%swap3A_298] {strides = array<i32>} : memref<512xf32, #tpu.memory_space<vmem>>, vector<16xf32>,
      %swap3A_300 = vector.shape_cast %swap3A_299 : vector<16xf32> to vector<16xf32>
      %swap3A_301 = vector.shape_cast %add3A_297 : vector<16xf32> to vector<16xf32>
      tpu.vector_store %arg9[%swap3A_298], %swap3A_301 {strides = array<i32>} : memref<512xf32, #tpu.memory_space<vmem>>, vector<16xf32>,
      %mul3A_302 = arith.constant 128 : i32
      %mul3A_303 = arith.muli %scan3A_30, %mul3A_302 : i32
      %add3A_304 = arith.constant 32 : i32
      %add3A_305 = arith.addi %mul3A_303, %add3A_304 : i32
      %get3A_306 = arith.constant 0 : i32
      %get3A_307 = arith.index_cast %get3A_306 : i32 to index
      %get3A_308 = arith.index_cast %add3A_305 : i32 to index
      %get3A_309 = tpu.vector_load %arg6[%get3A_307, %get3A_308] {strides = array<i32>} : memref<39x512xf32, #tpu.memory_space<vmem>>, vector<1x16xf32>,
      %get3A_310 = vector.shape_cast %get3A_309 : vector<1x16xf32> to vector<16xf32>
      %slice3A_311 = vector.extract_strided_slice %get3A_21 {offsets = [0], sizes = [1], strides = [1]} : vector<16xf32> to vector<1xf32>
      %squeeze3A_312 = vector.extract %slice3A_311[0] : f32 from vector<1xf32>
      %mul3A_313 = vector.broadcast %squeeze3A_312 : f32 to vector<16xf32>
      %mul3A_314 = arith.mulf %get3A_310, %mul3A_313 : vector<16xf32>
      %get3A_315 = arith.constant 1 : i32
      %get3A_316 = arith.index_cast %get3A_315 : i32 to index
      %get3A_317 = arith.index_cast %add3A_305 : i32 to index
      %get3A_318 = tpu.vector_load %arg6[%get3A_316, %get3A_317] {strides = array<i32>} : memref<39x512xf32, #tpu.memory_space<vmem>>, vector<1x16xf32>,
      %get3A_319 = vector.shape_cast %get3A_318 : vector<1x16xf32> to vector<16xf32>
      %slice3A_320 = vector.extract_strided_slice %get3A_21 {offsets = [1], sizes = [1], strides = [1]} : vector<16xf32> to vector<1xf32>
      %squeeze3A_321 = vector.extract %slice3A_320[0] : f32 from vector<1xf32>
      %mul3A_322 = vector.broadcast %squeeze3A_321 : f32 to vector<16xf32>
      %mul3A_323 = arith.mulf %get3A_319, %mul3A_322 : vector<16xf32>
      %add3A_324 = arith.addf %mul3A_314, %mul3A_323 : vector<16xf32>
      %get3A_325 = arith.constant 2 : i32
      %get3A_326 = arith.index_cast %get3A_325 : i32 to index
      %get3A_327 = arith.index_cast %add3A_305 : i32 to index
      %get3A_328 = tpu.vector_load %arg6[%get3A_326, %get3A_327] {strides = array<i32>} : memref<39x512xf32, #tpu.memory_space<vmem>>, vector<1x16xf32>,
      %get3A_329 = vector.shape_cast %get3A_328 : vector<1x16xf32> to vector<16xf32>
      %slice3A_330 = vector.extract_strided_slice %get3A_21 {offsets = [2], sizes = [1], strides = [1]} : vector<16xf32> to vector<1xf32>
      %squeeze3A_331 = vector.extract %slice3A_330[0] : f32 from vector<1xf32>
      %mul3A_332 = vector.broadcast %squeeze3A_331 : f32 to vector<16xf32>
      %mul3A_333 = arith.mulf %get3A_329, %mul3A_332 : vector<16xf32>
      %add3A_334 = arith.addf %add3A_324, %mul3A_333 : vector<16xf32>
      %get3A_335 = arith.constant 3 : i32
      %get3A_336 = arith.index_cast %get3A_335 : i32 to index
      %get3A_337 = arith.index_cast %add3A_305 : i32 to index
      %get3A_338 = tpu.vector_load %arg6[%get3A_336, %get3A_337] {strides = array<i32>} : memref<39x512xf32, #tpu.memory_space<vmem>>, vector<1x16xf32>,
      %get3A_339 = vector.shape_cast %get3A_338 : vector<1x16xf32> to vector<16xf32>
      %slice3A_340 = vector.extract_strided_slice %get3A_21 {offsets = [3], sizes = [1], strides = [1]} : vector<16xf32> to vector<1xf32>
      %squeeze3A_341 = vector.extract %slice3A_340[0] : f32 from vector<1xf32>
      %mul3A_342 = vector.broadcast %squeeze3A_341 : f32 to vector<16xf32>
      %mul3A_343 = arith.mulf %get3A_339, %mul3A_342 : vector<16xf32>
      %add3A_344 = arith.addf %add3A_334, %mul3A_343 : vector<16xf32>
      %get3A_345 = arith.constant 4 : i32
      %get3A_346 = arith.index_cast %get3A_345 : i32 to index
      %get3A_347 = arith.index_cast %add3A_305 : i32 to index
      %get3A_348 = tpu.vector_load %arg6[%get3A_346, %get3A_347] {strides = array<i32>} : memref<39x512xf32, #tpu.memory_space<vmem>>, vector<1x16xf32>,
      %get3A_349 = vector.shape_cast %get3A_348 : vector<1x16xf32> to vector<16xf32>
      %slice3A_350 = vector.extract_strided_slice %get3A_21 {offsets = [4], sizes = [1], strides = [1]} : vector<16xf32> to vector<1xf32>
      %squeeze3A_351 = vector.extract %slice3A_350[0] : f32 from vector<1xf32>
      %mul3A_352 = vector.broadcast %squeeze3A_351 : f32 to vector<16xf32>
      %mul3A_353 = arith.mulf %get3A_349, %mul3A_352 : vector<16xf32>
      %add3A_354 = arith.addf %add3A_344, %mul3A_353 : vector<16xf32>
      %get3A_355 = arith.constant 5 : i32
      %get3A_356 = arith.index_cast %get3A_355 : i32 to index
      %get3A_357 = arith.index_cast %add3A_305 : i32 to index
      %get3A_358 = tpu.vector_load %arg6[%get3A_356, %get3A_357] {strides = array<i32>} : memref<39x512xf32, #tpu.memory_space<vmem>>, vector<1x16xf32>,
      %get3A_359 = vector.shape_cast %get3A_358 : vector<1x16xf32> to vector<16xf32>
      %slice3A_360 = vector.extract_strided_slice %get3A_21 {offsets = [5], sizes = [1], strides = [1]} : vector<16xf32> to vector<1xf32>
      %squeeze3A_361 = vector.extract %slice3A_360[0] : f32 from vector<1xf32>
      %mul3A_362 = vector.broadcast %squeeze3A_361 : f32 to vector<16xf32>
      %mul3A_363 = arith.mulf %get3A_359, %mul3A_362 : vector<16xf32>
      %add3A_364 = arith.addf %add3A_354, %mul3A_363 : vector<16xf32>
      %get3A_365 = arith.constant 6 : i32
      %get3A_366 = arith.index_cast %get3A_365 : i32 to index
      %get3A_367 = arith.index_cast %add3A_305 : i32 to index
      %get3A_368 = tpu.vector_load %arg6[%get3A_366, %get3A_367] {strides = array<i32>} : memref<39x512xf32, #tpu.memory_space<vmem>>, vector<1x16xf32>,
      %get3A_369 = vector.shape_cast %get3A_368 : vector<1x16xf32> to vector<16xf32>
      %slice3A_370 = vector.extract_strided_slice %get3A_21 {offsets = [6], sizes = [1], strides = [1]} : vector<16xf32> to vector<1xf32>
      %squeeze3A_371 = vector.extract %slice3A_370[0] : f32 from vector<1xf32>
      %mul3A_372 = vector.broadcast %squeeze3A_371 : f32 to vector<16xf32>
      %mul3A_373 = arith.mulf %get3A_369, %mul3A_372 : vector<16xf32>
      %add3A_374 = arith.addf %add3A_364, %mul3A_373 : vector<16xf32>
      %get3A_375 = arith.constant 7 : i32
      %get3A_376 = arith.index_cast %get3A_375 : i32 to index
      %get3A_377 = arith.index_cast %add3A_305 : i32 to index
      %get3A_378 = tpu.vector_load %arg6[%get3A_376, %get3A_377] {strides = array<i32>} : memref<39x512xf32, #tpu.memory_space<vmem>>, vector<1x16xf32>,
      %get3A_379 = vector.shape_cast %get3A_378 : vector<1x16xf32> to vector<16xf32>
      %slice3A_380 = vector.extract_strided_slice %get3A_21 {offsets = [7], sizes = [1], strides = [1]} : vector<16xf32> to vector<1xf32>
      %squeeze3A_381 = vector.extract %slice3A_380[0] : f32 from vector<1xf32>
      %mul3A_382 = vector.broadcast %squeeze3A_381 : f32 to vector<16xf32>
      %mul3A_383 = arith.mulf %get3A_379, %mul3A_382 : vector<16xf32>
      %add3A_384 = arith.addf %add3A_374, %mul3A_383 : vector<16xf32>
      %get3A_385 = arith.constant 8 : i32
      %get3A_386 = arith.index_cast %get3A_385 : i32 to index
      %get3A_387 = arith.index_cast %add3A_305 : i32 to index
      %get3A_388 = tpu.vector_load %arg6[%get3A_386, %get3A_387] {strides = array<i32>} : memref<39x512xf32, #tpu.memory_space<vmem>>, vector<1x16xf32>,
      %get3A_389 = vector.shape_cast %get3A_388 : vector<1x16xf32> to vector<16xf32>
      %slice3A_390 = vector.extract_strided_slice %get3A_21 {offsets = [8], sizes = [1], strides = [1]} : vector<16xf32> to vector<1xf32>
      %squeeze3A_391 = vector.extract %slice3A_390[0] : f32 from vector<1xf32>
      %mul3A_392 = vector.broadcast %squeeze3A_391 : f32 to vector<16xf32>
      %mul3A_393 = arith.mulf %get3A_389, %mul3A_392 : vector<16xf32>
      %add3A_394 = arith.addf %add3A_384, %mul3A_393 : vector<16xf32>
      %get3A_395 = arith.constant 9 : i32
      %get3A_396 = arith.index_cast %get3A_395 : i32 to index
      %get3A_397 = arith.index_cast %add3A_305 : i32 to index
      %get3A_398 = tpu.vector_load %arg6[%get3A_396, %get3A_397] {strides = array<i32>} : memref<39x512xf32, #tpu.memory_space<vmem>>, vector<1x16xf32>,
      %get3A_399 = vector.shape_cast %get3A_398 : vector<1x16xf32> to vector<16xf32>
      %slice3A_400 = vector.extract_strided_slice %get3A_21 {offsets = [9], sizes = [1], strides = [1]} : vector<16xf32> to vector<1xf32>
      %squeeze3A_401 = vector.extract %slice3A_400[0] : f32 from vector<1xf32>
      %mul3A_402 = vector.broadcast %squeeze3A_401 : f32 to vector<16xf32>
      %mul3A_403 = arith.mulf %get3A_399, %mul3A_402 : vector<16xf32>
      %add3A_404 = arith.addf %add3A_394, %mul3A_403 : vector<16xf32>
      %get3A_405 = arith.constant 10 : i32
      %get3A_406 = arith.index_cast %get3A_405 : i32 to index
      %get3A_407 = arith.index_cast %add3A_305 : i32 to index
      %get3A_408 = tpu.vector_load %arg6[%get3A_406, %get3A_407] {strides = array<i32>} : memref<39x512xf32, #tpu.memory_space<vmem>>, vector<1x16xf32>,
      %get3A_409 = vector.shape_cast %get3A_408 : vector<1x16xf32> to vector<16xf32>
      %slice3A_410 = vector.extract_strided_slice %get3A_21 {offsets = [10], sizes = [1], strides = [1]} : vector<16xf32> to vector<1xf32>
      %squeeze3A_411 = vector.extract %slice3A_410[0] : f32 from vector<1xf32>
      %mul3A_412 = vector.broadcast %squeeze3A_411 : f32 to vector<16xf32>
      %mul3A_413 = arith.mulf %get3A_409, %mul3A_412 : vector<16xf32>
      %add3A_414 = arith.addf %add3A_404, %mul3A_413 : vector<16xf32>
      %get3A_415 = arith.constant 11 : i32
      %get3A_416 = arith.index_cast %get3A_415 : i32 to index
      %get3A_417 = arith.index_cast %add3A_305 : i32 to index
      %get3A_418 = tpu.vector_load %arg6[%get3A_416, %get3A_417] {strides = array<i32>} : memref<39x512xf32, #tpu.memory_space<vmem>>, vector<1x16xf32>,
      %get3A_419 = vector.shape_cast %get3A_418 : vector<1x16xf32> to vector<16xf32>
      %slice3A_420 = vector.extract_strided_slice %get3A_21 {offsets = [11], sizes = [1], strides = [1]} : vector<16xf32> to vector<1xf32>
      %squeeze3A_421 = vector.extract %slice3A_420[0] : f32 from vector<1xf32>
      %mul3A_422 = vector.broadcast %squeeze3A_421 : f32 to vector<16xf32>
      %mul3A_423 = arith.mulf %get3A_419, %mul3A_422 : vector<16xf32>
      %add3A_424 = arith.addf %add3A_414, %mul3A_423 : vector<16xf32>
      %get3A_425 = arith.constant 12 : i32
      %get3A_426 = arith.index_cast %get3A_425 : i32 to index
      %get3A_427 = arith.index_cast %add3A_305 : i32 to index
      %get3A_428 = tpu.vector_load %arg6[%get3A_426, %get3A_427] {strides = array<i32>} : memref<39x512xf32, #tpu.memory_space<vmem>>, vector<1x16xf32>,
      %get3A_429 = vector.shape_cast %get3A_428 : vector<1x16xf32> to vector<16xf32>
      %slice3A_430 = vector.extract_strided_slice %get3A_21 {offsets = [12], sizes = [1], strides = [1]} : vector<16xf32> to vector<1xf32>
      %squeeze3A_431 = vector.extract %slice3A_430[0] : f32 from vector<1xf32>
      %mul3A_432 = vector.broadcast %squeeze3A_431 : f32 to vector<16xf32>
      %mul3A_433 = arith.mulf %get3A_429, %mul3A_432 : vector<16xf32>
      %add3A_434 = arith.addf %add3A_424, %mul3A_433 : vector<16xf32>
      %swap3A_435 = arith.index_cast %add3A_305 : i32 to index
      %swap3A_436 = tpu.vector_load %arg9[%swap3A_435] {strides = array<i32>} : memref<512xf32, #tpu.memory_space<vmem>>, vector<16xf32>,
      %swap3A_437 = vector.shape_cast %swap3A_436 : vector<16xf32> to vector<16xf32>
      %swap3A_438 = vector.shape_cast %add3A_434 : vector<16xf32> to vector<16xf32>
      tpu.vector_store %arg9[%swap3A_435], %swap3A_438 {strides = array<i32>} : memref<512xf32, #tpu.memory_space<vmem>>, vector<16xf32>,
      %mul3A_439 = arith.constant 128 : i32
      %mul3A_440 = arith.muli %scan3A_30, %mul3A_439 : i32
      %add3A_441 = arith.constant 48 : i32
      %add3A_442 = arith.addi %mul3A_440, %add3A_441 : i32
      %get3A_443 = arith.constant 0 : i32
      %get3A_444 = arith.index_cast %get3A_443 : i32 to index
      %get3A_445 = arith.index_cast %add3A_442 : i32 to index
      %get3A_446 = tpu.vector_load %arg6[%get3A_444, %get3A_445] {strides = array<i32>} : memref<39x512xf32, #tpu.memory_space<vmem>>, vector<1x16xf32>,
      %get3A_447 = vector.shape_cast %get3A_446 : vector<1x16xf32> to vector<16xf32>
      %slice3A_448 = vector.extract_strided_slice %get3A_21 {offsets = [0], sizes = [1], strides = [1]} : vector<16xf32> to vector<1xf32>
      %squeeze3A_449 = vector.extract %slice3A_448[0] : f32 from vector<1xf32>
      %mul3A_450 = vector.broadcast %squeeze3A_449 : f32 to vector<16xf32>
      %mul3A_451 = arith.mulf %get3A_447, %mul3A_450 : vector<16xf32>
      %get3A_452 = arith.constant 1 : i32
      %get3A_453 = arith.index_cast %get3A_452 : i32 to index
      %get3A_454 = arith.index_cast %add3A_442 : i32 to index
      %get3A_455 = tpu.vector_load %arg6[%get3A_453, %get3A_454] {strides = array<i32>} : memref<39x512xf32, #tpu.memory_space<vmem>>, vector<1x16xf32>,
      %get3A_456 = vector.shape_cast %get3A_455 : vector<1x16xf32> to vector<16xf32>
      %slice3A_457 = vector.extract_strided_slice %get3A_21 {offsets = [1], sizes = [1], strides = [1]} : vector<16xf32> to vector<1xf32>
      %squeeze3A_458 = vector.extract %slice3A_457[0] : f32 from vector<1xf32>
      %mul3A_459 = vector.broadcast %squeeze3A_458 : f32 to vector<16xf32>
      %mul3A_460 = arith.mulf %get3A_456, %mul3A_459 : vector<16xf32>
      %add3A_461 = arith.addf %mul3A_451, %mul3A_460 : vector<16xf32>
      %get3A_462 = arith.constant 2 : i32
      %get3A_463 = arith.index_cast %get3A_462 : i32 to index
      %get3A_464 = arith.index_cast %add3A_442 : i32 to index
      %get3A_465 = tpu.vector_load %arg6[%get3A_463, %get3A_464] {strides = array<i32>} : memref<39x512xf32, #tpu.memory_space<vmem>>, vector<1x16xf32>,
      %get3A_466 = vector.shape_cast %get3A_465 : vector<1x16xf32> to vector<16xf32>
      %slice3A_467 = vector.extract_strided_slice %get3A_21 {offsets = [2], sizes = [1], strides = [1]} : vector<16xf32> to vector<1xf32>
      %squeeze3A_468 = vector.extract %slice3A_467[0] : f32 from vector<1xf32>
      %mul3A_469 = vector.broadcast %squeeze3A_468 : f32 to vector<16xf32>
      %mul3A_470 = arith.mulf %get3A_466, %mul3A_469 : vector<16xf32>
      %add3A_471 = arith.addf %add3A_461, %mul3A_470 : vector<16xf32>
      %get3A_472 = arith.constant 3 : i32
      %get3A_473 = arith.index_cast %get3A_472 : i32 to index
      %get3A_474 = arith.index_cast %add3A_442 : i32 to index
      %get3A_475 = tpu.vector_load %arg6[%get3A_473, %get3A_474] {strides = array<i32>} : memref<39x512xf32, #tpu.memory_space<vmem>>, vector<1x16xf32>,
      %get3A_476 = vector.shape_cast %get3A_475 : vector<1x16xf32> to vector<16xf32>
      %slice3A_477 = vector.extract_strided_slice %get3A_21 {offsets = [3], sizes = [1], strides = [1]} : vector<16xf32> to vector<1xf32>
      %squeeze3A_478 = vector.extract %slice3A_477[0] : f32 from vector<1xf32>
      %mul3A_479 = vector.broadcast %squeeze3A_478 : f32 to vector<16xf32>
      %mul3A_480 = arith.mulf %get3A_476, %mul3A_479 : vector<16xf32>
      %add3A_481 = arith.addf %add3A_471, %mul3A_480 : vector<16xf32>
      %get3A_482 = arith.constant 4 : i32
      %get3A_483 = arith.index_cast %get3A_482 : i32 to index
      %get3A_484 = arith.index_cast %add3A_442 : i32 to index
      %get3A_485 = tpu.vector_load %arg6[%get3A_483, %get3A_484] {strides = array<i32>} : memref<39x512xf32, #tpu.memory_space<vmem>>, vector<1x16xf32>,
      %get3A_486 = vector.shape_cast %get3A_485 : vector<1x16xf32> to vector<16xf32>
      %slice3A_487 = vector.extract_strided_slice %get3A_21 {offsets = [4], sizes = [1], strides = [1]} : vector<16xf32> to vector<1xf32>
      %squeeze3A_488 = vector.extract %slice3A_487[0] : f32 from vector<1xf32>
      %mul3A_489 = vector.broadcast %squeeze3A_488 : f32 to vector<16xf32>
      %mul3A_490 = arith.mulf %get3A_486, %mul3A_489 : vector<16xf32>
      %add3A_491 = arith.addf %add3A_481, %mul3A_490 : vector<16xf32>
      %get3A_492 = arith.constant 5 : i32
      %get3A_493 = arith.index_cast %get3A_492 : i32 to index
      %get3A_494 = arith.index_cast %add3A_442 : i32 to index
      %get3A_495 = tpu.vector_load %arg6[%get3A_493, %get3A_494] {strides = array<i32>} : memref<39x512xf32, #tpu.memory_space<vmem>>, vector<1x16xf32>,
      %get3A_496 = vector.shape_cast %get3A_495 : vector<1x16xf32> to vector<16xf32>
      %slice3A_497 = vector.extract_strided_slice %get3A_21 {offsets = [5], sizes = [1], strides = [1]} : vector<16xf32> to vector<1xf32>
      %squeeze3A_498 = vector.extract %slice3A_497[0] : f32 from vector<1xf32>
      %mul3A_499 = vector.broadcast %squeeze3A_498 : f32 to vector<16xf32>
      %mul3A_500 = arith.mulf %get3A_496, %mul3A_499 : vector<16xf32>
      %add3A_501 = arith.addf %add3A_491, %mul3A_500 : vector<16xf32>
      %get3A_502 = arith.constant 6 : i32
      %get3A_503 = arith.index_cast %get3A_502 : i32 to index
      %get3A_504 = arith.index_cast %add3A_442 : i32 to index
      %get3A_505 = tpu.vector_load %arg6[%get3A_503, %get3A_504] {strides = array<i32>} : memref<39x512xf32, #tpu.memory_space<vmem>>, vector<1x16xf32>,
      %get3A_506 = vector.shape_cast %get3A_505 : vector<1x16xf32> to vector<16xf32>
      %slice3A_507 = vector.extract_strided_slice %get3A_21 {offsets = [6], sizes = [1], strides = [1]} : vector<16xf32> to vector<1xf32>
      %squeeze3A_508 = vector.extract %slice3A_507[0] : f32 from vector<1xf32>
      %mul3A_509 = vector.broadcast %squeeze3A_508 : f32 to vector<16xf32>
      %mul3A_510 = arith.mulf %get3A_506, %mul3A_509 : vector<16xf32>
      %add3A_511 = arith.addf %add3A_501, %mul3A_510 : vector<16xf32>
      %get3A_512 = arith.constant 7 : i32
      %get3A_513 = arith.index_cast %get3A_512 : i32 to index
      %get3A_514 = arith.index_cast %add3A_442 : i32 to index
      %get3A_515 = tpu.vector_load %arg6[%get3A_513, %get3A_514] {strides = array<i32>} : memref<39x512xf32, #tpu.memory_space<vmem>>, vector<1x16xf32>,
      %get3A_516 = vector.shape_cast %get3A_515 : vector<1x16xf32> to vector<16xf32>
      %slice3A_517 = vector.extract_strided_slice %get3A_21 {offsets = [7], sizes = [1], strides = [1]} : vector<16xf32> to vector<1xf32>
      %squeeze3A_518 = vector.extract %slice3A_517[0] : f32 from vector<1xf32>
      %mul3A_519 = vector.broadcast %squeeze3A_518 : f32 to vector<16xf32>
      %mul3A_520 = arith.mulf %get3A_516, %mul3A_519 : vector<16xf32>
      %add3A_521 = arith.addf %add3A_511, %mul3A_520 : vector<16xf32>
      %get3A_522 = arith.constant 8 : i32
      %get3A_523 = arith.index_cast %get3A_522 : i32 to index
      %get3A_524 = arith.index_cast %add3A_442 : i32 to index
      %get3A_525 = tpu.vector_load %arg6[%get3A_523, %get3A_524] {strides = array<i32>} : memref<39x512xf32, #tpu.memory_space<vmem>>, vector<1x16xf32>,
      %get3A_526 = vector.shape_cast %get3A_525 : vector<1x16xf32> to vector<16xf32>
      %slice3A_527 = vector.extract_strided_slice %get3A_21 {offsets = [8], sizes = [1], strides = [1]} : vector<16xf32> to vector<1xf32>
      %squeeze3A_528 = vector.extract %slice3A_527[0] : f32 from vector<1xf32>
      %mul3A_529 = vector.broadcast %squeeze3A_528 : f32 to vector<16xf32>
      %mul3A_530 = arith.mulf %get3A_526, %mul3A_529 : vector<16xf32>
      %add3A_531 = arith.addf %add3A_521, %mul3A_530 : vector<16xf32>
      %get3A_532 = arith.constant 9 : i32
      %get3A_533 = arith.index_cast %get3A_532 : i32 to index
      %get3A_534 = arith.index_cast %add3A_442 : i32 to index
      %get3A_535 = tpu.vector_load %arg6[%get3A_533, %get3A_534] {strides = array<i32>} : memref<39x512xf32, #tpu.memory_space<vmem>>, vector<1x16xf32>,
      %get3A_536 = vector.shape_cast %get3A_535 : vector<1x16xf32> to vector<16xf32>
      %slice3A_537 = vector.extract_strided_slice %get3A_21 {offsets = [9], sizes = [1], strides = [1]} : vector<16xf32> to vector<1xf32>
      %squeeze3A_538 = vector.extract %slice3A_537[0] : f32 from vector<1xf32>
      %mul3A_539 = vector.broadcast %squeeze3A_538 : f32 to vector<16xf32>
      %mul3A_540 = arith.mulf %get3A_536, %mul3A_539 : vector<16xf32>
      %add3A_541 = arith.addf %add3A_531, %mul3A_540 : vector<16xf32>
      %get3A_542 = arith.constant 10 : i32
      %get3A_543 = arith.index_cast %get3A_542 : i32 to index
      %get3A_544 = arith.index_cast %add3A_442 : i32 to index
      %get3A_545 = tpu.vector_load %arg6[%get3A_543, %get3A_544] {strides = array<i32>} : memref<39x512xf32, #tpu.memory_space<vmem>>, vector<1x16xf32>,
      %get3A_546 = vector.shape_cast %get3A_545 : vector<1x16xf32> to vector<16xf32>
      %slice3A_547 = vector.extract_strided_slice %get3A_21 {offsets = [10], sizes = [1], strides = [1]} : vector<16xf32> to vector<1xf32>
      %squeeze3A_548 = vector.extract %slice3A_547[0] : f32 from vector<1xf32>
      %mul3A_549 = vector.broadcast %squeeze3A_548 : f32 to vector<16xf32>
      %mul3A_550 = arith.mulf %get3A_546, %mul3A_549 : vector<16xf32>
      %add3A_551 = arith.addf %add3A_541, %mul3A_550 : vector<16xf32>
      %get3A_552 = arith.constant 11 : i32
      %get3A_553 = arith.index_cast %get3A_552 : i32 to index
      %get3A_554 = arith.index_cast %add3A_442 : i32 to index
      %get3A_555 = tpu.vector_load %arg6[%get3A_553, %get3A_554] {strides = array<i32>} : memref<39x512xf32, #tpu.memory_space<vmem>>, vector<1x16xf32>,
      %get3A_556 = vector.shape_cast %get3A_555 : vector<1x16xf32> to vector<16xf32>
      %slice3A_557 = vector.extract_strided_slice %get3A_21 {offsets = [11], sizes = [1], strides = [1]} : vector<16xf32> to vector<1xf32>
      %squeeze3A_558 = vector.extract %slice3A_557[0] : f32 from vector<1xf32>
      %mul3A_559 = vector.broadcast %squeeze3A_558 : f32 to vector<16xf32>
      %mul3A_560 = arith.mulf %get3A_556, %mul3A_559 : vector<16xf32>
      %add3A_561 = arith.addf %add3A_551, %mul3A_560 : vector<16xf32>
      %get3A_562 = arith.constant 12 : i32
      %get3A_563 = arith.index_cast %get3A_562 : i32 to index
      %get3A_564 = arith.index_cast %add3A_442 : i32 to index
      %get3A_565 = tpu.vector_load %arg6[%get3A_563, %get3A_564] {strides = array<i32>} : memref<39x512xf32, #tpu.memory_space<vmem>>, vector<1x16xf32>,
      %get3A_566 = vector.shape_cast %get3A_565 : vector<1x16xf32> to vector<16xf32>
      %slice3A_567 = vector.extract_strided_slice %get3A_21 {offsets = [12], sizes = [1], strides = [1]} : vector<16xf32> to vector<1xf32>
      %squeeze3A_568 = vector.extract %slice3A_567[0] : f32 from vector<1xf32>
      %mul3A_569 = vector.broadcast %squeeze3A_568 : f32 to vector<16xf32>
      %mul3A_570 = arith.mulf %get3A_566, %mul3A_569 : vector<16xf32>
      %add3A_571 = arith.addf %add3A_561, %mul3A_570 : vector<16xf32>
      %swap3A_572 = arith.index_cast %add3A_442 : i32 to index
      %swap3A_573 = tpu.vector_load %arg9[%swap3A_572] {strides = array<i32>} : memref<512xf32, #tpu.memory_space<vmem>>, vector<16xf32>,
      %swap3A_574 = vector.shape_cast %swap3A_573 : vector<16xf32> to vector<16xf32>
      %swap3A_575 = vector.shape_cast %add3A_571 : vector<16xf32> to vector<16xf32>
      tpu.vector_store %arg9[%swap3A_572], %swap3A_575 {strides = array<i32>} : memref<512xf32, #tpu.memory_space<vmem>>, vector<16xf32>,
      %mul3A_576 = arith.constant 128 : i32
      %mul3A_577 = arith.muli %scan3A_30, %mul3A_576 : i32
      %add3A_578 = arith.constant 64 : i32
      %add3A_579 = arith.addi %mul3A_577, %add3A_578 : i32
      %get3A_580 = arith.constant 0 : i32
      %get3A_581 = arith.index_cast %get3A_580 : i32 to index
      %get3A_582 = arith.index_cast %add3A_579 : i32 to index
      %get3A_583 = tpu.vector_load %arg6[%get3A_581, %get3A_582] {strides = array<i32>} : memref<39x512xf32, #tpu.memory_space<vmem>>, vector<1x16xf32>,
      %get3A_584 = vector.shape_cast %get3A_583 : vector<1x16xf32> to vector<16xf32>
      %slice3A_585 = vector.extract_strided_slice %get3A_21 {offsets = [0], sizes = [1], strides = [1]} : vector<16xf32> to vector<1xf32>
      %squeeze3A_586 = vector.extract %slice3A_585[0] : f32 from vector<1xf32>
      %mul3A_587 = vector.broadcast %squeeze3A_586 : f32 to vector<16xf32>
      %mul3A_588 = arith.mulf %get3A_584, %mul3A_587 : vector<16xf32>
      %get3A_589 = arith.constant 1 : i32
      %get3A_590 = arith.index_cast %get3A_589 : i32 to index
      %get3A_591 = arith.index_cast %add3A_579 : i32 to index
      %get3A_592 = tpu.vector_load %arg6[%get3A_590, %get3A_591] {strides = array<i32>} : memref<39x512xf32, #tpu.memory_space<vmem>>, vector<1x16xf32>,
      %get3A_593 = vector.shape_cast %get3A_592 : vector<1x16xf32> to vector<16xf32>
      %slice3A_594 = vector.extract_strided_slice %get3A_21 {offsets = [1], sizes = [1], strides = [1]} : vector<16xf32> to vector<1xf32>
      %squeeze3A_595 = vector.extract %slice3A_594[0] : f32 from vector<1xf32>
      %mul3A_596 = vector.broadcast %squeeze3A_595 : f32 to vector<16xf32>
      %mul3A_597 = arith.mulf %get3A_593, %mul3A_596 : vector<16xf32>
      %add3A_598 = arith.addf %mul3A_588, %mul3A_597 : vector<16xf32>
      %get3A_599 = arith.constant 2 : i32
      %get3A_600 = arith.index_cast %get3A_599 : i32 to index
      %get3A_601 = arith.index_cast %add3A_579 : i32 to index
      %get3A_602 = tpu.vector_load %arg6[%get3A_600, %get3A_601] {strides = array<i32>} : memref<39x512xf32, #tpu.memory_space<vmem>>, vector<1x16xf32>,
      %get3A_603 = vector.shape_cast %get3A_602 : vector<1x16xf32> to vector<16xf32>
      %slice3A_604 = vector.extract_strided_slice %get3A_21 {offsets = [2], sizes = [1], strides = [1]} : vector<16xf32> to vector<1xf32>
      %squeeze3A_605 = vector.extract %slice3A_604[0] : f32 from vector<1xf32>
      %mul3A_606 = vector.broadcast %squeeze3A_605 : f32 to vector<16xf32>
      %mul3A_607 = arith.mulf %get3A_603, %mul3A_606 : vector<16xf32>
      %add3A_608 = arith.addf %add3A_598, %mul3A_607 : vector<16xf32>
      %get3A_609 = arith.constant 3 : i32
      %get3A_610 = arith.index_cast %get3A_609 : i32 to index
      %get3A_611 = arith.index_cast %add3A_579 : i32 to index
      %get3A_612 = tpu.vector_load %arg6[%get3A_610, %get3A_611] {strides = array<i32>} : memref<39x512xf32, #tpu.memory_space<vmem>>, vector<1x16xf32>,
      %get3A_613 = vector.shape_cast %get3A_612 : vector<1x16xf32> to vector<16xf32>
      %slice3A_614 = vector.extract_strided_slice %get3A_21 {offsets = [3], sizes = [1], strides = [1]} : vector<16xf32> to vector<1xf32>
      %squeeze3A_615 = vector.extract %slice3A_614[0] : f32 from vector<1xf32>
      %mul3A_616 = vector.broadcast %squeeze3A_615 : f32 to vector<16xf32>
      %mul3A_617 = arith.mulf %get3A_613, %mul3A_616 : vector<16xf32>
      %add3A_618 = arith.addf %add3A_608, %mul3A_617 : vector<16xf32>
      %get3A_619 = arith.constant 4 : i32
      %get3A_620 = arith.index_cast %get3A_619 : i32 to index
      %get3A_621 = arith.index_cast %add3A_579 : i32 to index
      %get3A_622 = tpu.vector_load %arg6[%get3A_620, %get3A_621] {strides = array<i32>} : memref<39x512xf32, #tpu.memory_space<vmem>>, vector<1x16xf32>,
      %get3A_623 = vector.shape_cast %get3A_622 : vector<1x16xf32> to vector<16xf32>
      %slice3A_624 = vector.extract_strided_slice %get3A_21 {offsets = [4], sizes = [1], strides = [1]} : vector<16xf32> to vector<1xf32>
      %squeeze3A_625 = vector.extract %slice3A_624[0] : f32 from vector<1xf32>
      %mul3A_626 = vector.broadcast %squeeze3A_625 : f32 to vector<16xf32>
      %mul3A_627 = arith.mulf %get3A_623, %mul3A_626 : vector<16xf32>
      %add3A_628 = arith.addf %add3A_618, %mul3A_627 : vector<16xf32>
      %get3A_629 = arith.constant 5 : i32
      %get3A_630 = arith.index_cast %get3A_629 : i32 to index
      %get3A_631 = arith.index_cast %add3A_579 : i32 to index
      %get3A_632 = tpu.vector_load %arg6[%get3A_630, %get3A_631] {strides = array<i32>} : memref<39x512xf32, #tpu.memory_space<vmem>>, vector<1x16xf32>,
      %get3A_633 = vector.shape_cast %get3A_632 : vector<1x16xf32> to vector<16xf32>
      %slice3A_634 = vector.extract_strided_slice %get3A_21 {offsets = [5], sizes = [1], strides = [1]} : vector<16xf32> to vector<1xf32>
      %squeeze3A_635 = vector.extract %slice3A_634[0] : f32 from vector<1xf32>
      %mul3A_636 = vector.broadcast %squeeze3A_635 : f32 to vector<16xf32>
      %mul3A_637 = arith.mulf %get3A_633, %mul3A_636 : vector<16xf32>
      %add3A_638 = arith.addf %add3A_628, %mul3A_637 : vector<16xf32>
      %get3A_639 = arith.constant 6 : i32
      %get3A_640 = arith.index_cast %get3A_639 : i32 to index
      %get3A_641 = arith.index_cast %add3A_579 : i32 to index
      %get3A_642 = tpu.vector_load %arg6[%get3A_640, %get3A_641] {strides = array<i32>} : memref<39x512xf32, #tpu.memory_space<vmem>>, vector<1x16xf32>,
      %get3A_643 = vector.shape_cast %get3A_642 : vector<1x16xf32> to vector<16xf32>
      %slice3A_644 = vector.extract_strided_slice %get3A_21 {offsets = [6], sizes = [1], strides = [1]} : vector<16xf32> to vector<1xf32>
      %squeeze3A_645 = vector.extract %slice3A_644[0] : f32 from vector<1xf32>
      %mul3A_646 = vector.broadcast %squeeze3A_645 : f32 to vector<16xf32>
      %mul3A_647 = arith.mulf %get3A_643, %mul3A_646 : vector<16xf32>
      %add3A_648 = arith.addf %add3A_638, %mul3A_647 : vector<16xf32>
      %get3A_649 = arith.constant 7 : i32
      %get3A_650 = arith.index_cast %get3A_649 : i32 to index
      %get3A_651 = arith.index_cast %add3A_579 : i32 to index
      %get3A_652 = tpu.vector_load %arg6[%get3A_650, %get3A_651] {strides = array<i32>} : memref<39x512xf32, #tpu.memory_space<vmem>>, vector<1x16xf32>,
      %get3A_653 = vector.shape_cast %get3A_652 : vector<1x16xf32> to vector<16xf32>
      %slice3A_654 = vector.extract_strided_slice %get3A_21 {offsets = [7], sizes = [1], strides = [1]} : vector<16xf32> to vector<1xf32>
      %squeeze3A_655 = vector.extract %slice3A_654[0] : f32 from vector<1xf32>
      %mul3A_656 = vector.broadcast %squeeze3A_655 : f32 to vector<16xf32>
      %mul3A_657 = arith.mulf %get3A_653, %mul3A_656 : vector<16xf32>
      %add3A_658 = arith.addf %add3A_648, %mul3A_657 : vector<16xf32>
      %get3A_659 = arith.constant 8 : i32
      %get3A_660 = arith.index_cast %get3A_659 : i32 to index
      %get3A_661 = arith.index_cast %add3A_579 : i32 to index
      %get3A_662 = tpu.vector_load %arg6[%get3A_660, %get3A_661] {strides = array<i32>} : memref<39x512xf32, #tpu.memory_space<vmem>>, vector<1x16xf32>,
      %get3A_663 = vector.shape_cast %get3A_662 : vector<1x16xf32> to vector<16xf32>
      %slice3A_664 = vector.extract_strided_slice %get3A_21 {offsets = [8], sizes = [1], strides = [1]} : vector<16xf32> to vector<1xf32>
      %squeeze3A_665 = vector.extract %slice3A_664[0] : f32 from vector<1xf32>
      %mul3A_666 = vector.broadcast %squeeze3A_665 : f32 to vector<16xf32>
      %mul3A_667 = arith.mulf %get3A_663, %mul3A_666 : vector<16xf32>
      %add3A_668 = arith.addf %add3A_658, %mul3A_667 : vector<16xf32>
      %get3A_669 = arith.constant 9 : i32
      %get3A_670 = arith.index_cast %get3A_669 : i32 to index
      %get3A_671 = arith.index_cast %add3A_579 : i32 to index
      %get3A_672 = tpu.vector_load %arg6[%get3A_670, %get3A_671] {strides = array<i32>} : memref<39x512xf32, #tpu.memory_space<vmem>>, vector<1x16xf32>,
      %get3A_673 = vector.shape_cast %get3A_672 : vector<1x16xf32> to vector<16xf32>
      %slice3A_674 = vector.extract_strided_slice %get3A_21 {offsets = [9], sizes = [1], strides = [1]} : vector<16xf32> to vector<1xf32>
      %squeeze3A_675 = vector.extract %slice3A_674[0] : f32 from vector<1xf32>
      %mul3A_676 = vector.broadcast %squeeze3A_675 : f32 to vector<16xf32>
      %mul3A_677 = arith.mulf %get3A_673, %mul3A_676 : vector<16xf32>
      %add3A_678 = arith.addf %add3A_668, %mul3A_677 : vector<16xf32>
      %get3A_679 = arith.constant 10 : i32
      %get3A_680 = arith.index_cast %get3A_679 : i32 to index
      %get3A_681 = arith.index_cast %add3A_579 : i32 to index
      %get3A_682 = tpu.vector_load %arg6[%get3A_680, %get3A_681] {strides = array<i32>} : memref<39x512xf32, #tpu.memory_space<vmem>>, vector<1x16xf32>,
      %get3A_683 = vector.shape_cast %get3A_682 : vector<1x16xf32> to vector<16xf32>
      %slice3A_684 = vector.extract_strided_slice %get3A_21 {offsets = [10], sizes = [1], strides = [1]} : vector<16xf32> to vector<1xf32>
      %squeeze3A_685 = vector.extract %slice3A_684[0] : f32 from vector<1xf32>
      %mul3A_686 = vector.broadcast %squeeze3A_685 : f32 to vector<16xf32>
      %mul3A_687 = arith.mulf %get3A_683, %mul3A_686 : vector<16xf32>
      %add3A_688 = arith.addf %add3A_678, %mul3A_687 : vector<16xf32>
      %get3A_689 = arith.constant 11 : i32
      %get3A_690 = arith.index_cast %get3A_689 : i32 to index
      %get3A_691 = arith.index_cast %add3A_579 : i32 to index
      %get3A_692 = tpu.vector_load %arg6[%get3A_690, %get3A_691] {strides = array<i32>} : memref<39x512xf32, #tpu.memory_space<vmem>>, vector<1x16xf32>,
      %get3A_693 = vector.shape_cast %get3A_692 : vector<1x16xf32> to vector<16xf32>
      %slice3A_694 = vector.extract_strided_slice %get3A_21 {offsets = [11], sizes = [1], strides = [1]} : vector<16xf32> to vector<1xf32>
      %squeeze3A_695 = vector.extract %slice3A_694[0] : f32 from vector<1xf32>
      %mul3A_696 = vector.broadcast %squeeze3A_695 : f32 to vector<16xf32>
      %mul3A_697 = arith.mulf %get3A_693, %mul3A_696 : vector<16xf32>
      %add3A_698 = arith.addf %add3A_688, %mul3A_697 : vector<16xf32>
      %get3A_699 = arith.constant 12 : i32
      %get3A_700 = arith.index_cast %get3A_699 : i32 to index
      %get3A_701 = arith.index_cast %add3A_579 : i32 to index
      %get3A_702 = tpu.vector_load %arg6[%get3A_700, %get3A_701] {strides = array<i32>} : memref<39x512xf32, #tpu.memory_space<vmem>>, vector<1x16xf32>,
      %get3A_703 = vector.shape_cast %get3A_702 : vector<1x16xf32> to vector<16xf32>
      %slice3A_704 = vector.extract_strided_slice %get3A_21 {offsets = [12], sizes = [1], strides = [1]} : vector<16xf32> to vector<1xf32>
      %squeeze3A_705 = vector.extract %slice3A_704[0] : f32 from vector<1xf32>
      %mul3A_706 = vector.broadcast %squeeze3A_705 : f32 to vector<16xf32>
      %mul3A_707 = arith.mulf %get3A_703, %mul3A_706 : vector<16xf32>
      %add3A_708 = arith.addf %add3A_698, %mul3A_707 : vector<16xf32>
      %swap3A_709 = arith.index_cast %add3A_579 : i32 to index
      %swap3A_710 = tpu.vector_load %arg9[%swap3A_709] {strides = array<i32>} : memref<512xf32, #tpu.memory_space<vmem>>, vector<16xf32>,
      %swap3A_711 = vector.shape_cast %swap3A_710 : vector<16xf32> to vector<16xf32>
      %swap3A_712 = vector.shape_cast %add3A_708 : vector<16xf32> to vector<16xf32>
      tpu.vector_store %arg9[%swap3A_709], %swap3A_712 {strides = array<i32>} : memref<512xf32, #tpu.memory_space<vmem>>, vector<16xf32>,
      %mul3A_713 = arith.constant 128 : i32
      %mul3A_714 = arith.muli %scan3A_30, %mul3A_713 : i32
      %add3A_715 = arith.constant 80 : i32
      %add3A_716 = arith.addi %mul3A_714, %add3A_715 : i32
      %get3A_717 = arith.constant 0 : i32
      %get3A_718 = arith.index_cast %get3A_717 : i32 to index
      %get3A_719 = arith.index_cast %add3A_716 : i32 to index
      %get3A_720 = tpu.vector_load %arg6[%get3A_718, %get3A_719] {strides = array<i32>} : memref<39x512xf32, #tpu.memory_space<vmem>>, vector<1x16xf32>,
      %get3A_721 = vector.shape_cast %get3A_720 : vector<1x16xf32> to vector<16xf32>
      %slice3A_722 = vector.extract_strided_slice %get3A_21 {offsets = [0], sizes = [1], strides = [1]} : vector<16xf32> to vector<1xf32>
      %squeeze3A_723 = vector.extract %slice3A_722[0] : f32 from vector<1xf32>
      %mul3A_724 = vector.broadcast %squeeze3A_723 : f32 to vector<16xf32>
      %mul3A_725 = arith.mulf %get3A_721, %mul3A_724 : vector<16xf32>
      %get3A_726 = arith.constant 1 : i32
      %get3A_727 = arith.index_cast %get3A_726 : i32 to index
      %get3A_728 = arith.index_cast %add3A_716 : i32 to index
      %get3A_729 = tpu.vector_load %arg6[%get3A_727, %get3A_728] {strides = array<i32>} : memref<39x512xf32, #tpu.memory_space<vmem>>, vector<1x16xf32>,
      %get3A_730 = vector.shape_cast %get3A_729 : vector<1x16xf32> to vector<16xf32>
      %slice3A_731 = vector.extract_strided_slice %get3A_21 {offsets = [1], sizes = [1], strides = [1]} : vector<16xf32> to vector<1xf32>
      %squeeze3A_732 = vector.extract %slice3A_731[0] : f32 from vector<1xf32>
      %mul3A_733 = vector.broadcast %squeeze3A_732 : f32 to vector<16xf32>
      %mul3A_734 = arith.mulf %get3A_730, %mul3A_733 : vector<16xf32>
      %add3A_735 = arith.addf %mul3A_725, %mul3A_734 : vector<16xf32>
      %get3A_736 = arith.constant 2 : i32
      %get3A_737 = arith.index_cast %get3A_736 : i32 to index
      %get3A_738 = arith.index_cast %add3A_716 : i32 to index
      %get3A_739 = tpu.vector_load %arg6[%get3A_737, %get3A_738] {strides = array<i32>} : memref<39x512xf32, #tpu.memory_space<vmem>>, vector<1x16xf32>,
      %get3A_740 = vector.shape_cast %get3A_739 : vector<1x16xf32> to vector<16xf32>
      %slice3A_741 = vector.extract_strided_slice %get3A_21 {offsets = [2], sizes = [1], strides = [1]} : vector<16xf32> to vector<1xf32>
      %squeeze3A_742 = vector.extract %slice3A_741[0] : f32 from vector<1xf32>
      %mul3A_743 = vector.broadcast %squeeze3A_742 : f32 to vector<16xf32>
      %mul3A_744 = arith.mulf %get3A_740, %mul3A_743 : vector<16xf32>
      %add3A_745 = arith.addf %add3A_735, %mul3A_744 : vector<16xf32>
      %get3A_746 = arith.constant 3 : i32
      %get3A_747 = arith.index_cast %get3A_746 : i32 to index
      %get3A_748 = arith.index_cast %add3A_716 : i32 to index
      %get3A_749 = tpu.vector_load %arg6[%get3A_747, %get3A_748] {strides = array<i32>} : memref<39x512xf32, #tpu.memory_space<vmem>>, vector<1x16xf32>,
      %get3A_750 = vector.shape_cast %get3A_749 : vector<1x16xf32> to vector<16xf32>
      %slice3A_751 = vector.extract_strided_slice %get3A_21 {offsets = [3], sizes = [1], strides = [1]} : vector<16xf32> to vector<1xf32>
      %squeeze3A_752 = vector.extract %slice3A_751[0] : f32 from vector<1xf32>
      %mul3A_753 = vector.broadcast %squeeze3A_752 : f32 to vector<16xf32>
      %mul3A_754 = arith.mulf %get3A_750, %mul3A_753 : vector<16xf32>
      %add3A_755 = arith.addf %add3A_745, %mul3A_754 : vector<16xf32>
      %get3A_756 = arith.constant 4 : i32
      %get3A_757 = arith.index_cast %get3A_756 : i32 to index
      %get3A_758 = arith.index_cast %add3A_716 : i32 to index
      %get3A_759 = tpu.vector_load %arg6[%get3A_757, %get3A_758] {strides = array<i32>} : memref<39x512xf32, #tpu.memory_space<vmem>>, vector<1x16xf32>,
      %get3A_760 = vector.shape_cast %get3A_759 : vector<1x16xf32> to vector<16xf32>
      %slice3A_761 = vector.extract_strided_slice %get3A_21 {offsets = [4], sizes = [1], strides = [1]} : vector<16xf32> to vector<1xf32>
      %squeeze3A_762 = vector.extract %slice3A_761[0] : f32 from vector<1xf32>
      %mul3A_763 = vector.broadcast %squeeze3A_762 : f32 to vector<16xf32>
      %mul3A_764 = arith.mulf %get3A_760, %mul3A_763 : vector<16xf32>
      %add3A_765 = arith.addf %add3A_755, %mul3A_764 : vector<16xf32>
      %get3A_766 = arith.constant 5 : i32
      %get3A_767 = arith.index_cast %get3A_766 : i32 to index
      %get3A_768 = arith.index_cast %add3A_716 : i32 to index
      %get3A_769 = tpu.vector_load %arg6[%get3A_767, %get3A_768] {strides = array<i32>} : memref<39x512xf32, #tpu.memory_space<vmem>>, vector<1x16xf32>,
      %get3A_770 = vector.shape_cast %get3A_769 : vector<1x16xf32> to vector<16xf32>
      %slice3A_771 = vector.extract_strided_slice %get3A_21 {offsets = [5], sizes = [1], strides = [1]} : vector<16xf32> to vector<1xf32>
      %squeeze3A_772 = vector.extract %slice3A_771[0] : f32 from vector<1xf32>
      %mul3A_773 = vector.broadcast %squeeze3A_772 : f32 to vector<16xf32>
      %mul3A_774 = arith.mulf %get3A_770, %mul3A_773 : vector<16xf32>
      %add3A_775 = arith.addf %add3A_765, %mul3A_774 : vector<16xf32>
      %get3A_776 = arith.constant 6 : i32
      %get3A_777 = arith.index_cast %get3A_776 : i32 to index
      %get3A_778 = arith.index_cast %add3A_716 : i32 to index
      %get3A_779 = tpu.vector_load %arg6[%get3A_777, %get3A_778] {strides = array<i32>} : memref<39x512xf32, #tpu.memory_space<vmem>>, vector<1x16xf32>,
      %get3A_780 = vector.shape_cast %get3A_779 : vector<1x16xf32> to vector<16xf32>
      %slice3A_781 = vector.extract_strided_slice %get3A_21 {offsets = [6], sizes = [1], strides = [1]} : vector<16xf32> to vector<1xf32>
      %squeeze3A_782 = vector.extract %slice3A_781[0] : f32 from vector<1xf32>
      %mul3A_783 = vector.broadcast %squeeze3A_782 : f32 to vector<16xf32>
      %mul3A_784 = arith.mulf %get3A_780, %mul3A_783 : vector<16xf32>
      %add3A_785 = arith.addf %add3A_775, %mul3A_784 : vector<16xf32>
      %get3A_786 = arith.constant 7 : i32
      %get3A_787 = arith.index_cast %get3A_786 : i32 to index
      %get3A_788 = arith.index_cast %add3A_716 : i32 to index
      %get3A_789 = tpu.vector_load %arg6[%get3A_787, %get3A_788] {strides = array<i32>} : memref<39x512xf32, #tpu.memory_space<vmem>>, vector<1x16xf32>,
      %get3A_790 = vector.shape_cast %get3A_789 : vector<1x16xf32> to vector<16xf32>
      %slice3A_791 = vector.extract_strided_slice %get3A_21 {offsets = [7], sizes = [1], strides = [1]} : vector<16xf32> to vector<1xf32>
      %squeeze3A_792 = vector.extract %slice3A_791[0] : f32 from vector<1xf32>
      %mul3A_793 = vector.broadcast %squeeze3A_792 : f32 to vector<16xf32>
      %mul3A_794 = arith.mulf %get3A_790, %mul3A_793 : vector<16xf32>
      %add3A_795 = arith.addf %add3A_785, %mul3A_794 : vector<16xf32>
      %get3A_796 = arith.constant 8 : i32
      %get3A_797 = arith.index_cast %get3A_796 : i32 to index
      %get3A_798 = arith.index_cast %add3A_716 : i32 to index
      %get3A_799 = tpu.vector_load %arg6[%get3A_797, %get3A_798] {strides = array<i32>} : memref<39x512xf32, #tpu.memory_space<vmem>>, vector<1x16xf32>,
      %get3A_800 = vector.shape_cast %get3A_799 : vector<1x16xf32> to vector<16xf32>
      %slice3A_801 = vector.extract_strided_slice %get3A_21 {offsets = [8], sizes = [1], strides = [1]} : vector<16xf32> to vector<1xf32>
      %squeeze3A_802 = vector.extract %slice3A_801[0] : f32 from vector<1xf32>
      %mul3A_803 = vector.broadcast %squeeze3A_802 : f32 to vector<16xf32>
      %mul3A_804 = arith.mulf %get3A_800, %mul3A_803 : vector<16xf32>
      %add3A_805 = arith.addf %add3A_795, %mul3A_804 : vector<16xf32>
      %get3A_806 = arith.constant 9 : i32
      %get3A_807 = arith.index_cast %get3A_806 : i32 to index
      %get3A_808 = arith.index_cast %add3A_716 : i32 to index
      %get3A_809 = tpu.vector_load %arg6[%get3A_807, %get3A_808] {strides = array<i32>} : memref<39x512xf32, #tpu.memory_space<vmem>>, vector<1x16xf32>,
      %get3A_810 = vector.shape_cast %get3A_809 : vector<1x16xf32> to vector<16xf32>
      %slice3A_811 = vector.extract_strided_slice %get3A_21 {offsets = [9], sizes = [1], strides = [1]} : vector<16xf32> to vector<1xf32>
      %squeeze3A_812 = vector.extract %slice3A_811[0] : f32 from vector<1xf32>
      %mul3A_813 = vector.broadcast %squeeze3A_812 : f32 to vector<16xf32>
      %mul3A_814 = arith.mulf %get3A_810, %mul3A_813 : vector<16xf32>
      %add3A_815 = arith.addf %add3A_805, %mul3A_814 : vector<16xf32>
      %get3A_816 = arith.constant 10 : i32
      %get3A_817 = arith.index_cast %get3A_816 : i32 to index
      %get3A_818 = arith.index_cast %add3A_716 : i32 to index
      %get3A_819 = tpu.vector_load %arg6[%get3A_817, %get3A_818] {strides = array<i32>} : memref<39x512xf32, #tpu.memory_space<vmem>>, vector<1x16xf32>,
      %get3A_820 = vector.shape_cast %get3A_819 : vector<1x16xf32> to vector<16xf32>
      %slice3A_821 = vector.extract_strided_slice %get3A_21 {offsets = [10], sizes = [1], strides = [1]} : vector<16xf32> to vector<1xf32>
      %squeeze3A_822 = vector.extract %slice3A_821[0] : f32 from vector<1xf32>
      %mul3A_823 = vector.broadcast %squeeze3A_822 : f32 to vector<16xf32>
      %mul3A_824 = arith.mulf %get3A_820, %mul3A_823 : vector<16xf32>
      %add3A_825 = arith.addf %add3A_815, %mul3A_824 : vector<16xf32>
      %get3A_826 = arith.constant 11 : i32
      %get3A_827 = arith.index_cast %get3A_826 : i32 to index
      %get3A_828 = arith.index_cast %add3A_716 : i32 to index
      %get3A_829 = tpu.vector_load %arg6[%get3A_827, %get3A_828] {strides = array<i32>} : memref<39x512xf32, #tpu.memory_space<vmem>>, vector<1x16xf32>,
      %get3A_830 = vector.shape_cast %get3A_829 : vector<1x16xf32> to vector<16xf32>
      %slice3A_831 = vector.extract_strided_slice %get3A_21 {offsets = [11], sizes = [1], strides = [1]} : vector<16xf32> to vector<1xf32>
      %squeeze3A_832 = vector.extract %slice3A_831[0] : f32 from vector<1xf32>
      %mul3A_833 = vector.broadcast %squeeze3A_832 : f32 to vector<16xf32>
      %mul3A_834 = arith.mulf %get3A_830, %mul3A_833 : vector<16xf32>
      %add3A_835 = arith.addf %add3A_825, %mul3A_834 : vector<16xf32>
      %get3A_836 = arith.constant 12 : i32
      %get3A_837 = arith.index_cast %get3A_836 : i32 to index
      %get3A_838 = arith.index_cast %add3A_716 : i32 to index
      %get3A_839 = tpu.vector_load %arg6[%get3A_837, %get3A_838] {strides = array<i32>} : memref<39x512xf32, #tpu.memory_space<vmem>>, vector<1x16xf32>,
      %get3A_840 = vector.shape_cast %get3A_839 : vector<1x16xf32> to vector<16xf32>
      %slice3A_841 = vector.extract_strided_slice %get3A_21 {offsets = [12], sizes = [1], strides = [1]} : vector<16xf32> to vector<1xf32>
      %squeeze3A_842 = vector.extract %slice3A_841[0] : f32 from vector<1xf32>
      %mul3A_843 = vector.broadcast %squeeze3A_842 : f32 to vector<16xf32>
      %mul3A_844 = arith.mulf %get3A_840, %mul3A_843 : vector<16xf32>
      %add3A_845 = arith.addf %add3A_835, %mul3A_844 : vector<16xf32>
      %swap3A_846 = arith.index_cast %add3A_716 : i32 to index
      %swap3A_847 = tpu.vector_load %arg9[%swap3A_846] {strides = array<i32>} : memref<512xf32, #tpu.memory_space<vmem>>, vector<16xf32>,
      %swap3A_848 = vector.shape_cast %swap3A_847 : vector<16xf32> to vector<16xf32>
      %swap3A_849 = vector.shape_cast %add3A_845 : vector<16xf32> to vector<16xf32>
      tpu.vector_store %arg9[%swap3A_846], %swap3A_849 {strides = array<i32>} : memref<512xf32, #tpu.memory_space<vmem>>, vector<16xf32>,
      %mul3A_850 = arith.constant 128 : i32
      %mul3A_851 = arith.muli %scan3A_30, %mul3A_850 : i32
      %add3A_852 = arith.constant 96 : i32
      %add3A_853 = arith.addi %mul3A_851, %add3A_852 : i32
      %get3A_854 = arith.constant 0 : i32
      %get3A_855 = arith.index_cast %get3A_854 : i32 to index
      %get3A_856 = arith.index_cast %add3A_853 : i32 to index
      %get3A_857 = tpu.vector_load %arg6[%get3A_855, %get3A_856] {strides = array<i32>} : memref<39x512xf32, #tpu.memory_space<vmem>>, vector<1x16xf32>,
      %get3A_858 = vector.shape_cast %get3A_857 : vector<1x16xf32> to vector<16xf32>
      %slice3A_859 = vector.extract_strided_slice %get3A_21 {offsets = [0], sizes = [1], strides = [1]} : vector<16xf32> to vector<1xf32>
      %squeeze3A_860 = vector.extract %slice3A_859[0] : f32 from vector<1xf32>
      %mul3A_861 = vector.broadcast %squeeze3A_860 : f32 to vector<16xf32>
      %mul3A_862 = arith.mulf %get3A_858, %mul3A_861 : vector<16xf32>
      %get3A_863 = arith.constant 1 : i32
      %get3A_864 = arith.index_cast %get3A_863 : i32 to index
      %get3A_865 = arith.index_cast %add3A_853 : i32 to index
      %get3A_866 = tpu.vector_load %arg6[%get3A_864, %get3A_865] {strides = array<i32>} : memref<39x512xf32, #tpu.memory_space<vmem>>, vector<1x16xf32>,
      %get3A_867 = vector.shape_cast %get3A_866 : vector<1x16xf32> to vector<16xf32>
      %slice3A_868 = vector.extract_strided_slice %get3A_21 {offsets = [1], sizes = [1], strides = [1]} : vector<16xf32> to vector<1xf32>
      %squeeze3A_869 = vector.extract %slice3A_868[0] : f32 from vector<1xf32>
      %mul3A_870 = vector.broadcast %squeeze3A_869 : f32 to vector<16xf32>
      %mul3A_871 = arith.mulf %get3A_867, %mul3A_870 : vector<16xf32>
      %add3A_872 = arith.addf %mul3A_862, %mul3A_871 : vector<16xf32>
      %get3A_873 = arith.constant 2 : i32
      %get3A_874 = arith.index_cast %get3A_873 : i32 to index
      %get3A_875 = arith.index_cast %add3A_853 : i32 to index
      %get3A_876 = tpu.vector_load %arg6[%get3A_874, %get3A_875] {strides = array<i32>} : memref<39x512xf32, #tpu.memory_space<vmem>>, vector<1x16xf32>,
      %get3A_877 = vector.shape_cast %get3A_876 : vector<1x16xf32> to vector<16xf32>
      %slice3A_878 = vector.extract_strided_slice %get3A_21 {offsets = [2], sizes = [1], strides = [1]} : vector<16xf32> to vector<1xf32>
      %squeeze3A_879 = vector.extract %slice3A_878[0] : f32 from vector<1xf32>
      %mul3A_880 = vector.broadcast %squeeze3A_879 : f32 to vector<16xf32>
      %mul3A_881 = arith.mulf %get3A_877, %mul3A_880 : vector<16xf32>
      %add3A_882 = arith.addf %add3A_872, %mul3A_881 : vector<16xf32>
      %get3A_883 = arith.constant 3 : i32
      %get3A_884 = arith.index_cast %get3A_883 : i32 to index
      %get3A_885 = arith.index_cast %add3A_853 : i32 to index
      %get3A_886 = tpu.vector_load %arg6[%get3A_884, %get3A_885] {strides = array<i32>} : memref<39x512xf32, #tpu.memory_space<vmem>>, vector<1x16xf32>,
      %get3A_887 = vector.shape_cast %get3A_886 : vector<1x16xf32> to vector<16xf32>
      %slice3A_888 = vector.extract_strided_slice %get3A_21 {offsets = [3], sizes = [1], strides = [1]} : vector<16xf32> to vector<1xf32>
      %squeeze3A_889 = vector.extract %slice3A_888[0] : f32 from vector<1xf32>
      %mul3A_890 = vector.broadcast %squeeze3A_889 : f32 to vector<16xf32>
      %mul3A_891 = arith.mulf %get3A_887, %mul3A_890 : vector<16xf32>
      %add3A_892 = arith.addf %add3A_882, %mul3A_891 : vector<16xf32>
      %get3A_893 = arith.constant 4 : i32
      %get3A_894 = arith.index_cast %get3A_893 : i32 to index
      %get3A_895 = arith.index_cast %add3A_853 : i32 to index
      %get3A_896 = tpu.vector_load %arg6[%get3A_894, %get3A_895] {strides = array<i32>} : memref<39x512xf32, #tpu.memory_space<vmem>>, vector<1x16xf32>,
      %get3A_897 = vector.shape_cast %get3A_896 : vector<1x16xf32> to vector<16xf32>
      %slice3A_898 = vector.extract_strided_slice %get3A_21 {offsets = [4], sizes = [1], strides = [1]} : vector<16xf32> to vector<1xf32>
      %squeeze3A_899 = vector.extract %slice3A_898[0] : f32 from vector<1xf32>
      %mul3A_900 = vector.broadcast %squeeze3A_899 : f32 to vector<16xf32>
      %mul3A_901 = arith.mulf %get3A_897, %mul3A_900 : vector<16xf32>
      %add3A_902 = arith.addf %add3A_892, %mul3A_901 : vector<16xf32>
      %get3A_903 = arith.constant 5 : i32
      %get3A_904 = arith.index_cast %get3A_903 : i32 to index
      %get3A_905 = arith.index_cast %add3A_853 : i32 to index
      %get3A_906 = tpu.vector_load %arg6[%get3A_904, %get3A_905] {strides = array<i32>} : memref<39x512xf32, #tpu.memory_space<vmem>>, vector<1x16xf32>,
      %get3A_907 = vector.shape_cast %get3A_906 : vector<1x16xf32> to vector<16xf32>
      %slice3A_908 = vector.extract_strided_slice %get3A_21 {offsets = [5], sizes = [1], strides = [1]} : vector<16xf32> to vector<1xf32>
      %squeeze3A_909 = vector.extract %slice3A_908[0] : f32 from vector<1xf32>
      %mul3A_910 = vector.broadcast %squeeze3A_909 : f32 to vector<16xf32>
      %mul3A_911 = arith.mulf %get3A_907, %mul3A_910 : vector<16xf32>
      %add3A_912 = arith.addf %add3A_902, %mul3A_911 : vector<16xf32>
      %get3A_913 = arith.constant 6 : i32
      %get3A_914 = arith.index_cast %get3A_913 : i32 to index
      %get3A_915 = arith.index_cast %add3A_853 : i32 to index
      %get3A_916 = tpu.vector_load %arg6[%get3A_914, %get3A_915] {strides = array<i32>} : memref<39x512xf32, #tpu.memory_space<vmem>>, vector<1x16xf32>,
      %get3A_917 = vector.shape_cast %get3A_916 : vector<1x16xf32> to vector<16xf32>
      %slice3A_918 = vector.extract_strided_slice %get3A_21 {offsets = [6], sizes = [1], strides = [1]} : vector<16xf32> to vector<1xf32>
      %squeeze3A_919 = vector.extract %slice3A_918[0] : f32 from vector<1xf32>
      %mul3A_920 = vector.broadcast %squeeze3A_919 : f32 to vector<16xf32>
      %mul3A_921 = arith.mulf %get3A_917, %mul3A_920 : vector<16xf32>
      %add3A_922 = arith.addf %add3A_912, %mul3A_921 : vector<16xf32>
      %get3A_923 = arith.constant 7 : i32
      %get3A_924 = arith.index_cast %get3A_923 : i32 to index
      %get3A_925 = arith.index_cast %add3A_853 : i32 to index
      %get3A_926 = tpu.vector_load %arg6[%get3A_924, %get3A_925] {strides = array<i32>} : memref<39x512xf32, #tpu.memory_space<vmem>>, vector<1x16xf32>,
      %get3A_927 = vector.shape_cast %get3A_926 : vector<1x16xf32> to vector<16xf32>
      %slice3A_928 = vector.extract_strided_slice %get3A_21 {offsets = [7], sizes = [1], strides = [1]} : vector<16xf32> to vector<1xf32>
      %squeeze3A_929 = vector.extract %slice3A_928[0] : f32 from vector<1xf32>
      %mul3A_930 = vector.broadcast %squeeze3A_929 : f32 to vector<16xf32>
      %mul3A_931 = arith.mulf %get3A_927, %mul3A_930 : vector<16xf32>
      %add3A_932 = arith.addf %add3A_922, %mul3A_931 : vector<16xf32>
      %get3A_933 = arith.constant 8 : i32
      %get3A_934 = arith.index_cast %get3A_933 : i32 to index
      %get3A_935 = arith.index_cast %add3A_853 : i32 to index
      %get3A_936 = tpu.vector_load %arg6[%get3A_934, %get3A_935] {strides = array<i32>} : memref<39x512xf32, #tpu.memory_space<vmem>>, vector<1x16xf32>,
      %get3A_937 = vector.shape_cast %get3A_936 : vector<1x16xf32> to vector<16xf32>
      %slice3A_938 = vector.extract_strided_slice %get3A_21 {offsets = [8], sizes = [1], strides = [1]} : vector<16xf32> to vector<1xf32>
      %squeeze3A_939 = vector.extract %slice3A_938[0] : f32 from vector<1xf32>
      %mul3A_940 = vector.broadcast %squeeze3A_939 : f32 to vector<16xf32>
      %mul3A_941 = arith.mulf %get3A_937, %mul3A_940 : vector<16xf32>
      %add3A_942 = arith.addf %add3A_932, %mul3A_941 : vector<16xf32>
      %get3A_943 = arith.constant 9 : i32
      %get3A_944 = arith.index_cast %get3A_943 : i32 to index
      %get3A_945 = arith.index_cast %add3A_853 : i32 to index
      %get3A_946 = tpu.vector_load %arg6[%get3A_944, %get3A_945] {strides = array<i32>} : memref<39x512xf32, #tpu.memory_space<vmem>>, vector<1x16xf32>,
      %get3A_947 = vector.shape_cast %get3A_946 : vector<1x16xf32> to vector<16xf32>
      %slice3A_948 = vector.extract_strided_slice %get3A_21 {offsets = [9], sizes = [1], strides = [1]} : vector<16xf32> to vector<1xf32>
      %squeeze3A_949 = vector.extract %slice3A_948[0] : f32 from vector<1xf32>
      %mul3A_950 = vector.broadcast %squeeze3A_949 : f32 to vector<16xf32>
      %mul3A_951 = arith.mulf %get3A_947, %mul3A_950 : vector<16xf32>
      %add3A_952 = arith.addf %add3A_942, %mul3A_951 : vector<16xf32>
      %get3A_953 = arith.constant 10 : i32
      %get3A_954 = arith.index_cast %get3A_953 : i32 to index
      %get3A_955 = arith.index_cast %add3A_853 : i32 to index
      %get3A_956 = tpu.vector_load %arg6[%get3A_954, %get3A_955] {strides = array<i32>} : memref<39x512xf32, #tpu.memory_space<vmem>>, vector<1x16xf32>,
      %get3A_957 = vector.shape_cast %get3A_956 : vector<1x16xf32> to vector<16xf32>
      %slice3A_958 = vector.extract_strided_slice %get3A_21 {offsets = [10], sizes = [1], strides = [1]} : vector<16xf32> to vector<1xf32>
      %squeeze3A_959 = vector.extract %slice3A_958[0] : f32 from vector<1xf32>
      %mul3A_960 = vector.broadcast %squeeze3A_959 : f32 to vector<16xf32>
      %mul3A_961 = arith.mulf %get3A_957, %mul3A_960 : vector<16xf32>
      %add3A_962 = arith.addf %add3A_952, %mul3A_961 : vector<16xf32>
      %get3A_963 = arith.constant 11 : i32
      %get3A_964 = arith.index_cast %get3A_963 : i32 to index
      %get3A_965 = arith.index_cast %add3A_853 : i32 to index
      %get3A_966 = tpu.vector_load %arg6[%get3A_964, %get3A_965] {strides = array<i32>} : memref<39x512xf32, #tpu.memory_space<vmem>>, vector<1x16xf32>,
      %get3A_967 = vector.shape_cast %get3A_966 : vector<1x16xf32> to vector<16xf32>
      %slice3A_968 = vector.extract_strided_slice %get3A_21 {offsets = [11], sizes = [1], strides = [1]} : vector<16xf32> to vector<1xf32>
      %squeeze3A_969 = vector.extract %slice3A_968[0] : f32 from vector<1xf32>
      %mul3A_970 = vector.broadcast %squeeze3A_969 : f32 to vector<16xf32>
      %mul3A_971 = arith.mulf %get3A_967, %mul3A_970 : vector<16xf32>
      %add3A_972 = arith.addf %add3A_962, %mul3A_971 : vector<16xf32>
      %get3A_973 = arith.constant 12 : i32
      %get3A_974 = arith.index_cast %get3A_973 : i32 to index
      %get3A_975 = arith.index_cast %add3A_853 : i32 to index
      %get3A_976 = tpu.vector_load %arg6[%get3A_974, %get3A_975] {strides = array<i32>} : memref<39x512xf32, #tpu.memory_space<vmem>>, vector<1x16xf32>,
      %get3A_977 = vector.shape_cast %get3A_976 : vector<1x16xf32> to vector<16xf32>
      %slice3A_978 = vector.extract_strided_slice %get3A_21 {offsets = [12], sizes = [1], strides = [1]} : vector<16xf32> to vector<1xf32>
      %squeeze3A_979 = vector.extract %slice3A_978[0] : f32 from vector<1xf32>
      %mul3A_980 = vector.broadcast %squeeze3A_979 : f32 to vector<16xf32>
      %mul3A_981 = arith.mulf %get3A_977, %mul3A_980 : vector<16xf32>
      %add3A_982 = arith.addf %add3A_972, %mul3A_981 : vector<16xf32>
      %swap3A_983 = arith.index_cast %add3A_853 : i32 to index
      %swap3A_984 = tpu.vector_load %arg9[%swap3A_983] {strides = array<i32>} : memref<512xf32, #tpu.memory_space<vmem>>, vector<16xf32>,
      %swap3A_985 = vector.shape_cast %swap3A_984 : vector<16xf32> to vector<16xf32>
      %swap3A_986 = vector.shape_cast %add3A_982 : vector<16xf32> to vector<16xf32>
      tpu.vector_store %arg9[%swap3A_983], %swap3A_986 {strides = array<i32>} : memref<512xf32, #tpu.memory_space<vmem>>, vector<16xf32>,
      %mul3A_987 = arith.constant 128 : i32
      %mul3A_988 = arith.muli %scan3A_30, %mul3A_987 : i32
      %add3A_989 = arith.constant 112 : i32
      %add3A_990 = arith.addi %mul3A_988, %add3A_989 : i32
      %get3A_991 = arith.constant 0 : i32
      %get3A_992 = arith.index_cast %get3A_991 : i32 to index
      %get3A_993 = arith.index_cast %add3A_990 : i32 to index
      %get3A_994 = tpu.vector_load %arg6[%get3A_992, %get3A_993] {strides = array<i32>} : memref<39x512xf32, #tpu.memory_space<vmem>>, vector<1x16xf32>,
      %get3A_995 = vector.shape_cast %get3A_994 : vector<1x16xf32> to vector<16xf32>
      %slice3A_996 = vector.extract_strided_slice %get3A_21 {offsets = [0], sizes = [1], strides = [1]} : vector<16xf32> to vector<1xf32>
      %squeeze3A_997 = vector.extract %slice3A_996[0] : f32 from vector<1xf32>
      %mul3A_998 = vector.broadcast %squeeze3A_997 : f32 to vector<16xf32>
      %mul3A_999 = arith.mulf %get3A_995, %mul3A_998 : vector<16xf32>
      %get3A_1000 = arith.constant 1 : i32
      %get3A_1001 = arith.index_cast %get3A_1000 : i32 to index
      %get3A_1002 = arith.index_cast %add3A_990 : i32 to index
      %get3A_1003 = tpu.vector_load %arg6[%get3A_1001, %get3A_1002] {strides = array<i32>} : memref<39x512xf32, #tpu.memory_space<vmem>>, vector<1x16xf32>,
      %get3A_1004 = vector.shape_cast %get3A_1003 : vector<1x16xf32> to vector<16xf32>
      %slice3A_1005 = vector.extract_strided_slice %get3A_21 {offsets = [1], sizes = [1], strides = [1]} : vector<16xf32> to vector<1xf32>
      %squeeze3A_1006 = vector.extract %slice3A_1005[0] : f32 from vector<1xf32>
      %mul3A_1007 = vector.broadcast %squeeze3A_1006 : f32 to vector<16xf32>
      %mul3A_1008 = arith.mulf %get3A_1004, %mul3A_1007 : vector<16xf32>
      %add3A_1009 = arith.addf %mul3A_999, %mul3A_1008 : vector<16xf32>
      %get3A_1010 = arith.constant 2 : i32
      %get3A_1011 = arith.index_cast %get3A_1010 : i32 to index
      %get3A_1012 = arith.index_cast %add3A_990 : i32 to index
      %get3A_1013 = tpu.vector_load %arg6[%get3A_1011, %get3A_1012] {strides = array<i32>} : memref<39x512xf32, #tpu.memory_space<vmem>>, vector<1x16xf32>,
      %get3A_1014 = vector.shape_cast %get3A_1013 : vector<1x16xf32> to vector<16xf32>
      %slice3A_1015 = vector.extract_strided_slice %get3A_21 {offsets = [2], sizes = [1], strides = [1]} : vector<16xf32> to vector<1xf32>
      %squeeze3A_1016 = vector.extract %slice3A_1015[0] : f32 from vector<1xf32>
      %mul3A_1017 = vector.broadcast %squeeze3A_1016 : f32 to vector<16xf32>
      %mul3A_1018 = arith.mulf %get3A_1014, %mul3A_1017 : vector<16xf32>
      %add3A_1019 = arith.addf %add3A_1009, %mul3A_1018 : vector<16xf32>
      %get3A_1020 = arith.constant 3 : i32
      %get3A_1021 = arith.index_cast %get3A_1020 : i32 to index
      %get3A_1022 = arith.index_cast %add3A_990 : i32 to index
      %get3A_1023 = tpu.vector_load %arg6[%get3A_1021, %get3A_1022] {strides = array<i32>} : memref<39x512xf32, #tpu.memory_space<vmem>>, vector<1x16xf32>,
      %get3A_1024 = vector.shape_cast %get3A_1023 : vector<1x16xf32> to vector<16xf32>
      %slice3A_1025 = vector.extract_strided_slice %get3A_21 {offsets = [3], sizes = [1], strides = [1]} : vector<16xf32> to vector<1xf32>
      %squeeze3A_1026 = vector.extract %slice3A_1025[0] : f32 from vector<1xf32>
      %mul3A_1027 = vector.broadcast %squeeze3A_1026 : f32 to vector<16xf32>
      %mul3A_1028 = arith.mulf %get3A_1024, %mul3A_1027 : vector<16xf32>
      %add3A_1029 = arith.addf %add3A_1019, %mul3A_1028 : vector<16xf32>
      %get3A_1030 = arith.constant 4 : i32
      %get3A_1031 = arith.index_cast %get3A_1030 : i32 to index
      %get3A_1032 = arith.index_cast %add3A_990 : i32 to index
      %get3A_1033 = tpu.vector_load %arg6[%get3A_1031, %get3A_1032] {strides = array<i32>} : memref<39x512xf32, #tpu.memory_space<vmem>>, vector<1x16xf32>,
      %get3A_1034 = vector.shape_cast %get3A_1033 : vector<1x16xf32> to vector<16xf32>
      %slice3A_1035 = vector.extract_strided_slice %get3A_21 {offsets = [4], sizes = [1], strides = [1]} : vector<16xf32> to vector<1xf32>
      %squeeze3A_1036 = vector.extract %slice3A_1035[0] : f32 from vector<1xf32>
      %mul3A_1037 = vector.broadcast %squeeze3A_1036 : f32 to vector<16xf32>
      %mul3A_1038 = arith.mulf %get3A_1034, %mul3A_1037 : vector<16xf32>
      %add3A_1039 = arith.addf %add3A_1029, %mul3A_1038 : vector<16xf32>
      %get3A_1040 = arith.constant 5 : i32
      %get3A_1041 = arith.index_cast %get3A_1040 : i32 to index
      %get3A_1042 = arith.index_cast %add3A_990 : i32 to index
      %get3A_1043 = tpu.vector_load %arg6[%get3A_1041, %get3A_1042] {strides = array<i32>} : memref<39x512xf32, #tpu.memory_space<vmem>>, vector<1x16xf32>,
      %get3A_1044 = vector.shape_cast %get3A_1043 : vector<1x16xf32> to vector<16xf32>
      %slice3A_1045 = vector.extract_strided_slice %get3A_21 {offsets = [5], sizes = [1], strides = [1]} : vector<16xf32> to vector<1xf32>
      %squeeze3A_1046 = vector.extract %slice3A_1045[0] : f32 from vector<1xf32>
      %mul3A_1047 = vector.broadcast %squeeze3A_1046 : f32 to vector<16xf32>
      %mul3A_1048 = arith.mulf %get3A_1044, %mul3A_1047 : vector<16xf32>
      %add3A_1049 = arith.addf %add3A_1039, %mul3A_1048 : vector<16xf32>
      %get3A_1050 = arith.constant 6 : i32
      %get3A_1051 = arith.index_cast %get3A_1050 : i32 to index
      %get3A_1052 = arith.index_cast %add3A_990 : i32 to index
      %get3A_1053 = tpu.vector_load %arg6[%get3A_1051, %get3A_1052] {strides = array<i32>} : memref<39x512xf32, #tpu.memory_space<vmem>>, vector<1x16xf32>,
      %get3A_1054 = vector.shape_cast %get3A_1053 : vector<1x16xf32> to vector<16xf32>
      %slice3A_1055 = vector.extract_strided_slice %get3A_21 {offsets = [6], sizes = [1], strides = [1]} : vector<16xf32> to vector<1xf32>
      %squeeze3A_1056 = vector.extract %slice3A_1055[0] : f32 from vector<1xf32>
      %mul3A_1057 = vector.broadcast %squeeze3A_1056 : f32 to vector<16xf32>
      %mul3A_1058 = arith.mulf %get3A_1054, %mul3A_1057 : vector<16xf32>
      %add3A_1059 = arith.addf %add3A_1049, %mul3A_1058 : vector<16xf32>
      %get3A_1060 = arith.constant 7 : i32
      %get3A_1061 = arith.index_cast %get3A_1060 : i32 to index
      %get3A_1062 = arith.index_cast %add3A_990 : i32 to index
      %get3A_1063 = tpu.vector_load %arg6[%get3A_1061, %get3A_1062] {strides = array<i32>} : memref<39x512xf32, #tpu.memory_space<vmem>>, vector<1x16xf32>,
      %get3A_1064 = vector.shape_cast %get3A_1063 : vector<1x16xf32> to vector<16xf32>
      %slice3A_1065 = vector.extract_strided_slice %get3A_21 {offsets = [7], sizes = [1], strides = [1]} : vector<16xf32> to vector<1xf32>
      %squeeze3A_1066 = vector.extract %slice3A_1065[0] : f32 from vector<1xf32>
      %mul3A_1067 = vector.broadcast %squeeze3A_1066 : f32 to vector<16xf32>
      %mul3A_1068 = arith.mulf %get3A_1064, %mul3A_1067 : vector<16xf32>
      %add3A_1069 = arith.addf %add3A_1059, %mul3A_1068 : vector<16xf32>
      %get3A_1070 = arith.constant 8 : i32
      %get3A_1071 = arith.index_cast %get3A_1070 : i32 to index
      %get3A_1072 = arith.index_cast %add3A_990 : i32 to index
      %get3A_1073 = tpu.vector_load %arg6[%get3A_1071, %get3A_1072] {strides = array<i32>} : memref<39x512xf32, #tpu.memory_space<vmem>>, vector<1x16xf32>,
      %get3A_1074 = vector.shape_cast %get3A_1073 : vector<1x16xf32> to vector<16xf32>
      %slice3A_1075 = vector.extract_strided_slice %get3A_21 {offsets = [8], sizes = [1], strides = [1]} : vector<16xf32> to vector<1xf32>
      %squeeze3A_1076 = vector.extract %slice3A_1075[0] : f32 from vector<1xf32>
      %mul3A_1077 = vector.broadcast %squeeze3A_1076 : f32 to vector<16xf32>
      %mul3A_1078 = arith.mulf %get3A_1074, %mul3A_1077 : vector<16xf32>
      %add3A_1079 = arith.addf %add3A_1069, %mul3A_1078 : vector<16xf32>
      %get3A_1080 = arith.constant 9 : i32
      %get3A_1081 = arith.index_cast %get3A_1080 : i32 to index
      %get3A_1082 = arith.index_cast %add3A_990 : i32 to index
      %get3A_1083 = tpu.vector_load %arg6[%get3A_1081, %get3A_1082] {strides = array<i32>} : memref<39x512xf32, #tpu.memory_space<vmem>>, vector<1x16xf32>,
      %get3A_1084 = vector.shape_cast %get3A_1083 : vector<1x16xf32> to vector<16xf32>
      %slice3A_1085 = vector.extract_strided_slice %get3A_21 {offsets = [9], sizes = [1], strides = [1]} : vector<16xf32> to vector<1xf32>
      %squeeze3A_1086 = vector.extract %slice3A_1085[0] : f32 from vector<1xf32>
      %mul3A_1087 = vector.broadcast %squeeze3A_1086 : f32 to vector<16xf32>
      %mul3A_1088 = arith.mulf %get3A_1084, %mul3A_1087 : vector<16xf32>
      %add3A_1089 = arith.addf %add3A_1079, %mul3A_1088 : vector<16xf32>
      %get3A_1090 = arith.constant 10 : i32
      %get3A_1091 = arith.index_cast %get3A_1090 : i32 to index
      %get3A_1092 = arith.index_cast %add3A_990 : i32 to index
      %get3A_1093 = tpu.vector_load %arg6[%get3A_1091, %get3A_1092] {strides = array<i32>} : memref<39x512xf32, #tpu.memory_space<vmem>>, vector<1x16xf32>,
      %get3A_1094 = vector.shape_cast %get3A_1093 : vector<1x16xf32> to vector<16xf32>
      %slice3A_1095 = vector.extract_strided_slice %get3A_21 {offsets = [10], sizes = [1], strides = [1]} : vector<16xf32> to vector<1xf32>
      %squeeze3A_1096 = vector.extract %slice3A_1095[0] : f32 from vector<1xf32>
      %mul3A_1097 = vector.broadcast %squeeze3A_1096 : f32 to vector<16xf32>
      %mul3A_1098 = arith.mulf %get3A_1094, %mul3A_1097 : vector<16xf32>
      %add3A_1099 = arith.addf %add3A_1089, %mul3A_1098 : vector<16xf32>
      %get3A_1100 = arith.constant 11 : i32
      %get3A_1101 = arith.index_cast %get3A_1100 : i32 to index
      %get3A_1102 = arith.index_cast %add3A_990 : i32 to index
      %get3A_1103 = tpu.vector_load %arg6[%get3A_1101, %get3A_1102] {strides = array<i32>} : memref<39x512xf32, #tpu.memory_space<vmem>>, vector<1x16xf32>,
      %get3A_1104 = vector.shape_cast %get3A_1103 : vector<1x16xf32> to vector<16xf32>
      %slice3A_1105 = vector.extract_strided_slice %get3A_21 {offsets = [11], sizes = [1], strides = [1]} : vector<16xf32> to vector<1xf32>
      %squeeze3A_1106 = vector.extract %slice3A_1105[0] : f32 from vector<1xf32>
      %mul3A_1107 = vector.broadcast %squeeze3A_1106 : f32 to vector<16xf32>
      %mul3A_1108 = arith.mulf %get3A_1104, %mul3A_1107 : vector<16xf32>
      %add3A_1109 = arith.addf %add3A_1099, %mul3A_1108 : vector<16xf32>
      %get3A_1110 = arith.constant 12 : i32
      %get3A_1111 = arith.index_cast %get3A_1110 : i32 to index
      %get3A_1112 = arith.index_cast %add3A_990 : i32 to index
      %get3A_1113 = tpu.vector_load %arg6[%get3A_1111, %get3A_1112] {strides = array<i32>} : memref<39x512xf32, #tpu.memory_space<vmem>>, vector<1x16xf32>,
      %get3A_1114 = vector.shape_cast %get3A_1113 : vector<1x16xf32> to vector<16xf32>
      %slice3A_1115 = vector.extract_strided_slice %get3A_21 {offsets = [12], sizes = [1], strides = [1]} : vector<16xf32> to vector<1xf32>
      %squeeze3A_1116 = vector.extract %slice3A_1115[0] : f32 from vector<1xf32>
      %mul3A_1117 = vector.broadcast %squeeze3A_1116 : f32 to vector<16xf32>
      %mul3A_1118 = arith.mulf %get3A_1114, %mul3A_1117 : vector<16xf32>
      %add3A_1119 = arith.addf %add3A_1109, %mul3A_1118 : vector<16xf32>
      %swap3A_1120 = arith.index_cast %add3A_990 : i32 to index
      %swap3A_1121 = tpu.vector_load %arg9[%swap3A_1120] {strides = array<i32>} : memref<512xf32, #tpu.memory_space<vmem>>, vector<16xf32>,
      %swap3A_1122 = vector.shape_cast %swap3A_1121 : vector<16xf32> to vector<16xf32>
      %swap3A_1123 = vector.shape_cast %add3A_1119 : vector<16xf32> to vector<16xf32>
      tpu.vector_store %arg9[%swap3A_1120], %swap3A_1123 {strides = array<i32>} : memref<512xf32, #tpu.memory_space<vmem>>, vector<16xf32>,
    }
    %scan3A_27 = arith.constant 4 : i32
    %mul3A_28 = arith.constant 104 : i32
    %mul3A_29 = arith.muli %add3A, %mul3A_28 : i32
    "tpu.region"() ({
      %run_scoped3A = tpu.sem_alloc : memref<!tpu.dma_semaphore, #tpu.memory_space<semaphore_mem>>
      %dma_start3A = arith.constant 0 : i32
      %dma_start3A_30 = tpu.memref_slice %arg4[%mul3A_29, %dma_start3A] : memref<3328x128xi32, #tpu.memory_space<hbm>> -> memref<104x128xi32, #tpu.memory_space<hbm>>
      %dma_start3A_31 = arith.constant 0 : i32
      %dma_start3A_32 = tpu.memref_slice %arg4[%mul3A_29, %dma_start3A_31] : memref<3328x128xi32, #tpu.memory_space<hbm>> -> memref<104x128xi32, #tpu.memory_space<hbm>>
      tpu.enqueue_dma source(%arg7 : memref<104x128xi32, #tpu.memory_space<vmem>>) target(%dma_start3A_32 : memref<104x128xi32, #tpu.memory_space<hbm>>) target_semaphore(%run_scoped3A : memref<!tpu.dma_semaphore, #tpu.memory_space<semaphore_mem>>)
      %dma_wait3A = arith.constant 0 : i32
      %dma_wait3A_33 = tpu.memref_slice %arg4[%mul3A_29, %dma_wait3A] : memref<3328x128xi32, #tpu.memory_space<hbm>> -> memref<104x128xi32, #tpu.memory_space<hbm>>
      %dma_wait3A_34 = arith.constant 0 : i32
      %dma_wait3A_35 = tpu.memref_slice %arg4[%mul3A_29, %dma_wait3A_34] : memref<3328x128xi32, #tpu.memory_space<hbm>> -> memref<104x128xi32, #tpu.memory_space<hbm>>
      tpu.wait_dma2 semaphore(%run_scoped3A : memref<!tpu.dma_semaphore, #tpu.memory_space<semaphore_mem>>) src(%arg7 : memref<104x128xi32, #tpu.memory_space<vmem>>) dst(%dma_wait3A_35 : memref<104x128xi32, #tpu.memory_space<hbm>>)
      tpu.yield
    }) : () -> ()
    "tpu.region"() ({
      %run_scoped3A = tpu.sem_alloc : memref<!tpu.dma_semaphore, #tpu.memory_space<semaphore_mem>>
      %dma_start3A = tpu.memref_slice %arg5[%mul3A_2] : memref<16384xf32, #tpu.memory_space<hbm>> -> memref<512xf32, #tpu.memory_space<hbm>>
      %dma_start3A_30 = tpu.memref_slice %arg5[%mul3A_2] : memref<16384xf32, #tpu.memory_space<hbm>> -> memref<512xf32, #tpu.memory_space<hbm>>
      tpu.enqueue_dma source(%arg9 : memref<512xf32, #tpu.memory_space<vmem>>) target(%dma_start3A_30 : memref<512xf32, #tpu.memory_space<hbm>>) target_semaphore(%run_scoped3A : memref<!tpu.dma_semaphore, #tpu.memory_space<semaphore_mem>>)
      %dma_wait3A = tpu.memref_slice %arg5[%mul3A_2] : memref<16384xf32, #tpu.memory_space<hbm>> -> memref<512xf32, #tpu.memory_space<hbm>>
      %dma_wait3A_31 = tpu.memref_slice %arg5[%mul3A_2] : memref<16384xf32, #tpu.memory_space<hbm>> -> memref<512xf32, #tpu.memory_space<hbm>>
      tpu.wait_dma2 semaphore(%run_scoped3A : memref<!tpu.dma_semaphore, #tpu.memory_space<semaphore_mem>>) src(%arg9 : memref<512xf32, #tpu.memory_space<vmem>>) dst(%dma_wait3A_31 : memref<512xf32, #tpu.memory_space<hbm>>)
      tpu.yield
    }) : () -> ()
    return
  }
}

#map = affine_map<(d0, d1) -> (0, 0)>
#map1 = affine_map<(d0, d1) -> (0)>
module attributes {stable_mosaic.version = 14 : i64} {
  func.func @body(%arg0: i32, %arg1: i32, %arg2: memref<3328x128xi32, #tpu.memory_space<hbm>>, %arg3: memref<100000xf32, #tpu.memory_space<hbm>>, %arg4: memref<100000xf32, #tpu.memory_space<hbm>>, %arg5: memref<100000xf32, #tpu.memory_space<hbm>>, %arg6: memref<100000xf32, #tpu.memory_space<hbm>>, %arg7: memref<100000xf32, #tpu.memory_space<hbm>>, %arg8: memref<100000xf32, #tpu.memory_space<hbm>>, %arg9: memref<100000xf32, #tpu.memory_space<hbm>>, %arg10: memref<100000xf32, #tpu.memory_space<hbm>>, %arg11: memref<100000xf32, #tpu.memory_space<hbm>>, %arg12: memref<100000xf32, #tpu.memory_space<hbm>>, %arg13: memref<100000xf32, #tpu.memory_space<hbm>>, %arg14: memref<100000xf32, #tpu.memory_space<hbm>>, %arg15: memref<16384xf32, #tpu.memory_space<hbm>>, %arg16: memref<16384xf32, #tpu.memory_space<hbm>>, %arg17: memref<48x128xi32, #tpu.memory_space<vmem>>, %arg18: memref<48x128xf32, #tpu.memory_space<vmem>>, %arg19: memref<512xf32, #tpu.memory_space<vmem>>, %arg20: memref<!tpu.dma_semaphore, #tpu.memory_space<semaphore_mem>>) attributes {dimension_semantics = [#tpu.dimension_semantics<core_parallel>, #tpu.dimension_semantics<subcore_parallel>], iteration_bounds = array<i64: 2, 16>, scalar_prefetch = 0 : i64, scratch_operands = 4 : i64, tpu.core_type = #tpu.core_type<sc_vector_subcore>, window_params = [{transform_indices = #map}, {transform_indices = #map1}, {transform_indices = #map1}, {transform_indices = #map1}, {transform_indices = #map1}, {transform_indices = #map1}, {transform_indices = #map1}, {transform_indices = #map1}, {transform_indices = #map1}, {transform_indices = #map1}, {transform_indices = #map1}, {transform_indices = #map1}, {transform_indices = #map1}, {transform_indices = #map1}, {transform_indices = #map1}]} {
    %mul3A = arith.constant 2 : i32
    %mul3A_0 = arith.muli %arg1, %mul3A : i32
    %add3A = arith.addi %mul3A_0, %arg0 : i32
    %mul3A_1 = arith.constant 512 : i32
    %mul3A_2 = arith.muli %add3A, %mul3A_1 : i32
    %mul3A_3 = arith.constant 104 : i32
    %mul3A_4 = arith.muli %add3A, %mul3A_3 : i32
    %add3A_5 = arith.constant 0 : i32
    %add3A_6 = arith.addi %mul3A_4, %add3A_5 : i32
    "tpu.region"() ({
      %run_scoped3A = tpu.sem_alloc : memref<!tpu.dma_semaphore, #tpu.memory_space<semaphore_mem>>
      %dma_start3A_92 = arith.constant 0 : i32
      %dma_start3A_93 = tpu.memref_slice %arg2[%add3A_6, %dma_start3A_92] : memref<3328x128xi32, #tpu.memory_space<hbm>> -> memref<48x128xi32, #tpu.memory_space<hbm>>
      %dma_start3A_94 = arith.constant 0 : i32
      %dma_start3A_95 = tpu.memref_slice %arg2[%add3A_6, %dma_start3A_94] : memref<3328x128xi32, #tpu.memory_space<hbm>> -> memref<48x128xi32, #tpu.memory_space<hbm>>
      tpu.enqueue_dma source(%dma_start3A_95 : memref<48x128xi32, #tpu.memory_space<hbm>>) target(%arg17 : memref<48x128xi32, #tpu.memory_space<vmem>>) target_semaphore(%run_scoped3A : memref<!tpu.dma_semaphore, #tpu.memory_space<semaphore_mem>>)
      %dma_wait3A_96 = arith.constant 0 : i32
      %dma_wait3A_97 = tpu.memref_slice %arg2[%add3A_6, %dma_wait3A_96] : memref<3328x128xi32, #tpu.memory_space<hbm>> -> memref<48x128xi32, #tpu.memory_space<hbm>>
      %dma_wait3A_98 = arith.constant 0 : i32
      %dma_wait3A_99 = tpu.memref_slice %arg2[%add3A_6, %dma_wait3A_98] : memref<3328x128xi32, #tpu.memory_space<hbm>> -> memref<48x128xi32, #tpu.memory_space<hbm>>
      tpu.wait_dma2 semaphore(%run_scoped3A : memref<!tpu.dma_semaphore, #tpu.memory_space<semaphore_mem>>) src(%dma_wait3A_99 : memref<48x128xi32, #tpu.memory_space<hbm>>) dst(%arg17 : memref<48x128xi32, #tpu.memory_space<vmem>>)
      tpu.yield
    }) : () -> ()
    %dma_start3A = tpu.memref_slice %arg15[%mul3A_2] : memref<16384xf32, #tpu.memory_space<hbm>> -> memref<512xf32, #tpu.memory_space<hbm>>
    %dma_start3A_7 = tpu.memref_slice %arg15[%mul3A_2] : memref<16384xf32, #tpu.memory_space<hbm>> -> memref<512xf32, #tpu.memory_space<hbm>>
    tpu.enqueue_dma source(%dma_start3A_7 : memref<512xf32, #tpu.memory_space<hbm>>) target(%arg19 : memref<512xf32, #tpu.memory_space<vmem>>) target_semaphore(%arg20 : memref<!tpu.dma_semaphore, #tpu.memory_space<semaphore_mem>>)
    %scan3A = arith.constant 0 : i32
    %scan3A_8 = arith.constant 0 : i32
    %scan3A_9 = arith.constant 4 : i32
    %scan3A_10 = arith.addi %scan3A_8, %scan3A_9 : i32
    %scan3A_11 = arith.constant 1 : i32
    scf.for %scan3A_92 = %scan3A_8 to %scan3A_10 step %scan3A_11  : i32 {
      %add3A_93 = arith.constant 0 : i32
      %add3A_94 = arith.addi %add3A_93, %scan3A_92 : i32
      %add3A_95 = arith.constant 0 : i32
      %add3A_96 = arith.addi %add3A_95, %scan3A_92 : i32
      %dma_start3A_97 = arith.constant 0 : i32
      %dma_start3A_98 = tpu.memref_slice %arg18[%add3A_96, %dma_start3A_97] : memref<48x128xf32, #tpu.memory_space<vmem>> -> memref<1x128xf32, #tpu.memory_space<vmem>>
      %dma_start3A_99 = tpu.memref_squeeze %dma_start3A_98 : memref<1x128xf32, #tpu.memory_space<vmem>> -> memref<128xf32, #tpu.memory_space<vmem>>
      %dma_start3A_100 = arith.constant 0 : i32
      %dma_start3A_101 = tpu.memref_slice %arg17[%add3A_94, %dma_start3A_100] : memref<48x128xi32, #tpu.memory_space<vmem>> -> memref<1x128xi32, #tpu.memory_space<vmem>>
      %dma_start3A_102 = tpu.memref_squeeze %dma_start3A_101 : memref<1x128xi32, #tpu.memory_space<vmem>> -> memref<128xi32, #tpu.memory_space<vmem>>
      %dma_start3A_103 = arith.constant 0 : i32
      %dma_start3A_104 = tpu.memref_slice %arg3[%dma_start3A_103] : memref<100000xf32, #tpu.memory_space<hbm>> -> memref<100000xf32, #tpu.memory_space<hbm>>
      tpu.enqueue_indirect_dma source(%dma_start3A_104 : memref<100000xf32, #tpu.memory_space<hbm>>) target(%dma_start3A_99 : memref<128xf32, #tpu.memory_space<vmem>>) offsets(%dma_start3A_102 : memref<128xi32, #tpu.memory_space<vmem>>) semaphore(%arg20 : memref<!tpu.dma_semaphore, #tpu.memory_space<semaphore_mem>>)
    }
    %scan3A_12 = arith.constant 4 : i32
    %scan3A_13 = arith.constant 0 : i32
    %scan3A_14 = arith.constant 0 : i32
    %scan3A_15 = arith.constant 4 : i32
    %scan3A_16 = arith.addi %scan3A_14, %scan3A_15 : i32
    %scan3A_17 = arith.constant 1 : i32
    scf.for %scan3A_92 = %scan3A_14 to %scan3A_16 step %scan3A_17  : i32 {
      %add3A_93 = arith.constant 4 : i32
      %add3A_94 = arith.addi %add3A_93, %scan3A_92 : i32
      %add3A_95 = arith.constant 4 : i32
      %add3A_96 = arith.addi %add3A_95, %scan3A_92 : i32
      %dma_start3A_97 = arith.constant 0 : i32
      %dma_start3A_98 = tpu.memref_slice %arg18[%add3A_96, %dma_start3A_97] : memref<48x128xf32, #tpu.memory_space<vmem>> -> memref<1x128xf32, #tpu.memory_space<vmem>>
      %dma_start3A_99 = tpu.memref_squeeze %dma_start3A_98 : memref<1x128xf32, #tpu.memory_space<vmem>> -> memref<128xf32, #tpu.memory_space<vmem>>
      %dma_start3A_100 = arith.constant 0 : i32
      %dma_start3A_101 = tpu.memref_slice %arg17[%add3A_94, %dma_start3A_100] : memref<48x128xi32, #tpu.memory_space<vmem>> -> memref<1x128xi32, #tpu.memory_space<vmem>>
      %dma_start3A_102 = tpu.memref_squeeze %dma_start3A_101 : memref<1x128xi32, #tpu.memory_space<vmem>> -> memref<128xi32, #tpu.memory_space<vmem>>
      %dma_start3A_103 = arith.constant 0 : i32
      %dma_start3A_104 = tpu.memref_slice %arg4[%dma_start3A_103] : memref<100000xf32, #tpu.memory_space<hbm>> -> memref<100000xf32, #tpu.memory_space<hbm>>
      tpu.enqueue_indirect_dma source(%dma_start3A_104 : memref<100000xf32, #tpu.memory_space<hbm>>) target(%dma_start3A_99 : memref<128xf32, #tpu.memory_space<vmem>>) offsets(%dma_start3A_102 : memref<128xi32, #tpu.memory_space<vmem>>) semaphore(%arg20 : memref<!tpu.dma_semaphore, #tpu.memory_space<semaphore_mem>>)
    }
    %scan3A_18 = arith.constant 4 : i32
    %scan3A_19 = arith.constant 0 : i32
    %scan3A_20 = arith.constant 0 : i32
    %scan3A_21 = arith.constant 4 : i32
    %scan3A_22 = arith.addi %scan3A_20, %scan3A_21 : i32
    %scan3A_23 = arith.constant 1 : i32
    scf.for %scan3A_92 = %scan3A_20 to %scan3A_22 step %scan3A_23  : i32 {
      %add3A_93 = arith.constant 8 : i32
      %add3A_94 = arith.addi %add3A_93, %scan3A_92 : i32
      %add3A_95 = arith.constant 8 : i32
      %add3A_96 = arith.addi %add3A_95, %scan3A_92 : i32
      %dma_start3A_97 = arith.constant 0 : i32
      %dma_start3A_98 = tpu.memref_slice %arg18[%add3A_96, %dma_start3A_97] : memref<48x128xf32, #tpu.memory_space<vmem>> -> memref<1x128xf32, #tpu.memory_space<vmem>>
      %dma_start3A_99 = tpu.memref_squeeze %dma_start3A_98 : memref<1x128xf32, #tpu.memory_space<vmem>> -> memref<128xf32, #tpu.memory_space<vmem>>
      %dma_start3A_100 = arith.constant 0 : i32
      %dma_start3A_101 = tpu.memref_slice %arg17[%add3A_94, %dma_start3A_100] : memref<48x128xi32, #tpu.memory_space<vmem>> -> memref<1x128xi32, #tpu.memory_space<vmem>>
      %dma_start3A_102 = tpu.memref_squeeze %dma_start3A_101 : memref<1x128xi32, #tpu.memory_space<vmem>> -> memref<128xi32, #tpu.memory_space<vmem>>
      %dma_start3A_103 = arith.constant 0 : i32
      %dma_start3A_104 = tpu.memref_slice %arg5[%dma_start3A_103] : memref<100000xf32, #tpu.memory_space<hbm>> -> memref<100000xf32, #tpu.memory_space<hbm>>
      tpu.enqueue_indirect_dma source(%dma_start3A_104 : memref<100000xf32, #tpu.memory_space<hbm>>) target(%dma_start3A_99 : memref<128xf32, #tpu.memory_space<vmem>>) offsets(%dma_start3A_102 : memref<128xi32, #tpu.memory_space<vmem>>) semaphore(%arg20 : memref<!tpu.dma_semaphore, #tpu.memory_space<semaphore_mem>>)
    }
    %scan3A_24 = arith.constant 4 : i32
    %scan3A_25 = arith.constant 0 : i32
    %scan3A_26 = arith.constant 0 : i32
    %scan3A_27 = arith.constant 4 : i32
    %scan3A_28 = arith.addi %scan3A_26, %scan3A_27 : i32
    %scan3A_29 = arith.constant 1 : i32
    scf.for %scan3A_92 = %scan3A_26 to %scan3A_28 step %scan3A_29  : i32 {
      %add3A_93 = arith.constant 12 : i32
      %add3A_94 = arith.addi %add3A_93, %scan3A_92 : i32
      %add3A_95 = arith.constant 12 : i32
      %add3A_96 = arith.addi %add3A_95, %scan3A_92 : i32
      %dma_start3A_97 = arith.constant 0 : i32
      %dma_start3A_98 = tpu.memref_slice %arg18[%add3A_96, %dma_start3A_97] : memref<48x128xf32, #tpu.memory_space<vmem>> -> memref<1x128xf32, #tpu.memory_space<vmem>>
      %dma_start3A_99 = tpu.memref_squeeze %dma_start3A_98 : memref<1x128xf32, #tpu.memory_space<vmem>> -> memref<128xf32, #tpu.memory_space<vmem>>
      %dma_start3A_100 = arith.constant 0 : i32
      %dma_start3A_101 = tpu.memref_slice %arg17[%add3A_94, %dma_start3A_100] : memref<48x128xi32, #tpu.memory_space<vmem>> -> memref<1x128xi32, #tpu.memory_space<vmem>>
      %dma_start3A_102 = tpu.memref_squeeze %dma_start3A_101 : memref<1x128xi32, #tpu.memory_space<vmem>> -> memref<128xi32, #tpu.memory_space<vmem>>
      %dma_start3A_103 = arith.constant 0 : i32
      %dma_start3A_104 = tpu.memref_slice %arg6[%dma_start3A_103] : memref<100000xf32, #tpu.memory_space<hbm>> -> memref<100000xf32, #tpu.memory_space<hbm>>
      tpu.enqueue_indirect_dma source(%dma_start3A_104 : memref<100000xf32, #tpu.memory_space<hbm>>) target(%dma_start3A_99 : memref<128xf32, #tpu.memory_space<vmem>>) offsets(%dma_start3A_102 : memref<128xi32, #tpu.memory_space<vmem>>) semaphore(%arg20 : memref<!tpu.dma_semaphore, #tpu.memory_space<semaphore_mem>>)
    }
    %scan3A_30 = arith.constant 4 : i32
    %scan3A_31 = arith.constant 0 : i32
    %scan3A_32 = arith.constant 0 : i32
    %scan3A_33 = arith.constant 4 : i32
    %scan3A_34 = arith.addi %scan3A_32, %scan3A_33 : i32
    %scan3A_35 = arith.constant 1 : i32
    scf.for %scan3A_92 = %scan3A_32 to %scan3A_34 step %scan3A_35  : i32 {
      %add3A_93 = arith.constant 16 : i32
      %add3A_94 = arith.addi %add3A_93, %scan3A_92 : i32
      %add3A_95 = arith.constant 16 : i32
      %add3A_96 = arith.addi %add3A_95, %scan3A_92 : i32
      %dma_start3A_97 = arith.constant 0 : i32
      %dma_start3A_98 = tpu.memref_slice %arg18[%add3A_96, %dma_start3A_97] : memref<48x128xf32, #tpu.memory_space<vmem>> -> memref<1x128xf32, #tpu.memory_space<vmem>>
      %dma_start3A_99 = tpu.memref_squeeze %dma_start3A_98 : memref<1x128xf32, #tpu.memory_space<vmem>> -> memref<128xf32, #tpu.memory_space<vmem>>
      %dma_start3A_100 = arith.constant 0 : i32
      %dma_start3A_101 = tpu.memref_slice %arg17[%add3A_94, %dma_start3A_100] : memref<48x128xi32, #tpu.memory_space<vmem>> -> memref<1x128xi32, #tpu.memory_space<vmem>>
      %dma_start3A_102 = tpu.memref_squeeze %dma_start3A_101 : memref<1x128xi32, #tpu.memory_space<vmem>> -> memref<128xi32, #tpu.memory_space<vmem>>
      %dma_start3A_103 = arith.constant 0 : i32
      %dma_start3A_104 = tpu.memref_slice %arg7[%dma_start3A_103] : memref<100000xf32, #tpu.memory_space<hbm>> -> memref<100000xf32, #tpu.memory_space<hbm>>
      tpu.enqueue_indirect_dma source(%dma_start3A_104 : memref<100000xf32, #tpu.memory_space<hbm>>) target(%dma_start3A_99 : memref<128xf32, #tpu.memory_space<vmem>>) offsets(%dma_start3A_102 : memref<128xi32, #tpu.memory_space<vmem>>) semaphore(%arg20 : memref<!tpu.dma_semaphore, #tpu.memory_space<semaphore_mem>>)
    }
    %scan3A_36 = arith.constant 4 : i32
    %scan3A_37 = arith.constant 0 : i32
    %scan3A_38 = arith.constant 0 : i32
    %scan3A_39 = arith.constant 4 : i32
    %scan3A_40 = arith.addi %scan3A_38, %scan3A_39 : i32
    %scan3A_41 = arith.constant 1 : i32
    scf.for %scan3A_92 = %scan3A_38 to %scan3A_40 step %scan3A_41  : i32 {
      %add3A_93 = arith.constant 20 : i32
      %add3A_94 = arith.addi %add3A_93, %scan3A_92 : i32
      %add3A_95 = arith.constant 20 : i32
      %add3A_96 = arith.addi %add3A_95, %scan3A_92 : i32
      %dma_start3A_97 = arith.constant 0 : i32
      %dma_start3A_98 = tpu.memref_slice %arg18[%add3A_96, %dma_start3A_97] : memref<48x128xf32, #tpu.memory_space<vmem>> -> memref<1x128xf32, #tpu.memory_space<vmem>>
      %dma_start3A_99 = tpu.memref_squeeze %dma_start3A_98 : memref<1x128xf32, #tpu.memory_space<vmem>> -> memref<128xf32, #tpu.memory_space<vmem>>
      %dma_start3A_100 = arith.constant 0 : i32
      %dma_start3A_101 = tpu.memref_slice %arg17[%add3A_94, %dma_start3A_100] : memref<48x128xi32, #tpu.memory_space<vmem>> -> memref<1x128xi32, #tpu.memory_space<vmem>>
      %dma_start3A_102 = tpu.memref_squeeze %dma_start3A_101 : memref<1x128xi32, #tpu.memory_space<vmem>> -> memref<128xi32, #tpu.memory_space<vmem>>
      %dma_start3A_103 = arith.constant 0 : i32
      %dma_start3A_104 = tpu.memref_slice %arg8[%dma_start3A_103] : memref<100000xf32, #tpu.memory_space<hbm>> -> memref<100000xf32, #tpu.memory_space<hbm>>
      tpu.enqueue_indirect_dma source(%dma_start3A_104 : memref<100000xf32, #tpu.memory_space<hbm>>) target(%dma_start3A_99 : memref<128xf32, #tpu.memory_space<vmem>>) offsets(%dma_start3A_102 : memref<128xi32, #tpu.memory_space<vmem>>) semaphore(%arg20 : memref<!tpu.dma_semaphore, #tpu.memory_space<semaphore_mem>>)
    }
    %scan3A_42 = arith.constant 4 : i32
    %scan3A_43 = arith.constant 0 : i32
    %scan3A_44 = arith.constant 0 : i32
    %scan3A_45 = arith.constant 4 : i32
    %scan3A_46 = arith.addi %scan3A_44, %scan3A_45 : i32
    %scan3A_47 = arith.constant 1 : i32
    scf.for %scan3A_92 = %scan3A_44 to %scan3A_46 step %scan3A_47  : i32 {
      %add3A_93 = arith.constant 24 : i32
      %add3A_94 = arith.addi %add3A_93, %scan3A_92 : i32
      %add3A_95 = arith.constant 24 : i32
      %add3A_96 = arith.addi %add3A_95, %scan3A_92 : i32
      %dma_start3A_97 = arith.constant 0 : i32
      %dma_start3A_98 = tpu.memref_slice %arg18[%add3A_96, %dma_start3A_97] : memref<48x128xf32, #tpu.memory_space<vmem>> -> memref<1x128xf32, #tpu.memory_space<vmem>>
      %dma_start3A_99 = tpu.memref_squeeze %dma_start3A_98 : memref<1x128xf32, #tpu.memory_space<vmem>> -> memref<128xf32, #tpu.memory_space<vmem>>
      %dma_start3A_100 = arith.constant 0 : i32
      %dma_start3A_101 = tpu.memref_slice %arg17[%add3A_94, %dma_start3A_100] : memref<48x128xi32, #tpu.memory_space<vmem>> -> memref<1x128xi32, #tpu.memory_space<vmem>>
      %dma_start3A_102 = tpu.memref_squeeze %dma_start3A_101 : memref<1x128xi32, #tpu.memory_space<vmem>> -> memref<128xi32, #tpu.memory_space<vmem>>
      %dma_start3A_103 = arith.constant 0 : i32
      %dma_start3A_104 = tpu.memref_slice %arg9[%dma_start3A_103] : memref<100000xf32, #tpu.memory_space<hbm>> -> memref<100000xf32, #tpu.memory_space<hbm>>
      tpu.enqueue_indirect_dma source(%dma_start3A_104 : memref<100000xf32, #tpu.memory_space<hbm>>) target(%dma_start3A_99 : memref<128xf32, #tpu.memory_space<vmem>>) offsets(%dma_start3A_102 : memref<128xi32, #tpu.memory_space<vmem>>) semaphore(%arg20 : memref<!tpu.dma_semaphore, #tpu.memory_space<semaphore_mem>>)
    }
    %scan3A_48 = arith.constant 4 : i32
    %scan3A_49 = arith.constant 0 : i32
    %scan3A_50 = arith.constant 0 : i32
    %scan3A_51 = arith.constant 4 : i32
    %scan3A_52 = arith.addi %scan3A_50, %scan3A_51 : i32
    %scan3A_53 = arith.constant 1 : i32
    scf.for %scan3A_92 = %scan3A_50 to %scan3A_52 step %scan3A_53  : i32 {
      %add3A_93 = arith.constant 28 : i32
      %add3A_94 = arith.addi %add3A_93, %scan3A_92 : i32
      %add3A_95 = arith.constant 28 : i32
      %add3A_96 = arith.addi %add3A_95, %scan3A_92 : i32
      %dma_start3A_97 = arith.constant 0 : i32
      %dma_start3A_98 = tpu.memref_slice %arg18[%add3A_96, %dma_start3A_97] : memref<48x128xf32, #tpu.memory_space<vmem>> -> memref<1x128xf32, #tpu.memory_space<vmem>>
      %dma_start3A_99 = tpu.memref_squeeze %dma_start3A_98 : memref<1x128xf32, #tpu.memory_space<vmem>> -> memref<128xf32, #tpu.memory_space<vmem>>
      %dma_start3A_100 = arith.constant 0 : i32
      %dma_start3A_101 = tpu.memref_slice %arg17[%add3A_94, %dma_start3A_100] : memref<48x128xi32, #tpu.memory_space<vmem>> -> memref<1x128xi32, #tpu.memory_space<vmem>>
      %dma_start3A_102 = tpu.memref_squeeze %dma_start3A_101 : memref<1x128xi32, #tpu.memory_space<vmem>> -> memref<128xi32, #tpu.memory_space<vmem>>
      %dma_start3A_103 = arith.constant 0 : i32
      %dma_start3A_104 = tpu.memref_slice %arg10[%dma_start3A_103] : memref<100000xf32, #tpu.memory_space<hbm>> -> memref<100000xf32, #tpu.memory_space<hbm>>
      tpu.enqueue_indirect_dma source(%dma_start3A_104 : memref<100000xf32, #tpu.memory_space<hbm>>) target(%dma_start3A_99 : memref<128xf32, #tpu.memory_space<vmem>>) offsets(%dma_start3A_102 : memref<128xi32, #tpu.memory_space<vmem>>) semaphore(%arg20 : memref<!tpu.dma_semaphore, #tpu.memory_space<semaphore_mem>>)
    }
    %scan3A_54 = arith.constant 4 : i32
    %scan3A_55 = arith.constant 0 : i32
    %scan3A_56 = arith.constant 0 : i32
    %scan3A_57 = arith.constant 4 : i32
    %scan3A_58 = arith.addi %scan3A_56, %scan3A_57 : i32
    %scan3A_59 = arith.constant 1 : i32
    scf.for %scan3A_92 = %scan3A_56 to %scan3A_58 step %scan3A_59  : i32 {
      %add3A_93 = arith.constant 32 : i32
      %add3A_94 = arith.addi %add3A_93, %scan3A_92 : i32
      %add3A_95 = arith.constant 32 : i32
      %add3A_96 = arith.addi %add3A_95, %scan3A_92 : i32
      %dma_start3A_97 = arith.constant 0 : i32
      %dma_start3A_98 = tpu.memref_slice %arg18[%add3A_96, %dma_start3A_97] : memref<48x128xf32, #tpu.memory_space<vmem>> -> memref<1x128xf32, #tpu.memory_space<vmem>>
      %dma_start3A_99 = tpu.memref_squeeze %dma_start3A_98 : memref<1x128xf32, #tpu.memory_space<vmem>> -> memref<128xf32, #tpu.memory_space<vmem>>
      %dma_start3A_100 = arith.constant 0 : i32
      %dma_start3A_101 = tpu.memref_slice %arg17[%add3A_94, %dma_start3A_100] : memref<48x128xi32, #tpu.memory_space<vmem>> -> memref<1x128xi32, #tpu.memory_space<vmem>>
      %dma_start3A_102 = tpu.memref_squeeze %dma_start3A_101 : memref<1x128xi32, #tpu.memory_space<vmem>> -> memref<128xi32, #tpu.memory_space<vmem>>
      %dma_start3A_103 = arith.constant 0 : i32
      %dma_start3A_104 = tpu.memref_slice %arg11[%dma_start3A_103] : memref<100000xf32, #tpu.memory_space<hbm>> -> memref<100000xf32, #tpu.memory_space<hbm>>
      tpu.enqueue_indirect_dma source(%dma_start3A_104 : memref<100000xf32, #tpu.memory_space<hbm>>) target(%dma_start3A_99 : memref<128xf32, #tpu.memory_space<vmem>>) offsets(%dma_start3A_102 : memref<128xi32, #tpu.memory_space<vmem>>) semaphore(%arg20 : memref<!tpu.dma_semaphore, #tpu.memory_space<semaphore_mem>>)
    }
    %scan3A_60 = arith.constant 4 : i32
    %scan3A_61 = arith.constant 0 : i32
    %scan3A_62 = arith.constant 0 : i32
    %scan3A_63 = arith.constant 4 : i32
    %scan3A_64 = arith.addi %scan3A_62, %scan3A_63 : i32
    %scan3A_65 = arith.constant 1 : i32
    scf.for %scan3A_92 = %scan3A_62 to %scan3A_64 step %scan3A_65  : i32 {
      %add3A_93 = arith.constant 36 : i32
      %add3A_94 = arith.addi %add3A_93, %scan3A_92 : i32
      %add3A_95 = arith.constant 36 : i32
      %add3A_96 = arith.addi %add3A_95, %scan3A_92 : i32
      %dma_start3A_97 = arith.constant 0 : i32
      %dma_start3A_98 = tpu.memref_slice %arg18[%add3A_96, %dma_start3A_97] : memref<48x128xf32, #tpu.memory_space<vmem>> -> memref<1x128xf32, #tpu.memory_space<vmem>>
      %dma_start3A_99 = tpu.memref_squeeze %dma_start3A_98 : memref<1x128xf32, #tpu.memory_space<vmem>> -> memref<128xf32, #tpu.memory_space<vmem>>
      %dma_start3A_100 = arith.constant 0 : i32
      %dma_start3A_101 = tpu.memref_slice %arg17[%add3A_94, %dma_start3A_100] : memref<48x128xi32, #tpu.memory_space<vmem>> -> memref<1x128xi32, #tpu.memory_space<vmem>>
      %dma_start3A_102 = tpu.memref_squeeze %dma_start3A_101 : memref<1x128xi32, #tpu.memory_space<vmem>> -> memref<128xi32, #tpu.memory_space<vmem>>
      %dma_start3A_103 = arith.constant 0 : i32
      %dma_start3A_104 = tpu.memref_slice %arg12[%dma_start3A_103] : memref<100000xf32, #tpu.memory_space<hbm>> -> memref<100000xf32, #tpu.memory_space<hbm>>
      tpu.enqueue_indirect_dma source(%dma_start3A_104 : memref<100000xf32, #tpu.memory_space<hbm>>) target(%dma_start3A_99 : memref<128xf32, #tpu.memory_space<vmem>>) offsets(%dma_start3A_102 : memref<128xi32, #tpu.memory_space<vmem>>) semaphore(%arg20 : memref<!tpu.dma_semaphore, #tpu.memory_space<semaphore_mem>>)
    }
    %scan3A_66 = arith.constant 4 : i32
    %scan3A_67 = arith.constant 0 : i32
    %scan3A_68 = arith.constant 0 : i32
    %scan3A_69 = arith.constant 4 : i32
    %scan3A_70 = arith.addi %scan3A_68, %scan3A_69 : i32
    %scan3A_71 = arith.constant 1 : i32
    scf.for %scan3A_92 = %scan3A_68 to %scan3A_70 step %scan3A_71  : i32 {
      %add3A_93 = arith.constant 40 : i32
      %add3A_94 = arith.addi %add3A_93, %scan3A_92 : i32
      %add3A_95 = arith.constant 40 : i32
      %add3A_96 = arith.addi %add3A_95, %scan3A_92 : i32
      %dma_start3A_97 = arith.constant 0 : i32
      %dma_start3A_98 = tpu.memref_slice %arg18[%add3A_96, %dma_start3A_97] : memref<48x128xf32, #tpu.memory_space<vmem>> -> memref<1x128xf32, #tpu.memory_space<vmem>>
      %dma_start3A_99 = tpu.memref_squeeze %dma_start3A_98 : memref<1x128xf32, #tpu.memory_space<vmem>> -> memref<128xf32, #tpu.memory_space<vmem>>
      %dma_start3A_100 = arith.constant 0 : i32
      %dma_start3A_101 = tpu.memref_slice %arg17[%add3A_94, %dma_start3A_100] : memref<48x128xi32, #tpu.memory_space<vmem>> -> memref<1x128xi32, #tpu.memory_space<vmem>>
      %dma_start3A_102 = tpu.memref_squeeze %dma_start3A_101 : memref<1x128xi32, #tpu.memory_space<vmem>> -> memref<128xi32, #tpu.memory_space<vmem>>
      %dma_start3A_103 = arith.constant 0 : i32
      %dma_start3A_104 = tpu.memref_slice %arg13[%dma_start3A_103] : memref<100000xf32, #tpu.memory_space<hbm>> -> memref<100000xf32, #tpu.memory_space<hbm>>
      tpu.enqueue_indirect_dma source(%dma_start3A_104 : memref<100000xf32, #tpu.memory_space<hbm>>) target(%dma_start3A_99 : memref<128xf32, #tpu.memory_space<vmem>>) offsets(%dma_start3A_102 : memref<128xi32, #tpu.memory_space<vmem>>) semaphore(%arg20 : memref<!tpu.dma_semaphore, #tpu.memory_space<semaphore_mem>>)
    }
    %scan3A_72 = arith.constant 4 : i32
    %scan3A_73 = arith.constant 0 : i32
    %scan3A_74 = arith.constant 0 : i32
    %scan3A_75 = arith.constant 4 : i32
    %scan3A_76 = arith.addi %scan3A_74, %scan3A_75 : i32
    %scan3A_77 = arith.constant 1 : i32
    scf.for %scan3A_92 = %scan3A_74 to %scan3A_76 step %scan3A_77  : i32 {
      %add3A_93 = arith.constant 44 : i32
      %add3A_94 = arith.addi %add3A_93, %scan3A_92 : i32
      %add3A_95 = arith.constant 44 : i32
      %add3A_96 = arith.addi %add3A_95, %scan3A_92 : i32
      %dma_start3A_97 = arith.constant 0 : i32
      %dma_start3A_98 = tpu.memref_slice %arg18[%add3A_96, %dma_start3A_97] : memref<48x128xf32, #tpu.memory_space<vmem>> -> memref<1x128xf32, #tpu.memory_space<vmem>>
      %dma_start3A_99 = tpu.memref_squeeze %dma_start3A_98 : memref<1x128xf32, #tpu.memory_space<vmem>> -> memref<128xf32, #tpu.memory_space<vmem>>
      %dma_start3A_100 = arith.constant 0 : i32
      %dma_start3A_101 = tpu.memref_slice %arg17[%add3A_94, %dma_start3A_100] : memref<48x128xi32, #tpu.memory_space<vmem>> -> memref<1x128xi32, #tpu.memory_space<vmem>>
      %dma_start3A_102 = tpu.memref_squeeze %dma_start3A_101 : memref<1x128xi32, #tpu.memory_space<vmem>> -> memref<128xi32, #tpu.memory_space<vmem>>
      %dma_start3A_103 = arith.constant 0 : i32
      %dma_start3A_104 = tpu.memref_slice %arg14[%dma_start3A_103] : memref<100000xf32, #tpu.memory_space<hbm>> -> memref<100000xf32, #tpu.memory_space<hbm>>
      tpu.enqueue_indirect_dma source(%dma_start3A_104 : memref<100000xf32, #tpu.memory_space<hbm>>) target(%dma_start3A_99 : memref<128xf32, #tpu.memory_space<vmem>>) offsets(%dma_start3A_102 : memref<128xi32, #tpu.memory_space<vmem>>) semaphore(%arg20 : memref<!tpu.dma_semaphore, #tpu.memory_space<semaphore_mem>>)
    }
    %scan3A_78 = arith.constant 4 : i32
    %dma_wait3A = tpu.memref_slice %arg15[%mul3A_2] : memref<16384xf32, #tpu.memory_space<hbm>> -> memref<512xf32, #tpu.memory_space<hbm>>
    %dma_wait3A_79 = tpu.memref_slice %arg15[%mul3A_2] : memref<16384xf32, #tpu.memory_space<hbm>> -> memref<512xf32, #tpu.memory_space<hbm>>
    tpu.wait_dma2 semaphore(%arg20 : memref<!tpu.dma_semaphore, #tpu.memory_space<semaphore_mem>>) src(%dma_wait3A_79 : memref<512xf32, #tpu.memory_space<hbm>>) dst(%arg19 : memref<512xf32, #tpu.memory_space<vmem>>)
    %scan3A_80 = arith.constant 0 : i32
    %scan3A_81 = arith.constant 0 : i32
    %scan3A_82 = arith.constant 48 : i32
    %scan3A_83 = arith.addi %scan3A_81, %scan3A_82 : i32
    %scan3A_84 = arith.constant 1 : i32
    scf.for %scan3A_92 = %scan3A_81 to %scan3A_83 step %scan3A_84  : i32 {
      %dma_wait3A_93 = arith.constant 0 : i32
      %dma_wait3A_94 = tpu.memref_slice %arg18[%scan3A_92, %dma_wait3A_93] : memref<48x128xf32, #tpu.memory_space<vmem>> -> memref<1x128xf32, #tpu.memory_space<vmem>>
      %dma_wait3A_95 = tpu.memref_squeeze %dma_wait3A_94 : memref<1x128xf32, #tpu.memory_space<vmem>> -> memref<128xf32, #tpu.memory_space<vmem>>
      %dma_wait3A_96 = arith.constant 0 : i32
      %dma_wait3A_97 = tpu.memref_slice %arg17[%scan3A_92, %dma_wait3A_96] : memref<48x128xi32, #tpu.memory_space<vmem>> -> memref<1x128xi32, #tpu.memory_space<vmem>>
      %dma_wait3A_98 = tpu.memref_squeeze %dma_wait3A_97 : memref<1x128xi32, #tpu.memory_space<vmem>> -> memref<128xi32, #tpu.memory_space<vmem>>
      %dma_wait3A_99 = arith.constant 0 : i32
      %dma_wait3A_100 = tpu.memref_slice %arg3[%dma_wait3A_99] : memref<100000xf32, #tpu.memory_space<hbm>> -> memref<100000xf32, #tpu.memory_space<hbm>>
      tpu.wait_indirect_dma semaphore(%arg20 : memref<!tpu.dma_semaphore, #tpu.memory_space<semaphore_mem>>) src(%dma_wait3A_100 : memref<100000xf32, #tpu.memory_space<hbm>>) dst(%dma_wait3A_95 : memref<128xf32, #tpu.memory_space<vmem>>)
    }
    %scan3A_85 = arith.constant 48 : i32
    %scan3A_86 = arith.constant 0 : i32
    %scan3A_87 = arith.constant 0 : i32
    %scan3A_88 = arith.constant 4 : i32
    %scan3A_89 = arith.addi %scan3A_87, %scan3A_88 : i32
    %scan3A_90 = arith.constant 1 : i32
    scf.for %scan3A_92 = %scan3A_87 to %scan3A_89 step %scan3A_90  : i32 {
      %mul3A_93 = arith.constant 128 : i32
      %mul3A_94 = arith.muli %scan3A_92, %mul3A_93 : i32
      %add3A_95 = arith.constant 0 : i32
      %add3A_96 = arith.addi %mul3A_94, %add3A_95 : i32
      %get3A = arith.index_cast %add3A_96 : i32 to index
      %get3A_97 = tpu.vector_load %arg19[%get3A] {strides = array<i32>} : memref<512xf32, #tpu.memory_space<vmem>>, vector<16xf32>,
      %get3A_98 = vector.shape_cast %get3A_97 : vector<16xf32> to vector<16xf32>
      %add3A_99 = arith.constant 0 : i32
      %add3A_100 = arith.addi %add3A_99, %scan3A_92 : i32
      %get3A_101 = arith.index_cast %add3A_100 : i32 to index
      %get3A_102 = arith.constant 0 : index
      %get3A_103 = tpu.vector_load %arg18[%get3A_101, %get3A_102] {strides = array<i32>} : memref<48x128xf32, #tpu.memory_space<vmem>>, vector<1x16xf32>,
      %get3A_104 = vector.shape_cast %get3A_103 : vector<1x16xf32> to vector<16xf32>
      %add3A_105 = arith.addf %get3A_98, %get3A_104 : vector<16xf32>
      %add3A_106 = arith.constant 4 : i32
      %add3A_107 = arith.addi %add3A_106, %scan3A_92 : i32
      %get3A_108 = arith.index_cast %add3A_107 : i32 to index
      %get3A_109 = arith.constant 0 : index
      %get3A_110 = tpu.vector_load %arg18[%get3A_108, %get3A_109] {strides = array<i32>} : memref<48x128xf32, #tpu.memory_space<vmem>>, vector<1x16xf32>,
      %get3A_111 = vector.shape_cast %get3A_110 : vector<1x16xf32> to vector<16xf32>
      %add3A_112 = arith.addf %add3A_105, %get3A_111 : vector<16xf32>
      %add3A_113 = arith.constant 8 : i32
      %add3A_114 = arith.addi %add3A_113, %scan3A_92 : i32
      %get3A_115 = arith.index_cast %add3A_114 : i32 to index
      %get3A_116 = arith.constant 0 : index
      %get3A_117 = tpu.vector_load %arg18[%get3A_115, %get3A_116] {strides = array<i32>} : memref<48x128xf32, #tpu.memory_space<vmem>>, vector<1x16xf32>,
      %get3A_118 = vector.shape_cast %get3A_117 : vector<1x16xf32> to vector<16xf32>
      %add3A_119 = arith.addf %add3A_112, %get3A_118 : vector<16xf32>
      %add3A_120 = arith.constant 12 : i32
      %add3A_121 = arith.addi %add3A_120, %scan3A_92 : i32
      %get3A_122 = arith.index_cast %add3A_121 : i32 to index
      %get3A_123 = arith.constant 0 : index
      %get3A_124 = tpu.vector_load %arg18[%get3A_122, %get3A_123] {strides = array<i32>} : memref<48x128xf32, #tpu.memory_space<vmem>>, vector<1x16xf32>,
      %get3A_125 = vector.shape_cast %get3A_124 : vector<1x16xf32> to vector<16xf32>
      %add3A_126 = arith.addf %add3A_119, %get3A_125 : vector<16xf32>
      %add3A_127 = arith.constant 16 : i32
      %add3A_128 = arith.addi %add3A_127, %scan3A_92 : i32
      %get3A_129 = arith.index_cast %add3A_128 : i32 to index
      %get3A_130 = arith.constant 0 : index
      %get3A_131 = tpu.vector_load %arg18[%get3A_129, %get3A_130] {strides = array<i32>} : memref<48x128xf32, #tpu.memory_space<vmem>>, vector<1x16xf32>,
      %get3A_132 = vector.shape_cast %get3A_131 : vector<1x16xf32> to vector<16xf32>
      %add3A_133 = arith.addf %add3A_126, %get3A_132 : vector<16xf32>
      %add3A_134 = arith.constant 20 : i32
      %add3A_135 = arith.addi %add3A_134, %scan3A_92 : i32
      %get3A_136 = arith.index_cast %add3A_135 : i32 to index
      %get3A_137 = arith.constant 0 : index
      %get3A_138 = tpu.vector_load %arg18[%get3A_136, %get3A_137] {strides = array<i32>} : memref<48x128xf32, #tpu.memory_space<vmem>>, vector<1x16xf32>,
      %get3A_139 = vector.shape_cast %get3A_138 : vector<1x16xf32> to vector<16xf32>
      %add3A_140 = arith.addf %add3A_133, %get3A_139 : vector<16xf32>
      %add3A_141 = arith.constant 24 : i32
      %add3A_142 = arith.addi %add3A_141, %scan3A_92 : i32
      %get3A_143 = arith.index_cast %add3A_142 : i32 to index
      %get3A_144 = arith.constant 0 : index
      %get3A_145 = tpu.vector_load %arg18[%get3A_143, %get3A_144] {strides = array<i32>} : memref<48x128xf32, #tpu.memory_space<vmem>>, vector<1x16xf32>,
      %get3A_146 = vector.shape_cast %get3A_145 : vector<1x16xf32> to vector<16xf32>
      %add3A_147 = arith.addf %add3A_140, %get3A_146 : vector<16xf32>
      %add3A_148 = arith.constant 28 : i32
      %add3A_149 = arith.addi %add3A_148, %scan3A_92 : i32
      %get3A_150 = arith.index_cast %add3A_149 : i32 to index
      %get3A_151 = arith.constant 0 : index
      %get3A_152 = tpu.vector_load %arg18[%get3A_150, %get3A_151] {strides = array<i32>} : memref<48x128xf32, #tpu.memory_space<vmem>>, vector<1x16xf32>,
      %get3A_153 = vector.shape_cast %get3A_152 : vector<1x16xf32> to vector<16xf32>
      %add3A_154 = arith.addf %add3A_147, %get3A_153 : vector<16xf32>
      %add3A_155 = arith.constant 32 : i32
      %add3A_156 = arith.addi %add3A_155, %scan3A_92 : i32
      %get3A_157 = arith.index_cast %add3A_156 : i32 to index
      %get3A_158 = arith.constant 0 : index
      %get3A_159 = tpu.vector_load %arg18[%get3A_157, %get3A_158] {strides = array<i32>} : memref<48x128xf32, #tpu.memory_space<vmem>>, vector<1x16xf32>,
      %get3A_160 = vector.shape_cast %get3A_159 : vector<1x16xf32> to vector<16xf32>
      %add3A_161 = arith.addf %add3A_154, %get3A_160 : vector<16xf32>
      %add3A_162 = arith.constant 36 : i32
      %add3A_163 = arith.addi %add3A_162, %scan3A_92 : i32
      %get3A_164 = arith.index_cast %add3A_163 : i32 to index
      %get3A_165 = arith.constant 0 : index
      %get3A_166 = tpu.vector_load %arg18[%get3A_164, %get3A_165] {strides = array<i32>} : memref<48x128xf32, #tpu.memory_space<vmem>>, vector<1x16xf32>,
      %get3A_167 = vector.shape_cast %get3A_166 : vector<1x16xf32> to vector<16xf32>
      %add3A_168 = arith.addf %add3A_161, %get3A_167 : vector<16xf32>
      %add3A_169 = arith.constant 40 : i32
      %add3A_170 = arith.addi %add3A_169, %scan3A_92 : i32
      %get3A_171 = arith.index_cast %add3A_170 : i32 to index
      %get3A_172 = arith.constant 0 : index
      %get3A_173 = tpu.vector_load %arg18[%get3A_171, %get3A_172] {strides = array<i32>} : memref<48x128xf32, #tpu.memory_space<vmem>>, vector<1x16xf32>,
      %get3A_174 = vector.shape_cast %get3A_173 : vector<1x16xf32> to vector<16xf32>
      %add3A_175 = arith.addf %add3A_168, %get3A_174 : vector<16xf32>
      %add3A_176 = arith.constant 44 : i32
      %add3A_177 = arith.addi %add3A_176, %scan3A_92 : i32
      %get3A_178 = arith.index_cast %add3A_177 : i32 to index
      %get3A_179 = arith.constant 0 : index
      %get3A_180 = tpu.vector_load %arg18[%get3A_178, %get3A_179] {strides = array<i32>} : memref<48x128xf32, #tpu.memory_space<vmem>>, vector<1x16xf32>,
      %get3A_181 = vector.shape_cast %get3A_180 : vector<1x16xf32> to vector<16xf32>
      %add3A_182 = arith.addf %add3A_175, %get3A_181 : vector<16xf32>
      %swap3A = arith.index_cast %add3A_96 : i32 to index
      %swap3A_183 = tpu.vector_load %arg19[%swap3A] {strides = array<i32>} : memref<512xf32, #tpu.memory_space<vmem>>, vector<16xf32>,
      %swap3A_184 = vector.shape_cast %swap3A_183 : vector<16xf32> to vector<16xf32>
      %swap3A_185 = vector.shape_cast %add3A_182 : vector<16xf32> to vector<16xf32>
      tpu.vector_store %arg19[%swap3A], %swap3A_185 {strides = array<i32>} : memref<512xf32, #tpu.memory_space<vmem>>, vector<16xf32>,
      %mul3A_186 = arith.constant 128 : i32
      %mul3A_187 = arith.muli %scan3A_92, %mul3A_186 : i32
      %add3A_188 = arith.constant 16 : i32
      %add3A_189 = arith.addi %mul3A_187, %add3A_188 : i32
      %get3A_190 = arith.index_cast %add3A_189 : i32 to index
      %get3A_191 = tpu.vector_load %arg19[%get3A_190] {strides = array<i32>} : memref<512xf32, #tpu.memory_space<vmem>>, vector<16xf32>,
      %get3A_192 = vector.shape_cast %get3A_191 : vector<16xf32> to vector<16xf32>
      %add3A_193 = arith.constant 0 : i32
      %add3A_194 = arith.addi %add3A_193, %scan3A_92 : i32
      %get3A_195 = arith.index_cast %add3A_194 : i32 to index
      %get3A_196 = arith.constant 16 : index
      %get3A_197 = tpu.vector_load %arg18[%get3A_195, %get3A_196] {strides = array<i32>} : memref<48x128xf32, #tpu.memory_space<vmem>>, vector<1x16xf32>,
      %get3A_198 = vector.shape_cast %get3A_197 : vector<1x16xf32> to vector<16xf32>
      %add3A_199 = arith.addf %get3A_192, %get3A_198 : vector<16xf32>
      %add3A_200 = arith.constant 4 : i32
      %add3A_201 = arith.addi %add3A_200, %scan3A_92 : i32
      %get3A_202 = arith.index_cast %add3A_201 : i32 to index
      %get3A_203 = arith.constant 16 : index
      %get3A_204 = tpu.vector_load %arg18[%get3A_202, %get3A_203] {strides = array<i32>} : memref<48x128xf32, #tpu.memory_space<vmem>>, vector<1x16xf32>,
      %get3A_205 = vector.shape_cast %get3A_204 : vector<1x16xf32> to vector<16xf32>
      %add3A_206 = arith.addf %add3A_199, %get3A_205 : vector<16xf32>
      %add3A_207 = arith.constant 8 : i32
      %add3A_208 = arith.addi %add3A_207, %scan3A_92 : i32
      %get3A_209 = arith.index_cast %add3A_208 : i32 to index
      %get3A_210 = arith.constant 16 : index
      %get3A_211 = tpu.vector_load %arg18[%get3A_209, %get3A_210] {strides = array<i32>} : memref<48x128xf32, #tpu.memory_space<vmem>>, vector<1x16xf32>,
      %get3A_212 = vector.shape_cast %get3A_211 : vector<1x16xf32> to vector<16xf32>
      %add3A_213 = arith.addf %add3A_206, %get3A_212 : vector<16xf32>
      %add3A_214 = arith.constant 12 : i32
      %add3A_215 = arith.addi %add3A_214, %scan3A_92 : i32
      %get3A_216 = arith.index_cast %add3A_215 : i32 to index
      %get3A_217 = arith.constant 16 : index
      %get3A_218 = tpu.vector_load %arg18[%get3A_216, %get3A_217] {strides = array<i32>} : memref<48x128xf32, #tpu.memory_space<vmem>>, vector<1x16xf32>,
      %get3A_219 = vector.shape_cast %get3A_218 : vector<1x16xf32> to vector<16xf32>
      %add3A_220 = arith.addf %add3A_213, %get3A_219 : vector<16xf32>
      %add3A_221 = arith.constant 16 : i32
      %add3A_222 = arith.addi %add3A_221, %scan3A_92 : i32
      %get3A_223 = arith.index_cast %add3A_222 : i32 to index
      %get3A_224 = arith.constant 16 : index
      %get3A_225 = tpu.vector_load %arg18[%get3A_223, %get3A_224] {strides = array<i32>} : memref<48x128xf32, #tpu.memory_space<vmem>>, vector<1x16xf32>,
      %get3A_226 = vector.shape_cast %get3A_225 : vector<1x16xf32> to vector<16xf32>
      %add3A_227 = arith.addf %add3A_220, %get3A_226 : vector<16xf32>
      %add3A_228 = arith.constant 20 : i32
      %add3A_229 = arith.addi %add3A_228, %scan3A_92 : i32
      %get3A_230 = arith.index_cast %add3A_229 : i32 to index
      %get3A_231 = arith.constant 16 : index
      %get3A_232 = tpu.vector_load %arg18[%get3A_230, %get3A_231] {strides = array<i32>} : memref<48x128xf32, #tpu.memory_space<vmem>>, vector<1x16xf32>,
      %get3A_233 = vector.shape_cast %get3A_232 : vector<1x16xf32> to vector<16xf32>
      %add3A_234 = arith.addf %add3A_227, %get3A_233 : vector<16xf32>
      %add3A_235 = arith.constant 24 : i32
      %add3A_236 = arith.addi %add3A_235, %scan3A_92 : i32
      %get3A_237 = arith.index_cast %add3A_236 : i32 to index
      %get3A_238 = arith.constant 16 : index
      %get3A_239 = tpu.vector_load %arg18[%get3A_237, %get3A_238] {strides = array<i32>} : memref<48x128xf32, #tpu.memory_space<vmem>>, vector<1x16xf32>,
      %get3A_240 = vector.shape_cast %get3A_239 : vector<1x16xf32> to vector<16xf32>
      %add3A_241 = arith.addf %add3A_234, %get3A_240 : vector<16xf32>
      %add3A_242 = arith.constant 28 : i32
      %add3A_243 = arith.addi %add3A_242, %scan3A_92 : i32
      %get3A_244 = arith.index_cast %add3A_243 : i32 to index
      %get3A_245 = arith.constant 16 : index
      %get3A_246 = tpu.vector_load %arg18[%get3A_244, %get3A_245] {strides = array<i32>} : memref<48x128xf32, #tpu.memory_space<vmem>>, vector<1x16xf32>,
      %get3A_247 = vector.shape_cast %get3A_246 : vector<1x16xf32> to vector<16xf32>
      %add3A_248 = arith.addf %add3A_241, %get3A_247 : vector<16xf32>
      %add3A_249 = arith.constant 32 : i32
      %add3A_250 = arith.addi %add3A_249, %scan3A_92 : i32
      %get3A_251 = arith.index_cast %add3A_250 : i32 to index
      %get3A_252 = arith.constant 16 : index
      %get3A_253 = tpu.vector_load %arg18[%get3A_251, %get3A_252] {strides = array<i32>} : memref<48x128xf32, #tpu.memory_space<vmem>>, vector<1x16xf32>,
      %get3A_254 = vector.shape_cast %get3A_253 : vector<1x16xf32> to vector<16xf32>
      %add3A_255 = arith.addf %add3A_248, %get3A_254 : vector<16xf32>
      %add3A_256 = arith.constant 36 : i32
      %add3A_257 = arith.addi %add3A_256, %scan3A_92 : i32
      %get3A_258 = arith.index_cast %add3A_257 : i32 to index
      %get3A_259 = arith.constant 16 : index
      %get3A_260 = tpu.vector_load %arg18[%get3A_258, %get3A_259] {strides = array<i32>} : memref<48x128xf32, #tpu.memory_space<vmem>>, vector<1x16xf32>,
      %get3A_261 = vector.shape_cast %get3A_260 : vector<1x16xf32> to vector<16xf32>
      %add3A_262 = arith.addf %add3A_255, %get3A_261 : vector<16xf32>
      %add3A_263 = arith.constant 40 : i32
      %add3A_264 = arith.addi %add3A_263, %scan3A_92 : i32
      %get3A_265 = arith.index_cast %add3A_264 : i32 to index
      %get3A_266 = arith.constant 16 : index
      %get3A_267 = tpu.vector_load %arg18[%get3A_265, %get3A_266] {strides = array<i32>} : memref<48x128xf32, #tpu.memory_space<vmem>>, vector<1x16xf32>,
      %get3A_268 = vector.shape_cast %get3A_267 : vector<1x16xf32> to vector<16xf32>
      %add3A_269 = arith.addf %add3A_262, %get3A_268 : vector<16xf32>
      %add3A_270 = arith.constant 44 : i32
      %add3A_271 = arith.addi %add3A_270, %scan3A_92 : i32
      %get3A_272 = arith.index_cast %add3A_271 : i32 to index
      %get3A_273 = arith.constant 16 : index
      %get3A_274 = tpu.vector_load %arg18[%get3A_272, %get3A_273] {strides = array<i32>} : memref<48x128xf32, #tpu.memory_space<vmem>>, vector<1x16xf32>,
      %get3A_275 = vector.shape_cast %get3A_274 : vector<1x16xf32> to vector<16xf32>
      %add3A_276 = arith.addf %add3A_269, %get3A_275 : vector<16xf32>
      %swap3A_277 = arith.index_cast %add3A_189 : i32 to index
      %swap3A_278 = tpu.vector_load %arg19[%swap3A_277] {strides = array<i32>} : memref<512xf32, #tpu.memory_space<vmem>>, vector<16xf32>,
      %swap3A_279 = vector.shape_cast %swap3A_278 : vector<16xf32> to vector<16xf32>
      %swap3A_280 = vector.shape_cast %add3A_276 : vector<16xf32> to vector<16xf32>
      tpu.vector_store %arg19[%swap3A_277], %swap3A_280 {strides = array<i32>} : memref<512xf32, #tpu.memory_space<vmem>>, vector<16xf32>,
      %mul3A_281 = arith.constant 128 : i32
      %mul3A_282 = arith.muli %scan3A_92, %mul3A_281 : i32
      %add3A_283 = arith.constant 32 : i32
      %add3A_284 = arith.addi %mul3A_282, %add3A_283 : i32
      %get3A_285 = arith.index_cast %add3A_284 : i32 to index
      %get3A_286 = tpu.vector_load %arg19[%get3A_285] {strides = array<i32>} : memref<512xf32, #tpu.memory_space<vmem>>, vector<16xf32>,
      %get3A_287 = vector.shape_cast %get3A_286 : vector<16xf32> to vector<16xf32>
      %add3A_288 = arith.constant 0 : i32
      %add3A_289 = arith.addi %add3A_288, %scan3A_92 : i32
      %get3A_290 = arith.index_cast %add3A_289 : i32 to index
      %get3A_291 = arith.constant 32 : index
      %get3A_292 = tpu.vector_load %arg18[%get3A_290, %get3A_291] {strides = array<i32>} : memref<48x128xf32, #tpu.memory_space<vmem>>, vector<1x16xf32>,
      %get3A_293 = vector.shape_cast %get3A_292 : vector<1x16xf32> to vector<16xf32>
      %add3A_294 = arith.addf %get3A_287, %get3A_293 : vector<16xf32>
      %add3A_295 = arith.constant 4 : i32
      %add3A_296 = arith.addi %add3A_295, %scan3A_92 : i32
      %get3A_297 = arith.index_cast %add3A_296 : i32 to index
      %get3A_298 = arith.constant 32 : index
      %get3A_299 = tpu.vector_load %arg18[%get3A_297, %get3A_298] {strides = array<i32>} : memref<48x128xf32, #tpu.memory_space<vmem>>, vector<1x16xf32>,
      %get3A_300 = vector.shape_cast %get3A_299 : vector<1x16xf32> to vector<16xf32>
      %add3A_301 = arith.addf %add3A_294, %get3A_300 : vector<16xf32>
      %add3A_302 = arith.constant 8 : i32
      %add3A_303 = arith.addi %add3A_302, %scan3A_92 : i32
      %get3A_304 = arith.index_cast %add3A_303 : i32 to index
      %get3A_305 = arith.constant 32 : index
      %get3A_306 = tpu.vector_load %arg18[%get3A_304, %get3A_305] {strides = array<i32>} : memref<48x128xf32, #tpu.memory_space<vmem>>, vector<1x16xf32>,
      %get3A_307 = vector.shape_cast %get3A_306 : vector<1x16xf32> to vector<16xf32>
      %add3A_308 = arith.addf %add3A_301, %get3A_307 : vector<16xf32>
      %add3A_309 = arith.constant 12 : i32
      %add3A_310 = arith.addi %add3A_309, %scan3A_92 : i32
      %get3A_311 = arith.index_cast %add3A_310 : i32 to index
      %get3A_312 = arith.constant 32 : index
      %get3A_313 = tpu.vector_load %arg18[%get3A_311, %get3A_312] {strides = array<i32>} : memref<48x128xf32, #tpu.memory_space<vmem>>, vector<1x16xf32>,
      %get3A_314 = vector.shape_cast %get3A_313 : vector<1x16xf32> to vector<16xf32>
      %add3A_315 = arith.addf %add3A_308, %get3A_314 : vector<16xf32>
      %add3A_316 = arith.constant 16 : i32
      %add3A_317 = arith.addi %add3A_316, %scan3A_92 : i32
      %get3A_318 = arith.index_cast %add3A_317 : i32 to index
      %get3A_319 = arith.constant 32 : index
      %get3A_320 = tpu.vector_load %arg18[%get3A_318, %get3A_319] {strides = array<i32>} : memref<48x128xf32, #tpu.memory_space<vmem>>, vector<1x16xf32>,
      %get3A_321 = vector.shape_cast %get3A_320 : vector<1x16xf32> to vector<16xf32>
      %add3A_322 = arith.addf %add3A_315, %get3A_321 : vector<16xf32>
      %add3A_323 = arith.constant 20 : i32
      %add3A_324 = arith.addi %add3A_323, %scan3A_92 : i32
      %get3A_325 = arith.index_cast %add3A_324 : i32 to index
      %get3A_326 = arith.constant 32 : index
      %get3A_327 = tpu.vector_load %arg18[%get3A_325, %get3A_326] {strides = array<i32>} : memref<48x128xf32, #tpu.memory_space<vmem>>, vector<1x16xf32>,
      %get3A_328 = vector.shape_cast %get3A_327 : vector<1x16xf32> to vector<16xf32>
      %add3A_329 = arith.addf %add3A_322, %get3A_328 : vector<16xf32>
      %add3A_330 = arith.constant 24 : i32
      %add3A_331 = arith.addi %add3A_330, %scan3A_92 : i32
      %get3A_332 = arith.index_cast %add3A_331 : i32 to index
      %get3A_333 = arith.constant 32 : index
      %get3A_334 = tpu.vector_load %arg18[%get3A_332, %get3A_333] {strides = array<i32>} : memref<48x128xf32, #tpu.memory_space<vmem>>, vector<1x16xf32>,
      %get3A_335 = vector.shape_cast %get3A_334 : vector<1x16xf32> to vector<16xf32>
      %add3A_336 = arith.addf %add3A_329, %get3A_335 : vector<16xf32>
      %add3A_337 = arith.constant 28 : i32
      %add3A_338 = arith.addi %add3A_337, %scan3A_92 : i32
      %get3A_339 = arith.index_cast %add3A_338 : i32 to index
      %get3A_340 = arith.constant 32 : index
      %get3A_341 = tpu.vector_load %arg18[%get3A_339, %get3A_340] {strides = array<i32>} : memref<48x128xf32, #tpu.memory_space<vmem>>, vector<1x16xf32>,
      %get3A_342 = vector.shape_cast %get3A_341 : vector<1x16xf32> to vector<16xf32>
      %add3A_343 = arith.addf %add3A_336, %get3A_342 : vector<16xf32>
      %add3A_344 = arith.constant 32 : i32
      %add3A_345 = arith.addi %add3A_344, %scan3A_92 : i32
      %get3A_346 = arith.index_cast %add3A_345 : i32 to index
      %get3A_347 = arith.constant 32 : index
      %get3A_348 = tpu.vector_load %arg18[%get3A_346, %get3A_347] {strides = array<i32>} : memref<48x128xf32, #tpu.memory_space<vmem>>, vector<1x16xf32>,
      %get3A_349 = vector.shape_cast %get3A_348 : vector<1x16xf32> to vector<16xf32>
      %add3A_350 = arith.addf %add3A_343, %get3A_349 : vector<16xf32>
      %add3A_351 = arith.constant 36 : i32
      %add3A_352 = arith.addi %add3A_351, %scan3A_92 : i32
      %get3A_353 = arith.index_cast %add3A_352 : i32 to index
      %get3A_354 = arith.constant 32 : index
      %get3A_355 = tpu.vector_load %arg18[%get3A_353, %get3A_354] {strides = array<i32>} : memref<48x128xf32, #tpu.memory_space<vmem>>, vector<1x16xf32>,
      %get3A_356 = vector.shape_cast %get3A_355 : vector<1x16xf32> to vector<16xf32>
      %add3A_357 = arith.addf %add3A_350, %get3A_356 : vector<16xf32>
      %add3A_358 = arith.constant 40 : i32
      %add3A_359 = arith.addi %add3A_358, %scan3A_92 : i32
      %get3A_360 = arith.index_cast %add3A_359 : i32 to index
      %get3A_361 = arith.constant 32 : index
      %get3A_362 = tpu.vector_load %arg18[%get3A_360, %get3A_361] {strides = array<i32>} : memref<48x128xf32, #tpu.memory_space<vmem>>, vector<1x16xf32>,
      %get3A_363 = vector.shape_cast %get3A_362 : vector<1x16xf32> to vector<16xf32>
      %add3A_364 = arith.addf %add3A_357, %get3A_363 : vector<16xf32>
      %add3A_365 = arith.constant 44 : i32
      %add3A_366 = arith.addi %add3A_365, %scan3A_92 : i32
      %get3A_367 = arith.index_cast %add3A_366 : i32 to index
      %get3A_368 = arith.constant 32 : index
      %get3A_369 = tpu.vector_load %arg18[%get3A_367, %get3A_368] {strides = array<i32>} : memref<48x128xf32, #tpu.memory_space<vmem>>, vector<1x16xf32>,
      %get3A_370 = vector.shape_cast %get3A_369 : vector<1x16xf32> to vector<16xf32>
      %add3A_371 = arith.addf %add3A_364, %get3A_370 : vector<16xf32>
      %swap3A_372 = arith.index_cast %add3A_284 : i32 to index
      %swap3A_373 = tpu.vector_load %arg19[%swap3A_372] {strides = array<i32>} : memref<512xf32, #tpu.memory_space<vmem>>, vector<16xf32>,
      %swap3A_374 = vector.shape_cast %swap3A_373 : vector<16xf32> to vector<16xf32>
      %swap3A_375 = vector.shape_cast %add3A_371 : vector<16xf32> to vector<16xf32>
      tpu.vector_store %arg19[%swap3A_372], %swap3A_375 {strides = array<i32>} : memref<512xf32, #tpu.memory_space<vmem>>, vector<16xf32>,
      %mul3A_376 = arith.constant 128 : i32
      %mul3A_377 = arith.muli %scan3A_92, %mul3A_376 : i32
      %add3A_378 = arith.constant 48 : i32
      %add3A_379 = arith.addi %mul3A_377, %add3A_378 : i32
      %get3A_380 = arith.index_cast %add3A_379 : i32 to index
      %get3A_381 = tpu.vector_load %arg19[%get3A_380] {strides = array<i32>} : memref<512xf32, #tpu.memory_space<vmem>>, vector<16xf32>,
      %get3A_382 = vector.shape_cast %get3A_381 : vector<16xf32> to vector<16xf32>
      %add3A_383 = arith.constant 0 : i32
      %add3A_384 = arith.addi %add3A_383, %scan3A_92 : i32
      %get3A_385 = arith.index_cast %add3A_384 : i32 to index
      %get3A_386 = arith.constant 48 : index
      %get3A_387 = tpu.vector_load %arg18[%get3A_385, %get3A_386] {strides = array<i32>} : memref<48x128xf32, #tpu.memory_space<vmem>>, vector<1x16xf32>,
      %get3A_388 = vector.shape_cast %get3A_387 : vector<1x16xf32> to vector<16xf32>
      %add3A_389 = arith.addf %get3A_382, %get3A_388 : vector<16xf32>
      %add3A_390 = arith.constant 4 : i32
      %add3A_391 = arith.addi %add3A_390, %scan3A_92 : i32
      %get3A_392 = arith.index_cast %add3A_391 : i32 to index
      %get3A_393 = arith.constant 48 : index
      %get3A_394 = tpu.vector_load %arg18[%get3A_392, %get3A_393] {strides = array<i32>} : memref<48x128xf32, #tpu.memory_space<vmem>>, vector<1x16xf32>,
      %get3A_395 = vector.shape_cast %get3A_394 : vector<1x16xf32> to vector<16xf32>
      %add3A_396 = arith.addf %add3A_389, %get3A_395 : vector<16xf32>
      %add3A_397 = arith.constant 8 : i32
      %add3A_398 = arith.addi %add3A_397, %scan3A_92 : i32
      %get3A_399 = arith.index_cast %add3A_398 : i32 to index
      %get3A_400 = arith.constant 48 : index
      %get3A_401 = tpu.vector_load %arg18[%get3A_399, %get3A_400] {strides = array<i32>} : memref<48x128xf32, #tpu.memory_space<vmem>>, vector<1x16xf32>,
      %get3A_402 = vector.shape_cast %get3A_401 : vector<1x16xf32> to vector<16xf32>
      %add3A_403 = arith.addf %add3A_396, %get3A_402 : vector<16xf32>
      %add3A_404 = arith.constant 12 : i32
      %add3A_405 = arith.addi %add3A_404, %scan3A_92 : i32
      %get3A_406 = arith.index_cast %add3A_405 : i32 to index
      %get3A_407 = arith.constant 48 : index
      %get3A_408 = tpu.vector_load %arg18[%get3A_406, %get3A_407] {strides = array<i32>} : memref<48x128xf32, #tpu.memory_space<vmem>>, vector<1x16xf32>,
      %get3A_409 = vector.shape_cast %get3A_408 : vector<1x16xf32> to vector<16xf32>
      %add3A_410 = arith.addf %add3A_403, %get3A_409 : vector<16xf32>
      %add3A_411 = arith.constant 16 : i32
      %add3A_412 = arith.addi %add3A_411, %scan3A_92 : i32
      %get3A_413 = arith.index_cast %add3A_412 : i32 to index
      %get3A_414 = arith.constant 48 : index
      %get3A_415 = tpu.vector_load %arg18[%get3A_413, %get3A_414] {strides = array<i32>} : memref<48x128xf32, #tpu.memory_space<vmem>>, vector<1x16xf32>,
      %get3A_416 = vector.shape_cast %get3A_415 : vector<1x16xf32> to vector<16xf32>
      %add3A_417 = arith.addf %add3A_410, %get3A_416 : vector<16xf32>
      %add3A_418 = arith.constant 20 : i32
      %add3A_419 = arith.addi %add3A_418, %scan3A_92 : i32
      %get3A_420 = arith.index_cast %add3A_419 : i32 to index
      %get3A_421 = arith.constant 48 : index
      %get3A_422 = tpu.vector_load %arg18[%get3A_420, %get3A_421] {strides = array<i32>} : memref<48x128xf32, #tpu.memory_space<vmem>>, vector<1x16xf32>,
      %get3A_423 = vector.shape_cast %get3A_422 : vector<1x16xf32> to vector<16xf32>
      %add3A_424 = arith.addf %add3A_417, %get3A_423 : vector<16xf32>
      %add3A_425 = arith.constant 24 : i32
      %add3A_426 = arith.addi %add3A_425, %scan3A_92 : i32
      %get3A_427 = arith.index_cast %add3A_426 : i32 to index
      %get3A_428 = arith.constant 48 : index
      %get3A_429 = tpu.vector_load %arg18[%get3A_427, %get3A_428] {strides = array<i32>} : memref<48x128xf32, #tpu.memory_space<vmem>>, vector<1x16xf32>,
      %get3A_430 = vector.shape_cast %get3A_429 : vector<1x16xf32> to vector<16xf32>
      %add3A_431 = arith.addf %add3A_424, %get3A_430 : vector<16xf32>
      %add3A_432 = arith.constant 28 : i32
      %add3A_433 = arith.addi %add3A_432, %scan3A_92 : i32
      %get3A_434 = arith.index_cast %add3A_433 : i32 to index
      %get3A_435 = arith.constant 48 : index
      %get3A_436 = tpu.vector_load %arg18[%get3A_434, %get3A_435] {strides = array<i32>} : memref<48x128xf32, #tpu.memory_space<vmem>>, vector<1x16xf32>,
      %get3A_437 = vector.shape_cast %get3A_436 : vector<1x16xf32> to vector<16xf32>
      %add3A_438 = arith.addf %add3A_431, %get3A_437 : vector<16xf32>
      %add3A_439 = arith.constant 32 : i32
      %add3A_440 = arith.addi %add3A_439, %scan3A_92 : i32
      %get3A_441 = arith.index_cast %add3A_440 : i32 to index
      %get3A_442 = arith.constant 48 : index
      %get3A_443 = tpu.vector_load %arg18[%get3A_441, %get3A_442] {strides = array<i32>} : memref<48x128xf32, #tpu.memory_space<vmem>>, vector<1x16xf32>,
      %get3A_444 = vector.shape_cast %get3A_443 : vector<1x16xf32> to vector<16xf32>
      %add3A_445 = arith.addf %add3A_438, %get3A_444 : vector<16xf32>
      %add3A_446 = arith.constant 36 : i32
      %add3A_447 = arith.addi %add3A_446, %scan3A_92 : i32
      %get3A_448 = arith.index_cast %add3A_447 : i32 to index
      %get3A_449 = arith.constant 48 : index
      %get3A_450 = tpu.vector_load %arg18[%get3A_448, %get3A_449] {strides = array<i32>} : memref<48x128xf32, #tpu.memory_space<vmem>>, vector<1x16xf32>,
      %get3A_451 = vector.shape_cast %get3A_450 : vector<1x16xf32> to vector<16xf32>
      %add3A_452 = arith.addf %add3A_445, %get3A_451 : vector<16xf32>
      %add3A_453 = arith.constant 40 : i32
      %add3A_454 = arith.addi %add3A_453, %scan3A_92 : i32
      %get3A_455 = arith.index_cast %add3A_454 : i32 to index
      %get3A_456 = arith.constant 48 : index
      %get3A_457 = tpu.vector_load %arg18[%get3A_455, %get3A_456] {strides = array<i32>} : memref<48x128xf32, #tpu.memory_space<vmem>>, vector<1x16xf32>,
      %get3A_458 = vector.shape_cast %get3A_457 : vector<1x16xf32> to vector<16xf32>
      %add3A_459 = arith.addf %add3A_452, %get3A_458 : vector<16xf32>
      %add3A_460 = arith.constant 44 : i32
      %add3A_461 = arith.addi %add3A_460, %scan3A_92 : i32
      %get3A_462 = arith.index_cast %add3A_461 : i32 to index
      %get3A_463 = arith.constant 48 : index
      %get3A_464 = tpu.vector_load %arg18[%get3A_462, %get3A_463] {strides = array<i32>} : memref<48x128xf32, #tpu.memory_space<vmem>>, vector<1x16xf32>,
      %get3A_465 = vector.shape_cast %get3A_464 : vector<1x16xf32> to vector<16xf32>
      %add3A_466 = arith.addf %add3A_459, %get3A_465 : vector<16xf32>
      %swap3A_467 = arith.index_cast %add3A_379 : i32 to index
      %swap3A_468 = tpu.vector_load %arg19[%swap3A_467] {strides = array<i32>} : memref<512xf32, #tpu.memory_space<vmem>>, vector<16xf32>,
      %swap3A_469 = vector.shape_cast %swap3A_468 : vector<16xf32> to vector<16xf32>
      %swap3A_470 = vector.shape_cast %add3A_466 : vector<16xf32> to vector<16xf32>
      tpu.vector_store %arg19[%swap3A_467], %swap3A_470 {strides = array<i32>} : memref<512xf32, #tpu.memory_space<vmem>>, vector<16xf32>,
      %mul3A_471 = arith.constant 128 : i32
      %mul3A_472 = arith.muli %scan3A_92, %mul3A_471 : i32
      %add3A_473 = arith.constant 64 : i32
      %add3A_474 = arith.addi %mul3A_472, %add3A_473 : i32
      %get3A_475 = arith.index_cast %add3A_474 : i32 to index
      %get3A_476 = tpu.vector_load %arg19[%get3A_475] {strides = array<i32>} : memref<512xf32, #tpu.memory_space<vmem>>, vector<16xf32>,
      %get3A_477 = vector.shape_cast %get3A_476 : vector<16xf32> to vector<16xf32>
      %add3A_478 = arith.constant 0 : i32
      %add3A_479 = arith.addi %add3A_478, %scan3A_92 : i32
      %get3A_480 = arith.index_cast %add3A_479 : i32 to index
      %get3A_481 = arith.constant 64 : index
      %get3A_482 = tpu.vector_load %arg18[%get3A_480, %get3A_481] {strides = array<i32>} : memref<48x128xf32, #tpu.memory_space<vmem>>, vector<1x16xf32>,
      %get3A_483 = vector.shape_cast %get3A_482 : vector<1x16xf32> to vector<16xf32>
      %add3A_484 = arith.addf %get3A_477, %get3A_483 : vector<16xf32>
      %add3A_485 = arith.constant 4 : i32
      %add3A_486 = arith.addi %add3A_485, %scan3A_92 : i32
      %get3A_487 = arith.index_cast %add3A_486 : i32 to index
      %get3A_488 = arith.constant 64 : index
      %get3A_489 = tpu.vector_load %arg18[%get3A_487, %get3A_488] {strides = array<i32>} : memref<48x128xf32, #tpu.memory_space<vmem>>, vector<1x16xf32>,
      %get3A_490 = vector.shape_cast %get3A_489 : vector<1x16xf32> to vector<16xf32>
      %add3A_491 = arith.addf %add3A_484, %get3A_490 : vector<16xf32>
      %add3A_492 = arith.constant 8 : i32
      %add3A_493 = arith.addi %add3A_492, %scan3A_92 : i32
      %get3A_494 = arith.index_cast %add3A_493 : i32 to index
      %get3A_495 = arith.constant 64 : index
      %get3A_496 = tpu.vector_load %arg18[%get3A_494, %get3A_495] {strides = array<i32>} : memref<48x128xf32, #tpu.memory_space<vmem>>, vector<1x16xf32>,
      %get3A_497 = vector.shape_cast %get3A_496 : vector<1x16xf32> to vector<16xf32>
      %add3A_498 = arith.addf %add3A_491, %get3A_497 : vector<16xf32>
      %add3A_499 = arith.constant 12 : i32
      %add3A_500 = arith.addi %add3A_499, %scan3A_92 : i32
      %get3A_501 = arith.index_cast %add3A_500 : i32 to index
      %get3A_502 = arith.constant 64 : index
      %get3A_503 = tpu.vector_load %arg18[%get3A_501, %get3A_502] {strides = array<i32>} : memref<48x128xf32, #tpu.memory_space<vmem>>, vector<1x16xf32>,
      %get3A_504 = vector.shape_cast %get3A_503 : vector<1x16xf32> to vector<16xf32>
      %add3A_505 = arith.addf %add3A_498, %get3A_504 : vector<16xf32>
      %add3A_506 = arith.constant 16 : i32
      %add3A_507 = arith.addi %add3A_506, %scan3A_92 : i32
      %get3A_508 = arith.index_cast %add3A_507 : i32 to index
      %get3A_509 = arith.constant 64 : index
      %get3A_510 = tpu.vector_load %arg18[%get3A_508, %get3A_509] {strides = array<i32>} : memref<48x128xf32, #tpu.memory_space<vmem>>, vector<1x16xf32>,
      %get3A_511 = vector.shape_cast %get3A_510 : vector<1x16xf32> to vector<16xf32>
      %add3A_512 = arith.addf %add3A_505, %get3A_511 : vector<16xf32>
      %add3A_513 = arith.constant 20 : i32
      %add3A_514 = arith.addi %add3A_513, %scan3A_92 : i32
      %get3A_515 = arith.index_cast %add3A_514 : i32 to index
      %get3A_516 = arith.constant 64 : index
      %get3A_517 = tpu.vector_load %arg18[%get3A_515, %get3A_516] {strides = array<i32>} : memref<48x128xf32, #tpu.memory_space<vmem>>, vector<1x16xf32>,
      %get3A_518 = vector.shape_cast %get3A_517 : vector<1x16xf32> to vector<16xf32>
      %add3A_519 = arith.addf %add3A_512, %get3A_518 : vector<16xf32>
      %add3A_520 = arith.constant 24 : i32
      %add3A_521 = arith.addi %add3A_520, %scan3A_92 : i32
      %get3A_522 = arith.index_cast %add3A_521 : i32 to index
      %get3A_523 = arith.constant 64 : index
      %get3A_524 = tpu.vector_load %arg18[%get3A_522, %get3A_523] {strides = array<i32>} : memref<48x128xf32, #tpu.memory_space<vmem>>, vector<1x16xf32>,
      %get3A_525 = vector.shape_cast %get3A_524 : vector<1x16xf32> to vector<16xf32>
      %add3A_526 = arith.addf %add3A_519, %get3A_525 : vector<16xf32>
      %add3A_527 = arith.constant 28 : i32
      %add3A_528 = arith.addi %add3A_527, %scan3A_92 : i32
      %get3A_529 = arith.index_cast %add3A_528 : i32 to index
      %get3A_530 = arith.constant 64 : index
      %get3A_531 = tpu.vector_load %arg18[%get3A_529, %get3A_530] {strides = array<i32>} : memref<48x128xf32, #tpu.memory_space<vmem>>, vector<1x16xf32>,
      %get3A_532 = vector.shape_cast %get3A_531 : vector<1x16xf32> to vector<16xf32>
      %add3A_533 = arith.addf %add3A_526, %get3A_532 : vector<16xf32>
      %add3A_534 = arith.constant 32 : i32
      %add3A_535 = arith.addi %add3A_534, %scan3A_92 : i32
      %get3A_536 = arith.index_cast %add3A_535 : i32 to index
      %get3A_537 = arith.constant 64 : index
      %get3A_538 = tpu.vector_load %arg18[%get3A_536, %get3A_537] {strides = array<i32>} : memref<48x128xf32, #tpu.memory_space<vmem>>, vector<1x16xf32>,
      %get3A_539 = vector.shape_cast %get3A_538 : vector<1x16xf32> to vector<16xf32>
      %add3A_540 = arith.addf %add3A_533, %get3A_539 : vector<16xf32>
      %add3A_541 = arith.constant 36 : i32
      %add3A_542 = arith.addi %add3A_541, %scan3A_92 : i32
      %get3A_543 = arith.index_cast %add3A_542 : i32 to index
      %get3A_544 = arith.constant 64 : index
      %get3A_545 = tpu.vector_load %arg18[%get3A_543, %get3A_544] {strides = array<i32>} : memref<48x128xf32, #tpu.memory_space<vmem>>, vector<1x16xf32>,
      %get3A_546 = vector.shape_cast %get3A_545 : vector<1x16xf32> to vector<16xf32>
      %add3A_547 = arith.addf %add3A_540, %get3A_546 : vector<16xf32>
      %add3A_548 = arith.constant 40 : i32
      %add3A_549 = arith.addi %add3A_548, %scan3A_92 : i32
      %get3A_550 = arith.index_cast %add3A_549 : i32 to index
      %get3A_551 = arith.constant 64 : index
      %get3A_552 = tpu.vector_load %arg18[%get3A_550, %get3A_551] {strides = array<i32>} : memref<48x128xf32, #tpu.memory_space<vmem>>, vector<1x16xf32>,
      %get3A_553 = vector.shape_cast %get3A_552 : vector<1x16xf32> to vector<16xf32>
      %add3A_554 = arith.addf %add3A_547, %get3A_553 : vector<16xf32>
      %add3A_555 = arith.constant 44 : i32
      %add3A_556 = arith.addi %add3A_555, %scan3A_92 : i32
      %get3A_557 = arith.index_cast %add3A_556 : i32 to index
      %get3A_558 = arith.constant 64 : index
      %get3A_559 = tpu.vector_load %arg18[%get3A_557, %get3A_558] {strides = array<i32>} : memref<48x128xf32, #tpu.memory_space<vmem>>, vector<1x16xf32>,
      %get3A_560 = vector.shape_cast %get3A_559 : vector<1x16xf32> to vector<16xf32>
      %add3A_561 = arith.addf %add3A_554, %get3A_560 : vector<16xf32>
      %swap3A_562 = arith.index_cast %add3A_474 : i32 to index
      %swap3A_563 = tpu.vector_load %arg19[%swap3A_562] {strides = array<i32>} : memref<512xf32, #tpu.memory_space<vmem>>, vector<16xf32>,
      %swap3A_564 = vector.shape_cast %swap3A_563 : vector<16xf32> to vector<16xf32>
      %swap3A_565 = vector.shape_cast %add3A_561 : vector<16xf32> to vector<16xf32>
      tpu.vector_store %arg19[%swap3A_562], %swap3A_565 {strides = array<i32>} : memref<512xf32, #tpu.memory_space<vmem>>, vector<16xf32>,
      %mul3A_566 = arith.constant 128 : i32
      %mul3A_567 = arith.muli %scan3A_92, %mul3A_566 : i32
      %add3A_568 = arith.constant 80 : i32
      %add3A_569 = arith.addi %mul3A_567, %add3A_568 : i32
      %get3A_570 = arith.index_cast %add3A_569 : i32 to index
      %get3A_571 = tpu.vector_load %arg19[%get3A_570] {strides = array<i32>} : memref<512xf32, #tpu.memory_space<vmem>>, vector<16xf32>,
      %get3A_572 = vector.shape_cast %get3A_571 : vector<16xf32> to vector<16xf32>
      %add3A_573 = arith.constant 0 : i32
      %add3A_574 = arith.addi %add3A_573, %scan3A_92 : i32
      %get3A_575 = arith.index_cast %add3A_574 : i32 to index
      %get3A_576 = arith.constant 80 : index
      %get3A_577 = tpu.vector_load %arg18[%get3A_575, %get3A_576] {strides = array<i32>} : memref<48x128xf32, #tpu.memory_space<vmem>>, vector<1x16xf32>,
      %get3A_578 = vector.shape_cast %get3A_577 : vector<1x16xf32> to vector<16xf32>
      %add3A_579 = arith.addf %get3A_572, %get3A_578 : vector<16xf32>
      %add3A_580 = arith.constant 4 : i32
      %add3A_581 = arith.addi %add3A_580, %scan3A_92 : i32
      %get3A_582 = arith.index_cast %add3A_581 : i32 to index
      %get3A_583 = arith.constant 80 : index
      %get3A_584 = tpu.vector_load %arg18[%get3A_582, %get3A_583] {strides = array<i32>} : memref<48x128xf32, #tpu.memory_space<vmem>>, vector<1x16xf32>,
      %get3A_585 = vector.shape_cast %get3A_584 : vector<1x16xf32> to vector<16xf32>
      %add3A_586 = arith.addf %add3A_579, %get3A_585 : vector<16xf32>
      %add3A_587 = arith.constant 8 : i32
      %add3A_588 = arith.addi %add3A_587, %scan3A_92 : i32
      %get3A_589 = arith.index_cast %add3A_588 : i32 to index
      %get3A_590 = arith.constant 80 : index
      %get3A_591 = tpu.vector_load %arg18[%get3A_589, %get3A_590] {strides = array<i32>} : memref<48x128xf32, #tpu.memory_space<vmem>>, vector<1x16xf32>,
      %get3A_592 = vector.shape_cast %get3A_591 : vector<1x16xf32> to vector<16xf32>
      %add3A_593 = arith.addf %add3A_586, %get3A_592 : vector<16xf32>
      %add3A_594 = arith.constant 12 : i32
      %add3A_595 = arith.addi %add3A_594, %scan3A_92 : i32
      %get3A_596 = arith.index_cast %add3A_595 : i32 to index
      %get3A_597 = arith.constant 80 : index
      %get3A_598 = tpu.vector_load %arg18[%get3A_596, %get3A_597] {strides = array<i32>} : memref<48x128xf32, #tpu.memory_space<vmem>>, vector<1x16xf32>,
      %get3A_599 = vector.shape_cast %get3A_598 : vector<1x16xf32> to vector<16xf32>
      %add3A_600 = arith.addf %add3A_593, %get3A_599 : vector<16xf32>
      %add3A_601 = arith.constant 16 : i32
      %add3A_602 = arith.addi %add3A_601, %scan3A_92 : i32
      %get3A_603 = arith.index_cast %add3A_602 : i32 to index
      %get3A_604 = arith.constant 80 : index
      %get3A_605 = tpu.vector_load %arg18[%get3A_603, %get3A_604] {strides = array<i32>} : memref<48x128xf32, #tpu.memory_space<vmem>>, vector<1x16xf32>,
      %get3A_606 = vector.shape_cast %get3A_605 : vector<1x16xf32> to vector<16xf32>
      %add3A_607 = arith.addf %add3A_600, %get3A_606 : vector<16xf32>
      %add3A_608 = arith.constant 20 : i32
      %add3A_609 = arith.addi %add3A_608, %scan3A_92 : i32
      %get3A_610 = arith.index_cast %add3A_609 : i32 to index
      %get3A_611 = arith.constant 80 : index
      %get3A_612 = tpu.vector_load %arg18[%get3A_610, %get3A_611] {strides = array<i32>} : memref<48x128xf32, #tpu.memory_space<vmem>>, vector<1x16xf32>,
      %get3A_613 = vector.shape_cast %get3A_612 : vector<1x16xf32> to vector<16xf32>
      %add3A_614 = arith.addf %add3A_607, %get3A_613 : vector<16xf32>
      %add3A_615 = arith.constant 24 : i32
      %add3A_616 = arith.addi %add3A_615, %scan3A_92 : i32
      %get3A_617 = arith.index_cast %add3A_616 : i32 to index
      %get3A_618 = arith.constant 80 : index
      %get3A_619 = tpu.vector_load %arg18[%get3A_617, %get3A_618] {strides = array<i32>} : memref<48x128xf32, #tpu.memory_space<vmem>>, vector<1x16xf32>,
      %get3A_620 = vector.shape_cast %get3A_619 : vector<1x16xf32> to vector<16xf32>
      %add3A_621 = arith.addf %add3A_614, %get3A_620 : vector<16xf32>
      %add3A_622 = arith.constant 28 : i32
      %add3A_623 = arith.addi %add3A_622, %scan3A_92 : i32
      %get3A_624 = arith.index_cast %add3A_623 : i32 to index
      %get3A_625 = arith.constant 80 : index
      %get3A_626 = tpu.vector_load %arg18[%get3A_624, %get3A_625] {strides = array<i32>} : memref<48x128xf32, #tpu.memory_space<vmem>>, vector<1x16xf32>,
      %get3A_627 = vector.shape_cast %get3A_626 : vector<1x16xf32> to vector<16xf32>
      %add3A_628 = arith.addf %add3A_621, %get3A_627 : vector<16xf32>
      %add3A_629 = arith.constant 32 : i32
      %add3A_630 = arith.addi %add3A_629, %scan3A_92 : i32
      %get3A_631 = arith.index_cast %add3A_630 : i32 to index
      %get3A_632 = arith.constant 80 : index
      %get3A_633 = tpu.vector_load %arg18[%get3A_631, %get3A_632] {strides = array<i32>} : memref<48x128xf32, #tpu.memory_space<vmem>>, vector<1x16xf32>,
      %get3A_634 = vector.shape_cast %get3A_633 : vector<1x16xf32> to vector<16xf32>
      %add3A_635 = arith.addf %add3A_628, %get3A_634 : vector<16xf32>
      %add3A_636 = arith.constant 36 : i32
      %add3A_637 = arith.addi %add3A_636, %scan3A_92 : i32
      %get3A_638 = arith.index_cast %add3A_637 : i32 to index
      %get3A_639 = arith.constant 80 : index
      %get3A_640 = tpu.vector_load %arg18[%get3A_638, %get3A_639] {strides = array<i32>} : memref<48x128xf32, #tpu.memory_space<vmem>>, vector<1x16xf32>,
      %get3A_641 = vector.shape_cast %get3A_640 : vector<1x16xf32> to vector<16xf32>
      %add3A_642 = arith.addf %add3A_635, %get3A_641 : vector<16xf32>
      %add3A_643 = arith.constant 40 : i32
      %add3A_644 = arith.addi %add3A_643, %scan3A_92 : i32
      %get3A_645 = arith.index_cast %add3A_644 : i32 to index
      %get3A_646 = arith.constant 80 : index
      %get3A_647 = tpu.vector_load %arg18[%get3A_645, %get3A_646] {strides = array<i32>} : memref<48x128xf32, #tpu.memory_space<vmem>>, vector<1x16xf32>,
      %get3A_648 = vector.shape_cast %get3A_647 : vector<1x16xf32> to vector<16xf32>
      %add3A_649 = arith.addf %add3A_642, %get3A_648 : vector<16xf32>
      %add3A_650 = arith.constant 44 : i32
      %add3A_651 = arith.addi %add3A_650, %scan3A_92 : i32
      %get3A_652 = arith.index_cast %add3A_651 : i32 to index
      %get3A_653 = arith.constant 80 : index
      %get3A_654 = tpu.vector_load %arg18[%get3A_652, %get3A_653] {strides = array<i32>} : memref<48x128xf32, #tpu.memory_space<vmem>>, vector<1x16xf32>,
      %get3A_655 = vector.shape_cast %get3A_654 : vector<1x16xf32> to vector<16xf32>
      %add3A_656 = arith.addf %add3A_649, %get3A_655 : vector<16xf32>
      %swap3A_657 = arith.index_cast %add3A_569 : i32 to index
      %swap3A_658 = tpu.vector_load %arg19[%swap3A_657] {strides = array<i32>} : memref<512xf32, #tpu.memory_space<vmem>>, vector<16xf32>,
      %swap3A_659 = vector.shape_cast %swap3A_658 : vector<16xf32> to vector<16xf32>
      %swap3A_660 = vector.shape_cast %add3A_656 : vector<16xf32> to vector<16xf32>
      tpu.vector_store %arg19[%swap3A_657], %swap3A_660 {strides = array<i32>} : memref<512xf32, #tpu.memory_space<vmem>>, vector<16xf32>,
      %mul3A_661 = arith.constant 128 : i32
      %mul3A_662 = arith.muli %scan3A_92, %mul3A_661 : i32
      %add3A_663 = arith.constant 96 : i32
      %add3A_664 = arith.addi %mul3A_662, %add3A_663 : i32
      %get3A_665 = arith.index_cast %add3A_664 : i32 to index
      %get3A_666 = tpu.vector_load %arg19[%get3A_665] {strides = array<i32>} : memref<512xf32, #tpu.memory_space<vmem>>, vector<16xf32>,
      %get3A_667 = vector.shape_cast %get3A_666 : vector<16xf32> to vector<16xf32>
      %add3A_668 = arith.constant 0 : i32
      %add3A_669 = arith.addi %add3A_668, %scan3A_92 : i32
      %get3A_670 = arith.index_cast %add3A_669 : i32 to index
      %get3A_671 = arith.constant 96 : index
      %get3A_672 = tpu.vector_load %arg18[%get3A_670, %get3A_671] {strides = array<i32>} : memref<48x128xf32, #tpu.memory_space<vmem>>, vector<1x16xf32>,
      %get3A_673 = vector.shape_cast %get3A_672 : vector<1x16xf32> to vector<16xf32>
      %add3A_674 = arith.addf %get3A_667, %get3A_673 : vector<16xf32>
      %add3A_675 = arith.constant 4 : i32
      %add3A_676 = arith.addi %add3A_675, %scan3A_92 : i32
      %get3A_677 = arith.index_cast %add3A_676 : i32 to index
      %get3A_678 = arith.constant 96 : index
      %get3A_679 = tpu.vector_load %arg18[%get3A_677, %get3A_678] {strides = array<i32>} : memref<48x128xf32, #tpu.memory_space<vmem>>, vector<1x16xf32>,
      %get3A_680 = vector.shape_cast %get3A_679 : vector<1x16xf32> to vector<16xf32>
      %add3A_681 = arith.addf %add3A_674, %get3A_680 : vector<16xf32>
      %add3A_682 = arith.constant 8 : i32
      %add3A_683 = arith.addi %add3A_682, %scan3A_92 : i32
      %get3A_684 = arith.index_cast %add3A_683 : i32 to index
      %get3A_685 = arith.constant 96 : index
      %get3A_686 = tpu.vector_load %arg18[%get3A_684, %get3A_685] {strides = array<i32>} : memref<48x128xf32, #tpu.memory_space<vmem>>, vector<1x16xf32>,
      %get3A_687 = vector.shape_cast %get3A_686 : vector<1x16xf32> to vector<16xf32>
      %add3A_688 = arith.addf %add3A_681, %get3A_687 : vector<16xf32>
      %add3A_689 = arith.constant 12 : i32
      %add3A_690 = arith.addi %add3A_689, %scan3A_92 : i32
      %get3A_691 = arith.index_cast %add3A_690 : i32 to index
      %get3A_692 = arith.constant 96 : index
      %get3A_693 = tpu.vector_load %arg18[%get3A_691, %get3A_692] {strides = array<i32>} : memref<48x128xf32, #tpu.memory_space<vmem>>, vector<1x16xf32>,
      %get3A_694 = vector.shape_cast %get3A_693 : vector<1x16xf32> to vector<16xf32>
      %add3A_695 = arith.addf %add3A_688, %get3A_694 : vector<16xf32>
      %add3A_696 = arith.constant 16 : i32
      %add3A_697 = arith.addi %add3A_696, %scan3A_92 : i32
      %get3A_698 = arith.index_cast %add3A_697 : i32 to index
      %get3A_699 = arith.constant 96 : index
      %get3A_700 = tpu.vector_load %arg18[%get3A_698, %get3A_699] {strides = array<i32>} : memref<48x128xf32, #tpu.memory_space<vmem>>, vector<1x16xf32>,
      %get3A_701 = vector.shape_cast %get3A_700 : vector<1x16xf32> to vector<16xf32>
      %add3A_702 = arith.addf %add3A_695, %get3A_701 : vector<16xf32>
      %add3A_703 = arith.constant 20 : i32
      %add3A_704 = arith.addi %add3A_703, %scan3A_92 : i32
      %get3A_705 = arith.index_cast %add3A_704 : i32 to index
      %get3A_706 = arith.constant 96 : index
      %get3A_707 = tpu.vector_load %arg18[%get3A_705, %get3A_706] {strides = array<i32>} : memref<48x128xf32, #tpu.memory_space<vmem>>, vector<1x16xf32>,
      %get3A_708 = vector.shape_cast %get3A_707 : vector<1x16xf32> to vector<16xf32>
      %add3A_709 = arith.addf %add3A_702, %get3A_708 : vector<16xf32>
      %add3A_710 = arith.constant 24 : i32
      %add3A_711 = arith.addi %add3A_710, %scan3A_92 : i32
      %get3A_712 = arith.index_cast %add3A_711 : i32 to index
      %get3A_713 = arith.constant 96 : index
      %get3A_714 = tpu.vector_load %arg18[%get3A_712, %get3A_713] {strides = array<i32>} : memref<48x128xf32, #tpu.memory_space<vmem>>, vector<1x16xf32>,
      %get3A_715 = vector.shape_cast %get3A_714 : vector<1x16xf32> to vector<16xf32>
      %add3A_716 = arith.addf %add3A_709, %get3A_715 : vector<16xf32>
      %add3A_717 = arith.constant 28 : i32
      %add3A_718 = arith.addi %add3A_717, %scan3A_92 : i32
      %get3A_719 = arith.index_cast %add3A_718 : i32 to index
      %get3A_720 = arith.constant 96 : index
      %get3A_721 = tpu.vector_load %arg18[%get3A_719, %get3A_720] {strides = array<i32>} : memref<48x128xf32, #tpu.memory_space<vmem>>, vector<1x16xf32>,
      %get3A_722 = vector.shape_cast %get3A_721 : vector<1x16xf32> to vector<16xf32>
      %add3A_723 = arith.addf %add3A_716, %get3A_722 : vector<16xf32>
      %add3A_724 = arith.constant 32 : i32
      %add3A_725 = arith.addi %add3A_724, %scan3A_92 : i32
      %get3A_726 = arith.index_cast %add3A_725 : i32 to index
      %get3A_727 = arith.constant 96 : index
      %get3A_728 = tpu.vector_load %arg18[%get3A_726, %get3A_727] {strides = array<i32>} : memref<48x128xf32, #tpu.memory_space<vmem>>, vector<1x16xf32>,
      %get3A_729 = vector.shape_cast %get3A_728 : vector<1x16xf32> to vector<16xf32>
      %add3A_730 = arith.addf %add3A_723, %get3A_729 : vector<16xf32>
      %add3A_731 = arith.constant 36 : i32
      %add3A_732 = arith.addi %add3A_731, %scan3A_92 : i32
      %get3A_733 = arith.index_cast %add3A_732 : i32 to index
      %get3A_734 = arith.constant 96 : index
      %get3A_735 = tpu.vector_load %arg18[%get3A_733, %get3A_734] {strides = array<i32>} : memref<48x128xf32, #tpu.memory_space<vmem>>, vector<1x16xf32>,
      %get3A_736 = vector.shape_cast %get3A_735 : vector<1x16xf32> to vector<16xf32>
      %add3A_737 = arith.addf %add3A_730, %get3A_736 : vector<16xf32>
      %add3A_738 = arith.constant 40 : i32
      %add3A_739 = arith.addi %add3A_738, %scan3A_92 : i32
      %get3A_740 = arith.index_cast %add3A_739 : i32 to index
      %get3A_741 = arith.constant 96 : index
      %get3A_742 = tpu.vector_load %arg18[%get3A_740, %get3A_741] {strides = array<i32>} : memref<48x128xf32, #tpu.memory_space<vmem>>, vector<1x16xf32>,
      %get3A_743 = vector.shape_cast %get3A_742 : vector<1x16xf32> to vector<16xf32>
      %add3A_744 = arith.addf %add3A_737, %get3A_743 : vector<16xf32>
      %add3A_745 = arith.constant 44 : i32
      %add3A_746 = arith.addi %add3A_745, %scan3A_92 : i32
      %get3A_747 = arith.index_cast %add3A_746 : i32 to index
      %get3A_748 = arith.constant 96 : index
      %get3A_749 = tpu.vector_load %arg18[%get3A_747, %get3A_748] {strides = array<i32>} : memref<48x128xf32, #tpu.memory_space<vmem>>, vector<1x16xf32>,
      %get3A_750 = vector.shape_cast %get3A_749 : vector<1x16xf32> to vector<16xf32>
      %add3A_751 = arith.addf %add3A_744, %get3A_750 : vector<16xf32>
      %swap3A_752 = arith.index_cast %add3A_664 : i32 to index
      %swap3A_753 = tpu.vector_load %arg19[%swap3A_752] {strides = array<i32>} : memref<512xf32, #tpu.memory_space<vmem>>, vector<16xf32>,
      %swap3A_754 = vector.shape_cast %swap3A_753 : vector<16xf32> to vector<16xf32>
      %swap3A_755 = vector.shape_cast %add3A_751 : vector<16xf32> to vector<16xf32>
      tpu.vector_store %arg19[%swap3A_752], %swap3A_755 {strides = array<i32>} : memref<512xf32, #tpu.memory_space<vmem>>, vector<16xf32>,
      %mul3A_756 = arith.constant 128 : i32
      %mul3A_757 = arith.muli %scan3A_92, %mul3A_756 : i32
      %add3A_758 = arith.constant 112 : i32
      %add3A_759 = arith.addi %mul3A_757, %add3A_758 : i32
      %get3A_760 = arith.index_cast %add3A_759 : i32 to index
      %get3A_761 = tpu.vector_load %arg19[%get3A_760] {strides = array<i32>} : memref<512xf32, #tpu.memory_space<vmem>>, vector<16xf32>,
      %get3A_762 = vector.shape_cast %get3A_761 : vector<16xf32> to vector<16xf32>
      %add3A_763 = arith.constant 0 : i32
      %add3A_764 = arith.addi %add3A_763, %scan3A_92 : i32
      %get3A_765 = arith.index_cast %add3A_764 : i32 to index
      %get3A_766 = arith.constant 112 : index
      %get3A_767 = tpu.vector_load %arg18[%get3A_765, %get3A_766] {strides = array<i32>} : memref<48x128xf32, #tpu.memory_space<vmem>>, vector<1x16xf32>,
      %get3A_768 = vector.shape_cast %get3A_767 : vector<1x16xf32> to vector<16xf32>
      %add3A_769 = arith.addf %get3A_762, %get3A_768 : vector<16xf32>
      %add3A_770 = arith.constant 4 : i32
      %add3A_771 = arith.addi %add3A_770, %scan3A_92 : i32
      %get3A_772 = arith.index_cast %add3A_771 : i32 to index
      %get3A_773 = arith.constant 112 : index
      %get3A_774 = tpu.vector_load %arg18[%get3A_772, %get3A_773] {strides = array<i32>} : memref<48x128xf32, #tpu.memory_space<vmem>>, vector<1x16xf32>,
      %get3A_775 = vector.shape_cast %get3A_774 : vector<1x16xf32> to vector<16xf32>
      %add3A_776 = arith.addf %add3A_769, %get3A_775 : vector<16xf32>
      %add3A_777 = arith.constant 8 : i32
      %add3A_778 = arith.addi %add3A_777, %scan3A_92 : i32
      %get3A_779 = arith.index_cast %add3A_778 : i32 to index
      %get3A_780 = arith.constant 112 : index
      %get3A_781 = tpu.vector_load %arg18[%get3A_779, %get3A_780] {strides = array<i32>} : memref<48x128xf32, #tpu.memory_space<vmem>>, vector<1x16xf32>,
      %get3A_782 = vector.shape_cast %get3A_781 : vector<1x16xf32> to vector<16xf32>
      %add3A_783 = arith.addf %add3A_776, %get3A_782 : vector<16xf32>
      %add3A_784 = arith.constant 12 : i32
      %add3A_785 = arith.addi %add3A_784, %scan3A_92 : i32
      %get3A_786 = arith.index_cast %add3A_785 : i32 to index
      %get3A_787 = arith.constant 112 : index
      %get3A_788 = tpu.vector_load %arg18[%get3A_786, %get3A_787] {strides = array<i32>} : memref<48x128xf32, #tpu.memory_space<vmem>>, vector<1x16xf32>,
      %get3A_789 = vector.shape_cast %get3A_788 : vector<1x16xf32> to vector<16xf32>
      %add3A_790 = arith.addf %add3A_783, %get3A_789 : vector<16xf32>
      %add3A_791 = arith.constant 16 : i32
      %add3A_792 = arith.addi %add3A_791, %scan3A_92 : i32
      %get3A_793 = arith.index_cast %add3A_792 : i32 to index
      %get3A_794 = arith.constant 112 : index
      %get3A_795 = tpu.vector_load %arg18[%get3A_793, %get3A_794] {strides = array<i32>} : memref<48x128xf32, #tpu.memory_space<vmem>>, vector<1x16xf32>,
      %get3A_796 = vector.shape_cast %get3A_795 : vector<1x16xf32> to vector<16xf32>
      %add3A_797 = arith.addf %add3A_790, %get3A_796 : vector<16xf32>
      %add3A_798 = arith.constant 20 : i32
      %add3A_799 = arith.addi %add3A_798, %scan3A_92 : i32
      %get3A_800 = arith.index_cast %add3A_799 : i32 to index
      %get3A_801 = arith.constant 112 : index
      %get3A_802 = tpu.vector_load %arg18[%get3A_800, %get3A_801] {strides = array<i32>} : memref<48x128xf32, #tpu.memory_space<vmem>>, vector<1x16xf32>,
      %get3A_803 = vector.shape_cast %get3A_802 : vector<1x16xf32> to vector<16xf32>
      %add3A_804 = arith.addf %add3A_797, %get3A_803 : vector<16xf32>
      %add3A_805 = arith.constant 24 : i32
      %add3A_806 = arith.addi %add3A_805, %scan3A_92 : i32
      %get3A_807 = arith.index_cast %add3A_806 : i32 to index
      %get3A_808 = arith.constant 112 : index
      %get3A_809 = tpu.vector_load %arg18[%get3A_807, %get3A_808] {strides = array<i32>} : memref<48x128xf32, #tpu.memory_space<vmem>>, vector<1x16xf32>,
      %get3A_810 = vector.shape_cast %get3A_809 : vector<1x16xf32> to vector<16xf32>
      %add3A_811 = arith.addf %add3A_804, %get3A_810 : vector<16xf32>
      %add3A_812 = arith.constant 28 : i32
      %add3A_813 = arith.addi %add3A_812, %scan3A_92 : i32
      %get3A_814 = arith.index_cast %add3A_813 : i32 to index
      %get3A_815 = arith.constant 112 : index
      %get3A_816 = tpu.vector_load %arg18[%get3A_814, %get3A_815] {strides = array<i32>} : memref<48x128xf32, #tpu.memory_space<vmem>>, vector<1x16xf32>,
      %get3A_817 = vector.shape_cast %get3A_816 : vector<1x16xf32> to vector<16xf32>
      %add3A_818 = arith.addf %add3A_811, %get3A_817 : vector<16xf32>
      %add3A_819 = arith.constant 32 : i32
      %add3A_820 = arith.addi %add3A_819, %scan3A_92 : i32
      %get3A_821 = arith.index_cast %add3A_820 : i32 to index
      %get3A_822 = arith.constant 112 : index
      %get3A_823 = tpu.vector_load %arg18[%get3A_821, %get3A_822] {strides = array<i32>} : memref<48x128xf32, #tpu.memory_space<vmem>>, vector<1x16xf32>,
      %get3A_824 = vector.shape_cast %get3A_823 : vector<1x16xf32> to vector<16xf32>
      %add3A_825 = arith.addf %add3A_818, %get3A_824 : vector<16xf32>
      %add3A_826 = arith.constant 36 : i32
      %add3A_827 = arith.addi %add3A_826, %scan3A_92 : i32
      %get3A_828 = arith.index_cast %add3A_827 : i32 to index
      %get3A_829 = arith.constant 112 : index
      %get3A_830 = tpu.vector_load %arg18[%get3A_828, %get3A_829] {strides = array<i32>} : memref<48x128xf32, #tpu.memory_space<vmem>>, vector<1x16xf32>,
      %get3A_831 = vector.shape_cast %get3A_830 : vector<1x16xf32> to vector<16xf32>
      %add3A_832 = arith.addf %add3A_825, %get3A_831 : vector<16xf32>
      %add3A_833 = arith.constant 40 : i32
      %add3A_834 = arith.addi %add3A_833, %scan3A_92 : i32
      %get3A_835 = arith.index_cast %add3A_834 : i32 to index
      %get3A_836 = arith.constant 112 : index
      %get3A_837 = tpu.vector_load %arg18[%get3A_835, %get3A_836] {strides = array<i32>} : memref<48x128xf32, #tpu.memory_space<vmem>>, vector<1x16xf32>,
      %get3A_838 = vector.shape_cast %get3A_837 : vector<1x16xf32> to vector<16xf32>
      %add3A_839 = arith.addf %add3A_832, %get3A_838 : vector<16xf32>
      %add3A_840 = arith.constant 44 : i32
      %add3A_841 = arith.addi %add3A_840, %scan3A_92 : i32
      %get3A_842 = arith.index_cast %add3A_841 : i32 to index
      %get3A_843 = arith.constant 112 : index
      %get3A_844 = tpu.vector_load %arg18[%get3A_842, %get3A_843] {strides = array<i32>} : memref<48x128xf32, #tpu.memory_space<vmem>>, vector<1x16xf32>,
      %get3A_845 = vector.shape_cast %get3A_844 : vector<1x16xf32> to vector<16xf32>
      %add3A_846 = arith.addf %add3A_839, %get3A_845 : vector<16xf32>
      %swap3A_847 = arith.index_cast %add3A_759 : i32 to index
      %swap3A_848 = tpu.vector_load %arg19[%swap3A_847] {strides = array<i32>} : memref<512xf32, #tpu.memory_space<vmem>>, vector<16xf32>,
      %swap3A_849 = vector.shape_cast %swap3A_848 : vector<16xf32> to vector<16xf32>
      %swap3A_850 = vector.shape_cast %add3A_846 : vector<16xf32> to vector<16xf32>
      tpu.vector_store %arg19[%swap3A_847], %swap3A_850 {strides = array<i32>} : memref<512xf32, #tpu.memory_space<vmem>>, vector<16xf32>,
    }
    %scan3A_91 = arith.constant 4 : i32
    "tpu.region"() ({
      %run_scoped3A = tpu.sem_alloc : memref<!tpu.dma_semaphore, #tpu.memory_space<semaphore_mem>>
      %dma_start3A_92 = tpu.memref_slice %arg16[%mul3A_2] : memref<16384xf32, #tpu.memory_space<hbm>> -> memref<512xf32, #tpu.memory_space<hbm>>
      %dma_start3A_93 = tpu.memref_slice %arg16[%mul3A_2] : memref<16384xf32, #tpu.memory_space<hbm>> -> memref<512xf32, #tpu.memory_space<hbm>>
      tpu.enqueue_dma source(%arg19 : memref<512xf32, #tpu.memory_space<vmem>>) target(%dma_start3A_93 : memref<512xf32, #tpu.memory_space<hbm>>) target_semaphore(%run_scoped3A : memref<!tpu.dma_semaphore, #tpu.memory_space<semaphore_mem>>)
      %dma_wait3A_94 = tpu.memref_slice %arg16[%mul3A_2] : memref<16384xf32, #tpu.memory_space<hbm>> -> memref<512xf32, #tpu.memory_space<hbm>>
      %dma_wait3A_95 = tpu.memref_slice %arg16[%mul3A_2] : memref<16384xf32, #tpu.memory_space<hbm>> -> memref<512xf32, #tpu.memory_space<hbm>>
      tpu.wait_dma2 semaphore(%run_scoped3A : memref<!tpu.dma_semaphore, #tpu.memory_space<semaphore_mem>>) src(%arg19 : memref<512xf32, #tpu.memory_space<vmem>>) dst(%dma_wait3A_95 : memref<512xf32, #tpu.memory_space<hbm>>)
      tpu.yield
    }) : () -> ()
    return
  }
}

#map = affine_map<(d0, d1) -> (0, 0)>
#map1 = affine_map<(d0, d1) -> (0)>
module attributes {stable_mosaic.version = 14 : i64} {
  func.func @body(%arg0: i32, %arg1: i32, %arg2: memref<3328x128xi32, #tpu.memory_space<hbm>>, %arg3: memref<100000xf32, #tpu.memory_space<hbm>>, %arg4: memref<100000xf32, #tpu.memory_space<hbm>>, %arg5: memref<100000xf32, #tpu.memory_space<hbm>>, %arg6: memref<100000xf32, #tpu.memory_space<hbm>>, %arg7: memref<100000xf32, #tpu.memory_space<hbm>>, %arg8: memref<100000xf32, #tpu.memory_space<hbm>>, %arg9: memref<16384xf32, #tpu.memory_space<hbm>>, %arg10: memref<16384xf32, #tpu.memory_space<hbm>>, %arg11: memref<24x128xi32, #tpu.memory_space<vmem>>, %arg12: memref<24x128xf32, #tpu.memory_space<vmem>>, %arg13: memref<512xf32, #tpu.memory_space<vmem>>, %arg14: memref<!tpu.dma_semaphore, #tpu.memory_space<semaphore_mem>>) attributes {dimension_semantics = [#tpu.dimension_semantics<core_parallel>, #tpu.dimension_semantics<subcore_parallel>], iteration_bounds = array<i64: 2, 16>, scalar_prefetch = 0 : i64, scratch_operands = 4 : i64, tpu.core_type = #tpu.core_type<sc_vector_subcore>, window_params = [{transform_indices = #map}, {transform_indices = #map1}, {transform_indices = #map1}, {transform_indices = #map1}, {transform_indices = #map1}, {transform_indices = #map1}, {transform_indices = #map1}, {transform_indices = #map1}, {transform_indices = #map1}]} {
    %mul3A = arith.constant 2 : i32
    %mul3A_0 = arith.muli %arg1, %mul3A : i32
    %add3A = arith.addi %mul3A_0, %arg0 : i32
    %mul3A_1 = arith.constant 512 : i32
    %mul3A_2 = arith.muli %add3A, %mul3A_1 : i32
    %mul3A_3 = arith.constant 104 : i32
    %mul3A_4 = arith.muli %add3A, %mul3A_3 : i32
    %add3A_5 = arith.constant 80 : i32
    %add3A_6 = arith.addi %mul3A_4, %add3A_5 : i32
    "tpu.region"() ({
      %run_scoped3A = tpu.sem_alloc : memref<!tpu.dma_semaphore, #tpu.memory_space<semaphore_mem>>
      %dma_start3A_56 = arith.constant 0 : i32
      %dma_start3A_57 = tpu.memref_slice %arg2[%add3A_6, %dma_start3A_56] : memref<3328x128xi32, #tpu.memory_space<hbm>> -> memref<24x128xi32, #tpu.memory_space<hbm>>
      %dma_start3A_58 = arith.constant 0 : i32
      %dma_start3A_59 = tpu.memref_slice %arg2[%add3A_6, %dma_start3A_58] : memref<3328x128xi32, #tpu.memory_space<hbm>> -> memref<24x128xi32, #tpu.memory_space<hbm>>
      tpu.enqueue_dma source(%dma_start3A_59 : memref<24x128xi32, #tpu.memory_space<hbm>>) target(%arg11 : memref<24x128xi32, #tpu.memory_space<vmem>>) target_semaphore(%run_scoped3A : memref<!tpu.dma_semaphore, #tpu.memory_space<semaphore_mem>>)
      %dma_wait3A_60 = arith.constant 0 : i32
      %dma_wait3A_61 = tpu.memref_slice %arg2[%add3A_6, %dma_wait3A_60] : memref<3328x128xi32, #tpu.memory_space<hbm>> -> memref<24x128xi32, #tpu.memory_space<hbm>>
      %dma_wait3A_62 = arith.constant 0 : i32
      %dma_wait3A_63 = tpu.memref_slice %arg2[%add3A_6, %dma_wait3A_62] : memref<3328x128xi32, #tpu.memory_space<hbm>> -> memref<24x128xi32, #tpu.memory_space<hbm>>
      tpu.wait_dma2 semaphore(%run_scoped3A : memref<!tpu.dma_semaphore, #tpu.memory_space<semaphore_mem>>) src(%dma_wait3A_63 : memref<24x128xi32, #tpu.memory_space<hbm>>) dst(%arg11 : memref<24x128xi32, #tpu.memory_space<vmem>>)
      tpu.yield
    }) : () -> ()
    %dma_start3A = tpu.memref_slice %arg9[%mul3A_2] : memref<16384xf32, #tpu.memory_space<hbm>> -> memref<512xf32, #tpu.memory_space<hbm>>
    %dma_start3A_7 = tpu.memref_slice %arg9[%mul3A_2] : memref<16384xf32, #tpu.memory_space<hbm>> -> memref<512xf32, #tpu.memory_space<hbm>>
    tpu.enqueue_dma source(%dma_start3A_7 : memref<512xf32, #tpu.memory_space<hbm>>) target(%arg13 : memref<512xf32, #tpu.memory_space<vmem>>) target_semaphore(%arg14 : memref<!tpu.dma_semaphore, #tpu.memory_space<semaphore_mem>>)
    %scan3A = arith.constant 0 : i32
    %scan3A_8 = arith.constant 0 : i32
    %scan3A_9 = arith.constant 4 : i32
    %scan3A_10 = arith.addi %scan3A_8, %scan3A_9 : i32
    %scan3A_11 = arith.constant 1 : i32
    scf.for %scan3A_56 = %scan3A_8 to %scan3A_10 step %scan3A_11  : i32 {
      %add3A_57 = arith.constant 0 : i32
      %add3A_58 = arith.addi %add3A_57, %scan3A_56 : i32
      %add3A_59 = arith.constant 0 : i32
      %add3A_60 = arith.addi %add3A_59, %scan3A_56 : i32
      %dma_start3A_61 = arith.constant 0 : i32
      %dma_start3A_62 = tpu.memref_slice %arg12[%add3A_60, %dma_start3A_61] : memref<24x128xf32, #tpu.memory_space<vmem>> -> memref<1x128xf32, #tpu.memory_space<vmem>>
      %dma_start3A_63 = tpu.memref_squeeze %dma_start3A_62 : memref<1x128xf32, #tpu.memory_space<vmem>> -> memref<128xf32, #tpu.memory_space<vmem>>
      %dma_start3A_64 = arith.constant 0 : i32
      %dma_start3A_65 = tpu.memref_slice %arg11[%add3A_58, %dma_start3A_64] : memref<24x128xi32, #tpu.memory_space<vmem>> -> memref<1x128xi32, #tpu.memory_space<vmem>>
      %dma_start3A_66 = tpu.memref_squeeze %dma_start3A_65 : memref<1x128xi32, #tpu.memory_space<vmem>> -> memref<128xi32, #tpu.memory_space<vmem>>
      %dma_start3A_67 = arith.constant 0 : i32
      %dma_start3A_68 = tpu.memref_slice %arg3[%dma_start3A_67] : memref<100000xf32, #tpu.memory_space<hbm>> -> memref<100000xf32, #tpu.memory_space<hbm>>
      tpu.enqueue_indirect_dma source(%dma_start3A_68 : memref<100000xf32, #tpu.memory_space<hbm>>) target(%dma_start3A_63 : memref<128xf32, #tpu.memory_space<vmem>>) offsets(%dma_start3A_66 : memref<128xi32, #tpu.memory_space<vmem>>) semaphore(%arg14 : memref<!tpu.dma_semaphore, #tpu.memory_space<semaphore_mem>>)
    }
    %scan3A_12 = arith.constant 4 : i32
    %scan3A_13 = arith.constant 0 : i32
    %scan3A_14 = arith.constant 0 : i32
    %scan3A_15 = arith.constant 4 : i32
    %scan3A_16 = arith.addi %scan3A_14, %scan3A_15 : i32
    %scan3A_17 = arith.constant 1 : i32
    scf.for %scan3A_56 = %scan3A_14 to %scan3A_16 step %scan3A_17  : i32 {
      %add3A_57 = arith.constant 4 : i32
      %add3A_58 = arith.addi %add3A_57, %scan3A_56 : i32
      %add3A_59 = arith.constant 4 : i32
      %add3A_60 = arith.addi %add3A_59, %scan3A_56 : i32
      %dma_start3A_61 = arith.constant 0 : i32
      %dma_start3A_62 = tpu.memref_slice %arg12[%add3A_60, %dma_start3A_61] : memref<24x128xf32, #tpu.memory_space<vmem>> -> memref<1x128xf32, #tpu.memory_space<vmem>>
      %dma_start3A_63 = tpu.memref_squeeze %dma_start3A_62 : memref<1x128xf32, #tpu.memory_space<vmem>> -> memref<128xf32, #tpu.memory_space<vmem>>
      %dma_start3A_64 = arith.constant 0 : i32
      %dma_start3A_65 = tpu.memref_slice %arg11[%add3A_58, %dma_start3A_64] : memref<24x128xi32, #tpu.memory_space<vmem>> -> memref<1x128xi32, #tpu.memory_space<vmem>>
      %dma_start3A_66 = tpu.memref_squeeze %dma_start3A_65 : memref<1x128xi32, #tpu.memory_space<vmem>> -> memref<128xi32, #tpu.memory_space<vmem>>
      %dma_start3A_67 = arith.constant 0 : i32
      %dma_start3A_68 = tpu.memref_slice %arg4[%dma_start3A_67] : memref<100000xf32, #tpu.memory_space<hbm>> -> memref<100000xf32, #tpu.memory_space<hbm>>
      tpu.enqueue_indirect_dma source(%dma_start3A_68 : memref<100000xf32, #tpu.memory_space<hbm>>) target(%dma_start3A_63 : memref<128xf32, #tpu.memory_space<vmem>>) offsets(%dma_start3A_66 : memref<128xi32, #tpu.memory_space<vmem>>) semaphore(%arg14 : memref<!tpu.dma_semaphore, #tpu.memory_space<semaphore_mem>>)
    }
    %scan3A_18 = arith.constant 4 : i32
    %scan3A_19 = arith.constant 0 : i32
    %scan3A_20 = arith.constant 0 : i32
    %scan3A_21 = arith.constant 4 : i32
    %scan3A_22 = arith.addi %scan3A_20, %scan3A_21 : i32
    %scan3A_23 = arith.constant 1 : i32
    scf.for %scan3A_56 = %scan3A_20 to %scan3A_22 step %scan3A_23  : i32 {
      %add3A_57 = arith.constant 8 : i32
      %add3A_58 = arith.addi %add3A_57, %scan3A_56 : i32
      %add3A_59 = arith.constant 8 : i32
      %add3A_60 = arith.addi %add3A_59, %scan3A_56 : i32
      %dma_start3A_61 = arith.constant 0 : i32
      %dma_start3A_62 = tpu.memref_slice %arg12[%add3A_60, %dma_start3A_61] : memref<24x128xf32, #tpu.memory_space<vmem>> -> memref<1x128xf32, #tpu.memory_space<vmem>>
      %dma_start3A_63 = tpu.memref_squeeze %dma_start3A_62 : memref<1x128xf32, #tpu.memory_space<vmem>> -> memref<128xf32, #tpu.memory_space<vmem>>
      %dma_start3A_64 = arith.constant 0 : i32
      %dma_start3A_65 = tpu.memref_slice %arg11[%add3A_58, %dma_start3A_64] : memref<24x128xi32, #tpu.memory_space<vmem>> -> memref<1x128xi32, #tpu.memory_space<vmem>>
      %dma_start3A_66 = tpu.memref_squeeze %dma_start3A_65 : memref<1x128xi32, #tpu.memory_space<vmem>> -> memref<128xi32, #tpu.memory_space<vmem>>
      %dma_start3A_67 = arith.constant 0 : i32
      %dma_start3A_68 = tpu.memref_slice %arg5[%dma_start3A_67] : memref<100000xf32, #tpu.memory_space<hbm>> -> memref<100000xf32, #tpu.memory_space<hbm>>
      tpu.enqueue_indirect_dma source(%dma_start3A_68 : memref<100000xf32, #tpu.memory_space<hbm>>) target(%dma_start3A_63 : memref<128xf32, #tpu.memory_space<vmem>>) offsets(%dma_start3A_66 : memref<128xi32, #tpu.memory_space<vmem>>) semaphore(%arg14 : memref<!tpu.dma_semaphore, #tpu.memory_space<semaphore_mem>>)
    }
    %scan3A_24 = arith.constant 4 : i32
    %scan3A_25 = arith.constant 0 : i32
    %scan3A_26 = arith.constant 0 : i32
    %scan3A_27 = arith.constant 4 : i32
    %scan3A_28 = arith.addi %scan3A_26, %scan3A_27 : i32
    %scan3A_29 = arith.constant 1 : i32
    scf.for %scan3A_56 = %scan3A_26 to %scan3A_28 step %scan3A_29  : i32 {
      %add3A_57 = arith.constant 12 : i32
      %add3A_58 = arith.addi %add3A_57, %scan3A_56 : i32
      %add3A_59 = arith.constant 12 : i32
      %add3A_60 = arith.addi %add3A_59, %scan3A_56 : i32
      %dma_start3A_61 = arith.constant 0 : i32
      %dma_start3A_62 = tpu.memref_slice %arg12[%add3A_60, %dma_start3A_61] : memref<24x128xf32, #tpu.memory_space<vmem>> -> memref<1x128xf32, #tpu.memory_space<vmem>>
      %dma_start3A_63 = tpu.memref_squeeze %dma_start3A_62 : memref<1x128xf32, #tpu.memory_space<vmem>> -> memref<128xf32, #tpu.memory_space<vmem>>
      %dma_start3A_64 = arith.constant 0 : i32
      %dma_start3A_65 = tpu.memref_slice %arg11[%add3A_58, %dma_start3A_64] : memref<24x128xi32, #tpu.memory_space<vmem>> -> memref<1x128xi32, #tpu.memory_space<vmem>>
      %dma_start3A_66 = tpu.memref_squeeze %dma_start3A_65 : memref<1x128xi32, #tpu.memory_space<vmem>> -> memref<128xi32, #tpu.memory_space<vmem>>
      %dma_start3A_67 = arith.constant 0 : i32
      %dma_start3A_68 = tpu.memref_slice %arg6[%dma_start3A_67] : memref<100000xf32, #tpu.memory_space<hbm>> -> memref<100000xf32, #tpu.memory_space<hbm>>
      tpu.enqueue_indirect_dma source(%dma_start3A_68 : memref<100000xf32, #tpu.memory_space<hbm>>) target(%dma_start3A_63 : memref<128xf32, #tpu.memory_space<vmem>>) offsets(%dma_start3A_66 : memref<128xi32, #tpu.memory_space<vmem>>) semaphore(%arg14 : memref<!tpu.dma_semaphore, #tpu.memory_space<semaphore_mem>>)
    }
    %scan3A_30 = arith.constant 4 : i32
    %scan3A_31 = arith.constant 0 : i32
    %scan3A_32 = arith.constant 0 : i32
    %scan3A_33 = arith.constant 4 : i32
    %scan3A_34 = arith.addi %scan3A_32, %scan3A_33 : i32
    %scan3A_35 = arith.constant 1 : i32
    scf.for %scan3A_56 = %scan3A_32 to %scan3A_34 step %scan3A_35  : i32 {
      %add3A_57 = arith.constant 16 : i32
      %add3A_58 = arith.addi %add3A_57, %scan3A_56 : i32
      %add3A_59 = arith.constant 16 : i32
      %add3A_60 = arith.addi %add3A_59, %scan3A_56 : i32
      %dma_start3A_61 = arith.constant 0 : i32
      %dma_start3A_62 = tpu.memref_slice %arg12[%add3A_60, %dma_start3A_61] : memref<24x128xf32, #tpu.memory_space<vmem>> -> memref<1x128xf32, #tpu.memory_space<vmem>>
      %dma_start3A_63 = tpu.memref_squeeze %dma_start3A_62 : memref<1x128xf32, #tpu.memory_space<vmem>> -> memref<128xf32, #tpu.memory_space<vmem>>
      %dma_start3A_64 = arith.constant 0 : i32
      %dma_start3A_65 = tpu.memref_slice %arg11[%add3A_58, %dma_start3A_64] : memref<24x128xi32, #tpu.memory_space<vmem>> -> memref<1x128xi32, #tpu.memory_space<vmem>>
      %dma_start3A_66 = tpu.memref_squeeze %dma_start3A_65 : memref<1x128xi32, #tpu.memory_space<vmem>> -> memref<128xi32, #tpu.memory_space<vmem>>
      %dma_start3A_67 = arith.constant 0 : i32
      %dma_start3A_68 = tpu.memref_slice %arg7[%dma_start3A_67] : memref<100000xf32, #tpu.memory_space<hbm>> -> memref<100000xf32, #tpu.memory_space<hbm>>
      tpu.enqueue_indirect_dma source(%dma_start3A_68 : memref<100000xf32, #tpu.memory_space<hbm>>) target(%dma_start3A_63 : memref<128xf32, #tpu.memory_space<vmem>>) offsets(%dma_start3A_66 : memref<128xi32, #tpu.memory_space<vmem>>) semaphore(%arg14 : memref<!tpu.dma_semaphore, #tpu.memory_space<semaphore_mem>>)
    }
    %scan3A_36 = arith.constant 4 : i32
    %scan3A_37 = arith.constant 0 : i32
    %scan3A_38 = arith.constant 0 : i32
    %scan3A_39 = arith.constant 4 : i32
    %scan3A_40 = arith.addi %scan3A_38, %scan3A_39 : i32
    %scan3A_41 = arith.constant 1 : i32
    scf.for %scan3A_56 = %scan3A_38 to %scan3A_40 step %scan3A_41  : i32 {
      %add3A_57 = arith.constant 20 : i32
      %add3A_58 = arith.addi %add3A_57, %scan3A_56 : i32
      %add3A_59 = arith.constant 20 : i32
      %add3A_60 = arith.addi %add3A_59, %scan3A_56 : i32
      %dma_start3A_61 = arith.constant 0 : i32
      %dma_start3A_62 = tpu.memref_slice %arg12[%add3A_60, %dma_start3A_61] : memref<24x128xf32, #tpu.memory_space<vmem>> -> memref<1x128xf32, #tpu.memory_space<vmem>>
      %dma_start3A_63 = tpu.memref_squeeze %dma_start3A_62 : memref<1x128xf32, #tpu.memory_space<vmem>> -> memref<128xf32, #tpu.memory_space<vmem>>
      %dma_start3A_64 = arith.constant 0 : i32
      %dma_start3A_65 = tpu.memref_slice %arg11[%add3A_58, %dma_start3A_64] : memref<24x128xi32, #tpu.memory_space<vmem>> -> memref<1x128xi32, #tpu.memory_space<vmem>>
      %dma_start3A_66 = tpu.memref_squeeze %dma_start3A_65 : memref<1x128xi32, #tpu.memory_space<vmem>> -> memref<128xi32, #tpu.memory_space<vmem>>
      %dma_start3A_67 = arith.constant 0 : i32
      %dma_start3A_68 = tpu.memref_slice %arg8[%dma_start3A_67] : memref<100000xf32, #tpu.memory_space<hbm>> -> memref<100000xf32, #tpu.memory_space<hbm>>
      tpu.enqueue_indirect_dma source(%dma_start3A_68 : memref<100000xf32, #tpu.memory_space<hbm>>) target(%dma_start3A_63 : memref<128xf32, #tpu.memory_space<vmem>>) offsets(%dma_start3A_66 : memref<128xi32, #tpu.memory_space<vmem>>) semaphore(%arg14 : memref<!tpu.dma_semaphore, #tpu.memory_space<semaphore_mem>>)
    }
    %scan3A_42 = arith.constant 4 : i32
    %dma_wait3A = tpu.memref_slice %arg9[%mul3A_2] : memref<16384xf32, #tpu.memory_space<hbm>> -> memref<512xf32, #tpu.memory_space<hbm>>
    %dma_wait3A_43 = tpu.memref_slice %arg9[%mul3A_2] : memref<16384xf32, #tpu.memory_space<hbm>> -> memref<512xf32, #tpu.memory_space<hbm>>
    tpu.wait_dma2 semaphore(%arg14 : memref<!tpu.dma_semaphore, #tpu.memory_space<semaphore_mem>>) src(%dma_wait3A_43 : memref<512xf32, #tpu.memory_space<hbm>>) dst(%arg13 : memref<512xf32, #tpu.memory_space<vmem>>)
    %scan3A_44 = arith.constant 0 : i32
    %scan3A_45 = arith.constant 0 : i32
    %scan3A_46 = arith.constant 24 : i32
    %scan3A_47 = arith.addi %scan3A_45, %scan3A_46 : i32
    %scan3A_48 = arith.constant 1 : i32
    scf.for %scan3A_56 = %scan3A_45 to %scan3A_47 step %scan3A_48  : i32 {
      %dma_wait3A_57 = arith.constant 0 : i32
      %dma_wait3A_58 = tpu.memref_slice %arg12[%scan3A_56, %dma_wait3A_57] : memref<24x128xf32, #tpu.memory_space<vmem>> -> memref<1x128xf32, #tpu.memory_space<vmem>>
      %dma_wait3A_59 = tpu.memref_squeeze %dma_wait3A_58 : memref<1x128xf32, #tpu.memory_space<vmem>> -> memref<128xf32, #tpu.memory_space<vmem>>
      %dma_wait3A_60 = arith.constant 0 : i32
      %dma_wait3A_61 = tpu.memref_slice %arg11[%scan3A_56, %dma_wait3A_60] : memref<24x128xi32, #tpu.memory_space<vmem>> -> memref<1x128xi32, #tpu.memory_space<vmem>>
      %dma_wait3A_62 = tpu.memref_squeeze %dma_wait3A_61 : memref<1x128xi32, #tpu.memory_space<vmem>> -> memref<128xi32, #tpu.memory_space<vmem>>
      %dma_wait3A_63 = arith.constant 0 : i32
      %dma_wait3A_64 = tpu.memref_slice %arg3[%dma_wait3A_63] : memref<100000xf32, #tpu.memory_space<hbm>> -> memref<100000xf32, #tpu.memory_space<hbm>>
      tpu.wait_indirect_dma semaphore(%arg14 : memref<!tpu.dma_semaphore, #tpu.memory_space<semaphore_mem>>) src(%dma_wait3A_64 : memref<100000xf32, #tpu.memory_space<hbm>>) dst(%dma_wait3A_59 : memref<128xf32, #tpu.memory_space<vmem>>)
    }
    %scan3A_49 = arith.constant 24 : i32
    %scan3A_50 = arith.constant 0 : i32
    %scan3A_51 = arith.constant 0 : i32
    %scan3A_52 = arith.constant 4 : i32
    %scan3A_53 = arith.addi %scan3A_51, %scan3A_52 : i32
    %scan3A_54 = arith.constant 1 : i32
    scf.for %scan3A_56 = %scan3A_51 to %scan3A_53 step %scan3A_54  : i32 {
      %mul3A_57 = arith.constant 128 : i32
      %mul3A_58 = arith.muli %scan3A_56, %mul3A_57 : i32
      %add3A_59 = arith.constant 0 : i32
      %add3A_60 = arith.addi %mul3A_58, %add3A_59 : i32
      %get3A = arith.index_cast %add3A_60 : i32 to index
      %get3A_61 = tpu.vector_load %arg13[%get3A] {strides = array<i32>} : memref<512xf32, #tpu.memory_space<vmem>>, vector<16xf32>,
      %get3A_62 = vector.shape_cast %get3A_61 : vector<16xf32> to vector<16xf32>
      %add3A_63 = arith.constant 0 : i32
      %add3A_64 = arith.addi %add3A_63, %scan3A_56 : i32
      %get3A_65 = arith.index_cast %add3A_64 : i32 to index
      %get3A_66 = arith.constant 0 : index
      %get3A_67 = tpu.vector_load %arg12[%get3A_65, %get3A_66] {strides = array<i32>} : memref<24x128xf32, #tpu.memory_space<vmem>>, vector<1x16xf32>,
      %get3A_68 = vector.shape_cast %get3A_67 : vector<1x16xf32> to vector<16xf32>
      %add3A_69 = arith.addf %get3A_62, %get3A_68 : vector<16xf32>
      %add3A_70 = arith.constant 4 : i32
      %add3A_71 = arith.addi %add3A_70, %scan3A_56 : i32
      %get3A_72 = arith.index_cast %add3A_71 : i32 to index
      %get3A_73 = arith.constant 0 : index
      %get3A_74 = tpu.vector_load %arg12[%get3A_72, %get3A_73] {strides = array<i32>} : memref<24x128xf32, #tpu.memory_space<vmem>>, vector<1x16xf32>,
      %get3A_75 = vector.shape_cast %get3A_74 : vector<1x16xf32> to vector<16xf32>
      %add3A_76 = arith.addf %add3A_69, %get3A_75 : vector<16xf32>
      %add3A_77 = arith.constant 8 : i32
      %add3A_78 = arith.addi %add3A_77, %scan3A_56 : i32
      %get3A_79 = arith.index_cast %add3A_78 : i32 to index
      %get3A_80 = arith.constant 0 : index
      %get3A_81 = tpu.vector_load %arg12[%get3A_79, %get3A_80] {strides = array<i32>} : memref<24x128xf32, #tpu.memory_space<vmem>>, vector<1x16xf32>,
      %get3A_82 = vector.shape_cast %get3A_81 : vector<1x16xf32> to vector<16xf32>
      %add3A_83 = arith.addf %add3A_76, %get3A_82 : vector<16xf32>
      %add3A_84 = arith.constant 12 : i32
      %add3A_85 = arith.addi %add3A_84, %scan3A_56 : i32
      %get3A_86 = arith.index_cast %add3A_85 : i32 to index
      %get3A_87 = arith.constant 0 : index
      %get3A_88 = tpu.vector_load %arg12[%get3A_86, %get3A_87] {strides = array<i32>} : memref<24x128xf32, #tpu.memory_space<vmem>>, vector<1x16xf32>,
      %get3A_89 = vector.shape_cast %get3A_88 : vector<1x16xf32> to vector<16xf32>
      %add3A_90 = arith.addf %add3A_83, %get3A_89 : vector<16xf32>
      %add3A_91 = arith.constant 16 : i32
      %add3A_92 = arith.addi %add3A_91, %scan3A_56 : i32
      %get3A_93 = arith.index_cast %add3A_92 : i32 to index
      %get3A_94 = arith.constant 0 : index
      %get3A_95 = tpu.vector_load %arg12[%get3A_93, %get3A_94] {strides = array<i32>} : memref<24x128xf32, #tpu.memory_space<vmem>>, vector<1x16xf32>,
      %get3A_96 = vector.shape_cast %get3A_95 : vector<1x16xf32> to vector<16xf32>
      %add3A_97 = arith.addf %add3A_90, %get3A_96 : vector<16xf32>
      %add3A_98 = arith.constant 20 : i32
      %add3A_99 = arith.addi %add3A_98, %scan3A_56 : i32
      %get3A_100 = arith.index_cast %add3A_99 : i32 to index
      %get3A_101 = arith.constant 0 : index
      %get3A_102 = tpu.vector_load %arg12[%get3A_100, %get3A_101] {strides = array<i32>} : memref<24x128xf32, #tpu.memory_space<vmem>>, vector<1x16xf32>,
      %get3A_103 = vector.shape_cast %get3A_102 : vector<1x16xf32> to vector<16xf32>
      %add3A_104 = arith.addf %add3A_97, %get3A_103 : vector<16xf32>
      %swap3A = arith.index_cast %add3A_60 : i32 to index
      %swap3A_105 = tpu.vector_load %arg13[%swap3A] {strides = array<i32>} : memref<512xf32, #tpu.memory_space<vmem>>, vector<16xf32>,
      %swap3A_106 = vector.shape_cast %swap3A_105 : vector<16xf32> to vector<16xf32>
      %swap3A_107 = vector.shape_cast %add3A_104 : vector<16xf32> to vector<16xf32>
      tpu.vector_store %arg13[%swap3A], %swap3A_107 {strides = array<i32>} : memref<512xf32, #tpu.memory_space<vmem>>, vector<16xf32>,
      %mul3A_108 = arith.constant 128 : i32
      %mul3A_109 = arith.muli %scan3A_56, %mul3A_108 : i32
      %add3A_110 = arith.constant 16 : i32
      %add3A_111 = arith.addi %mul3A_109, %add3A_110 : i32
      %get3A_112 = arith.index_cast %add3A_111 : i32 to index
      %get3A_113 = tpu.vector_load %arg13[%get3A_112] {strides = array<i32>} : memref<512xf32, #tpu.memory_space<vmem>>, vector<16xf32>,
      %get3A_114 = vector.shape_cast %get3A_113 : vector<16xf32> to vector<16xf32>
      %add3A_115 = arith.constant 0 : i32
      %add3A_116 = arith.addi %add3A_115, %scan3A_56 : i32
      %get3A_117 = arith.index_cast %add3A_116 : i32 to index
      %get3A_118 = arith.constant 16 : index
      %get3A_119 = tpu.vector_load %arg12[%get3A_117, %get3A_118] {strides = array<i32>} : memref<24x128xf32, #tpu.memory_space<vmem>>, vector<1x16xf32>,
      %get3A_120 = vector.shape_cast %get3A_119 : vector<1x16xf32> to vector<16xf32>
      %add3A_121 = arith.addf %get3A_114, %get3A_120 : vector<16xf32>
      %add3A_122 = arith.constant 4 : i32
      %add3A_123 = arith.addi %add3A_122, %scan3A_56 : i32
      %get3A_124 = arith.index_cast %add3A_123 : i32 to index
      %get3A_125 = arith.constant 16 : index
      %get3A_126 = tpu.vector_load %arg12[%get3A_124, %get3A_125] {strides = array<i32>} : memref<24x128xf32, #tpu.memory_space<vmem>>, vector<1x16xf32>,
      %get3A_127 = vector.shape_cast %get3A_126 : vector<1x16xf32> to vector<16xf32>
      %add3A_128 = arith.addf %add3A_121, %get3A_127 : vector<16xf32>
      %add3A_129 = arith.constant 8 : i32
      %add3A_130 = arith.addi %add3A_129, %scan3A_56 : i32
      %get3A_131 = arith.index_cast %add3A_130 : i32 to index
      %get3A_132 = arith.constant 16 : index
      %get3A_133 = tpu.vector_load %arg12[%get3A_131, %get3A_132] {strides = array<i32>} : memref<24x128xf32, #tpu.memory_space<vmem>>, vector<1x16xf32>,
      %get3A_134 = vector.shape_cast %get3A_133 : vector<1x16xf32> to vector<16xf32>
      %add3A_135 = arith.addf %add3A_128, %get3A_134 : vector<16xf32>
      %add3A_136 = arith.constant 12 : i32
      %add3A_137 = arith.addi %add3A_136, %scan3A_56 : i32
      %get3A_138 = arith.index_cast %add3A_137 : i32 to index
      %get3A_139 = arith.constant 16 : index
      %get3A_140 = tpu.vector_load %arg12[%get3A_138, %get3A_139] {strides = array<i32>} : memref<24x128xf32, #tpu.memory_space<vmem>>, vector<1x16xf32>,
      %get3A_141 = vector.shape_cast %get3A_140 : vector<1x16xf32> to vector<16xf32>
      %add3A_142 = arith.addf %add3A_135, %get3A_141 : vector<16xf32>
      %add3A_143 = arith.constant 16 : i32
      %add3A_144 = arith.addi %add3A_143, %scan3A_56 : i32
      %get3A_145 = arith.index_cast %add3A_144 : i32 to index
      %get3A_146 = arith.constant 16 : index
      %get3A_147 = tpu.vector_load %arg12[%get3A_145, %get3A_146] {strides = array<i32>} : memref<24x128xf32, #tpu.memory_space<vmem>>, vector<1x16xf32>,
      %get3A_148 = vector.shape_cast %get3A_147 : vector<1x16xf32> to vector<16xf32>
      %add3A_149 = arith.addf %add3A_142, %get3A_148 : vector<16xf32>
      %add3A_150 = arith.constant 20 : i32
      %add3A_151 = arith.addi %add3A_150, %scan3A_56 : i32
      %get3A_152 = arith.index_cast %add3A_151 : i32 to index
      %get3A_153 = arith.constant 16 : index
      %get3A_154 = tpu.vector_load %arg12[%get3A_152, %get3A_153] {strides = array<i32>} : memref<24x128xf32, #tpu.memory_space<vmem>>, vector<1x16xf32>,
      %get3A_155 = vector.shape_cast %get3A_154 : vector<1x16xf32> to vector<16xf32>
      %add3A_156 = arith.addf %add3A_149, %get3A_155 : vector<16xf32>
      %swap3A_157 = arith.index_cast %add3A_111 : i32 to index
      %swap3A_158 = tpu.vector_load %arg13[%swap3A_157] {strides = array<i32>} : memref<512xf32, #tpu.memory_space<vmem>>, vector<16xf32>,
      %swap3A_159 = vector.shape_cast %swap3A_158 : vector<16xf32> to vector<16xf32>
      %swap3A_160 = vector.shape_cast %add3A_156 : vector<16xf32> to vector<16xf32>
      tpu.vector_store %arg13[%swap3A_157], %swap3A_160 {strides = array<i32>} : memref<512xf32, #tpu.memory_space<vmem>>, vector<16xf32>,
      %mul3A_161 = arith.constant 128 : i32
      %mul3A_162 = arith.muli %scan3A_56, %mul3A_161 : i32
      %add3A_163 = arith.constant 32 : i32
      %add3A_164 = arith.addi %mul3A_162, %add3A_163 : i32
      %get3A_165 = arith.index_cast %add3A_164 : i32 to index
      %get3A_166 = tpu.vector_load %arg13[%get3A_165] {strides = array<i32>} : memref<512xf32, #tpu.memory_space<vmem>>, vector<16xf32>,
      %get3A_167 = vector.shape_cast %get3A_166 : vector<16xf32> to vector<16xf32>
      %add3A_168 = arith.constant 0 : i32
      %add3A_169 = arith.addi %add3A_168, %scan3A_56 : i32
      %get3A_170 = arith.index_cast %add3A_169 : i32 to index
      %get3A_171 = arith.constant 32 : index
      %get3A_172 = tpu.vector_load %arg12[%get3A_170, %get3A_171] {strides = array<i32>} : memref<24x128xf32, #tpu.memory_space<vmem>>, vector<1x16xf32>,
      %get3A_173 = vector.shape_cast %get3A_172 : vector<1x16xf32> to vector<16xf32>
      %add3A_174 = arith.addf %get3A_167, %get3A_173 : vector<16xf32>
      %add3A_175 = arith.constant 4 : i32
      %add3A_176 = arith.addi %add3A_175, %scan3A_56 : i32
      %get3A_177 = arith.index_cast %add3A_176 : i32 to index
      %get3A_178 = arith.constant 32 : index
      %get3A_179 = tpu.vector_load %arg12[%get3A_177, %get3A_178] {strides = array<i32>} : memref<24x128xf32, #tpu.memory_space<vmem>>, vector<1x16xf32>,
      %get3A_180 = vector.shape_cast %get3A_179 : vector<1x16xf32> to vector<16xf32>
      %add3A_181 = arith.addf %add3A_174, %get3A_180 : vector<16xf32>
      %add3A_182 = arith.constant 8 : i32
      %add3A_183 = arith.addi %add3A_182, %scan3A_56 : i32
      %get3A_184 = arith.index_cast %add3A_183 : i32 to index
      %get3A_185 = arith.constant 32 : index
      %get3A_186 = tpu.vector_load %arg12[%get3A_184, %get3A_185] {strides = array<i32>} : memref<24x128xf32, #tpu.memory_space<vmem>>, vector<1x16xf32>,
      %get3A_187 = vector.shape_cast %get3A_186 : vector<1x16xf32> to vector<16xf32>
      %add3A_188 = arith.addf %add3A_181, %get3A_187 : vector<16xf32>
      %add3A_189 = arith.constant 12 : i32
      %add3A_190 = arith.addi %add3A_189, %scan3A_56 : i32
      %get3A_191 = arith.index_cast %add3A_190 : i32 to index
      %get3A_192 = arith.constant 32 : index
      %get3A_193 = tpu.vector_load %arg12[%get3A_191, %get3A_192] {strides = array<i32>} : memref<24x128xf32, #tpu.memory_space<vmem>>, vector<1x16xf32>,
      %get3A_194 = vector.shape_cast %get3A_193 : vector<1x16xf32> to vector<16xf32>
      %add3A_195 = arith.addf %add3A_188, %get3A_194 : vector<16xf32>
      %add3A_196 = arith.constant 16 : i32
      %add3A_197 = arith.addi %add3A_196, %scan3A_56 : i32
      %get3A_198 = arith.index_cast %add3A_197 : i32 to index
      %get3A_199 = arith.constant 32 : index
      %get3A_200 = tpu.vector_load %arg12[%get3A_198, %get3A_199] {strides = array<i32>} : memref<24x128xf32, #tpu.memory_space<vmem>>, vector<1x16xf32>,
      %get3A_201 = vector.shape_cast %get3A_200 : vector<1x16xf32> to vector<16xf32>
      %add3A_202 = arith.addf %add3A_195, %get3A_201 : vector<16xf32>
      %add3A_203 = arith.constant 20 : i32
      %add3A_204 = arith.addi %add3A_203, %scan3A_56 : i32
      %get3A_205 = arith.index_cast %add3A_204 : i32 to index
      %get3A_206 = arith.constant 32 : index
      %get3A_207 = tpu.vector_load %arg12[%get3A_205, %get3A_206] {strides = array<i32>} : memref<24x128xf32, #tpu.memory_space<vmem>>, vector<1x16xf32>,
      %get3A_208 = vector.shape_cast %get3A_207 : vector<1x16xf32> to vector<16xf32>
      %add3A_209 = arith.addf %add3A_202, %get3A_208 : vector<16xf32>
      %swap3A_210 = arith.index_cast %add3A_164 : i32 to index
      %swap3A_211 = tpu.vector_load %arg13[%swap3A_210] {strides = array<i32>} : memref<512xf32, #tpu.memory_space<vmem>>, vector<16xf32>,
      %swap3A_212 = vector.shape_cast %swap3A_211 : vector<16xf32> to vector<16xf32>
      %swap3A_213 = vector.shape_cast %add3A_209 : vector<16xf32> to vector<16xf32>
      tpu.vector_store %arg13[%swap3A_210], %swap3A_213 {strides = array<i32>} : memref<512xf32, #tpu.memory_space<vmem>>, vector<16xf32>,
      %mul3A_214 = arith.constant 128 : i32
      %mul3A_215 = arith.muli %scan3A_56, %mul3A_214 : i32
      %add3A_216 = arith.constant 48 : i32
      %add3A_217 = arith.addi %mul3A_215, %add3A_216 : i32
      %get3A_218 = arith.index_cast %add3A_217 : i32 to index
      %get3A_219 = tpu.vector_load %arg13[%get3A_218] {strides = array<i32>} : memref<512xf32, #tpu.memory_space<vmem>>, vector<16xf32>,
      %get3A_220 = vector.shape_cast %get3A_219 : vector<16xf32> to vector<16xf32>
      %add3A_221 = arith.constant 0 : i32
      %add3A_222 = arith.addi %add3A_221, %scan3A_56 : i32
      %get3A_223 = arith.index_cast %add3A_222 : i32 to index
      %get3A_224 = arith.constant 48 : index
      %get3A_225 = tpu.vector_load %arg12[%get3A_223, %get3A_224] {strides = array<i32>} : memref<24x128xf32, #tpu.memory_space<vmem>>, vector<1x16xf32>,
      %get3A_226 = vector.shape_cast %get3A_225 : vector<1x16xf32> to vector<16xf32>
      %add3A_227 = arith.addf %get3A_220, %get3A_226 : vector<16xf32>
      %add3A_228 = arith.constant 4 : i32
      %add3A_229 = arith.addi %add3A_228, %scan3A_56 : i32
      %get3A_230 = arith.index_cast %add3A_229 : i32 to index
      %get3A_231 = arith.constant 48 : index
      %get3A_232 = tpu.vector_load %arg12[%get3A_230, %get3A_231] {strides = array<i32>} : memref<24x128xf32, #tpu.memory_space<vmem>>, vector<1x16xf32>,
      %get3A_233 = vector.shape_cast %get3A_232 : vector<1x16xf32> to vector<16xf32>
      %add3A_234 = arith.addf %add3A_227, %get3A_233 : vector<16xf32>
      %add3A_235 = arith.constant 8 : i32
      %add3A_236 = arith.addi %add3A_235, %scan3A_56 : i32
      %get3A_237 = arith.index_cast %add3A_236 : i32 to index
      %get3A_238 = arith.constant 48 : index
      %get3A_239 = tpu.vector_load %arg12[%get3A_237, %get3A_238] {strides = array<i32>} : memref<24x128xf32, #tpu.memory_space<vmem>>, vector<1x16xf32>,
      %get3A_240 = vector.shape_cast %get3A_239 : vector<1x16xf32> to vector<16xf32>
      %add3A_241 = arith.addf %add3A_234, %get3A_240 : vector<16xf32>
      %add3A_242 = arith.constant 12 : i32
      %add3A_243 = arith.addi %add3A_242, %scan3A_56 : i32
      %get3A_244 = arith.index_cast %add3A_243 : i32 to index
      %get3A_245 = arith.constant 48 : index
      %get3A_246 = tpu.vector_load %arg12[%get3A_244, %get3A_245] {strides = array<i32>} : memref<24x128xf32, #tpu.memory_space<vmem>>, vector<1x16xf32>,
      %get3A_247 = vector.shape_cast %get3A_246 : vector<1x16xf32> to vector<16xf32>
      %add3A_248 = arith.addf %add3A_241, %get3A_247 : vector<16xf32>
      %add3A_249 = arith.constant 16 : i32
      %add3A_250 = arith.addi %add3A_249, %scan3A_56 : i32
      %get3A_251 = arith.index_cast %add3A_250 : i32 to index
      %get3A_252 = arith.constant 48 : index
      %get3A_253 = tpu.vector_load %arg12[%get3A_251, %get3A_252] {strides = array<i32>} : memref<24x128xf32, #tpu.memory_space<vmem>>, vector<1x16xf32>,
      %get3A_254 = vector.shape_cast %get3A_253 : vector<1x16xf32> to vector<16xf32>
      %add3A_255 = arith.addf %add3A_248, %get3A_254 : vector<16xf32>
      %add3A_256 = arith.constant 20 : i32
      %add3A_257 = arith.addi %add3A_256, %scan3A_56 : i32
      %get3A_258 = arith.index_cast %add3A_257 : i32 to index
      %get3A_259 = arith.constant 48 : index
      %get3A_260 = tpu.vector_load %arg12[%get3A_258, %get3A_259] {strides = array<i32>} : memref<24x128xf32, #tpu.memory_space<vmem>>, vector<1x16xf32>,
      %get3A_261 = vector.shape_cast %get3A_260 : vector<1x16xf32> to vector<16xf32>
      %add3A_262 = arith.addf %add3A_255, %get3A_261 : vector<16xf32>
      %swap3A_263 = arith.index_cast %add3A_217 : i32 to index
      %swap3A_264 = tpu.vector_load %arg13[%swap3A_263] {strides = array<i32>} : memref<512xf32, #tpu.memory_space<vmem>>, vector<16xf32>,
      %swap3A_265 = vector.shape_cast %swap3A_264 : vector<16xf32> to vector<16xf32>
      %swap3A_266 = vector.shape_cast %add3A_262 : vector<16xf32> to vector<16xf32>
      tpu.vector_store %arg13[%swap3A_263], %swap3A_266 {strides = array<i32>} : memref<512xf32, #tpu.memory_space<vmem>>, vector<16xf32>,
      %mul3A_267 = arith.constant 128 : i32
      %mul3A_268 = arith.muli %scan3A_56, %mul3A_267 : i32
      %add3A_269 = arith.constant 64 : i32
      %add3A_270 = arith.addi %mul3A_268, %add3A_269 : i32
      %get3A_271 = arith.index_cast %add3A_270 : i32 to index
      %get3A_272 = tpu.vector_load %arg13[%get3A_271] {strides = array<i32>} : memref<512xf32, #tpu.memory_space<vmem>>, vector<16xf32>,
      %get3A_273 = vector.shape_cast %get3A_272 : vector<16xf32> to vector<16xf32>
      %add3A_274 = arith.constant 0 : i32
      %add3A_275 = arith.addi %add3A_274, %scan3A_56 : i32
      %get3A_276 = arith.index_cast %add3A_275 : i32 to index
      %get3A_277 = arith.constant 64 : index
      %get3A_278 = tpu.vector_load %arg12[%get3A_276, %get3A_277] {strides = array<i32>} : memref<24x128xf32, #tpu.memory_space<vmem>>, vector<1x16xf32>,
      %get3A_279 = vector.shape_cast %get3A_278 : vector<1x16xf32> to vector<16xf32>
      %add3A_280 = arith.addf %get3A_273, %get3A_279 : vector<16xf32>
      %add3A_281 = arith.constant 4 : i32
      %add3A_282 = arith.addi %add3A_281, %scan3A_56 : i32
      %get3A_283 = arith.index_cast %add3A_282 : i32 to index
      %get3A_284 = arith.constant 64 : index
      %get3A_285 = tpu.vector_load %arg12[%get3A_283, %get3A_284] {strides = array<i32>} : memref<24x128xf32, #tpu.memory_space<vmem>>, vector<1x16xf32>,
      %get3A_286 = vector.shape_cast %get3A_285 : vector<1x16xf32> to vector<16xf32>
      %add3A_287 = arith.addf %add3A_280, %get3A_286 : vector<16xf32>
      %add3A_288 = arith.constant 8 : i32
      %add3A_289 = arith.addi %add3A_288, %scan3A_56 : i32
      %get3A_290 = arith.index_cast %add3A_289 : i32 to index
      %get3A_291 = arith.constant 64 : index
      %get3A_292 = tpu.vector_load %arg12[%get3A_290, %get3A_291] {strides = array<i32>} : memref<24x128xf32, #tpu.memory_space<vmem>>, vector<1x16xf32>,
      %get3A_293 = vector.shape_cast %get3A_292 : vector<1x16xf32> to vector<16xf32>
      %add3A_294 = arith.addf %add3A_287, %get3A_293 : vector<16xf32>
      %add3A_295 = arith.constant 12 : i32
      %add3A_296 = arith.addi %add3A_295, %scan3A_56 : i32
      %get3A_297 = arith.index_cast %add3A_296 : i32 to index
      %get3A_298 = arith.constant 64 : index
      %get3A_299 = tpu.vector_load %arg12[%get3A_297, %get3A_298] {strides = array<i32>} : memref<24x128xf32, #tpu.memory_space<vmem>>, vector<1x16xf32>,
      %get3A_300 = vector.shape_cast %get3A_299 : vector<1x16xf32> to vector<16xf32>
      %add3A_301 = arith.addf %add3A_294, %get3A_300 : vector<16xf32>
      %add3A_302 = arith.constant 16 : i32
      %add3A_303 = arith.addi %add3A_302, %scan3A_56 : i32
      %get3A_304 = arith.index_cast %add3A_303 : i32 to index
      %get3A_305 = arith.constant 64 : index
      %get3A_306 = tpu.vector_load %arg12[%get3A_304, %get3A_305] {strides = array<i32>} : memref<24x128xf32, #tpu.memory_space<vmem>>, vector<1x16xf32>,
      %get3A_307 = vector.shape_cast %get3A_306 : vector<1x16xf32> to vector<16xf32>
      %add3A_308 = arith.addf %add3A_301, %get3A_307 : vector<16xf32>
      %add3A_309 = arith.constant 20 : i32
      %add3A_310 = arith.addi %add3A_309, %scan3A_56 : i32
      %get3A_311 = arith.index_cast %add3A_310 : i32 to index
      %get3A_312 = arith.constant 64 : index
      %get3A_313 = tpu.vector_load %arg12[%get3A_311, %get3A_312] {strides = array<i32>} : memref<24x128xf32, #tpu.memory_space<vmem>>, vector<1x16xf32>,
      %get3A_314 = vector.shape_cast %get3A_313 : vector<1x16xf32> to vector<16xf32>
      %add3A_315 = arith.addf %add3A_308, %get3A_314 : vector<16xf32>
      %swap3A_316 = arith.index_cast %add3A_270 : i32 to index
      %swap3A_317 = tpu.vector_load %arg13[%swap3A_316] {strides = array<i32>} : memref<512xf32, #tpu.memory_space<vmem>>, vector<16xf32>,
      %swap3A_318 = vector.shape_cast %swap3A_317 : vector<16xf32> to vector<16xf32>
      %swap3A_319 = vector.shape_cast %add3A_315 : vector<16xf32> to vector<16xf32>
      tpu.vector_store %arg13[%swap3A_316], %swap3A_319 {strides = array<i32>} : memref<512xf32, #tpu.memory_space<vmem>>, vector<16xf32>,
      %mul3A_320 = arith.constant 128 : i32
      %mul3A_321 = arith.muli %scan3A_56, %mul3A_320 : i32
      %add3A_322 = arith.constant 80 : i32
      %add3A_323 = arith.addi %mul3A_321, %add3A_322 : i32
      %get3A_324 = arith.index_cast %add3A_323 : i32 to index
      %get3A_325 = tpu.vector_load %arg13[%get3A_324] {strides = array<i32>} : memref<512xf32, #tpu.memory_space<vmem>>, vector<16xf32>,
      %get3A_326 = vector.shape_cast %get3A_325 : vector<16xf32> to vector<16xf32>
      %add3A_327 = arith.constant 0 : i32
      %add3A_328 = arith.addi %add3A_327, %scan3A_56 : i32
      %get3A_329 = arith.index_cast %add3A_328 : i32 to index
      %get3A_330 = arith.constant 80 : index
      %get3A_331 = tpu.vector_load %arg12[%get3A_329, %get3A_330] {strides = array<i32>} : memref<24x128xf32, #tpu.memory_space<vmem>>, vector<1x16xf32>,
      %get3A_332 = vector.shape_cast %get3A_331 : vector<1x16xf32> to vector<16xf32>
      %add3A_333 = arith.addf %get3A_326, %get3A_332 : vector<16xf32>
      %add3A_334 = arith.constant 4 : i32
      %add3A_335 = arith.addi %add3A_334, %scan3A_56 : i32
      %get3A_336 = arith.index_cast %add3A_335 : i32 to index
      %get3A_337 = arith.constant 80 : index
      %get3A_338 = tpu.vector_load %arg12[%get3A_336, %get3A_337] {strides = array<i32>} : memref<24x128xf32, #tpu.memory_space<vmem>>, vector<1x16xf32>,
      %get3A_339 = vector.shape_cast %get3A_338 : vector<1x16xf32> to vector<16xf32>
      %add3A_340 = arith.addf %add3A_333, %get3A_339 : vector<16xf32>
      %add3A_341 = arith.constant 8 : i32
      %add3A_342 = arith.addi %add3A_341, %scan3A_56 : i32
      %get3A_343 = arith.index_cast %add3A_342 : i32 to index
      %get3A_344 = arith.constant 80 : index
      %get3A_345 = tpu.vector_load %arg12[%get3A_343, %get3A_344] {strides = array<i32>} : memref<24x128xf32, #tpu.memory_space<vmem>>, vector<1x16xf32>,
      %get3A_346 = vector.shape_cast %get3A_345 : vector<1x16xf32> to vector<16xf32>
      %add3A_347 = arith.addf %add3A_340, %get3A_346 : vector<16xf32>
      %add3A_348 = arith.constant 12 : i32
      %add3A_349 = arith.addi %add3A_348, %scan3A_56 : i32
      %get3A_350 = arith.index_cast %add3A_349 : i32 to index
      %get3A_351 = arith.constant 80 : index
      %get3A_352 = tpu.vector_load %arg12[%get3A_350, %get3A_351] {strides = array<i32>} : memref<24x128xf32, #tpu.memory_space<vmem>>, vector<1x16xf32>,
      %get3A_353 = vector.shape_cast %get3A_352 : vector<1x16xf32> to vector<16xf32>
      %add3A_354 = arith.addf %add3A_347, %get3A_353 : vector<16xf32>
      %add3A_355 = arith.constant 16 : i32
      %add3A_356 = arith.addi %add3A_355, %scan3A_56 : i32
      %get3A_357 = arith.index_cast %add3A_356 : i32 to index
      %get3A_358 = arith.constant 80 : index
      %get3A_359 = tpu.vector_load %arg12[%get3A_357, %get3A_358] {strides = array<i32>} : memref<24x128xf32, #tpu.memory_space<vmem>>, vector<1x16xf32>,
      %get3A_360 = vector.shape_cast %get3A_359 : vector<1x16xf32> to vector<16xf32>
      %add3A_361 = arith.addf %add3A_354, %get3A_360 : vector<16xf32>
      %add3A_362 = arith.constant 20 : i32
      %add3A_363 = arith.addi %add3A_362, %scan3A_56 : i32
      %get3A_364 = arith.index_cast %add3A_363 : i32 to index
      %get3A_365 = arith.constant 80 : index
      %get3A_366 = tpu.vector_load %arg12[%get3A_364, %get3A_365] {strides = array<i32>} : memref<24x128xf32, #tpu.memory_space<vmem>>, vector<1x16xf32>,
      %get3A_367 = vector.shape_cast %get3A_366 : vector<1x16xf32> to vector<16xf32>
      %add3A_368 = arith.addf %add3A_361, %get3A_367 : vector<16xf32>
      %swap3A_369 = arith.index_cast %add3A_323 : i32 to index
      %swap3A_370 = tpu.vector_load %arg13[%swap3A_369] {strides = array<i32>} : memref<512xf32, #tpu.memory_space<vmem>>, vector<16xf32>,
      %swap3A_371 = vector.shape_cast %swap3A_370 : vector<16xf32> to vector<16xf32>
      %swap3A_372 = vector.shape_cast %add3A_368 : vector<16xf32> to vector<16xf32>
      tpu.vector_store %arg13[%swap3A_369], %swap3A_372 {strides = array<i32>} : memref<512xf32, #tpu.memory_space<vmem>>, vector<16xf32>,
      %mul3A_373 = arith.constant 128 : i32
      %mul3A_374 = arith.muli %scan3A_56, %mul3A_373 : i32
      %add3A_375 = arith.constant 96 : i32
      %add3A_376 = arith.addi %mul3A_374, %add3A_375 : i32
      %get3A_377 = arith.index_cast %add3A_376 : i32 to index
      %get3A_378 = tpu.vector_load %arg13[%get3A_377] {strides = array<i32>} : memref<512xf32, #tpu.memory_space<vmem>>, vector<16xf32>,
      %get3A_379 = vector.shape_cast %get3A_378 : vector<16xf32> to vector<16xf32>
      %add3A_380 = arith.constant 0 : i32
      %add3A_381 = arith.addi %add3A_380, %scan3A_56 : i32
      %get3A_382 = arith.index_cast %add3A_381 : i32 to index
      %get3A_383 = arith.constant 96 : index
      %get3A_384 = tpu.vector_load %arg12[%get3A_382, %get3A_383] {strides = array<i32>} : memref<24x128xf32, #tpu.memory_space<vmem>>, vector<1x16xf32>,
      %get3A_385 = vector.shape_cast %get3A_384 : vector<1x16xf32> to vector<16xf32>
      %add3A_386 = arith.addf %get3A_379, %get3A_385 : vector<16xf32>
      %add3A_387 = arith.constant 4 : i32
      %add3A_388 = arith.addi %add3A_387, %scan3A_56 : i32
      %get3A_389 = arith.index_cast %add3A_388 : i32 to index
      %get3A_390 = arith.constant 96 : index
      %get3A_391 = tpu.vector_load %arg12[%get3A_389, %get3A_390] {strides = array<i32>} : memref<24x128xf32, #tpu.memory_space<vmem>>, vector<1x16xf32>,
      %get3A_392 = vector.shape_cast %get3A_391 : vector<1x16xf32> to vector<16xf32>
      %add3A_393 = arith.addf %add3A_386, %get3A_392 : vector<16xf32>
      %add3A_394 = arith.constant 8 : i32
      %add3A_395 = arith.addi %add3A_394, %scan3A_56 : i32
      %get3A_396 = arith.index_cast %add3A_395 : i32 to index
      %get3A_397 = arith.constant 96 : index
      %get3A_398 = tpu.vector_load %arg12[%get3A_396, %get3A_397] {strides = array<i32>} : memref<24x128xf32, #tpu.memory_space<vmem>>, vector<1x16xf32>,
      %get3A_399 = vector.shape_cast %get3A_398 : vector<1x16xf32> to vector<16xf32>
      %add3A_400 = arith.addf %add3A_393, %get3A_399 : vector<16xf32>
      %add3A_401 = arith.constant 12 : i32
      %add3A_402 = arith.addi %add3A_401, %scan3A_56 : i32
      %get3A_403 = arith.index_cast %add3A_402 : i32 to index
      %get3A_404 = arith.constant 96 : index
      %get3A_405 = tpu.vector_load %arg12[%get3A_403, %get3A_404] {strides = array<i32>} : memref<24x128xf32, #tpu.memory_space<vmem>>, vector<1x16xf32>,
      %get3A_406 = vector.shape_cast %get3A_405 : vector<1x16xf32> to vector<16xf32>
      %add3A_407 = arith.addf %add3A_400, %get3A_406 : vector<16xf32>
      %add3A_408 = arith.constant 16 : i32
      %add3A_409 = arith.addi %add3A_408, %scan3A_56 : i32
      %get3A_410 = arith.index_cast %add3A_409 : i32 to index
      %get3A_411 = arith.constant 96 : index
      %get3A_412 = tpu.vector_load %arg12[%get3A_410, %get3A_411] {strides = array<i32>} : memref<24x128xf32, #tpu.memory_space<vmem>>, vector<1x16xf32>,
      %get3A_413 = vector.shape_cast %get3A_412 : vector<1x16xf32> to vector<16xf32>
      %add3A_414 = arith.addf %add3A_407, %get3A_413 : vector<16xf32>
      %add3A_415 = arith.constant 20 : i32
      %add3A_416 = arith.addi %add3A_415, %scan3A_56 : i32
      %get3A_417 = arith.index_cast %add3A_416 : i32 to index
      %get3A_418 = arith.constant 96 : index
      %get3A_419 = tpu.vector_load %arg12[%get3A_417, %get3A_418] {strides = array<i32>} : memref<24x128xf32, #tpu.memory_space<vmem>>, vector<1x16xf32>,
      %get3A_420 = vector.shape_cast %get3A_419 : vector<1x16xf32> to vector<16xf32>
      %add3A_421 = arith.addf %add3A_414, %get3A_420 : vector<16xf32>
      %swap3A_422 = arith.index_cast %add3A_376 : i32 to index
      %swap3A_423 = tpu.vector_load %arg13[%swap3A_422] {strides = array<i32>} : memref<512xf32, #tpu.memory_space<vmem>>, vector<16xf32>,
      %swap3A_424 = vector.shape_cast %swap3A_423 : vector<16xf32> to vector<16xf32>
      %swap3A_425 = vector.shape_cast %add3A_421 : vector<16xf32> to vector<16xf32>
      tpu.vector_store %arg13[%swap3A_422], %swap3A_425 {strides = array<i32>} : memref<512xf32, #tpu.memory_space<vmem>>, vector<16xf32>,
      %mul3A_426 = arith.constant 128 : i32
      %mul3A_427 = arith.muli %scan3A_56, %mul3A_426 : i32
      %add3A_428 = arith.constant 112 : i32
      %add3A_429 = arith.addi %mul3A_427, %add3A_428 : i32
      %get3A_430 = arith.index_cast %add3A_429 : i32 to index
      %get3A_431 = tpu.vector_load %arg13[%get3A_430] {strides = array<i32>} : memref<512xf32, #tpu.memory_space<vmem>>, vector<16xf32>,
      %get3A_432 = vector.shape_cast %get3A_431 : vector<16xf32> to vector<16xf32>
      %add3A_433 = arith.constant 0 : i32
      %add3A_434 = arith.addi %add3A_433, %scan3A_56 : i32
      %get3A_435 = arith.index_cast %add3A_434 : i32 to index
      %get3A_436 = arith.constant 112 : index
      %get3A_437 = tpu.vector_load %arg12[%get3A_435, %get3A_436] {strides = array<i32>} : memref<24x128xf32, #tpu.memory_space<vmem>>, vector<1x16xf32>,
      %get3A_438 = vector.shape_cast %get3A_437 : vector<1x16xf32> to vector<16xf32>
      %add3A_439 = arith.addf %get3A_432, %get3A_438 : vector<16xf32>
      %add3A_440 = arith.constant 4 : i32
      %add3A_441 = arith.addi %add3A_440, %scan3A_56 : i32
      %get3A_442 = arith.index_cast %add3A_441 : i32 to index
      %get3A_443 = arith.constant 112 : index
      %get3A_444 = tpu.vector_load %arg12[%get3A_442, %get3A_443] {strides = array<i32>} : memref<24x128xf32, #tpu.memory_space<vmem>>, vector<1x16xf32>,
      %get3A_445 = vector.shape_cast %get3A_444 : vector<1x16xf32> to vector<16xf32>
      %add3A_446 = arith.addf %add3A_439, %get3A_445 : vector<16xf32>
      %add3A_447 = arith.constant 8 : i32
      %add3A_448 = arith.addi %add3A_447, %scan3A_56 : i32
      %get3A_449 = arith.index_cast %add3A_448 : i32 to index
      %get3A_450 = arith.constant 112 : index
      %get3A_451 = tpu.vector_load %arg12[%get3A_449, %get3A_450] {strides = array<i32>} : memref<24x128xf32, #tpu.memory_space<vmem>>, vector<1x16xf32>,
      %get3A_452 = vector.shape_cast %get3A_451 : vector<1x16xf32> to vector<16xf32>
      %add3A_453 = arith.addf %add3A_446, %get3A_452 : vector<16xf32>
      %add3A_454 = arith.constant 12 : i32
      %add3A_455 = arith.addi %add3A_454, %scan3A_56 : i32
      %get3A_456 = arith.index_cast %add3A_455 : i32 to index
      %get3A_457 = arith.constant 112 : index
      %get3A_458 = tpu.vector_load %arg12[%get3A_456, %get3A_457] {strides = array<i32>} : memref<24x128xf32, #tpu.memory_space<vmem>>, vector<1x16xf32>,
      %get3A_459 = vector.shape_cast %get3A_458 : vector<1x16xf32> to vector<16xf32>
      %add3A_460 = arith.addf %add3A_453, %get3A_459 : vector<16xf32>
      %add3A_461 = arith.constant 16 : i32
      %add3A_462 = arith.addi %add3A_461, %scan3A_56 : i32
      %get3A_463 = arith.index_cast %add3A_462 : i32 to index
      %get3A_464 = arith.constant 112 : index
      %get3A_465 = tpu.vector_load %arg12[%get3A_463, %get3A_464] {strides = array<i32>} : memref<24x128xf32, #tpu.memory_space<vmem>>, vector<1x16xf32>,
      %get3A_466 = vector.shape_cast %get3A_465 : vector<1x16xf32> to vector<16xf32>
      %add3A_467 = arith.addf %add3A_460, %get3A_466 : vector<16xf32>
      %add3A_468 = arith.constant 20 : i32
      %add3A_469 = arith.addi %add3A_468, %scan3A_56 : i32
      %get3A_470 = arith.index_cast %add3A_469 : i32 to index
      %get3A_471 = arith.constant 112 : index
      %get3A_472 = tpu.vector_load %arg12[%get3A_470, %get3A_471] {strides = array<i32>} : memref<24x128xf32, #tpu.memory_space<vmem>>, vector<1x16xf32>,
      %get3A_473 = vector.shape_cast %get3A_472 : vector<1x16xf32> to vector<16xf32>
      %add3A_474 = arith.addf %add3A_467, %get3A_473 : vector<16xf32>
      %swap3A_475 = arith.index_cast %add3A_429 : i32 to index
      %swap3A_476 = tpu.vector_load %arg13[%swap3A_475] {strides = array<i32>} : memref<512xf32, #tpu.memory_space<vmem>>, vector<16xf32>,
      %swap3A_477 = vector.shape_cast %swap3A_476 : vector<16xf32> to vector<16xf32>
      %swap3A_478 = vector.shape_cast %add3A_474 : vector<16xf32> to vector<16xf32>
      tpu.vector_store %arg13[%swap3A_475], %swap3A_478 {strides = array<i32>} : memref<512xf32, #tpu.memory_space<vmem>>, vector<16xf32>,
    }
    %scan3A_55 = arith.constant 4 : i32
    "tpu.region"() ({
      %run_scoped3A = tpu.sem_alloc : memref<!tpu.dma_semaphore, #tpu.memory_space<semaphore_mem>>
      %dma_start3A_56 = tpu.memref_slice %arg10[%mul3A_2] : memref<16384xf32, #tpu.memory_space<hbm>> -> memref<512xf32, #tpu.memory_space<hbm>>
      %dma_start3A_57 = tpu.memref_slice %arg10[%mul3A_2] : memref<16384xf32, #tpu.memory_space<hbm>> -> memref<512xf32, #tpu.memory_space<hbm>>
      tpu.enqueue_dma source(%arg13 : memref<512xf32, #tpu.memory_space<vmem>>) target(%dma_start3A_57 : memref<512xf32, #tpu.memory_space<hbm>>) target_semaphore(%run_scoped3A : memref<!tpu.dma_semaphore, #tpu.memory_space<semaphore_mem>>)
      %dma_wait3A_58 = tpu.memref_slice %arg10[%mul3A_2] : memref<16384xf32, #tpu.memory_space<hbm>> -> memref<512xf32, #tpu.memory_space<hbm>>
      %dma_wait3A_59 = tpu.memref_slice %arg10[%mul3A_2] : memref<16384xf32, #tpu.memory_space<hbm>> -> memref<512xf32, #tpu.memory_space<hbm>>
      tpu.wait_dma2 semaphore(%run_scoped3A : memref<!tpu.dma_semaphore, #tpu.memory_space<semaphore_mem>>) src(%arg13 : memref<512xf32, #tpu.memory_space<vmem>>) dst(%dma_wait3A_59 : memref<512xf32, #tpu.memory_space<hbm>>)
      tpu.yield
    }) : () -> ()
    return
  }
}

</mosaic_0001>

<sc_bundles>
// kernel: _run.12.cloned.1.call-start
scs
__scs_entry_jumppad:
0x0: {  	(pc) =	sbr.rel $0x88, $3  }
0x1: {  	(tag) =	ssettag $0x0;
	lr =	simm.s32 $0x1  }
0x2: {  	[smem:$0x3F85] =	sst lr;
	_ =	strace $0xD0000000  }
0x3: {  	_ = 	snop  }
0x4: {  	_ = 	snop  }
0x5: {  	_ = 	snop  }
0x6: {  	_ = 	snop  }
0x7: {  	_ = 	snop  }
__scs_overlays_trampoline_lowered:
0x8: {  	[smem:$0x3F94] =	sst s0  }
0x9: {  	[smem:$0x3F95] =	sst s1  }
0xa: {  	[smem:$0x3F96] =	sst s2  }
0xb: {  	[smem:$0x3F97] =	sst s3  }
0xc: {  	[smem:$0x3F98] =	sst s4  }
0xd: {  	[smem:$0x3F99] =	sst s5  }
0xe: {  	[smem:$0x3F9A] =	sst s6  }
0xf: {  	[smem:$0x3F9B] =	sst s7  }
0x10: {  	[smem:$0x3F9C] =	sst s8  }
0x11: {  	[smem:$0x3F9D] =	sst s9;
	s0 =	simm.s32 @!p0 $0x0  }
0x12: {  	s1 =	sld [smem:$0x3F83];
	s0 =	simm.s32 @p0 $0x1  }
0x13: {  	[smem:$0x3F9E] =	sst s0;
	s0 =	simm.s32 @!p1 $0x0  }
0x14: {  	s2 =	sld [smem:$0x3F82];
	s0 =	simm.s32 @p1 $0x1  }
0x15: {  	[smem:$0x3F9F] =	sst s0;
	s0 =	simm.s32 @!p2 $0x0  }
0x16: {  	s3 =	sld [smem:$0x3FDB];
	s0 =	simm.s32 @p2 $0x1  }
0x17: {  	s4 =	simm.s32 $0x1BF5;
	[smem:$0x3FA1] =	sst s0  }
0x18: {  	s0 =	sld [smem:$0x3F84];
	_ =	swait.ge [sflag:s4], $0x0  }
0x19: {  	s7 =	sld [smem:$0x3F85]  }
0x1a: {  	s8 =	sadd.s32 $0xFFFFE003, lr  }
0x1b: {  	s9 =	sadd.s32 $0xFFFFFEF7, lr;
	s5 =	simm.s32 $0xFFFFFFFF;
	p2 =	slt.u32 s8, $0xFFFFF086  }
0x1c: {  	p1 =	slt.u32 s9, $0xF7A;
	s5 =	simm.s32 @!p2 $0x0  }
0x1d: {  	s5 =	simm.s32 @p1 $0x1;
	p0 =	seq.s32 s7, s2  }
0x1e: {  	s7 =	smul.u32 @!p0 $0xF7A, s2;
	p2 =	seq.s32 @!p0 s5, $0x0  }
0x1f: {  	s9 =	smul.u32 $0xF7A, s1;
	s8 =	simm.s32 @!p0 $0x1BF5;
	p2 =	por !p2, p0  }
0x20: {  	[sflag:s8] =	ssyncset.s32 @!p0 $0xFFFFF086;
	s6 =	sadd.s32 @!p0 s3, s7;
	s7 =	simm.s32 @!p0 $0x108  }
0x21: {  	s3 =	sadd.s32 s3, s9;
	s6 =	sadd.s32 @!p0 $0x88, s6;
	s7 =	simm.s32 @p2 $0x1082  }
0x22: {  	[simem:s7], [sflag:s8] =	dma.local @!p0 [hbm:s6], $0xF7A  }
0x23: {  	s9 =	sor.u32 $0xD0000000, s2;
	s6 =	simm.s32 $0x108;
	_ =	swait.ge @!p0 [sflag:s8], $0x0  }
0x24: {  	s3 =	sadd.s32 $0x88, s3;
	s6 =	simm.s32 @!p1 $0x1082;
	[sflag:s4] =	ssyncset.s32 $0xFFFFF086  }
0x25: {  	[simem:s6], [sflag:s4] =	dma.local [hbm:s3], $0xF7A  }
0x26: {  	[smem:$0x3F85] =	sst s1;
	(tag) =	ssettag s2;
	_ =	strace s9  }
0x27: {  	s1 =	sld [smem:$0x3F95]  }
0x28: {  	s2 =	sld [smem:$0x3F96]  }
0x29: {  	s4 =	sld [smem:$0x3F98]  }
0x2a: {  	p0 =	seq.s32 s5, $0x0;
	s5 =	sld [smem:$0x3F99]  }
0x2b: {  	s6 =	sld [smem:$0x3F9A]  }
0x2c: {  	s7 =	sld [smem:$0x3F9B]  }
0x2d: {  	s3 =	simm.s32 $0x108;
	s8 =	sld [smem:$0x3F9C]  }
0x2e: {  	s3 =	simm.s32 @!p0 $0x1082;
	s9 =	sld [smem:$0x3F9D]  }
0x2f: {  	lr =	sadd.s32 s0, s3;
	s0 =	sld [smem:$0x3F94]  }
0x30: {  	s3 =	sld [smem:$0x3F97]  }
0x31: {  	[smem:$0x3FA0] =	sst s10  }
0x32: {  	s10 =	sld [smem:$0x3F9E];
	_ =	sdelay $0x3  }
0x33: {  	p0 =	seq.s32 s10, $0x1;
	s10 =	sld [smem:$0x3FA0];
	_ =	sdelay $0x3  }
0x34: {  	[smem:$0x3FA0] =	sst s10  }
0x35: {  	s10 =	sld [smem:$0x3F9F];
	_ =	sdelay $0x3  }
0x36: {  	p1 =	seq.s32 s10, $0x1;
	s10 =	sld [smem:$0x3FA0];
	_ =	sdelay $0x3  }
0x37: {  	[smem:$0x3FA0] =	sst s10  }
0x38: {  	s10 =	sld [smem:$0x3FA1]  }
0x39: {  	_ = 	snop;
	(pc) =	sbr.ind lr, $3  }
0x3a: {  	_ = 	snop  }
0x3b: {  	_ = 	snop  }
0x3c: {  	p2 =	seq.s32 s10, $0x1;
	s10 =	sld [smem:$0x3FA0]  }
0x3d: {  	_ =	shalt  }
0x3e: {  	_ =	shalt  }
0x3f: {  	_ =	shalt  }
0x40: {  	_ =	shalt  }
0x41: {  	_ =	shalt  }
0x42: {  	_ =	shalt  }
0x43: {  	_ =	shalt  }
0x44: {  	_ =	shalt  }
0x45: {  	_ =	shalt  }
0x46: {  	_ =	shalt  }
0x47: {  	_ =	shalt  }
0x48: {  	_ =	shalt  }
0x49: {  	_ =	shalt  }
0x4a: {  	_ =	shalt  }
0x4b: {  	_ =	shalt  }
0x4c: {  	_ =	shalt  }
0x4d: {  	_ =	shalt  }
0x4e: {  	_ =	shalt  }
0x4f: {  	_ =	shalt  }
0x50: {  	_ =	shalt  }
0x51: {  	_ =	shalt  }
0x52: {  	_ =	shalt  }
0x53: {  	_ =	shalt  }
0x54: {  	_ =	shalt  }
0x55: {  	_ =	shalt  }
0x56: {  	_ =	shalt  }
0x57: {  	_ =	shalt  }
0x58: {  	_ =	shalt  }
0x59: {  	_ =	shalt  }
0x5a: {  	_ =	shalt  }
0x5b: {  	_ =	shalt  }
0x5c: {  	_ =	shalt  }
0x5d: {  	_ =	shalt  }
0x5e: {  	_ =	shalt  }
0x5f: {  	_ =	shalt  }
0x60: {  	_ =	shalt  }
0x61: {  	_ =	shalt  }
0x62: {  	_ =	shalt  }
0x63: {  	_ =	shalt  }
0x64: {  	_ =	shalt  }
0x65: {  	_ =	shalt  }
0x66: {  	_ =	shalt  }
0x67: {  	_ =	shalt  }
0x68: {  	_ =	shalt  }
0x69: {  	_ =	shalt  }
0x6a: {  	_ =	shalt  }
0x6b: {  	_ =	shalt  }
0x6c: {  	_ =	shalt  }
0x6d: {  	_ =	shalt  }
0x6e: {  	_ =	shalt  }
0x6f: {  	_ =	shalt  }
0x70: {  	_ =	shalt  }
0x71: {  	_ =	shalt  }
0x72: {  	_ =	shalt  }
0x73: {  	_ =	shalt  }
0x74: {  	_ =	shalt  }
0x75: {  	_ =	shalt  }
0x76: {  	_ =	shalt  }
0x77: {  	_ =	shalt  }
0x78: {  	_ =	shalt  }
0x79: {  	_ =	shalt  }
0x7a: {  	_ =	shalt  }
0x7b: {  	_ =	shalt  }
0x7c: {  	_ =	shalt  }
0x7d: {  	_ =	shalt  }
0x7e: {  	_ =	shalt  }
0x7f: {  	_ =	shalt  }
0x80: {  	_ =	shalt  }
0x81: {  	_ =	shalt  }
0x82: {  	_ =	shalt  }
0x83: {  	_ =	shalt  }
0x84: {  	_ =	shalt  }
0x85: {  	_ =	shalt  }
0x86: {  	_ =	shalt  }
0x87: {  	_ =	shalt  }
.Lfunc_end0:
.L_simem_size_0:
called_computation.2_lowered:
.L_overlay_start_0:
0x88: {  	s2 =	sld [smem:$0x3FD9]  }
0x89: {  	s3 =	sld [smem:$0x3FFE];
	_ =	sdelay $0x1  }
0x8a: {  	s1 =	srdreg.scid  }
0x8b: {  	s0 =	sand.u32 $0x1, s1  }
0x8c: {  	s17 =	sshll.u32 s0, $0xA;
	s2 =	sadd.s32 s3, s2  }
0x8d: {  	s2 =	sadd.s32 s2, s17  }
0x8e: {  	[smem:$0x3FAC] =	sst s2  }
0x8f: {  	_ = 	snop  }
0x90: {  	s2 =	sld [smem:$0x3FBC]  }
0x91: {  	s18 =	sld [smem:$0x3FBB]  }
0x92: {  	s4 =	sld [smem:$0x3FBA]  }
0x93: {  	s5 =	sld [smem:$0x3FB9]  }
0x94: {  	s6 =	sld [smem:$0x3FB8]  }
0x95: {  	s7 =	sld [smem:$0x3FB7]  }
0x96: {  	s8 =	sld [smem:$0x3FB6]  }
0x97: {  	s9 =	sld [smem:$0x3FB5]  }
0x98: {  	s10 =	sld [smem:$0x3FD0];
	(tm) =	ssettm $0x1  }
0x99: {  	s11 =	sld [smem:$0x3FFB];
	_ =	sdelay $0x3  }
0x9a: {  	_ =	strace s11  }
0x9b: {  	s11 =	sld [smem:$0x3FFC];
	_ =	sdelay $0x3  }
0x9c: {  	_ =	strace s11  }
0x9d: {  	s11 =	sld [smem:$0x3FFD];
	_ =	sdelay $0x3  }
0x9e: {  	_ =	strace s11  }
0x9f: {  	_ =	strace $0x8FFFFFFF  }
0xa0: {  	s19 =	sld [smem:$0x3FDB];
	_ =	sdelay $0x1  }
0xa1: {  	s12 =	simm.s32 $_scs_section_size  }
0xa2: {  	s13 =	simm.s32 $_size__tile_overlayer_lowered;
	s14 =	simm.s32 $_tile_overlayer_lowered  }
0xa3: {  	s22 =	simm.s32 $0x1BFF;
	s21 =	sshll.u32 s14, $0x1;
	s11 =	sadd.s32 s12, s19  }
0xa4: {  	s15 =	simm.s32 $0x0;
	s20 =	sshll.u32 s13, $0x1;
	s13 =	sadd.s32 s21, s11  }
0xa5: {  	[timem:s15], [sflag:s22] =	dma.local [hbm:s13], s20  }
0xa6: {  	_ =	swait.ge [sflag:s22], s20  }
0xa7: {  	s12 =	ssub.s32 $0x0, s20;
	[sflag:s22] =	ssyncset.done $0x0  }
0xa8: {  	[sflag:s22] =	ssyncadd.s32 s12;
	_ =	sdelay $0x1  }
0xa9: {  	s23 =	simm.s32 $0x1B8B  }
0xaa: {  	_ =	swait.ge [sflag:s23], $0x1  }
0xab: {  	[sflag:s23] =	ssyncset.done $0x0  }
0xac: {  	s25 =	simm.s32 $0x1B8E;
	s24 =	sld [smem:$0x3FFE];
	[sflag:s23] =	ssyncadd.s32 $0xFFFFFFFF  }
0xad: {  	s26 =	simm.s32 $execute0_lowered;
	[smem:$0x3FD2] =	sst s25  }
0xae: {  	s13 =	sshll.u32 s26, $0x1;
	_ =	strace $0x8000004C;
	[dreg:$0x1] =	wrdreg $0xFFFFFFFF  }
0xaf: {  	s28 =	simm.s32 $_size_execute0_lowered;
	s11 =	sadd.s32 s11, s13;
	[dreg:$0x0] =	wrdreg $0x0  }
0xb0: {  	s13 =	sshll.u32 s28, $0x1;
	[dreg:$0x2] =	wrdreg s11  }
0xb1: {  	[dreg:$0x3] =	wrdreg s13  }
0xb2: {  	[dreg:$0x4] =	wrdreg $0xC0  }
0xb3: {  	_ =	task [dreg:s15], $0x5FFFF  }
0xb4: {  	[dreg:$0x1] =	wrdreg $0xFFFFFFFF  }
0xb5: {  	[dreg:$0x0] =	wrdreg $0x60  }
0xb6: {  	[dreg:$0x2] =	wrdreg s24  }
0xb7: {  	[dreg:$0x3] =	wrdreg s2  }
0xb8: {  	[dreg:$0x4] =	wrdreg s18  }
0xb9: {  	[dreg:$0x5] =	wrdreg s4  }
0xba: {  	[dreg:$0x6] =	wrdreg s5  }
0xbb: {  	[dreg:$0x7] =	wrdreg s6  }
0xbc: {  	[dreg:$0x8] =	wrdreg s7  }
0xbd: {  	[dreg:$0x9] =	wrdreg s8  }
0xbe: {  	[dreg:$0xa] =	wrdreg s9  }
0xbf: {  	[dreg:$0xb] =	wrdreg s10  }
0xc0: {  	[dreg:$0xc] =	wrdreg $0x9  }
0xc1: {  	_ =	task.clear_ibuf [dreg:s15], $0xDFFFF;
	_ =	strace $0x9000004C  }
0xc2: {  	s29 =	simm.s32 $0x9;
	_ =	strace $0x8000004E  }
0xc3: {  	_ =	swait.ge [sflag:s29], $0x1  }
0xc4: {  	[sflag:s29] =	ssyncadd.s32 $0xFFFFFFFF  }
0xc5: {  	_ =	strace $0x9000004E  }
0xc6: {  	_ =	sfence  }
0xc7: {  	s30 =	sld [smem:$0x0];
	_ =	sdelay $0x2  }
0xc8: {  	s31 =	sshll.u32 s1, $0xD;
	s1 =	sshrl.u32 s1, $0x2  }
0xc9: {  	s3 =	sand.u32 $0x4000, s31;
	s1 =	sadd.s32 s1, s30  }
0xca: {  	s0 =	sor.u32 s3, s0;
	s1 =	sshll.u32 s1, $0x11  }
0xcb: {  	s0 =	sor.u32 s1, s0  }
0xcc: {  	s0 =	sadd.s32 $0x8F2B, s0  }
0xcd: {  	[sflag:s0] =	ssyncadd.remote.s32 $0x1  }
0xce: {  	_ =	sfence.sel $0xFFFF  }
0xcf: {  	[dreg:$0x0] =	wrdreg $0xFFFFFFFF;
	(pc) =	sbr.abs _section_cstart, $3  }
0xd0: {  	[dreg:$0x1] =	wrdreg $0xFFFFFFFF  }
0xd1: {  	_ =	task.clear_ibuf [dreg:s15], $0x2FFFF;
	_ =	strace $0x9FFFFFFF  }
0xd2: {  	(tm) =	ssettm $0x7FFFFFFF  }
0xd3: {  	_ =	shalt  }
tec
execute0_lowered:
.L_overlay_start_1:
0x0: {  	(tag) =	ssettag $0x1  }
0x1: {  	s5 =	rddreg [dreg:$0x0]  }
0x2: {  	s0 =	rddreg [dreg:$0x1]  }
0x3: {  	s1 =	rddreg [dreg:$0x2]  }
0x4: {  	s2 =	rddreg [dreg:$0x3]  }
0x5: {  	s3 =	rddreg [dreg:$0x4]  }
0x6: {  	s4 =	rddreg [dreg:$0x5]  }
0x7: {  	s6 =	rddreg [dreg:$0x6]  }
0x8: {  	s7 =	rddreg [dreg:$0x7]  }
0x9: {  	s9 =	rddreg [dreg:$0x8];
	s8 =	srdreg.scid  }
0xa: {  	s10 =	stileid.u32;
	s12 =	rddreg [dreg:$0x9]  }
0xb: {  	s16 =	simm.s32 $0x2000;
	s17 =	simm.s32 $0x80;
	s28 =	simm.s32 $0xE00  }
0xc: {  	s29 =	simm.s32 $0x1E00;
	s30 =	simm.s32 $0xE80;
	s31 =	simm.s32 $0x1E80  }
0xd: {  	s18 =	simm.s32 $0xF80;
	s19 =	simm.s32 $0x1F80;
	s20 =	simm.s32 $0x1  }
0xe: {  	s8 =	sand.u32 $0x1, s8;
	s11 =	sshll.u32 s10, $0x1;
	s10 =	simm.s32 $0x0  }
0xf: {  	s21 =	simm.s32 $0x0;
	s11 =	sor.u32 s8, s11;
	[smem:$0x7FF] =	sst s10  }
0x10: {  	s8 =	ssub.s32 $0x2, s8;
	s13 =	smul.u32 $0x3400, s11;
	s14 =	sshll.u32 s11, $0x6  }
0x11: {  	_ =	strace $0x8000004D;
	s15 =	sshrl.u32 s8, $0x1;
	s26 =	sadd.s32 s14, s5  }
0x12: {  	s8 =	ssub.s32 s8, s15;
	s12 =	sadd.s32 s12, s14;
	s15 =	simm.s32 $0x2  }
0x13: {  	s25 =	sshrl.u32 s13, $0x3;
	s13 =	sadd.s32 $0x1400, s26;
	s14 =	smax.u32 s8, $0x1  }
0x14: {  	s26 =	simm.s32 $0x1D80;
	s8 =	simm.s32 $0xF00;
	s5 =	sadd.s32 s5, s25  }
0x15: {  	s25 =	simm.s32 $0xD80;
	s11 =	sadd.s32 $0x1F00, s5;
	s5 =	simm.s32 $0x1F00  }
.LBB2_1:
0x16: {  	[tilespmem:s10], [sflag:$0x2] =	stream.linear.gather [hbm4b:s11+s10], $0x1000, $0x38;
	[tilespmem:$0x2200] =	vst v63  }
0x17: {  	_ =	swait.ge [sflag:s15], $0x1000  }
0x18: {  	[sflag:s15] =	ssyncset.done $0x0  }
0x19: {  	[sflag:s15] =	ssyncadd.s32 $0xFFFFF000  }
0x1a: {  	[tilespmem:s16], [sflag:$0x1] =	stream.linear.gather [hbm4b:s12+s10], $0x200, $0x38;
	[tilespmem:$0x2200] =	vst v63  }
0x1b: {  	s22 =	simm.s32 $0x1000  }
0x1c: {  	[tilespmem:s22], [sflag:$0x1] =	stream.indirect.gather [hbm4b:s0+s17], $0x1, s10, s17, $0xb8;
	[tilespmem:$0x2200] =	vst v63  }
0x1d: {  	s23 =	simm.s32 $0x1080  }
0x1e: {  	[tilespmem:s23], [sflag:$0x1] =	stream.indirect.gather [hbm4b:s0+s17], $0x1, s17, s17, $0xb8;
	[tilespmem:$0x2200] =	vst v63  }
0x1f: {  	s24 =	simm.s32 $0x100;
	s23 =	simm.s32 $0x1100  }
0x20: {  	[tilespmem:s23], [sflag:$0x1] =	stream.indirect.gather [hbm4b:s0+s17], $0x1, s24, s17, $0xb8;
	[tilespmem:$0x2200] =	vst v63  }
0x21: {  	s23 =	simm.s32 $0x180;
	s24 =	simm.s32 $0x1180  }
0x22: {  	[tilespmem:s24], [sflag:$0x1] =	stream.indirect.gather [hbm4b:s0+s17], $0x1, s23, s17, $0xb8;
	[tilespmem:$0x2200] =	vst v63  }
0x23: {  	s23 =	simm.s32 $0x200;
	s24 =	simm.s32 $0x1200  }
0x24: {  	[tilespmem:s24], [sflag:$0x1] =	stream.indirect.gather [hbm4b:s1+s17], $0x1, s23, s17, $0xb8;
	[tilespmem:$0x2200] =	vst v63  }
0x25: {  	s23 =	simm.s32 $0x280;
	s24 =	simm.s32 $0x1280  }
0x26: {  	[tilespmem:s24], [sflag:$0x1] =	stream.indirect.gather [hbm4b:s1+s17], $0x1, s23, s17, $0xb8;
	[tilespmem:$0x2200] =	vst v63  }
0x27: {  	s23 =	simm.s32 $0x300;
	s24 =	simm.s32 $0x1300  }
0x28: {  	[tilespmem:s24], [sflag:$0x1] =	stream.indirect.gather [hbm4b:s1+s17], $0x1, s23, s17, $0xb8;
	[tilespmem:$0x2200] =	vst v63  }
0x29: {  	s23 =	simm.s32 $0x380;
	s24 =	simm.s32 $0x1380  }
0x2a: {  	[tilespmem:s24], [sflag:$0x1] =	stream.indirect.gather [hbm4b:s1+s17], $0x1, s23, s17, $0xb8;
	[tilespmem:$0x2200] =	vst v63  }
0x2b: {  	s23 =	simm.s32 $0x400;
	s24 =	simm.s32 $0x1400  }
0x2c: {  	[tilespmem:s24], [sflag:$0x1] =	stream.indirect.gather [hbm4b:s2+s17], $0x1, s23, s17, $0xb8;
	[tilespmem:$0x2200] =	vst v63  }
0x2d: {  	s23 =	simm.s32 $0x480;
	s24 =	simm.s32 $0x1480  }
0x2e: {  	[tilespmem:s24], [sflag:$0x1] =	stream.indirect.gather [hbm4b:s2+s17], $0x1, s23, s17, $0xb8;
	[tilespmem:$0x2200] =	vst v63  }
0x2f: {  	s23 =	simm.s32 $0x500;
	s24 =	simm.s32 $0x1500  }
0x30: {  	[tilespmem:s24], [sflag:$0x1] =	stream.indirect.gather [hbm4b:s2+s17], $0x1, s23, s17, $0xb8;
	[tilespmem:$0x2200] =	vst v63  }
0x31: {  	s23 =	simm.s32 $0x580;
	s24 =	simm.s32 $0x1580  }
0x32: {  	[tilespmem:s24], [sflag:$0x1] =	stream.indirect.gather [hbm4b:s2+s17], $0x1, s23, s17, $0xb8;
	[tilespmem:$0x2200] =	vst v63  }
0x33: {  	s23 =	simm.s32 $0x600;
	s24 =	simm.s32 $0x1600  }
0x34: {  	[tilespmem:s24], [sflag:$0x1] =	stream.indirect.gather [hbm4b:s3+s17], $0x1, s23, s17, $0xb8;
	[tilespmem:$0x2200] =	vst v63  }
0x35: {  	s23 =	simm.s32 $0x680;
	s24 =	simm.s32 $0x1680  }
0x36: {  	[tilespmem:s24], [sflag:$0x1] =	stream.indirect.gather [hbm4b:s3+s17], $0x1, s23, s17, $0xb8;
	[tilespmem:$0x2200] =	vst v63  }
0x37: {  	s23 =	simm.s32 $0x700;
	s24 =	simm.s32 $0x1700  }
0x38: {  	[tilespmem:s24], [sflag:$0x1] =	stream.indirect.gather [hbm4b:s3+s17], $0x1, s23, s17, $0xb8;
	[tilespmem:$0x2200] =	vst v63  }
0x39: {  	s23 =	simm.s32 $0x780;
	s24 =	simm.s32 $0x1780  }
0x3a: {  	[tilespmem:s24], [sflag:$0x1] =	stream.indirect.gather [hbm4b:s3+s17], $0x1, s23, s17, $0xb8;
	[tilespmem:$0x2200] =	vst v63  }
0x3b: {  	s23 =	simm.s32 $0x800;
	s24 =	simm.s32 $0x1800  }
0x3c: {  	[tilespmem:s24], [sflag:$0x1] =	stream.indirect.gather [hbm4b:s4+s17], $0x1, s23, s17, $0xb8;
	[tilespmem:$0x2200] =	vst v63  }
0x3d: {  	s23 =	simm.s32 $0x880;
	s24 =	simm.s32 $0x1880  }
0x3e: {  	[tilespmem:s24], [sflag:$0x1] =	stream.indirect.gather [hbm4b:s4+s17], $0x1, s23, s17, $0xb8;
	[tilespmem:$0x2200] =	vst v63  }
0x3f: {  	s23 =	simm.s32 $0x900;
	s24 =	simm.s32 $0x1900  }
0x40: {  	[tilespmem:s24], [sflag:$0x1] =	stream.indirect.gather [hbm4b:s4+s17], $0x1, s23, s17, $0xb8;
	[tilespmem:$0x2200] =	vst v63  }
0x41: {  	s23 =	simm.s32 $0x980;
	s24 =	simm.s32 $0x1980  }
0x42: {  	[tilespmem:s24], [sflag:$0x1] =	stream.indirect.gather [hbm4b:s4+s17], $0x1, s23, s17, $0xb8;
	[tilespmem:$0x2200] =	vst v63  }
0x43: {  	s23 =	simm.s32 $0xA00;
	s24 =	simm.s32 $0x1A00  }
0x44: {  	[tilespmem:s24], [sflag:$0x1] =	stream.indirect.gather [hbm4b:s6+s17], $0x1, s23, s17, $0xb8;
	[tilespmem:$0x2200] =	vst v63  }
0x45: {  	s23 =	simm.s32 $0xA80;
	s24 =	simm.s32 $0x1A80  }
0x46: {  	[tilespmem:s24], [sflag:$0x1] =	stream.indirect.gather [hbm4b:s6+s17], $0x1, s23, s17, $0xb8;
	[tilespmem:$0x2200] =	vst v63  }
0x47: {  	s23 =	simm.s32 $0xB00;
	s24 =	simm.s32 $0x1B00  }
0x48: {  	[tilespmem:s24], [sflag:$0x1] =	stream.indirect.gather [hbm4b:s6+s17], $0x1, s23, s17, $0xb8;
	[tilespmem:$0x2200] =	vst v63  }
0x49: {  	s23 =	simm.s32 $0xB80;
	s24 =	simm.s32 $0x1B80  }
0x4a: {  	[tilespmem:s24], [sflag:$0x1] =	stream.indirect.gather [hbm4b:s6+s17], $0x1, s23, s17, $0xb8;
	[tilespmem:$0x2200] =	vst v63  }
0x4b: {  	s23 =	simm.s32 $0xC00;
	s24 =	simm.s32 $0x1C00  }
0x4c: {  	[tilespmem:s24], [sflag:$0x1] =	stream.indirect.gather [hbm4b:s7+s17], $0x1, s23, s17, $0xb8;
	[tilespmem:$0x2200] =	vst v63  }
0x4d: {  	s23 =	simm.s32 $0xC80;
	s24 =	simm.s32 $0x1C80  }
0x4e: {  	[tilespmem:s24], [sflag:$0x1] =	stream.indirect.gather [hbm4b:s7+s17], $0x1, s23, s17, $0xb8;
	[tilespmem:$0x2200] =	vst v63  }
0x4f: {  	s23 =	simm.s32 $0xD00;
	s24 =	simm.s32 $0x1D00  }
0x50: {  	[tilespmem:s24], [sflag:$0x1] =	stream.indirect.gather [hbm4b:s7+s17], $0x1, s23, s17, $0xb8;
	[tilespmem:$0x2200] =	vst v63  }
0x51: {  	_ = 	snop  }
0x52: {  	[tilespmem:s26], [sflag:$0x1] =	stream.indirect.gather [hbm4b:s7+s17], $0x1, s25, s17, $0xb8;
	[tilespmem:$0x2200] =	vst v63  }
0x53: {  	_ = 	snop  }
0x54: {  	[tilespmem:s29], [sflag:$0x1] =	stream.indirect.gather [hbm4b:s9+s17], $0x1, s28, s17, $0xb8;
	[tilespmem:$0x2200] =	vst v63  }
0x55: {  	_ = 	snop  }
0x56: {  	[tilespmem:s31], [sflag:$0x1] =	stream.indirect.gather [hbm4b:s9+s17], $0x1, s30, s17, $0xb8;
	[tilespmem:$0x2200] =	vst v63  }
0x57: {  	_ = 	snop  }
0x58: {  	[tilespmem:s5], [sflag:$0x1] =	stream.indirect.gather [hbm4b:s9+s17], $0x1, s8, s17, $0xb8;
	[tilespmem:$0x2200] =	vst v63  }
0x59: {  	_ = 	snop  }
0x5a: {  	[tilespmem:s19], [sflag:$0x1] =	stream.indirect.gather [hbm4b:s9+s17], $0x1, s18, s17, $0xb8;
	[tilespmem:$0x2200] =	vst v63  }
0x5b: {  	_ =	swait.ge [sflag:s20], $0x200  }
0x5c: {  	[sflag:s20] =	ssyncset.done $0x0  }
0x5d: {  	[sflag:s20] =	ssyncadd.s32 $0xFFFFFE00  }
0x5e: {  	_ =	swait.ge [sflag:s20], $0x80  }
0x5f: {  	[sflag:s20] =	ssyncset.done $0x0  }
0x60: {  	[sflag:s20] =	ssyncadd.s32 $0xFFFFFF80  }
0x61: {  	_ =	swait.ge [sflag:s20], $0x80  }
0x62: {  	[sflag:s20] =	ssyncset.done $0x0  }
0x63: {  	[sflag:s20] =	ssyncadd.s32 $0xFFFFFF80  }
0x64: {  	_ =	swait.ge [sflag:s20], $0x80  }
0x65: {  	[sflag:s20] =	ssyncset.done $0x0  }
0x66: {  	[sflag:s20] =	ssyncadd.s32 $0xFFFFFF80  }
0x67: {  	_ =	swait.ge [sflag:s20], $0x80  }
0x68: {  	[sflag:s20] =	ssyncset.done $0x0  }
0x69: {  	[sflag:s20] =	ssyncadd.s32 $0xFFFFFF80  }
0x6a: {  	_ =	swait.ge [sflag:s20], $0x80  }
0x6b: {  	[sflag:s20] =	ssyncset.done $0x0  }
0x6c: {  	[sflag:s20] =	ssyncadd.s32 $0xFFFFFF80  }
0x6d: {  	_ =	swait.ge [sflag:s20], $0x80  }
0x6e: {  	[sflag:s20] =	ssyncset.done $0x0  }
0x6f: {  	[sflag:s20] =	ssyncadd.s32 $0xFFFFFF80  }
0x70: {  	_ =	swait.ge [sflag:s20], $0x80  }
0x71: {  	[sflag:s20] =	ssyncset.done $0x0  }
0x72: {  	[sflag:s20] =	ssyncadd.s32 $0xFFFFFF80  }
0x73: {  	_ =	swait.ge [sflag:s20], $0x80  }
0x74: {  	[sflag:s20] =	ssyncset.done $0x0  }
0x75: {  	[sflag:s20] =	ssyncadd.s32 $0xFFFFFF80  }
0x76: {  	_ =	swait.ge [sflag:s20], $0x80  }
0x77: {  	[sflag:s20] =	ssyncset.done $0x0  }
0x78: {  	[sflag:s20] =	ssyncadd.s32 $0xFFFFFF80  }
0x79: {  	_ =	swait.ge [sflag:s20], $0x80  }
0x7a: {  	[sflag:s20] =	ssyncset.done $0x0  }
0x7b: {  	[sflag:s20] =	ssyncadd.s32 $0xFFFFFF80  }
0x7c: {  	_ =	swait.ge [sflag:s20], $0x80  }
0x7d: {  	[sflag:s20] =	ssyncset.done $0x0  }
0x7e: {  	[sflag:s20] =	ssyncadd.s32 $0xFFFFFF80  }
0x7f: {  	_ =	swait.ge [sflag:s20], $0x80  }
0x80: {  	[sflag:s20] =	ssyncset.done $0x0  }
0x81: {  	[sflag:s20] =	ssyncadd.s32 $0xFFFFFF80  }
0x82: {  	_ =	swait.ge [sflag:s20], $0x80  }
0x83: {  	[sflag:s20] =	ssyncset.done $0x0  }
0x84: {  	[sflag:s20] =	ssyncadd.s32 $0xFFFFFF80  }
0x85: {  	_ =	swait.ge [sflag:s20], $0x80  }
0x86: {  	[sflag:s20] =	ssyncset.done $0x0  }
0x87: {  	[sflag:s20] =	ssyncadd.s32 $0xFFFFFF80  }
0x88: {  	_ =	swait.ge [sflag:s20], $0x80  }
0x89: {  	[sflag:s20] =	ssyncset.done $0x0  }
0x8a: {  	[sflag:s20] =	ssyncadd.s32 $0xFFFFFF80  }
0x8b: {  	_ =	swait.ge [sflag:s20], $0x80  }
0x8c: {  	[sflag:s20] =	ssyncset.done $0x0  }
0x8d: {  	[sflag:s20] =	ssyncadd.s32 $0xFFFFFF80  }
0x8e: {  	_ =	swait.ge [sflag:s20], $0x80  }
0x8f: {  	[sflag:s20] =	ssyncset.done $0x0  }
0x90: {  	[sflag:s20] =	ssyncadd.s32 $0xFFFFFF80  }
0x91: {  	_ =	swait.ge [sflag:s20], $0x80  }
0x92: {  	[sflag:s20] =	ssyncset.done $0x0  }
0x93: {  	[sflag:s20] =	ssyncadd.s32 $0xFFFFFF80  }
0x94: {  	_ =	swait.ge [sflag:s20], $0x80  }
0x95: {  	[sflag:s20] =	ssyncset.done $0x0  }
0x96: {  	[sflag:s20] =	ssyncadd.s32 $0xFFFFFF80  }
0x97: {  	_ =	swait.ge [sflag:s20], $0x80  }
0x98: {  	[sflag:s20] =	ssyncset.done $0x0  }
0x99: {  	[sflag:s20] =	ssyncadd.s32 $0xFFFFFF80  }
0x9a: {  	_ =	swait.ge [sflag:s20], $0x80  }
0x9b: {  	[sflag:s20] =	ssyncset.done $0x0  }
0x9c: {  	[sflag:s20] =	ssyncadd.s32 $0xFFFFFF80  }
0x9d: {  	_ =	swait.ge [sflag:s20], $0x80  }
0x9e: {  	[sflag:s20] =	ssyncset.done $0x0  }
0x9f: {  	[sflag:s20] =	ssyncadd.s32 $0xFFFFFF80  }
0xa0: {  	_ =	swait.ge [sflag:s20], $0x80  }
0xa1: {  	[sflag:s20] =	ssyncset.done $0x0  }
0xa2: {  	[sflag:s20] =	ssyncadd.s32 $0xFFFFFF80  }
0xa3: {  	_ =	swait.ge [sflag:s20], $0x80  }
0xa4: {  	[sflag:s20] =	ssyncset.done $0x0  }
0xa5: {  	[sflag:s20] =	ssyncadd.s32 $0xFFFFFF80  }
0xa6: {  	_ =	swait.ge [sflag:s20], $0x80  }
0xa7: {  	[sflag:s20] =	ssyncset.done $0x0  }
0xa8: {  	[sflag:s20] =	ssyncadd.s32 $0xFFFFFF80  }
0xa9: {  	_ =	swait.ge [sflag:s20], $0x80  }
0xaa: {  	[sflag:s20] =	ssyncset.done $0x0  }
0xab: {  	[sflag:s20] =	ssyncadd.s32 $0xFFFFFF80  }
0xac: {  	_ =	swait.ge [sflag:s20], $0x80  }
0xad: {  	[sflag:s20] =	ssyncset.done $0x0  }
0xae: {  	[sflag:s20] =	ssyncadd.s32 $0xFFFFFF80  }
0xaf: {  	_ =	swait.ge [sflag:s20], $0x80  }
0xb0: {  	[sflag:s20] =	ssyncset.done $0x0  }
0xb1: {  	[sflag:s20] =	ssyncadd.s32 $0xFFFFFF80  }
0xb2: {  	_ =	swait.ge [sflag:s20], $0x80  }
0xb3: {  	[sflag:s20] =	ssyncset.done $0x0  }
0xb4: {  	[sflag:s20] =	ssyncadd.s32 $0xFFFFFF80  }
0xb5: {  	_ =	swait.ge [sflag:s20], $0x80  }
0xb6: {  	[sflag:s20] =	ssyncset.done $0x0  }
0xb7: {  	[sflag:s20] =	ssyncadd.s32 $0xFFFFFF80  }
0xb8: {  	_ =	swait.ge [sflag:s20], $0x80  }
0xb9: {  	[sflag:s20] =	ssyncset.done $0x0  }
0xba: {  	[sflag:s20] =	ssyncadd.s32 $0xFFFFFF80  }
0xbb: {  	_ =	swait.ge [sflag:s20], $0x80  }
0xbc: {  	[sflag:s20] =	ssyncset.done $0x0  }
0xbd: {  	s22 =	simm.s32 $0x0;
	[sflag:s20] =	ssyncadd.s32 $0xFFFFFF80  }
0xbe: {  	v9 =	vld [tilespmem:s22+$0x1E00]  }
0xbf: {  	v8 =	vld [tilespmem:s22+$0x1E10]  }
0xc0: {  	v7 =	vld [tilespmem:s22+$0x1E20]  }
0xc1: {  	v6 =	vld [tilespmem:s22+$0x1E30]  }
0xc2: {  	v1 =	vld [tilespmem:s22+$0x1E40]  }
0xc3: {  	v0 =	vld [tilespmem:s22+$0x1E50]  }
0xc4: {  	v25 =	vld [tilespmem:s22+$0x1C00]  }
0xc5: {  	v26 =	vld [tilespmem:s22+$0x1C10]  }
0xc6: {  	v13 =	vld [tilespmem:s22+$0x1C20]  }
0xc7: {  	v12 =	vld [tilespmem:s22+$0x1C30]  }
0xc8: {  	v3 =	vld [tilespmem:s22+$0x1C40]  }
0xc9: {  	v2 =	vld [tilespmem:s22+$0x1C50]  }
0xca: {  	v20 =	vld [tilespmem:s22+$0x1A00]  }
0xcb: {  	v24 =	vld [tilespmem:s22+$0x1A10]  }
0xcc: {  	v28 =	vld [tilespmem:s22+$0x1A20]  }
0xcd: {  	v30 =	vld [tilespmem:s22+$0x1A30]  }
0xce: {  	v5 =	vld [tilespmem:s22+$0x1A40]  }
0xcf: {  	v4 =	vld [tilespmem:s22+$0x1A50]  }
0xd0: {  	v22 =	vld [tilespmem:s22+$0x1800]  }
0xd1: {  	v23 =	vld [tilespmem:s22+$0x1810]  }
0xd2: {  	v27 =	vld [tilespmem:s22+$0x1820]  }
0xd3: {  	v29 =	vld [tilespmem:s22+$0x1830]  }
0xd4: {  	v11 =	vld [tilespmem:s22+$0x1840]  }
0xd5: {  	v10 =	vld [tilespmem:s22+$0x1850]  }
0xd6: {  	v19 =	vld [tilespmem:s22+$0x1600]  }
0xd7: {  	v21 =	vld [tilespmem:s22+$0x1610]  }
0xd8: {  	v31 =	vld [tilespmem:s22+$0x1620]  }
0xd9: {  	v32 =	vld [tilespmem:s22+$0x1630]  }
0xda: {  	v15 =	vld [tilespmem:s22+$0x1640]  }
0xdb: {  	v14 =	vld [tilespmem:s22+$0x1650]  }
0xdc: {  	v17 =	vld [tilespmem:s22+$0x1400]  }
0xdd: {  	v18 =	vld [tilespmem:s22+$0x1410]  }
0xde: {  	v16 =	vld [tilespmem:s22+$0x1200]  }
0xdf: {  	v33 =	vld [tilespmem:s22+$0x1210]  }
0xe0: {  	v34 =	vld [tilespmem:s22+$0x1000]  }
0xe1: {  	v35 =	vld [tilespmem:s22+$0x1010]  }
0xe2: {  	v36 =	vld [tilespmem:s22+$0x1020]  }
0xe3: {  	v37 =	vld [tilespmem:s22+$0x1030]  }
0xe4: {  	v38 =	vld [tilespmem:s22+$0x2000]  }
0xe5: {  	v39 =	vld [tilespmem:s22+$0x2010]  }
0xe6: {  	v40 =	vld [tilespmem:s22+$0x2020]  }
0xe7: {  	v41 =	vld [tilespmem:s22+$0x2030]  }
0xe8: {  	v42 =	vld [tilespmem:s22+$0x1220]  }
0xe9: {  	v60 =	vld [tilespmem:s22+$0x1230];
	v34 =	vadd.f32 v34, v38  }
0xea: {  	v61 =	vld [tilespmem:s22+$0x1420];
	v35 =	vadd.f32 v35, v39  }
0xeb: {  	v62 =	vld [tilespmem:s22+$0x1430];
	v36 =	vadd.f32 v36, v40;
	v34 =	vadd.f32 v16, v34  }
0xec: {  	v63 =	vadd.f32 v37, v41;
	v33 =	vadd.f32 v33, v35;
	v16 =	vld [tilespmem:s22+$0x1440]  }
0xed: {  	v36 =	vadd.f32 v42, v36;
	v34 =	vadd.f32 v17, v34;
	v17 =	vld [tilespmem:s22+$0x1450]  }
0xee: {  	v35 =	vadd.f32 v60, v63;
	v33 =	vadd.f32 v18, v33;
	v18 =	vld [tilespmem:s22+$0x1240]  }
0xef: {  	v36 =	vadd.f32 v61, v36;
	v34 =	vadd.f32 v19, v34;
	v19 =	vld [tilespmem:s22+$0x1250]  }
0xf0: {  	v35 =	vadd.f32 v62, v35;
	v33 =	vadd.f32 v21, v33;
	v21 =	vld [tilespmem:s22+$0x1040]  }
0xf1: {  	v31 =	vadd.f32 v31, v36;
	v34 =	vadd.f32 v22, v34;
	v22 =	vld [tilespmem:s22+$0x1050]  }
0xf2: {  	v32 =	vadd.f32 v32, v35;
	v33 =	vadd.f32 v23, v33;
	v23 =	vld [tilespmem:s22+$0x1060]  }
0xf3: {  	v31 =	vadd.f32 v27, v31;
	v34 =	vadd.f32 v20, v34;
	v20 =	vld [tilespmem:s22+$0x1070]  }
0xf4: {  	v32 =	vadd.f32 v29, v32;
	v33 =	vadd.f32 v24, v33;
	v24 =	vld [tilespmem:s22+$0x2040]  }
0xf5: {  	v28 =	vadd.f32 v28, v31;
	v27 =	vadd.f32 v25, v34;
	v25 =	vld [tilespmem:s22+$0x2050]  }
0xf6: {  	s23 =	simm.s32 $0x200;
	v30 =	vadd.f32 v30, v32;
	v29 =	vadd.f32 v26, v33;
	v26 =	vld [tilespmem:s22+$0x2060]  }
.LBB2_2:
0xf7: {  	p0 =	sne.s32 s23, $0x600;
	v9 =	vadd.f32 v9, v27;
	v13 =	vadd.f32 v13, v28;
	v27 =	vld [tilespmem:s22+$0x2070]  }
0xf8: {  	v8 =	vadd.f32 v8, v29;
	v12 =	vadd.f32 v12, v30;
	v28 =	vld [tilespmem:s22+$0x1260]  }
0xf9: {  	v7 =	vadd.f32 v7, v13;
	v13 =	vadd.f32 v21, v24;
	v21 =	vld [tilespmem:s22+$0x1270]  }
0xfa: {  	v6 =	vadd.f32 v6, v12;
	v12 =	vadd.f32 v22, v25;
	v22 =	vld [tilespmem:s22+$0x1460]  }
0xfb: {  	v13 =	vadd.f32 v18, v13;
	v18 =	vadd.f32 v23, v26;
	v23 =	vld [tilespmem:s22+$0x1470]  }
0xfc: {  	v12 =	vadd.f32 v19, v12;
	v19 =	vld [tilespmem:s22+$0x1660];
	v20 =	vadd.f32 v20, v27  }
0xfd: {  	v13 =	vadd.f32 v16, v13;
	v16 =	vadd.f32 v28, v18;
	v18 =	vld [tilespmem:s22+$0x1670]  }
0xfe: {  	v12 =	vadd.f32 v17, v12;
	v17 =	vld [tilespmem:s22+$0x1860];
	v20 =	vadd.f32 v21, v20  }
0xff: {  	v13 =	vadd.f32 v15, v13;
	v15 =	vadd.f32 v22, v16;
	v16 =	vld [tilespmem:s22+$0x1870]  }
0x100: {  	v12 =	vadd.f32 v14, v12;
	v14 =	vld [tilespmem:s22+$0x1A60];
	v20 =	vadd.f32 v23, v20  }
0x101: {  	v11 =	vadd.f32 v11, v13;
	v13 =	vadd.f32 v19, v15;
	v15 =	vld [tilespmem:s22+$0x1A70]  }
0x102: {  	v10 =	vadd.f32 v10, v12;
	v12 =	vld [tilespmem:s22+$0x1C60];
	v18 =	vadd.f32 v18, v20  }
0x103: {  	v5 =	vadd.f32 v5, v11;
	v11 =	vadd.f32 v17, v13;
	v13 =	vld [tilespmem:s22+$0x1C70]  }
0x104: {  	v4 =	vadd.f32 v4, v10;
	v10 =	vld [tilespmem:s22+$0x1E60];
	v16 =	vadd.f32 v16, v18  }
0x105: {  	s24 =	sshra.s32 s23, $0x2;
	[tilespmem:s22+$0x2000] =	vst v9;
	v3 =	vadd.f32 v3, v5;
	v5 =	vadd.f32 v14, v11;
	v11 =	vld [tilespmem:s22+$0x1E70]  }
0x106: {  	v9 =	vld [tilespmem:s24+$0x1E00];
	[tilespmem:s22+$0x2010] =	vst v8;
	v2 =	vadd.f32 v2, v4;
	v4 =	vadd.f32 v15, v16  }
0x107: {  	v8 =	vld [tilespmem:s24+$0x1E10];
	[tilespmem:s22+$0x2020] =	vst v7;
	v1 =	vadd.f32 v1, v3;
	v3 =	vadd.f32 v12, v5  }
0x108: {  	v7 =	vld [tilespmem:s24+$0x1E20];
	[tilespmem:s22+$0x2030] =	vst v6;
	v0 =	vadd.f32 v0, v2;
	v2 =	vadd.f32 v13, v4  }
0x109: {  	v6 =	vld [tilespmem:s24+$0x1E30];
	[tilespmem:s22+$0x2040] =	vst v1;
	v3 =	vadd.f32 v10, v3  }
0x10a: {  	v1 =	vld [tilespmem:s24+$0x1E40];
	[tilespmem:s22+$0x2050] =	vst v0;
	v2 =	vadd.f32 v11, v2  }
0x10b: {  	v0 =	vld [tilespmem:s24+$0x1E50];
	[tilespmem:s22+$0x2060] =	vst v3  }
0x10c: {  	v25 =	vld [tilespmem:s24+$0x1C00];
	[tilespmem:s22+$0x2070] =	vst v2;
	s22 =	smov.u32 s24  }
0x10d: {  	v26 =	vld [tilespmem:s22+$0x1C10]  }
0x10e: {  	v13 =	vld [tilespmem:s22+$0x1C20]  }
0x10f: {  	v12 =	vld [tilespmem:s22+$0x1C30]  }
0x110: {  	v3 =	vld [tilespmem:s22+$0x1C40]  }
0x111: {  	v2 =	vld [tilespmem:s22+$0x1C50]  }
0x112: {  	v20 =	vld [tilespmem:s22+$0x1A00]  }
0x113: {  	v24 =	vld [tilespmem:s22+$0x1A10]  }
0x114: {  	v28 =	vld [tilespmem:s22+$0x1A20]  }
0x115: {  	v30 =	vld [tilespmem:s22+$0x1A30]  }
0x116: {  	v5 =	vld [tilespmem:s22+$0x1A40]  }
0x117: {  	v4 =	vld [tilespmem:s22+$0x1A50]  }
0x118: {  	v22 =	vld [tilespmem:s22+$0x1800]  }
0x119: {  	v23 =	vld [tilespmem:s22+$0x1810]  }
0x11a: {  	v27 =	vld [tilespmem:s22+$0x1820]  }
0x11b: {  	v29 =	vld [tilespmem:s22+$0x1830]  }
0x11c: {  	v11 =	vld [tilespmem:s22+$0x1840]  }
0x11d: {  	v10 =	vld [tilespmem:s22+$0x1850]  }
0x11e: {  	v19 =	vld [tilespmem:s22+$0x1600]  }
0x11f: {  	v21 =	vld [tilespmem:s22+$0x1610]  }
0x120: {  	v31 =	vld [tilespmem:s22+$0x1620]  }
0x121: {  	v32 =	vld [tilespmem:s22+$0x1630]  }
0x122: {  	v15 =	vld [tilespmem:s22+$0x1640]  }
0x123: {  	v14 =	vld [tilespmem:s22+$0x1650]  }
0x124: {  	v17 =	vld [tilespmem:s22+$0x1400]  }
0x125: {  	v18 =	vld [tilespmem:s22+$0x1410]  }
0x126: {  	v16 =	vld [tilespmem:s22+$0x1200]  }
0x127: {  	v33 =	vld [tilespmem:s22+$0x1210]  }
0x128: {  	v34 =	vld [tilespmem:s22+$0x1000]  }
0x129: {  	v35 =	vld [tilespmem:s22+$0x1010]  }
0x12a: {  	v36 =	vld [tilespmem:s22+$0x1020]  }
0x12b: {  	v37 =	vld [tilespmem:s22+$0x1030]  }
0x12c: {  	v38 =	vld [tilespmem:s22+$0x2000]  }
0x12d: {  	v39 =	vld [tilespmem:s22+$0x2010]  }
0x12e: {  	v40 =	vld [tilespmem:s22+$0x2020]  }
0x12f: {  	v41 =	vld [tilespmem:s22+$0x2030]  }
0x130: {  	v42 =	vld [tilespmem:s22+$0x1220]  }
0x131: {  	v34 =	vadd.f32 v34, v38;
	v38 =	vld [tilespmem:s22+$0x1230]  }
0x132: {  	v35 =	vadd.f32 v35, v39;
	v39 =	vld [tilespmem:s22+$0x1420]  }
0x133: {  	v34 =	vadd.f32 v16, v34;
	v36 =	vadd.f32 v36, v40;
	v40 =	vld [tilespmem:s22+$0x1430]  }
0x134: {  	v33 =	vadd.f32 v33, v35;
	v35 =	vadd.f32 v37, v41;
	v16 =	vld [tilespmem:s22+$0x1440]  }
0x135: {  	v34 =	vadd.f32 v17, v34;
	v36 =	vadd.f32 v42, v36;
	v17 =	vld [tilespmem:s22+$0x1450]  }
0x136: {  	v33 =	vadd.f32 v18, v33;
	v35 =	vadd.f32 v38, v35;
	v18 =	vld [tilespmem:s22+$0x1240]  }
0x137: {  	v34 =	vadd.f32 v19, v34;
	v36 =	vadd.f32 v39, v36;
	v19 =	vld [tilespmem:s22+$0x1250]  }
0x138: {  	v33 =	vadd.f32 v21, v33;
	v35 =	vadd.f32 v40, v35;
	v21 =	vld [tilespmem:s22+$0x1040]  }
0x139: {  	v34 =	vadd.f32 v22, v34;
	v31 =	vadd.f32 v31, v36;
	v22 =	vld [tilespmem:s22+$0x1050]  }
.Ltmp0:
0x13a: {  	v33 =	vadd.f32 v23, v33;
	v32 =	vadd.f32 v32, v35;
	v23 =	vld [tilespmem:s22+$0x1060];
	(pc) =	sbr.rel @p0 .LBB2_2-.Ltmp0, $4  }
0x13b: {  	v34 =	vadd.f32 v20, v34;
	v31 =	vadd.f32 v27, v31;
	v20 =	vld [tilespmem:s22+$0x1070]  }
0x13c: {  	v33 =	vadd.f32 v24, v33;
	v32 =	vadd.f32 v29, v32;
	v24 =	vld [tilespmem:s22+$0x2040]  }
0x13d: {  	v27 =	vadd.f32 v25, v34;
	v28 =	vadd.f32 v28, v31;
	v25 =	vld [tilespmem:s22+$0x2050]  }
0x13e: {  	s23 =	sadd.s32 $0x200, s23;
	v29 =	vadd.f32 v26, v33;
	v30 =	vadd.f32 v30, v32;
	v26 =	vld [tilespmem:s22+$0x2060]  }
0x13f: {  	v31 =	vld [tilespmem:s22+$0x2070];
	v9 =	vadd.f32 v9, v27;
	v13 =	vadd.f32 v13, v28  }
0x140: {  	v32 =	vld [tilespmem:s22+$0x1260];
	v8 =	vadd.f32 v8, v29;
	v12 =	vadd.f32 v12, v30  }
0x141: {  	v33 =	vld [tilespmem:s22+$0x1270];
	v7 =	vadd.f32 v7, v13;
	v34 =	vadd.f32 v21, v24  }
0x142: {  	v35 =	vld [tilespmem:s22+$0x1460];
	v6 =	vadd.f32 v6, v12;
	v36 =	vadd.f32 v22, v25  }
0x143: {  	v37 =	vld [tilespmem:s22+$0x1470];
	v13 =	vadd.f32 v18, v34;
	v38 =	vadd.f32 v23, v26  }
0x144: {  	v39 =	vld [tilespmem:s22+$0x1660];
	v12 =	vadd.f32 v19, v36;
	v40 =	vadd.f32 v20, v31  }
0x145: {  	v41 =	vld [tilespmem:s22+$0x1670];
	v13 =	vadd.f32 v16, v13;
	v42 =	vadd.f32 v32, v38  }
0x146: {  	v43 =	vld [tilespmem:s22+$0x1860];
	v12 =	vadd.f32 v17, v12;
	v44 =	vadd.f32 v33, v40  }
0x147: {  	v45 =	vld [tilespmem:s22+$0x1870];
	v13 =	vadd.f32 v15, v13;
	v46 =	vadd.f32 v35, v42  }
0x148: {  	v47 =	vld [tilespmem:s22+$0x1A60];
	v12 =	vadd.f32 v14, v12;
	v48 =	vadd.f32 v37, v44  }
0x149: {  	v49 =	vld [tilespmem:s22+$0x1A70];
	v11 =	vadd.f32 v11, v13;
	v50 =	vadd.f32 v39, v46  }
0x14a: {  	v51 =	vld [tilespmem:s22+$0x1C60];
	v10 =	vadd.f32 v10, v12;
	v52 =	vadd.f32 v41, v48  }
0x14b: {  	v53 =	vld [tilespmem:s22+$0x1C70];
	v5 =	vadd.f32 v5, v11;
	v54 =	vadd.f32 v43, v50  }
0x14c: {  	v55 =	vld [tilespmem:s22+$0x1E60];
	v4 =	vadd.f32 v4, v10;
	v56 =	vadd.f32 v45, v52  }
0x14d: {  	v58 =	vld [tilespmem:s22+$0x1E70];
	[tilespmem:s22+$0x2000] =	vst v9;
	v3 =	vadd.f32 v3, v5;
	v57 =	vadd.f32 v47, v54  }
0x14e: {  	[tilespmem:s22+$0x2010] =	vst v8;
	v2 =	vadd.f32 v2, v4;
	v59 =	vadd.f32 v49, v56  }
0x14f: {  	[tilespmem:s22+$0x2020] =	vst v7;
	v1 =	vadd.f32 v1, v3;
	v60 =	vadd.f32 v51, v57  }
0x150: {  	[tilespmem:s22+$0x2030] =	vst v6;
	v0 =	vadd.f32 v0, v2;
	v61 =	vadd.f32 v53, v59  }
0x151: {  	[tilespmem:s22+$0x2040] =	vst v1;
	v62 =	vadd.f32 v55, v60  }
0x152: {  	s21 =	sadd.s32 $0x1, s21;
	[tilespmem:s22+$0x2050] =	vst v0;
	v63 =	vadd.f32 v58, v61  }
0x153: {  	p0 =	sne.s32 s21, s14;
	[tilespmem:s22+$0x2060] =	vst v62  }
.Ltmp1:
0x154: {  	[tilespmem:s22+$0x2070] =	vst v63;
	(pc) =	sbr.rel @p0 .LBB2_1-.Ltmp1, $4  }
0x155: {  	[hbm4b:s13+s10] =	stream.linear.scatter [tilespmem:s16], [sflag:$0x2], $0x200, $0x38;
	[tilespmem:$0x2200] =	vst v63  }
0x156: {  	_ =	swait.ge [sflag:s15], $0x200  }
0x157: {  	[sflag:s15] =	ssyncset.done $0x0  }
0x158: {  	[sflag:s15] =	ssyncadd.s32 $0xFFFFFE00  }
0x159: {  	_ =	sfence.sel $0x180000  }
0x15a: {  	[bflag:$0x0] =	sbarrier.arrive $0xFFFF  }
0x15b: {  	_ =	strace $0x9000004D  }
0x15c: {  	s0 =	stileid.u32;
	[bflag:$0x2] =	sbarrier.arrive $0xFFFF  }
0x15d: {  	p0 =	sne.s32 s0, $0x0;
	s0 =	rddreg [dreg:$0xa]  }
0x15e: {  	s0 =	sadd.s32 @!p0 $0x100000, s0  }
0x15f: {  	[sflag:s0] =	ssyncadd.tile.s32 @!p0 $0x1;
	_ =	shalt  }
.Lfunc_end2:
_tile_overlayer_lowered:
.L_overlay_start_2:
0x160: {  	(tag) =	ssettag $0x2  }
0x161: {  	s0 =	rddreg [dreg:$0x0];
	s2 =	stileid.u32  }
0x162: {  	s1 =	rddreg [dreg:$0x1];
	p0 =	sne.s32 s2, $0x0  }
0x163: {  	s3 =	rddreg [dreg:$0x2];
	[bflag:$0x3] =	sbarrier.arrive $0xFFFF;
	s2 =	simm.s32 @!p0 $0x1C02  }
0x164: {  	[timem:s3], [sflag:s2] =	dma.local @!p0 [hbm:s0], s1  }
0x165: {  	s0 =	simm.s32 @!p0 $0x2  }
0x166: {  	_ =	swait.ge @!p0 [sflag:s0], s1  }
0x167: {  	s1 =	ssub.s32 @!p0 $0x0, s1;
	[sflag:s0] =	ssyncset.done @!p0 $0x0  }
0x168: {  	[sflag:s0] =	ssyncadd.s32 @!p0 s1  }
0x169: {  	[bflag:$0x3] =	sbarrier.arrive $0xFFFF  }
0x16a: {  	_ =	shalt  }

// kernel: _run.15.cloned.1.call-start
scs
__scs_entry_jumppad:
0x0: {  	(pc) =	sbr.rel $0x88, $3  }
0x1: {  	(tag) =	ssettag $0x0;
	lr =	simm.s32 $0x1  }
0x2: {  	[smem:$0x3F85] =	sst lr;
	_ =	strace $0xD0000000  }
0x3: {  	_ = 	snop  }
0x4: {  	_ = 	snop  }
0x5: {  	_ = 	snop  }
0x6: {  	_ = 	snop  }
0x7: {  	_ = 	snop  }
__scs_overlays_trampoline_lowered:
0x8: {  	[smem:$0x3F94] =	sst s0  }
0x9: {  	[smem:$0x3F95] =	sst s1  }
0xa: {  	[smem:$0x3F96] =	sst s2  }
0xb: {  	[smem:$0x3F97] =	sst s3  }
0xc: {  	[smem:$0x3F98] =	sst s4  }
0xd: {  	[smem:$0x3F99] =	sst s5  }
0xe: {  	[smem:$0x3F9A] =	sst s6  }
0xf: {  	[smem:$0x3F9B] =	sst s7  }
0x10: {  	[smem:$0x3F9C] =	sst s8  }
0x11: {  	[smem:$0x3F9D] =	sst s9;
	s0 =	simm.s32 @!p0 $0x0  }
0x12: {  	s1 =	sld [smem:$0x3F83];
	s0 =	simm.s32 @p0 $0x1  }
0x13: {  	[smem:$0x3F9E] =	sst s0;
	s0 =	simm.s32 @!p1 $0x0  }
0x14: {  	s2 =	sld [smem:$0x3F82];
	s0 =	simm.s32 @p1 $0x1  }
0x15: {  	[smem:$0x3F9F] =	sst s0;
	s0 =	simm.s32 @!p2 $0x0  }
0x16: {  	s3 =	sld [smem:$0x3FDB];
	s0 =	simm.s32 @p2 $0x1  }
0x17: {  	s4 =	simm.s32 $0x1BF5;
	[smem:$0x3FA1] =	sst s0  }
0x18: {  	s0 =	sld [smem:$0x3F84];
	_ =	swait.ge [sflag:s4], $0x0  }
0x19: {  	s7 =	sld [smem:$0x3F85]  }
0x1a: {  	s8 =	sadd.s32 $0xFFFFE003, lr  }
0x1b: {  	s9 =	sadd.s32 $0xFFFFFEF7, lr;
	s5 =	simm.s32 $0xFFFFFFFF;
	p2 =	slt.u32 s8, $0xFFFFF086  }
0x1c: {  	p1 =	slt.u32 s9, $0xF7A;
	s5 =	simm.s32 @!p2 $0x0  }
0x1d: {  	s5 =	simm.s32 @p1 $0x1;
	p0 =	seq.s32 s7, s2  }
0x1e: {  	s7 =	smul.u32 @!p0 $0xF7A, s2;
	p2 =	seq.s32 @!p0 s5, $0x0  }
0x1f: {  	s9 =	smul.u32 $0xF7A, s1;
	s8 =	simm.s32 @!p0 $0x1BF5;
	p2 =	por !p2, p0  }
0x20: {  	[sflag:s8] =	ssyncset.s32 @!p0 $0xFFFFF086;
	s6 =	sadd.s32 @!p0 s3, s7;
	s7 =	simm.s32 @!p0 $0x108  }
0x21: {  	s3 =	sadd.s32 s3, s9;
	s6 =	sadd.s32 @!p0 $0x88, s6;
	s7 =	simm.s32 @p2 $0x1082  }
0x22: {  	[simem:s7], [sflag:s8] =	dma.local @!p0 [hbm:s6], $0xF7A  }
0x23: {  	s9 =	sor.u32 $0xD0000000, s2;
	s6 =	simm.s32 $0x108;
	_ =	swait.ge @!p0 [sflag:s8], $0x0  }
0x24: {  	s3 =	sadd.s32 $0x88, s3;
	s6 =	simm.s32 @!p1 $0x1082;
	[sflag:s4] =	ssyncset.s32 $0xFFFFF086  }
0x25: {  	[simem:s6], [sflag:s4] =	dma.local [hbm:s3], $0xF7A  }
0x26: {  	[smem:$0x3F85] =	sst s1;
	(tag) =	ssettag s2;
	_ =	strace s9  }
0x27: {  	s1 =	sld [smem:$0x3F95]  }
0x28: {  	s2 =	sld [smem:$0x3F96]  }
0x29: {  	s4 =	sld [smem:$0x3F98]  }
0x2a: {  	p0 =	seq.s32 s5, $0x0;
	s5 =	sld [smem:$0x3F99]  }
0x2b: {  	s6 =	sld [smem:$0x3F9A]  }
0x2c: {  	s7 =	sld [smem:$0x3F9B]  }
0x2d: {  	s3 =	simm.s32 $0x108;
	s8 =	sld [smem:$0x3F9C]  }
0x2e: {  	s3 =	simm.s32 @!p0 $0x1082;
	s9 =	sld [smem:$0x3F9D]  }
0x2f: {  	lr =	sadd.s32 s0, s3;
	s0 =	sld [smem:$0x3F94]  }
0x30: {  	s3 =	sld [smem:$0x3F97]  }
0x31: {  	[smem:$0x3FA0] =	sst s10  }
0x32: {  	s10 =	sld [smem:$0x3F9E];
	_ =	sdelay $0x3  }
0x33: {  	p0 =	seq.s32 s10, $0x1;
	s10 =	sld [smem:$0x3FA0];
	_ =	sdelay $0x3  }
0x34: {  	[smem:$0x3FA0] =	sst s10  }
0x35: {  	s10 =	sld [smem:$0x3F9F];
	_ =	sdelay $0x3  }
0x36: {  	p1 =	seq.s32 s10, $0x1;
	s10 =	sld [smem:$0x3FA0];
	_ =	sdelay $0x3  }
0x37: {  	[smem:$0x3FA0] =	sst s10  }
0x38: {  	s10 =	sld [smem:$0x3FA1]  }
0x39: {  	_ = 	snop;
	(pc) =	sbr.ind lr, $3  }
0x3a: {  	_ = 	snop  }
0x3b: {  	_ = 	snop  }
0x3c: {  	p2 =	seq.s32 s10, $0x1;
	s10 =	sld [smem:$0x3FA0]  }
0x3d: {  	_ =	shalt  }
0x3e: {  	_ =	shalt  }
0x3f: {  	_ =	shalt  }
0x40: {  	_ =	shalt  }
0x41: {  	_ =	shalt  }
0x42: {  	_ =	shalt  }
0x43: {  	_ =	shalt  }
0x44: {  	_ =	shalt  }
0x45: {  	_ =	shalt  }
0x46: {  	_ =	shalt  }
0x47: {  	_ =	shalt  }
0x48: {  	_ =	shalt  }
0x49: {  	_ =	shalt  }
0x4a: {  	_ =	shalt  }
0x4b: {  	_ =	shalt  }
0x4c: {  	_ =	shalt  }
0x4d: {  	_ =	shalt  }
0x4e: {  	_ =	shalt  }
0x4f: {  	_ =	shalt  }
0x50: {  	_ =	shalt  }
0x51: {  	_ =	shalt  }
0x52: {  	_ =	shalt  }
0x53: {  	_ =	shalt  }
0x54: {  	_ =	shalt  }
0x55: {  	_ =	shalt  }
0x56: {  	_ =	shalt  }
0x57: {  	_ =	shalt  }
0x58: {  	_ =	shalt  }
0x59: {  	_ =	shalt  }
0x5a: {  	_ =	shalt  }
0x5b: {  	_ =	shalt  }
0x5c: {  	_ =	shalt  }
0x5d: {  	_ =	shalt  }
0x5e: {  	_ =	shalt  }
0x5f: {  	_ =	shalt  }
0x60: {  	_ =	shalt  }
0x61: {  	_ =	shalt  }
0x62: {  	_ =	shalt  }
0x63: {  	_ =	shalt  }
0x64: {  	_ =	shalt  }
0x65: {  	_ =	shalt  }
0x66: {  	_ =	shalt  }
0x67: {  	_ =	shalt  }
0x68: {  	_ =	shalt  }
0x69: {  	_ =	shalt  }
0x6a: {  	_ =	shalt  }
0x6b: {  	_ =	shalt  }
0x6c: {  	_ =	shalt  }
0x6d: {  	_ =	shalt  }
0x6e: {  	_ =	shalt  }
0x6f: {  	_ =	shalt  }
0x70: {  	_ =	shalt  }
0x71: {  	_ =	shalt  }
0x72: {  	_ =	shalt  }
0x73: {  	_ =	shalt  }
0x74: {  	_ =	shalt  }
0x75: {  	_ =	shalt  }
0x76: {  	_ =	shalt  }
0x77: {  	_ =	shalt  }
0x78: {  	_ =	shalt  }
0x79: {  	_ =	shalt  }
0x7a: {  	_ =	shalt  }
0x7b: {  	_ =	shalt  }
0x7c: {  	_ =	shalt  }
0x7d: {  	_ =	shalt  }
0x7e: {  	_ =	shalt  }
0x7f: {  	_ =	shalt  }
0x80: {  	_ =	shalt  }
0x81: {  	_ =	shalt  }
0x82: {  	_ =	shalt  }
0x83: {  	_ =	shalt  }
0x84: {  	_ =	shalt  }
0x85: {  	_ =	shalt  }
0x86: {  	_ =	shalt  }
0x87: {  	_ =	shalt  }
.Lfunc_end0:
.L_simem_size_0:
called_computation.3_lowered:
.L_overlay_start_0:
0x88: {  	s2 =	sld [smem:$0x3FD9]  }
0x89: {  	s3 =	sld [smem:$0x3FFE];
	_ =	sdelay $0x1  }
0x8a: {  	s1 =	srdreg.scid  }
0x8b: {  	s0 =	sand.u32 $0x1, s1  }
0x8c: {  	s17 =	sshll.u32 s0, $0xA;
	s2 =	sadd.s32 s3, s2  }
0x8d: {  	s2 =	sadd.s32 s2, s17  }
0x8e: {  	[smem:$0x3FAC] =	sst s2  }
0x8f: {  	_ = 	snop  }
0x90: {  	s2 =	sld [smem:$0x3FB4]  }
0x91: {  	s18 =	sld [smem:$0x3FB3]  }
0x92: {  	s4 =	sld [smem:$0x3FB2]  }
0x93: {  	s5 =	sld [smem:$0x3FB1]  }
0x94: {  	s6 =	sld [smem:$0x3FB0]  }
0x95: {  	s7 =	sld [smem:$0x3FAF]  }
0x96: {  	s8 =	sld [smem:$0x3FD0];
	(tm) =	ssettm $0x1  }
0x97: {  	s9 =	sld [smem:$0x3FFB];
	_ =	sdelay $0x3  }
0x98: {  	_ =	strace s9  }
0x99: {  	s9 =	sld [smem:$0x3FFC];
	_ =	sdelay $0x3  }
0x9a: {  	_ =	strace s9  }
0x9b: {  	s9 =	sld [smem:$0x3FFD];
	_ =	sdelay $0x3  }
0x9c: {  	_ =	strace s9  }
0x9d: {  	_ =	strace $0x8FFFFFFF  }
0x9e: {  	s19 =	sld [smem:$0x3FDB];
	_ =	sdelay $0x1  }
0x9f: {  	s10 =	simm.s32 $_scs_section_size  }
0xa0: {  	s11 =	simm.s32 $_size__tile_overlayer_lowered;
	s12 =	simm.s32 $_tile_overlayer_lowered  }
0xa1: {  	s22 =	simm.s32 $0x1BFF;
	s21 =	sshll.u32 s12, $0x1;
	s9 =	sadd.s32 s10, s19  }
0xa2: {  	s13 =	simm.s32 $0x0;
	s20 =	sshll.u32 s11, $0x1;
	s11 =	sadd.s32 s21, s9  }
0xa3: {  	[timem:s13], [sflag:s22] =	dma.local [hbm:s11], s20  }
0xa4: {  	_ =	swait.ge [sflag:s22], s20  }
0xa5: {  	s10 =	ssub.s32 $0x0, s20;
	[sflag:s22] =	ssyncset.done $0x0  }
0xa6: {  	[sflag:s22] =	ssyncadd.s32 s10;
	_ =	sdelay $0x1  }
0xa7: {  	s23 =	simm.s32 $0x1B8B  }
0xa8: {  	_ =	swait.ge [sflag:s23], $0x1  }
0xa9: {  	[sflag:s23] =	ssyncset.done $0x0  }
0xaa: {  	s25 =	simm.s32 $0x1B8E;
	s24 =	sld [smem:$0x3FFE];
	[sflag:s23] =	ssyncadd.s32 $0xFFFFFFFF  }
0xab: {  	s26 =	simm.s32 $execute0_lowered;
	[smem:$0x3FD2] =	sst s25  }
0xac: {  	s11 =	sshll.u32 s26, $0x1;
	_ =	strace $0x8000004F;
	[dreg:$0x1] =	wrdreg $0xFFFFFFFF  }
0xad: {  	s28 =	simm.s32 $_size_execute0_lowered;
	s9 =	sadd.s32 s9, s11;
	[dreg:$0x0] =	wrdreg $0x0  }
0xae: {  	s11 =	sshll.u32 s28, $0x1;
	[dreg:$0x2] =	wrdreg s9  }
0xaf: {  	[dreg:$0x3] =	wrdreg s11  }
0xb0: {  	[dreg:$0x4] =	wrdreg $0xC0  }
0xb1: {  	_ =	task [dreg:s13], $0x5FFFF  }
0xb2: {  	[dreg:$0x1] =	wrdreg $0xFFFFFFFF  }
0xb3: {  	[dreg:$0x0] =	wrdreg $0x60  }
0xb4: {  	[dreg:$0x2] =	wrdreg s24  }
0xb5: {  	[dreg:$0x3] =	wrdreg s2  }
0xb6: {  	[dreg:$0x4] =	wrdreg s18  }
0xb7: {  	[dreg:$0x5] =	wrdreg s4  }
0xb8: {  	[dreg:$0x6] =	wrdreg s5  }
0xb9: {  	[dreg:$0x7] =	wrdreg s6  }
0xba: {  	[dreg:$0x8] =	wrdreg s7  }
0xbb: {  	[dreg:$0x9] =	wrdreg s8  }
0xbc: {  	[dreg:$0xa] =	wrdreg $0x9  }
0xbd: {  	_ =	task.clear_ibuf [dreg:s13], $0xBFFFF;
	_ =	strace $0x9000004F  }
0xbe: {  	s29 =	simm.s32 $0x9;
	_ =	strace $0x80000051  }
0xbf: {  	_ =	swait.ge [sflag:s29], $0x1  }
0xc0: {  	[sflag:s29] =	ssyncadd.s32 $0xFFFFFFFF  }
0xc1: {  	_ =	strace $0x90000051  }
0xc2: {  	_ =	sfence  }
0xc3: {  	s30 =	sld [smem:$0x0];
	_ =	sdelay $0x2  }
0xc4: {  	s31 =	sshll.u32 s1, $0xD;
	s1 =	sshrl.u32 s1, $0x2  }
0xc5: {  	s3 =	sand.u32 $0x4000, s31;
	s1 =	sadd.s32 s1, s30  }
0xc6: {  	s0 =	sor.u32 s3, s0;
	s1 =	sshll.u32 s1, $0x11  }
0xc7: {  	s0 =	sor.u32 s1, s0  }
0xc8: {  	s0 =	sadd.s32 $0x8F2B, s0  }
0xc9: {  	[sflag:s0] =	ssyncadd.remote.s32 $0x1  }
0xca: {  	_ =	sfence.sel $0xFFFF  }
0xcb: {  	[dreg:$0x0] =	wrdreg $0xFFFFFFFF;
	(pc) =	sbr.abs _section_cstart, $3  }
0xcc: {  	[dreg:$0x1] =	wrdreg $0xFFFFFFFF  }
0xcd: {  	_ =	task.clear_ibuf [dreg:s13], $0x2FFFF;
	_ =	strace $0x9FFFFFFF  }
0xce: {  	(tm) =	ssettm $0x7FFFFFFF  }
0xcf: {  	_ =	shalt  }
tec
execute0_lowered:
.L_overlay_start_1:
0x0: {  	(tag) =	ssettag $0x1  }
0x1: {  	s2 =	rddreg [dreg:$0x0]  }
0x2: {  	s0 =	rddreg [dreg:$0x1]  }
0x3: {  	s1 =	rddreg [dreg:$0x2]  }
0x4: {  	s3 =	rddreg [dreg:$0x3]  }
0x5: {  	s4 =	rddreg [dreg:$0x4]  }
0x6: {  	s5 =	rddreg [dreg:$0x5];
	s6 =	srdreg.scid  }
0x7: {  	s8 =	stileid.u32;
	s7 =	rddreg [dreg:$0x6]  }
0x8: {  	s11 =	rddreg [dreg:$0x7];
	s13 =	simm.s32 $0x2;
	s14 =	simm.s32 $0x1800  }
0x9: {  	s15 =	simm.s32 $0x80;
	s16 =	simm.s32 $0x900;
	s17 =	simm.s32 $0x1500  }
0xa: {  	s18 =	simm.s32 $0x980;
	s19 =	simm.s32 $0x1580;
	s20 =	simm.s32 $0xA00  }
0xb: {  	s21 =	simm.s32 $0x1600;
	s22 =	simm.s32 $0xA80;
	s23 =	simm.s32 $0x1680  }
0xc: {  	s24 =	simm.s32 $0xB00;
	s25 =	simm.s32 $0x1700;
	s26 =	simm.s32 $0xB80  }
0xd: {  	s28 =	simm.s32 $0x1780;
	s6 =	sand.u32 $0x1, s6;
	s8 =	sshll.u32 s8, $0x1  }
0xe: {  	s29 =	simm.s32 $0x1;
	s30 =	simm.s32 $0x0;
	s9 =	sor.u32 s6, s8  }
0xf: {  	s8 =	simm.s32 $0x0;
	s6 =	ssub.s32 $0x2, s6;
	s10 =	smul.u32 $0x3400, s9  }
0x10: {  	[smem:$0x7FF] =	sst s8;
	s12 =	sshll.u32 s9, $0x6;
	s31 =	sshrl.u32 s6, $0x1  }
0x11: {  	_ =	strace $0x80000050;
	s6 =	ssub.s32 s6, s31;
	s10 =	sshrl.u32 s10, $0x3  }
0x12: {  	s11 =	sadd.s32 s11, s12;
	s10 =	sadd.s32 s2, s10;
	s2 =	sadd.s32 s12, s2  }
0x13: {  	s12 =	smax.u32 s6, $0x1;
	s9 =	sadd.s32 $0x2100, s10;
	s10 =	sadd.s32 $0x1400, s2  }
.LBB2_1:
0x14: {  	[tilespmem:s8], [sflag:$0x2] =	stream.linear.gather [hbm4b:s9+s8], $0xC00, $0x38;
	[tilespmem:$0x1A00] =	vst v63  }
0x15: {  	_ =	swait.ge [sflag:s13], $0xC00  }
0x16: {  	[sflag:s13] =	ssyncset.done $0x0  }
0x17: {  	[sflag:s13] =	ssyncadd.s32 $0xFFFFF400  }
0x18: {  	[tilespmem:s14], [sflag:$0x1] =	stream.linear.gather [hbm4b:s10+s8], $0x200, $0x38;
	[tilespmem:$0x1A00] =	vst v63  }
0x19: {  	s2 =	simm.s32 $0xC00  }
0x1a: {  	[tilespmem:s2], [sflag:$0x1] =	stream.indirect.gather [hbm4b:s0+s15], $0x1, s8, s15, $0xb8;
	[tilespmem:$0x1A00] =	vst v63  }
0x1b: {  	s6 =	simm.s32 $0xC80  }
0x1c: {  	[tilespmem:s6], [sflag:$0x1] =	stream.indirect.gather [hbm4b:s0+s15], $0x1, s15, s15, $0xb8;
	[tilespmem:$0x1A00] =	vst v63  }
0x1d: {  	s2 =	simm.s32 $0x100;
	s6 =	simm.s32 $0xD00  }
0x1e: {  	[tilespmem:s6], [sflag:$0x1] =	stream.indirect.gather [hbm4b:s0+s15], $0x1, s2, s15, $0xb8;
	[tilespmem:$0x1A00] =	vst v63  }
0x1f: {  	s2 =	simm.s32 $0x180;
	s6 =	simm.s32 $0xD80  }
0x20: {  	[tilespmem:s6], [sflag:$0x1] =	stream.indirect.gather [hbm4b:s0+s15], $0x1, s2, s15, $0xb8;
	[tilespmem:$0x1A00] =	vst v63  }
0x21: {  	s2 =	simm.s32 $0x200;
	s6 =	simm.s32 $0xE00  }
0x22: {  	[tilespmem:s6], [sflag:$0x1] =	stream.indirect.gather [hbm4b:s1+s15], $0x1, s2, s15, $0xb8;
	[tilespmem:$0x1A00] =	vst v63  }
0x23: {  	s2 =	simm.s32 $0x280;
	s6 =	simm.s32 $0xE80  }
0x24: {  	[tilespmem:s6], [sflag:$0x1] =	stream.indirect.gather [hbm4b:s1+s15], $0x1, s2, s15, $0xb8;
	[tilespmem:$0x1A00] =	vst v63  }
0x25: {  	s2 =	simm.s32 $0x300;
	s6 =	simm.s32 $0xF00  }
0x26: {  	[tilespmem:s6], [sflag:$0x1] =	stream.indirect.gather [hbm4b:s1+s15], $0x1, s2, s15, $0xb8;
	[tilespmem:$0x1A00] =	vst v63  }
0x27: {  	s2 =	simm.s32 $0x380;
	s6 =	simm.s32 $0xF80  }
0x28: {  	[tilespmem:s6], [sflag:$0x1] =	stream.indirect.gather [hbm4b:s1+s15], $0x1, s2, s15, $0xb8;
	[tilespmem:$0x1A00] =	vst v63  }
0x29: {  	s2 =	simm.s32 $0x400;
	s6 =	simm.s32 $0x1000  }
0x2a: {  	[tilespmem:s6], [sflag:$0x1] =	stream.indirect.gather [hbm4b:s3+s15], $0x1, s2, s15, $0xb8;
	[tilespmem:$0x1A00] =	vst v63  }
0x2b: {  	s2 =	simm.s32 $0x480;
	s6 =	simm.s32 $0x1080  }
0x2c: {  	[tilespmem:s6], [sflag:$0x1] =	stream.indirect.gather [hbm4b:s3+s15], $0x1, s2, s15, $0xb8;
	[tilespmem:$0x1A00] =	vst v63  }
0x2d: {  	s2 =	simm.s32 $0x500;
	s6 =	simm.s32 $0x1100  }
0x2e: {  	[tilespmem:s6], [sflag:$0x1] =	stream.indirect.gather [hbm4b:s3+s15], $0x1, s2, s15, $0xb8;
	[tilespmem:$0x1A00] =	vst v63  }
0x2f: {  	s2 =	simm.s32 $0x580;
	s6 =	simm.s32 $0x1180  }
0x30: {  	[tilespmem:s6], [sflag:$0x1] =	stream.indirect.gather [hbm4b:s3+s15], $0x1, s2, s15, $0xb8;
	[tilespmem:$0x1A00] =	vst v63  }
0x31: {  	s2 =	simm.s32 $0x600;
	s6 =	simm.s32 $0x1200  }
0x32: {  	[tilespmem:s6], [sflag:$0x1] =	stream.indirect.gather [hbm4b:s4+s15], $0x1, s2, s15, $0xb8;
	[tilespmem:$0x1A00] =	vst v63  }
0x33: {  	s2 =	simm.s32 $0x680;
	s6 =	simm.s32 $0x1280  }
0x34: {  	[tilespmem:s6], [sflag:$0x1] =	stream.indirect.gather [hbm4b:s4+s15], $0x1, s2, s15, $0xb8;
	[tilespmem:$0x1A00] =	vst v63  }
0x35: {  	s2 =	simm.s32 $0x700;
	s6 =	simm.s32 $0x1300  }
0x36: {  	[tilespmem:s6], [sflag:$0x1] =	stream.indirect.gather [hbm4b:s4+s15], $0x1, s2, s15, $0xb8;
	[tilespmem:$0x1A00] =	vst v63  }
0x37: {  	s2 =	simm.s32 $0x780;
	s6 =	simm.s32 $0x1380  }
0x38: {  	[tilespmem:s6], [sflag:$0x1] =	stream.indirect.gather [hbm4b:s4+s15], $0x1, s2, s15, $0xb8;
	[tilespmem:$0x1A00] =	vst v63  }
0x39: {  	s2 =	simm.s32 $0x800;
	s6 =	simm.s32 $0x1400  }
0x3a: {  	[tilespmem:s6], [sflag:$0x1] =	stream.indirect.gather [hbm4b:s5+s15], $0x1, s2, s15, $0xb8;
	[tilespmem:$0x1A00] =	vst v63  }
0x3b: {  	s2 =	simm.s32 $0x880;
	s6 =	simm.s32 $0x1480  }
0x3c: {  	[tilespmem:s6], [sflag:$0x1] =	stream.indirect.gather [hbm4b:s5+s15], $0x1, s2, s15, $0xb8;
	[tilespmem:$0x1A00] =	vst v63  }
0x3d: {  	_ = 	snop  }
0x3e: {  	[tilespmem:s17], [sflag:$0x1] =	stream.indirect.gather [hbm4b:s5+s15], $0x1, s16, s15, $0xb8;
	[tilespmem:$0x1A00] =	vst v63  }
0x3f: {  	_ = 	snop  }
0x40: {  	[tilespmem:s19], [sflag:$0x1] =	stream.indirect.gather [hbm4b:s5+s15], $0x1, s18, s15, $0xb8;
	[tilespmem:$0x1A00] =	vst v63  }
0x41: {  	_ = 	snop  }
0x42: {  	[tilespmem:s21], [sflag:$0x1] =	stream.indirect.gather [hbm4b:s7+s15], $0x1, s20, s15, $0xb8;
	[tilespmem:$0x1A00] =	vst v63  }
0x43: {  	_ = 	snop  }
0x44: {  	[tilespmem:s23], [sflag:$0x1] =	stream.indirect.gather [hbm4b:s7+s15], $0x1, s22, s15, $0xb8;
	[tilespmem:$0x1A00] =	vst v63  }
0x45: {  	_ = 	snop  }
0x46: {  	[tilespmem:s25], [sflag:$0x1] =	stream.indirect.gather [hbm4b:s7+s15], $0x1, s24, s15, $0xb8;
	[tilespmem:$0x1A00] =	vst v63  }
0x47: {  	_ = 	snop  }
0x48: {  	[tilespmem:s28], [sflag:$0x1] =	stream.indirect.gather [hbm4b:s7+s15], $0x1, s26, s15, $0xb8;
	[tilespmem:$0x1A00] =	vst v63  }
0x49: {  	_ =	swait.ge [sflag:s29], $0x200  }
0x4a: {  	[sflag:s29] =	ssyncset.done $0x0  }
0x4b: {  	[sflag:s29] =	ssyncadd.s32 $0xFFFFFE00  }
0x4c: {  	_ =	swait.ge [sflag:s29], $0x80  }
0x4d: {  	[sflag:s29] =	ssyncset.done $0x0  }
0x4e: {  	[sflag:s29] =	ssyncadd.s32 $0xFFFFFF80  }
0x4f: {  	_ =	swait.ge [sflag:s29], $0x80  }
0x50: {  	[sflag:s29] =	ssyncset.done $0x0  }
0x51: {  	[sflag:s29] =	ssyncadd.s32 $0xFFFFFF80  }
0x52: {  	_ =	swait.ge [sflag:s29], $0x80  }
0x53: {  	[sflag:s29] =	ssyncset.done $0x0  }
0x54: {  	[sflag:s29] =	ssyncadd.s32 $0xFFFFFF80  }
0x55: {  	_ =	swait.ge [sflag:s29], $0x80  }
0x56: {  	[sflag:s29] =	ssyncset.done $0x0  }
0x57: {  	[sflag:s29] =	ssyncadd.s32 $0xFFFFFF80  }
0x58: {  	_ =	swait.ge [sflag:s29], $0x80  }
0x59: {  	[sflag:s29] =	ssyncset.done $0x0  }
0x5a: {  	[sflag:s29] =	ssyncadd.s32 $0xFFFFFF80  }
0x5b: {  	_ =	swait.ge [sflag:s29], $0x80  }
0x5c: {  	[sflag:s29] =	ssyncset.done $0x0  }
0x5d: {  	[sflag:s29] =	ssyncadd.s32 $0xFFFFFF80  }
0x5e: {  	_ =	swait.ge [sflag:s29], $0x80  }
0x5f: {  	[sflag:s29] =	ssyncset.done $0x0  }
0x60: {  	[sflag:s29] =	ssyncadd.s32 $0xFFFFFF80  }
0x61: {  	_ =	swait.ge [sflag:s29], $0x80  }
0x62: {  	[sflag:s29] =	ssyncset.done $0x0  }
0x63: {  	[sflag:s29] =	ssyncadd.s32 $0xFFFFFF80  }
0x64: {  	_ =	swait.ge [sflag:s29], $0x80  }
0x65: {  	[sflag:s29] =	ssyncset.done $0x0  }
0x66: {  	[sflag:s29] =	ssyncadd.s32 $0xFFFFFF80  }
0x67: {  	_ =	swait.ge [sflag:s29], $0x80  }
0x68: {  	[sflag:s29] =	ssyncset.done $0x0  }
0x69: {  	[sflag:s29] =	ssyncadd.s32 $0xFFFFFF80  }
0x6a: {  	_ =	swait.ge [sflag:s29], $0x80  }
0x6b: {  	[sflag:s29] =	ssyncset.done $0x0  }
0x6c: {  	[sflag:s29] =	ssyncadd.s32 $0xFFFFFF80  }
0x6d: {  	_ =	swait.ge [sflag:s29], $0x80  }
0x6e: {  	[sflag:s29] =	ssyncset.done $0x0  }
0x6f: {  	[sflag:s29] =	ssyncadd.s32 $0xFFFFFF80  }
0x70: {  	_ =	swait.ge [sflag:s29], $0x80  }
0x71: {  	[sflag:s29] =	ssyncset.done $0x0  }
0x72: {  	[sflag:s29] =	ssyncadd.s32 $0xFFFFFF80  }
0x73: {  	_ =	swait.ge [sflag:s29], $0x80  }
0x74: {  	[sflag:s29] =	ssyncset.done $0x0  }
0x75: {  	[sflag:s29] =	ssyncadd.s32 $0xFFFFFF80  }
0x76: {  	_ =	swait.ge [sflag:s29], $0x80  }
0x77: {  	[sflag:s29] =	ssyncset.done $0x0  }
0x78: {  	[sflag:s29] =	ssyncadd.s32 $0xFFFFFF80  }
0x79: {  	_ =	swait.ge [sflag:s29], $0x80  }
0x7a: {  	[sflag:s29] =	ssyncset.done $0x0  }
0x7b: {  	[sflag:s29] =	ssyncadd.s32 $0xFFFFFF80  }
0x7c: {  	_ =	swait.ge [sflag:s29], $0x80  }
0x7d: {  	[sflag:s29] =	ssyncset.done $0x0  }
0x7e: {  	[sflag:s29] =	ssyncadd.s32 $0xFFFFFF80  }
0x7f: {  	_ =	swait.ge [sflag:s29], $0x80  }
0x80: {  	[sflag:s29] =	ssyncset.done $0x0  }
0x81: {  	[sflag:s29] =	ssyncadd.s32 $0xFFFFFF80  }
0x82: {  	_ =	swait.ge [sflag:s29], $0x80  }
0x83: {  	[sflag:s29] =	ssyncset.done $0x0  }
0x84: {  	[sflag:s29] =	ssyncadd.s32 $0xFFFFFF80  }
0x85: {  	_ =	swait.ge [sflag:s29], $0x80  }
0x86: {  	[sflag:s29] =	ssyncset.done $0x0  }
0x87: {  	[sflag:s29] =	ssyncadd.s32 $0xFFFFFF80  }
0x88: {  	_ =	swait.ge [sflag:s29], $0x80  }
0x89: {  	[sflag:s29] =	ssyncset.done $0x0  }
0x8a: {  	[sflag:s29] =	ssyncadd.s32 $0xFFFFFF80  }
0x8b: {  	_ =	swait.ge [sflag:s29], $0x80  }
0x8c: {  	[sflag:s29] =	ssyncset.done $0x0  }
0x8d: {  	[sflag:s29] =	ssyncadd.s32 $0xFFFFFF80  }
0x8e: {  	_ =	swait.ge [sflag:s29], $0x80  }
0x8f: {  	[sflag:s29] =	ssyncset.done $0x0  }
0x90: {  	[sflag:s29] =	ssyncadd.s32 $0xFFFFFF80  }
0x91: {  	_ =	swait.ge [sflag:s29], $0x80  }
0x92: {  	[sflag:s29] =	ssyncset.done $0x0  }
0x93: {  	s31 =	simm.s32 $0x0;
	[sflag:s29] =	ssyncadd.s32 $0xFFFFFF80  }
0x94: {  	v7 =	vld [tilespmem:s31+$0x1600]  }
0x95: {  	v6 =	vld [tilespmem:s31+$0x1610]  }
0x96: {  	v5 =	vld [tilespmem:s31+$0x1620]  }
0x97: {  	v4 =	vld [tilespmem:s31+$0x1630]  }
0x98: {  	v1 =	vld [tilespmem:s31+$0x1640]  }
0x99: {  	v0 =	vld [tilespmem:s31+$0x1650]  }
0x9a: {  	v21 =	vld [tilespmem:s31+$0x1400]  }
0x9b: {  	v22 =	vld [tilespmem:s31+$0x1410]  }
0x9c: {  	v12 =	vld [tilespmem:s31+$0x1420]  }
0x9d: {  	v10 =	vld [tilespmem:s31+$0x1430]  }
0x9e: {  	v3 =	vld [tilespmem:s31+$0x1440]  }
0x9f: {  	v2 =	vld [tilespmem:s31+$0x1450]  }
0xa0: {  	v16 =	vld [tilespmem:s31+$0x1200]  }
0xa1: {  	v20 =	vld [tilespmem:s31+$0x1210]  }
0xa2: {  	v24 =	vld [tilespmem:s31+$0x1220]  }
0xa3: {  	v26 =	vld [tilespmem:s31+$0x1230]  }
0xa4: {  	v9 =	vld [tilespmem:s31+$0x1240]  }
0xa5: {  	v8 =	vld [tilespmem:s31+$0x1250]  }
0xa6: {  	v18 =	vld [tilespmem:s31+$0x1000]  }
0xa7: {  	v19 =	vld [tilespmem:s31+$0x1010]  }
0xa8: {  	v23 =	vld [tilespmem:s31+$0x1020]  }
0xa9: {  	v25 =	vld [tilespmem:s31+$0x1030]  }
0xaa: {  	v13 =	vld [tilespmem:s31+$0x1040]  }
0xab: {  	v11 =	vld [tilespmem:s31+$0x1050]  }
0xac: {  	v15 =	vld [tilespmem:s31+$0xE00]  }
0xad: {  	v17 =	vld [tilespmem:s31+$0xE10]  }
0xae: {  	v14 =	vld [tilespmem:s31+$0xC00]  }
0xaf: {  	v27 =	vld [tilespmem:s31+$0xC10]  }
0xb0: {  	v28 =	vld [tilespmem:s31+$0xC20]  }
0xb1: {  	v29 =	vld [tilespmem:s31+$0xC30]  }
0xb2: {  	v30 =	vld [tilespmem:s31+$0x1800]  }
0xb3: {  	v31 =	vld [tilespmem:s31+$0x1810]  }
0xb4: {  	v32 =	vld [tilespmem:s31+$0x1820]  }
0xb5: {  	v33 =	vld [tilespmem:s31+$0x1830]  }
0xb6: {  	v34 =	vld [tilespmem:s31+$0xE20]  }
0xb7: {  	v35 =	vld [tilespmem:s31+$0xE30];
	v30 =	vadd.f32 v14, v30  }
0xb8: {  	v27 =	vadd.f32 v27, v31;
	v14 =	vld [tilespmem:s31+$0xE40]  }
0xb9: {  	v28 =	vadd.f32 v28, v32;
	v30 =	vadd.f32 v15, v30;
	v15 =	vld [tilespmem:s31+$0xE50]  }
0xba: {  	v29 =	vadd.f32 v29, v33;
	v27 =	vadd.f32 v17, v27;
	v17 =	vld [tilespmem:s31+$0xC40]  }
0xbb: {  	v28 =	vadd.f32 v34, v28;
	v30 =	vadd.f32 v18, v30;
	v18 =	vld [tilespmem:s31+$0xC50]  }
0xbc: {  	v29 =	vadd.f32 v35, v29;
	v27 =	vadd.f32 v19, v27;
	v19 =	vld [tilespmem:s31+$0xC60]  }
0xbd: {  	v28 =	vadd.f32 v23, v28;
	v30 =	vadd.f32 v16, v30;
	v16 =	vld [tilespmem:s31+$0xC70]  }
0xbe: {  	v29 =	vadd.f32 v25, v29;
	v27 =	vadd.f32 v20, v27;
	v20 =	vld [tilespmem:s31+$0x1840]  }
0xbf: {  	v24 =	vadd.f32 v24, v28;
	v23 =	vadd.f32 v21, v30;
	v21 =	vld [tilespmem:s31+$0x1850]  }
0xc0: {  	s6 =	simm.s32 $0x200;
	v26 =	vadd.f32 v26, v29;
	v25 =	vadd.f32 v22, v27;
	v22 =	vld [tilespmem:s31+$0x1860]  }
.LBB2_2:
0xc1: {  	p0 =	sne.s32 s6, $0x600;
	v7 =	vadd.f32 v7, v23;
	v12 =	vadd.f32 v12, v24;
	v23 =	vld [tilespmem:s31+$0x1870]  }
0xc2: {  	v6 =	vadd.f32 v6, v25;
	v10 =	vadd.f32 v10, v26;
	v24 =	vld [tilespmem:s31+$0xE60]  }
0xc3: {  	v5 =	vadd.f32 v5, v12;
	v12 =	vadd.f32 v17, v20;
	v17 =	vld [tilespmem:s31+$0xE70]  }
0xc4: {  	v4 =	vadd.f32 v4, v10;
	v10 =	vadd.f32 v18, v21;
	v18 =	vld [tilespmem:s31+$0x1060]  }
0xc5: {  	v12 =	vadd.f32 v14, v12;
	v14 =	vadd.f32 v19, v22;
	v19 =	vld [tilespmem:s31+$0x1070]  }
0xc6: {  	v10 =	vadd.f32 v15, v10;
	v15 =	vld [tilespmem:s31+$0x1260];
	v16 =	vadd.f32 v16, v23  }
0xc7: {  	v12 =	vadd.f32 v13, v12;
	v13 =	vadd.f32 v24, v14;
	v14 =	vld [tilespmem:s31+$0x1270]  }
0xc8: {  	v10 =	vadd.f32 v11, v10;
	v11 =	vld [tilespmem:s31+$0x1460];
	v16 =	vadd.f32 v17, v16  }
0xc9: {  	v9 =	vadd.f32 v9, v12;
	v12 =	vadd.f32 v18, v13;
	v13 =	vld [tilespmem:s31+$0x1470]  }
0xca: {  	v8 =	vadd.f32 v8, v10;
	v10 =	vld [tilespmem:s31+$0x1660];
	v16 =	vadd.f32 v19, v16  }
0xcb: {  	s2 =	sshra.s32 s6, $0x2;
	[tilespmem:s31+$0x1800] =	vst v7;
	v3 =	vadd.f32 v3, v9;
	v9 =	vadd.f32 v15, v12;
	v12 =	vld [tilespmem:s31+$0x1670]  }
0xcc: {  	v7 =	vld [tilespmem:s2+$0x1600];
	[tilespmem:s31+$0x1810] =	vst v6;
	v2 =	vadd.f32 v2, v8;
	v8 =	vadd.f32 v14, v16  }
0xcd: {  	v6 =	vld [tilespmem:s2+$0x1610];
	[tilespmem:s31+$0x1820] =	vst v5;
	v1 =	vadd.f32 v1, v3;
	v3 =	vadd.f32 v11, v9  }
0xce: {  	v5 =	vld [tilespmem:s2+$0x1620];
	[tilespmem:s31+$0x1830] =	vst v4;
	v0 =	vadd.f32 v0, v2;
	v2 =	vadd.f32 v13, v8  }
0xcf: {  	v4 =	vld [tilespmem:s2+$0x1630];
	[tilespmem:s31+$0x1840] =	vst v1;
	v3 =	vadd.f32 v10, v3  }
0xd0: {  	v1 =	vld [tilespmem:s2+$0x1640];
	[tilespmem:s31+$0x1850] =	vst v0;
	v2 =	vadd.f32 v12, v2  }
0xd1: {  	v0 =	vld [tilespmem:s2+$0x1650];
	[tilespmem:s31+$0x1860] =	vst v3  }
0xd2: {  	v21 =	vld [tilespmem:s2+$0x1400];
	[tilespmem:s31+$0x1870] =	vst v2;
	s31 =	smov.u32 s2  }
0xd3: {  	v22 =	vld [tilespmem:s31+$0x1410]  }
0xd4: {  	v12 =	vld [tilespmem:s31+$0x1420]  }
0xd5: {  	v10 =	vld [tilespmem:s31+$0x1430]  }
0xd6: {  	v3 =	vld [tilespmem:s31+$0x1440]  }
0xd7: {  	v2 =	vld [tilespmem:s31+$0x1450]  }
0xd8: {  	v16 =	vld [tilespmem:s31+$0x1200]  }
0xd9: {  	v20 =	vld [tilespmem:s31+$0x1210]  }
0xda: {  	v24 =	vld [tilespmem:s31+$0x1220]  }
0xdb: {  	v26 =	vld [tilespmem:s31+$0x1230]  }
0xdc: {  	v9 =	vld [tilespmem:s31+$0x1240]  }
0xdd: {  	v8 =	vld [tilespmem:s31+$0x1250]  }
0xde: {  	v18 =	vld [tilespmem:s31+$0x1000]  }
0xdf: {  	v19 =	vld [tilespmem:s31+$0x1010]  }
0xe0: {  	v23 =	vld [tilespmem:s31+$0x1020]  }
0xe1: {  	v25 =	vld [tilespmem:s31+$0x1030]  }
0xe2: {  	v13 =	vld [tilespmem:s31+$0x1040]  }
0xe3: {  	v11 =	vld [tilespmem:s31+$0x1050]  }
0xe4: {  	v15 =	vld [tilespmem:s31+$0xE00]  }
0xe5: {  	v17 =	vld [tilespmem:s31+$0xE10]  }
0xe6: {  	v14 =	vld [tilespmem:s31+$0xC00]  }
0xe7: {  	v27 =	vld [tilespmem:s31+$0xC10]  }
0xe8: {  	v28 =	vld [tilespmem:s31+$0xC20]  }
0xe9: {  	v29 =	vld [tilespmem:s31+$0xC30]  }
0xea: {  	v30 =	vld [tilespmem:s31+$0x1800]  }
0xeb: {  	v31 =	vld [tilespmem:s31+$0x1810]  }
0xec: {  	v32 =	vld [tilespmem:s31+$0x1820]  }
0xed: {  	v33 =	vld [tilespmem:s31+$0x1830]  }
0xee: {  	v34 =	vld [tilespmem:s31+$0xE20]  }
0xef: {  	v30 =	vadd.f32 v14, v30;
	v35 =	vld [tilespmem:s31+$0xE30]  }
0xf0: {  	v27 =	vadd.f32 v27, v31;
	v14 =	vld [tilespmem:s31+$0xE40]  }
0xf1: {  	v30 =	vadd.f32 v15, v30;
	v28 =	vadd.f32 v28, v32;
	v15 =	vld [tilespmem:s31+$0xE50]  }
0xf2: {  	v27 =	vadd.f32 v17, v27;
	v29 =	vadd.f32 v29, v33;
	v17 =	vld [tilespmem:s31+$0xC40]  }
0xf3: {  	v30 =	vadd.f32 v18, v30;
	v28 =	vadd.f32 v34, v28;
	v18 =	vld [tilespmem:s31+$0xC50]  }
.Ltmp0:
0xf4: {  	v27 =	vadd.f32 v19, v27;
	v29 =	vadd.f32 v35, v29;
	v19 =	vld [tilespmem:s31+$0xC60];
	(pc) =	sbr.rel @p0 .LBB2_2-.Ltmp0, $4  }
0xf5: {  	v30 =	vadd.f32 v16, v30;
	v28 =	vadd.f32 v23, v28;
	v16 =	vld [tilespmem:s31+$0xC70]  }
0xf6: {  	v27 =	vadd.f32 v20, v27;
	v29 =	vadd.f32 v25, v29;
	v20 =	vld [tilespmem:s31+$0x1840]  }
0xf7: {  	v23 =	vadd.f32 v21, v30;
	v24 =	vadd.f32 v24, v28;
	v21 =	vld [tilespmem:s31+$0x1850]  }
0xf8: {  	s6 =	sadd.s32 $0x200, s6;
	v25 =	vadd.f32 v22, v27;
	v26 =	vadd.f32 v26, v29;
	v22 =	vld [tilespmem:s31+$0x1860]  }
0xf9: {  	v27 =	vld [tilespmem:s31+$0x1870];
	v7 =	vadd.f32 v7, v23;
	v12 =	vadd.f32 v12, v24  }
0xfa: {  	v40 =	vld [tilespmem:s31+$0xE60];
	v6 =	vadd.f32 v6, v25;
	v10 =	vadd.f32 v10, v26  }
0xfb: {  	v41 =	vld [tilespmem:s31+$0xE70];
	v5 =	vadd.f32 v5, v12;
	v42 =	vadd.f32 v17, v20  }
0xfc: {  	v43 =	vld [tilespmem:s31+$0x1060];
	v4 =	vadd.f32 v4, v10;
	v44 =	vadd.f32 v18, v21  }
0xfd: {  	v45 =	vld [tilespmem:s31+$0x1070];
	v12 =	vadd.f32 v14, v42;
	v46 =	vadd.f32 v19, v22  }
0xfe: {  	v47 =	vld [tilespmem:s31+$0x1260];
	v10 =	vadd.f32 v15, v44;
	v48 =	vadd.f32 v16, v27  }
0xff: {  	v49 =	vld [tilespmem:s31+$0x1270];
	v12 =	vadd.f32 v13, v12;
	v50 =	vadd.f32 v40, v46  }
0x100: {  	v51 =	vld [tilespmem:s31+$0x1460];
	v10 =	vadd.f32 v11, v10;
	v52 =	vadd.f32 v41, v48  }
0x101: {  	v53 =	vld [tilespmem:s31+$0x1470];
	v9 =	vadd.f32 v9, v12;
	v54 =	vadd.f32 v43, v50  }
0x102: {  	v55 =	vld [tilespmem:s31+$0x1660];
	v8 =	vadd.f32 v8, v10;
	v56 =	vadd.f32 v45, v52  }
0x103: {  	v58 =	vld [tilespmem:s31+$0x1670];
	[tilespmem:s31+$0x1800] =	vst v7;
	v3 =	vadd.f32 v3, v9;
	v57 =	vadd.f32 v47, v54  }
0x104: {  	[tilespmem:s31+$0x1810] =	vst v6;
	v2 =	vadd.f32 v2, v8;
	v59 =	vadd.f32 v49, v56  }
0x105: {  	[tilespmem:s31+$0x1820] =	vst v5;
	v1 =	vadd.f32 v1, v3;
	v60 =	vadd.f32 v51, v57  }
0x106: {  	[tilespmem:s31+$0x1830] =	vst v4;
	v0 =	vadd.f32 v0, v2;
	v61 =	vadd.f32 v53, v59  }
0x107: {  	[tilespmem:s31+$0x1840] =	vst v1;
	v62 =	vadd.f32 v55, v60  }
0x108: {  	s30 =	sadd.s32 $0x1, s30;
	[tilespmem:s31+$0x1850] =	vst v0;
	v63 =	vadd.f32 v58, v61  }
0x109: {  	p0 =	sne.s32 s30, s12;
	[tilespmem:s31+$0x1860] =	vst v62  }
.Ltmp1:
0x10a: {  	[tilespmem:s31+$0x1870] =	vst v63;
	(pc) =	sbr.rel @p0 .LBB2_1-.Ltmp1, $4  }
0x10b: {  	[hbm4b:s11+s8] =	stream.linear.scatter [tilespmem:s14], [sflag:$0x2], $0x200, $0x38;
	[tilespmem:$0x1A00] =	vst v63  }
0x10c: {  	_ =	swait.ge [sflag:s13], $0x200  }
0x10d: {  	[sflag:s13] =	ssyncset.done $0x0  }
0x10e: {  	[sflag:s13] =	ssyncadd.s32 $0xFFFFFE00  }
0x10f: {  	_ =	sfence.sel $0x180000  }
0x110: {  	[bflag:$0x0] =	sbarrier.arrive $0xFFFF  }
0x111: {  	_ =	strace $0x90000050  }
0x112: {  	s0 =	stileid.u32;
	[bflag:$0x2] =	sbarrier.arrive $0xFFFF  }
0x113: {  	p0 =	sne.s32 s0, $0x0;
	s0 =	rddreg [dreg:$0x8]  }
0x114: {  	s0 =	sadd.s32 @!p0 $0x100000, s0  }
0x115: {  	[sflag:s0] =	ssyncadd.tile.s32 @!p0 $0x1;
	_ =	shalt  }
.Lfunc_end2:
_tile_overlayer_lowered:
.L_overlay_start_2:
0x116: {  	(tag) =	ssettag $0x2  }
0x117: {  	s0 =	rddreg [dreg:$0x0];
	s2 =	stileid.u32  }
0x118: {  	s1 =	rddreg [dreg:$0x1];
	p0 =	sne.s32 s2, $0x0  }
0x119: {  	s3 =	rddreg [dreg:$0x2];
	[bflag:$0x3] =	sbarrier.arrive $0xFFFF;
	s2 =	simm.s32 @!p0 $0x1C02  }
0x11a: {  	[timem:s3], [sflag:s2] =	dma.local @!p0 [hbm:s0], s1  }
0x11b: {  	s0 =	simm.s32 @!p0 $0x2  }
0x11c: {  	_ =	swait.ge @!p0 [sflag:s0], s1  }
0x11d: {  	s1 =	ssub.s32 @!p0 $0x0, s1;
	[sflag:s0] =	ssyncset.done @!p0 $0x0  }
0x11e: {  	[sflag:s0] =	ssyncadd.s32 @!p0 s1  }
0x11f: {  	[bflag:$0x3] =	sbarrier.arrive $0xFFFF  }
0x120: {  	_ =	shalt  }

// kernel: _run.6.cloned.1.call-start
scs
__scs_entry_jumppad:
0x0: {  	(pc) =	sbr.rel $0x88, $3  }
0x1: {  	(tag) =	ssettag $0x0;
	lr =	simm.s32 $0x1  }
0x2: {  	[smem:$0x3F85] =	sst lr;
	_ =	strace $0xD0000000  }
0x3: {  	_ = 	snop  }
0x4: {  	_ = 	snop  }
0x5: {  	_ = 	snop  }
0x6: {  	_ = 	snop  }
0x7: {  	_ = 	snop  }
__scs_overlays_trampoline_lowered:
0x8: {  	[smem:$0x3F94] =	sst s0  }
0x9: {  	[smem:$0x3F95] =	sst s1  }
0xa: {  	[smem:$0x3F96] =	sst s2  }
0xb: {  	[smem:$0x3F97] =	sst s3  }
0xc: {  	[smem:$0x3F98] =	sst s4  }
0xd: {  	[smem:$0x3F99] =	sst s5  }
0xe: {  	[smem:$0x3F9A] =	sst s6  }
0xf: {  	[smem:$0x3F9B] =	sst s7  }
0x10: {  	[smem:$0x3F9C] =	sst s8  }
0x11: {  	[smem:$0x3F9D] =	sst s9;
	s0 =	simm.s32 @!p0 $0x0  }
0x12: {  	s1 =	sld [smem:$0x3F83];
	s0 =	simm.s32 @p0 $0x1  }
0x13: {  	[smem:$0x3F9E] =	sst s0;
	s0 =	simm.s32 @!p1 $0x0  }
0x14: {  	s2 =	sld [smem:$0x3F82];
	s0 =	simm.s32 @p1 $0x1  }
0x15: {  	[smem:$0x3F9F] =	sst s0;
	s0 =	simm.s32 @!p2 $0x0  }
0x16: {  	s3 =	sld [smem:$0x3FDB];
	s0 =	simm.s32 @p2 $0x1  }
0x17: {  	s4 =	simm.s32 $0x1BF5;
	[smem:$0x3FA1] =	sst s0  }
0x18: {  	s0 =	sld [smem:$0x3F84];
	_ =	swait.ge [sflag:s4], $0x0  }
0x19: {  	s7 =	sld [smem:$0x3F85]  }
0x1a: {  	s8 =	sadd.s32 $0xFFFFE003, lr  }
0x1b: {  	s9 =	sadd.s32 $0xFFFFFEF7, lr;
	s5 =	simm.s32 $0xFFFFFFFF;
	p2 =	slt.u32 s8, $0xFFFFF086  }
0x1c: {  	p1 =	slt.u32 s9, $0xF7A;
	s5 =	simm.s32 @!p2 $0x0  }
0x1d: {  	s5 =	simm.s32 @p1 $0x1;
	p0 =	seq.s32 s7, s2  }
0x1e: {  	s7 =	smul.u32 @!p0 $0xF7A, s2;
	p2 =	seq.s32 @!p0 s5, $0x0  }
0x1f: {  	s9 =	smul.u32 $0xF7A, s1;
	s8 =	simm.s32 @!p0 $0x1BF5;
	p2 =	por !p2, p0  }
0x20: {  	[sflag:s8] =	ssyncset.s32 @!p0 $0xFFFFF086;
	s6 =	sadd.s32 @!p0 s3, s7;
	s7 =	simm.s32 @!p0 $0x108  }
0x21: {  	s3 =	sadd.s32 s3, s9;
	s6 =	sadd.s32 @!p0 $0x88, s6;
	s7 =	simm.s32 @p2 $0x1082  }
0x22: {  	[simem:s7], [sflag:s8] =	dma.local @!p0 [hbm:s6], $0xF7A  }
0x23: {  	s9 =	sor.u32 $0xD0000000, s2;
	s6 =	simm.s32 $0x108;
	_ =	swait.ge @!p0 [sflag:s8], $0x0  }
0x24: {  	s3 =	sadd.s32 $0x88, s3;
	s6 =	simm.s32 @!p1 $0x1082;
	[sflag:s4] =	ssyncset.s32 $0xFFFFF086  }
0x25: {  	[simem:s6], [sflag:s4] =	dma.local [hbm:s3], $0xF7A  }
0x26: {  	[smem:$0x3F85] =	sst s1;
	(tag) =	ssettag s2;
	_ =	strace s9  }
0x27: {  	s1 =	sld [smem:$0x3F95]  }
0x28: {  	s2 =	sld [smem:$0x3F96]  }
0x29: {  	s4 =	sld [smem:$0x3F98]  }
0x2a: {  	p0 =	seq.s32 s5, $0x0;
	s5 =	sld [smem:$0x3F99]  }
0x2b: {  	s6 =	sld [smem:$0x3F9A]  }
0x2c: {  	s7 =	sld [smem:$0x3F9B]  }
0x2d: {  	s3 =	simm.s32 $0x108;
	s8 =	sld [smem:$0x3F9C]  }
0x2e: {  	s3 =	simm.s32 @!p0 $0x1082;
	s9 =	sld [smem:$0x3F9D]  }
0x2f: {  	lr =	sadd.s32 s0, s3;
	s0 =	sld [smem:$0x3F94]  }
0x30: {  	s3 =	sld [smem:$0x3F97]  }
0x31: {  	[smem:$0x3FA0] =	sst s10  }
0x32: {  	s10 =	sld [smem:$0x3F9E];
	_ =	sdelay $0x3  }
0x33: {  	p0 =	seq.s32 s10, $0x1;
	s10 =	sld [smem:$0x3FA0];
	_ =	sdelay $0x3  }
0x34: {  	[smem:$0x3FA0] =	sst s10  }
0x35: {  	s10 =	sld [smem:$0x3F9F];
	_ =	sdelay $0x3  }
0x36: {  	p1 =	seq.s32 s10, $0x1;
	s10 =	sld [smem:$0x3FA0];
	_ =	sdelay $0x3  }
0x37: {  	[smem:$0x3FA0] =	sst s10  }
0x38: {  	s10 =	sld [smem:$0x3FA1]  }
0x39: {  	_ = 	snop;
	(pc) =	sbr.ind lr, $3  }
0x3a: {  	_ = 	snop  }
0x3b: {  	_ = 	snop  }
0x3c: {  	p2 =	seq.s32 s10, $0x1;
	s10 =	sld [smem:$0x3FA0]  }
0x3d: {  	_ =	shalt  }
0x3e: {  	_ =	shalt  }
0x3f: {  	_ =	shalt  }
0x40: {  	_ =	shalt  }
0x41: {  	_ =	shalt  }
0x42: {  	_ =	shalt  }
0x43: {  	_ =	shalt  }
0x44: {  	_ =	shalt  }
0x45: {  	_ =	shalt  }
0x46: {  	_ =	shalt  }
0x47: {  	_ =	shalt  }
0x48: {  	_ =	shalt  }
0x49: {  	_ =	shalt  }
0x4a: {  	_ =	shalt  }
0x4b: {  	_ =	shalt  }
0x4c: {  	_ =	shalt  }
0x4d: {  	_ =	shalt  }
0x4e: {  	_ =	shalt  }
0x4f: {  	_ =	shalt  }
0x50: {  	_ =	shalt  }
0x51: {  	_ =	shalt  }
0x52: {  	_ =	shalt  }
0x53: {  	_ =	shalt  }
0x54: {  	_ =	shalt  }
0x55: {  	_ =	shalt  }
0x56: {  	_ =	shalt  }
0x57: {  	_ =	shalt  }
0x58: {  	_ =	shalt  }
0x59: {  	_ =	shalt  }
0x5a: {  	_ =	shalt  }
0x5b: {  	_ =	shalt  }
0x5c: {  	_ =	shalt  }
0x5d: {  	_ =	shalt  }
0x5e: {  	_ =	shalt  }
0x5f: {  	_ =	shalt  }
0x60: {  	_ =	shalt  }
0x61: {  	_ =	shalt  }
0x62: {  	_ =	shalt  }
0x63: {  	_ =	shalt  }
0x64: {  	_ =	shalt  }
0x65: {  	_ =	shalt  }
0x66: {  	_ =	shalt  }
0x67: {  	_ =	shalt  }
0x68: {  	_ =	shalt  }
0x69: {  	_ =	shalt  }
0x6a: {  	_ =	shalt  }
0x6b: {  	_ =	shalt  }
0x6c: {  	_ =	shalt  }
0x6d: {  	_ =	shalt  }
0x6e: {  	_ =	shalt  }
0x6f: {  	_ =	shalt  }
0x70: {  	_ =	shalt  }
0x71: {  	_ =	shalt  }
0x72: {  	_ =	shalt  }
0x73: {  	_ =	shalt  }
0x74: {  	_ =	shalt  }
0x75: {  	_ =	shalt  }
0x76: {  	_ =	shalt  }
0x77: {  	_ =	shalt  }
0x78: {  	_ =	shalt  }
0x79: {  	_ =	shalt  }
0x7a: {  	_ =	shalt  }
0x7b: {  	_ =	shalt  }
0x7c: {  	_ =	shalt  }
0x7d: {  	_ =	shalt  }
0x7e: {  	_ =	shalt  }
0x7f: {  	_ =	shalt  }
0x80: {  	_ =	shalt  }
0x81: {  	_ =	shalt  }
0x82: {  	_ =	shalt  }
0x83: {  	_ =	shalt  }
0x84: {  	_ =	shalt  }
0x85: {  	_ =	shalt  }
0x86: {  	_ =	shalt  }
0x87: {  	_ =	shalt  }
.Lfunc_end0:
.L_simem_size_0:
called_computation_lowered:
.L_overlay_start_0:
0x88: {  	s2 =	sld [smem:$0x3FD9]  }
0x89: {  	s3 =	sld [smem:$0x3FFE];
	_ =	sdelay $0x1  }
0x8a: {  	s1 =	srdreg.scid  }
0x8b: {  	s0 =	sand.u32 $0x1, s1  }
0x8c: {  	s17 =	sshll.u32 s0, $0xA;
	s2 =	sadd.s32 s3, s2  }
0x8d: {  	s2 =	sadd.s32 s2, s17  }
0x8e: {  	[smem:$0x3FAC] =	sst s2  }
0x8f: {  	_ = 	snop  }
0x90: {  	s2 =	sld [smem:$0x3FC9]  }
0x91: {  	s18 =	sld [smem:$0x3FAE];
	(tm) =	ssettm $0x1  }
0x92: {  	s4 =	sld [smem:$0x3FFB];
	_ =	sdelay $0x3  }
0x93: {  	_ =	strace s4  }
0x94: {  	s4 =	sld [smem:$0x3FFC];
	_ =	sdelay $0x3  }
0x95: {  	_ =	strace s4  }
0x96: {  	s4 =	sld [smem:$0x3FFD];
	_ =	sdelay $0x3  }
0x97: {  	_ =	strace s4  }
0x98: {  	_ =	strace $0x8FFFFFFF  }
0x99: {  	s19 =	sld [smem:$0x3FDB];
	_ =	sdelay $0x1  }
0x9a: {  	s5 =	simm.s32 $_scs_section_size  }
0x9b: {  	s6 =	simm.s32 $_size__tile_overlayer_lowered;
	s7 =	simm.s32 $_tile_overlayer_lowered  }
0x9c: {  	s22 =	simm.s32 $0x1BFF;
	s21 =	sshll.u32 s7, $0x1;
	s4 =	sadd.s32 s5, s19  }
0x9d: {  	s8 =	simm.s32 $0x0;
	s20 =	sshll.u32 s6, $0x1;
	s6 =	sadd.s32 s21, s4  }
0x9e: {  	[timem:s8], [sflag:s22] =	dma.local [hbm:s6], s20  }
0x9f: {  	_ =	swait.ge [sflag:s22], s20  }
0xa0: {  	s5 =	ssub.s32 $0x0, s20;
	[sflag:s22] =	ssyncset.done $0x0  }
0xa1: {  	[sflag:s22] =	ssyncadd.s32 s5;
	_ =	sdelay $0x1  }
0xa2: {  	s23 =	simm.s32 $0x1B8B  }
0xa3: {  	_ =	swait.ge [sflag:s23], $0x1  }
0xa4: {  	[sflag:s23] =	ssyncset.done $0x0  }
0xa5: {  	s25 =	simm.s32 $0x1B8E;
	s24 =	sld [smem:$0x3FFE];
	[sflag:s23] =	ssyncadd.s32 $0xFFFFFFFF  }
0xa6: {  	s26 =	simm.s32 $execute0_lowered;
	[smem:$0x3FD2] =	sst s25  }
0xa7: {  	s6 =	sshll.u32 s26, $0x1;
	_ =	strace $0x80000046;
	[dreg:$0x1] =	wrdreg $0xFFFFFFFF  }
0xa8: {  	s28 =	simm.s32 $_size_execute0_lowered;
	s4 =	sadd.s32 s4, s6;
	[dreg:$0x0] =	wrdreg $0x0  }
0xa9: {  	s6 =	sshll.u32 s28, $0x1;
	[dreg:$0x2] =	wrdreg s4  }
0xaa: {  	[dreg:$0x3] =	wrdreg s6  }
0xab: {  	[dreg:$0x4] =	wrdreg $0xC0  }
0xac: {  	_ =	task [dreg:s8], $0x5FFFF  }
0xad: {  	[dreg:$0x1] =	wrdreg $0xFFFFFFFF  }
0xae: {  	[dreg:$0x0] =	wrdreg $0x60  }
0xaf: {  	[dreg:$0x2] =	wrdreg s2  }
0xb0: {  	[dreg:$0x3] =	wrdreg s18  }
0xb1: {  	[dreg:$0x4] =	wrdreg s24  }
0xb2: {  	[dreg:$0x5] =	wrdreg $0x9  }
0xb3: {  	_ =	task.clear_ibuf [dreg:s8], $0x6FFFF;
	_ =	strace $0x90000046  }
0xb4: {  	s29 =	simm.s32 $0x9;
	_ =	strace $0x80000048  }
0xb5: {  	_ =	swait.ge [sflag:s29], $0x1  }
0xb6: {  	[sflag:s29] =	ssyncadd.s32 $0xFFFFFFFF  }
0xb7: {  	_ =	strace $0x90000048  }
0xb8: {  	_ =	sfence  }
0xb9: {  	s30 =	sld [smem:$0x0];
	_ =	sdelay $0x2  }
0xba: {  	s31 =	sshll.u32 s1, $0xD;
	s1 =	sshrl.u32 s1, $0x2  }
0xbb: {  	s3 =	sand.u32 $0x4000, s31;
	s1 =	sadd.s32 s1, s30  }
0xbc: {  	s0 =	sor.u32 s3, s0;
	s1 =	sshll.u32 s1, $0x11  }
0xbd: {  	s0 =	sor.u32 s1, s0  }
0xbe: {  	s0 =	sadd.s32 $0x8F2B, s0  }
0xbf: {  	[sflag:s0] =	ssyncadd.remote.s32 $0x1  }
0xc0: {  	_ =	sfence.sel $0xFFFF  }
0xc1: {  	[dreg:$0x0] =	wrdreg $0xFFFFFFFF;
	(pc) =	sbr.abs _section_cstart, $3  }
0xc2: {  	[dreg:$0x1] =	wrdreg $0xFFFFFFFF  }
0xc3: {  	_ =	task.clear_ibuf [dreg:s8], $0x2FFFF;
	_ =	strace $0x9FFFFFFF  }
0xc4: {  	(tm) =	ssettm $0x7FFFFFFF  }
0xc5: {  	_ =	shalt  }
tec
execute0_lowered:
.L_overlay_start_1:
0x0: {  	(tag) =	ssettag $0x1  }
0x1: {  	s5 =	rddreg [dreg:$0x0]  }
0x2: {  	s2 =	rddreg [dreg:$0x1];
	s1 =	srdreg.scid  }
0x3: {  	s0 =	stileid.u32;
	s4 =	rddreg [dreg:$0x2]  }
0x4: {  	s3 =	simm.s32 $0x0;
	s11 =	simm.s32 $0x5000;
	s12 =	simm.s32 $0x8480  }
0x5: {  	s13 =	simm.s32 $0x0;
	s6 =	sand.u32 $0x1, s1;
	s1 =	rddreg [dreg:$0x3]  }
0x6: {  	s7 =	sshll.u32 s0, $0x1;
	[smem:$0x7FF] =	sst s3;
	s29 =	sshll.u32 s0, $0x7  }
0x7: {  	s7 =	sor.u32 s6, s7;
	_ =	strace $0x80000047;
	s9 =	ssub.s32 $0x2, s6  }
0x8: {  	s30 =	sadd.s32 s29, s5;
	s8 =	smul.u32 $0x680, s7;
	s7 =	sshll.u32 s7, $0x6  }
0x9: {  	s31 =	sshll.u32 s6, $0x6;
	s10 =	sshrl.u32 s9, $0x1;
	s7 =	sadd.s32 s7, s4  }
0xa: {  	s9 =	ssub.s32 s9, s10;
	s10 =	simm.s32 $0x1;
	s8 =	sadd.s32 s8, s4  }
0xb: {  	s5 =	sadd.s32 $0x1400, s7;
	s6 =	smax.u32 s9, $0x1;
	s7 =	sadd.s32 s31, s30  }
0xc: {  	s9 =	simm.s32 $0x2;
	s4 =	sadd.s32 $0x1C00, s8;
	s8 =	simm.s32 $0x8400  }
.LBB2_1:
0xd: {  	s14 =	sand.u32 $0x7000, s3;
	s15 =	sand.u32 $0x380, s3  }
0xe: {  	s14 =	sor.u32 s15, s14  }
0xf: {  	[tilespmem:s14], [sflag:$0x1] =	stream.linear.gather [hbm4b:s7+s3], $0x80, $0x38;
	[tilespmem:$0x8680] =	vst v63  }
0x10: {  	s26 =	sadd.s32 $0x10, s7;
	s16 =	sor.u32 $0x400, s14  }
0x11: {  	[tilespmem:s16], [sflag:$0x1] =	stream.linear.gather [hbm4b:s26+s3], $0x80, $0x38;
	[tilespmem:$0x8680] =	vst v63  }
0x12: {  	s28 =	sadd.s32 $0x20, s7;
	s29 =	sor.u32 $0x800, s14  }
0x13: {  	[tilespmem:s29], [sflag:$0x1] =	stream.linear.gather [hbm4b:s28+s3], $0x80, $0x38;
	[tilespmem:$0x8680] =	vst v63  }
0x14: {  	s30 =	sadd.s32 $0x30, s7;
	s31 =	simm.s32 $0x200;
	s14 =	sor.u32 $0xC00, s14  }
0x15: {  	[tilespmem:s14], [sflag:$0x1] =	stream.linear.gather [hbm4b:s30+s3], $0x80, $0x38;
	[tilespmem:$0x8680] =	vst v63  }
0x16: {  	s17 =	sand.u32 $0x7000, s31;
	s14 =	simm.s32 $0x80  }
0x17: {  	s15 =	smov.u32 s7;
	s16 =	simm.s32 $0x400;
	s18 =	sand.u32 $0x380, s14  }
.LBB2_2:
0x18: {  	p0 =	sne.s32 s16, $0x4C00;
	s17 =	sor.u32 s18, s17;
	s15 =	sadd.s32 $0x800, s15  }
0x19: {  	[tilespmem:s17], [sflag:$0x1] =	stream.linear.gather [hbm4b:s15+s3], $0x80, $0x38;
	[tilespmem:$0x8680] =	vst v63  }
0x1a: {  	s18 =	sadd.s32 $0x10, s15;
	s19 =	sor.u32 $0x400, s17  }
0x1b: {  	[tilespmem:s19], [sflag:$0x1] =	stream.linear.gather [hbm4b:s18+s3], $0x80, $0x38;
	[tilespmem:$0x8680] =	vst v63  }
.Ltmp0:
0x1c: {  	s18 =	sadd.s32 $0x20, s15;
	s19 =	sor.u32 $0x800, s17;
	(pc) =	sbr.rel @p0 .LBB2_2-.Ltmp0, $4  }
0x1d: {  	[tilespmem:s19], [sflag:$0x1] =	stream.linear.gather [hbm4b:s18+s3], $0x80, $0x38;
	[tilespmem:$0x8680] =	vst v63  }
0x1e: {  	s14 =	sadd.s32 $0x80, s14;
	s17 =	sor.u32 $0xC00, s17;
	s18 =	sadd.s32 $0x30, s15  }
0x1f: {  	[tilespmem:s17], [sflag:$0x1] =	stream.linear.gather [hbm4b:s18+s3], $0x80, $0x38;
	[tilespmem:$0x8680] =	vst v63  }
0x20: {  	s17 =	sand.u32 $0x7000, s16;
	s18 =	sand.u32 $0x380, s14;
	s16 =	sadd.s32 $0x200, s16  }
0x21: {  	s14 =	sor.u32 s18, s17;
	s15 =	sadd.s32 $0x800, s15  }
0x22: {  	[tilespmem:s14], [sflag:$0x1] =	stream.linear.gather [hbm4b:s15+s3], $0x80, $0x38;
	[tilespmem:$0x8680] =	vst v63  }
0x23: {  	s16 =	sadd.s32 $0x10, s15;
	s17 =	sor.u32 $0x400, s14  }
0x24: {  	[tilespmem:s17], [sflag:$0x1] =	stream.linear.gather [hbm4b:s16+s3], $0x80, $0x38;
	[tilespmem:$0x8680] =	vst v63  }
0x25: {  	s30 =	sadd.s32 $0x20, s15;
	s31 =	sor.u32 $0x800, s14  }
0x26: {  	[tilespmem:s31], [sflag:$0x1] =	stream.linear.gather [hbm4b:s30+s3], $0x80, $0x38;
	[tilespmem:$0x8680] =	vst v63  }
0x27: {  	s15 =	sadd.s32 $0x30, s15;
	s14 =	sor.u32 $0xC00, s14  }
0x28: {  	[tilespmem:s14], [sflag:$0x1] =	stream.linear.gather [hbm4b:s15+s3], $0x80, $0x38;
	[tilespmem:$0x8680] =	vst v63  }
0x29: {  	_ = 	snop  }
0x2a: {  	[tilespmem:s8], [sflag:$0x2] =	stream.linear.gather [hbm4b:s2+s3], $0x80, $0x38;
	[tilespmem:$0x8680] =	vst v63  }
0x2b: {  	_ =	swait.ge [sflag:s9], $0x80  }
0x2c: {  	[sflag:s9] =	ssyncset.done $0x0  }
0x2d: {  	s14 =	simm.s32 $0x27;
	[sflag:s9] =	ssyncadd.s32 $0xFFFFFF80  }
.LBB2_4:
0x2e: {  	p0 =	sne.s32 s14, $0x1  }
.Ltmp1:
0x2f: {  	_ = 	snop;
	(pc) =	sbr.rel @p0 .LBB2_4-.Ltmp1, $4  }
0x30: {  	_ = 	snop  }
0x31: {  	_ =	swait.ge [sflag:s10], $0x200  }
0x32: {  	[sflag:s10] =	ssyncset.done $0x0  }
0x33: {  	s14 =	sadd.s32 $0xFFFFFFFF, s14;
	[sflag:s10] =	ssyncadd.s32 $0xFFFFFE00  }
0x34: {  	s15 =	simm.s32 $0x0  }
0x35: {  	s14 =	simm.s32 $0x1A00;
	s16 =	sand.u32 $0x3000, s15  }
0x36: {  	s17 =	simm.s32 $0x680;
	s14 =	sand.u32 $0x7000, s14;
	s16 =	sshrl.u32 s16, $0x2  }
0x37: {  	s17 =	sand.u32 $0x380, s17;
	s14 =	sor.u32 s16, s14  }
0x38: {  	s16 =	sor.u32 s17, s14  }
0x39: {  	v0 =	vld [tilespmem:s16+$0x0];
	_ =	sdelay $0x4  }
0x3a: {  	v0 =	vtrunc.f32 v0  }
0x3b: {  	v0 =	vcvt.f32.s32 v0  }
0x3c: {  	s14 =	simm.s32 $0x5040  }
0x3d: {  	[tilespmem:s14+$0xFFFFFFC0] =	vst v0  }
0x3e: {  	v0 =	vld [tilespmem:s16+$0x10];
	_ =	sdelay $0x4  }
0x3f: {  	v0 =	vtrunc.f32 v0  }
0x40: {  	v0 =	vcvt.f32.s32 v0;
	_ =	sdelay $0x1  }
0x41: {  	[tilespmem:s14+$0xFFFFFFD0] =	vst v0  }
0x42: {  	v0 =	vld [tilespmem:s16+$0x20];
	_ =	sdelay $0x4  }
0x43: {  	v0 =	vtrunc.f32 v0  }
0x44: {  	v0 =	vcvt.f32.s32 v0;
	_ =	sdelay $0x1  }
0x45: {  	[tilespmem:s14+$0xFFFFFFE0] =	vst v0  }
0x46: {  	v0 =	vld [tilespmem:s16+$0x30];
	_ =	sdelay $0x4  }
0x47: {  	v0 =	vtrunc.f32 v0  }
0x48: {  	v0 =	vcvt.f32.s32 v0;
	_ =	sdelay $0x1  }
0x49: {  	[tilespmem:s14+$0xFFFFFFF0] =	vst v0  }
0x4a: {  	v0 =	vld [tilespmem:s16+$0x40];
	_ =	sdelay $0x4  }
0x4b: {  	v0 =	vtrunc.f32 v0  }
0x4c: {  	v0 =	vcvt.f32.s32 v0;
	_ =	sdelay $0x1  }
0x4d: {  	[tilespmem:s14+$0x0] =	vst v0  }
0x4e: {  	v0 =	vld [tilespmem:s16+$0x50];
	_ =	sdelay $0x4  }
0x4f: {  	v0 =	vtrunc.f32 v0  }
0x50: {  	v0 =	vcvt.f32.s32 v0;
	_ =	sdelay $0x1  }
0x51: {  	[tilespmem:s14+$0x10] =	vst v0  }
0x52: {  	v0 =	vld [tilespmem:s16+$0x60];
	_ =	sdelay $0x4  }
0x53: {  	v0 =	vtrunc.f32 v0  }
0x54: {  	v0 =	vcvt.f32.s32 v0;
	_ =	sdelay $0x1  }
0x55: {  	[tilespmem:s14+$0x20] =	vst v0  }
0x56: {  	v0 =	vld [tilespmem:s16+$0x70];
	_ =	sdelay $0x2  }
0x57: {  	s17 =	simm.s32 $0x0;
	s16 =	simm.s32 $0x2  }
.LBB2_6:
0x58: {  	p0 =	sne.s32 s16, $0x67;
	s17 =	sadd.s32 $0xD, s17;
	s15 =	sadd.s32 $0x1000, s15  }
0x59: {  	s18 =	sshll.u32 s17, $0x9;
	s19 =	sand.u32 $0x3000, s15;
	v0 =	vtrunc.f32 v0  }
0x5a: {  	s17 =	sshll.u32 s17, $0x7;
	s18 =	sand.u32 $0x7000, s18;
	s19 =	sshrl.u32 s19, $0x2;
	v0 =	vcvt.f32.s32 v0  }
0x5b: {  	s17 =	sand.u32 $0x380, s17;
	s18 =	sor.u32 s19, s18  }
0x5c: {  	s17 =	sor.u32 s17, s18;
	[tilespmem:s14+$0x30] =	vst v0  }
0x5d: {  	v0 =	vld [tilespmem:s17+$0x0];
	_ =	sdelay $0x4  }
0x5e: {  	v0 =	vtrunc.f32 v0  }
0x5f: {  	v0 =	vcvt.f32.s32 v0  }
0x60: {  	s14 =	sadd.s32 $0x80, s14  }
0x61: {  	[tilespmem:s14+$0xFFFFFFC0] =	vst v0  }
0x62: {  	v0 =	vld [tilespmem:s17+$0x10];
	_ =	sdelay $0x4  }
0x63: {  	v0 =	vtrunc.f32 v0  }
0x64: {  	v0 =	vcvt.f32.s32 v0;
	_ =	sdelay $0x1  }
0x65: {  	[tilespmem:s14+$0xFFFFFFD0] =	vst v0  }
0x66: {  	v0 =	vld [tilespmem:s17+$0x20];
	_ =	sdelay $0x4  }
0x67: {  	v0 =	vtrunc.f32 v0  }
0x68: {  	v0 =	vcvt.f32.s32 v0;
	_ =	sdelay $0x1  }
0x69: {  	[tilespmem:s14+$0xFFFFFFE0] =	vst v0  }
0x6a: {  	v0 =	vld [tilespmem:s17+$0x30];
	_ =	sdelay $0x4  }
0x6b: {  	v0 =	vtrunc.f32 v0  }
0x6c: {  	v0 =	vcvt.f32.s32 v0;
	_ =	sdelay $0x1  }
0x6d: {  	[tilespmem:s14+$0xFFFFFFF0] =	vst v0  }
0x6e: {  	v0 =	vld [tilespmem:s17+$0x40];
	_ =	sdelay $0x4  }
0x6f: {  	v0 =	vtrunc.f32 v0  }
0x70: {  	v0 =	vcvt.f32.s32 v0;
	_ =	sdelay $0x1  }
0x71: {  	[tilespmem:s14+$0x0] =	vst v0  }
0x72: {  	v0 =	vld [tilespmem:s17+$0x50];
	_ =	sdelay $0x4  }
0x73: {  	v0 =	vtrunc.f32 v0  }
0x74: {  	v0 =	vcvt.f32.s32 v0;
	_ =	sdelay $0x1  }
0x75: {  	[tilespmem:s14+$0x10] =	vst v0  }
0x76: {  	v0 =	vld [tilespmem:s17+$0x60];
	_ =	sdelay $0x4  }
0x77: {  	v0 =	vtrunc.f32 v0  }
0x78: {  	v0 =	vcvt.f32.s32 v0;
	_ =	sdelay $0x1  }
.Ltmp2:
0x79: {  	[tilespmem:s14+$0x20] =	vst v0;
	(pc) =	sbr.rel @p0 .LBB2_6-.Ltmp2, $2  }
0x7a: {  	v0 =	vld [tilespmem:s17+$0x70];
	_ =	sdelay $0x2  }
0x7b: {  	s17 =	sshrl.u32 s16, $0x2;
	s16 =	sadd.s32 $0x1, s16  }
0x7c: {  	s16 =	sadd.s32 $0xD, s17;
	s15 =	sadd.s32 $0x1000, s15  }
0x7d: {  	s17 =	sshll.u32 s16, $0x9;
	s15 =	sand.u32 $0x3000, s15;
	v0 =	vtrunc.f32 v0  }
0x7e: {  	s16 =	sshll.u32 s16, $0x7;
	s17 =	sand.u32 $0x7000, s17;
	s15 =	sshrl.u32 s15, $0x2;
	v0 =	vcvt.f32.s32 v0  }
0x7f: {  	s16 =	sand.u32 $0x380, s16;
	s15 =	sor.u32 s15, s17  }
0x80: {  	s15 =	sor.u32 s16, s15;
	[tilespmem:s14+$0x30] =	vst v0  }
0x81: {  	v0 =	vld [tilespmem:s15+$0x0];
	_ =	sdelay $0x4  }
0x82: {  	v0 =	vtrunc.f32 v0  }
0x83: {  	v0 =	vcvt.f32.s32 v0  }
0x84: {  	s31 =	sadd.s32 $0x80, s14  }
0x85: {  	[tilespmem:s31+$0xFFFFFFC0] =	vst v0  }
0x86: {  	v0 =	vld [tilespmem:s15+$0x10];
	_ =	sdelay $0x4  }
0x87: {  	v0 =	vtrunc.f32 v0  }
0x88: {  	v0 =	vcvt.f32.s32 v0;
	_ =	sdelay $0x1  }
0x89: {  	[tilespmem:s31+$0xFFFFFFD0] =	vst v0  }
0x8a: {  	v0 =	vld [tilespmem:s15+$0x20];
	_ =	sdelay $0x4  }
0x8b: {  	v0 =	vtrunc.f32 v0  }
0x8c: {  	v0 =	vcvt.f32.s32 v0;
	_ =	sdelay $0x1  }
0x8d: {  	[tilespmem:s31+$0xFFFFFFE0] =	vst v0  }
0x8e: {  	v0 =	vld [tilespmem:s15+$0x30];
	_ =	sdelay $0x4  }
0x8f: {  	v0 =	vtrunc.f32 v0  }
0x90: {  	v0 =	vcvt.f32.s32 v0;
	_ =	sdelay $0x1  }
0x91: {  	[tilespmem:s31+$0xFFFFFFF0] =	vst v0  }
0x92: {  	v0 =	vld [tilespmem:s15+$0x40];
	_ =	sdelay $0x4  }
0x93: {  	v0 =	vtrunc.f32 v0  }
0x94: {  	v0 =	vcvt.f32.s32 v0;
	_ =	sdelay $0x1  }
0x95: {  	[tilespmem:s31+$0x0] =	vst v0  }
0x96: {  	v0 =	vld [tilespmem:s15+$0x50];
	_ =	sdelay $0x4  }
0x97: {  	v0 =	vtrunc.f32 v0  }
0x98: {  	v0 =	vcvt.f32.s32 v0;
	_ =	sdelay $0x1  }
0x99: {  	[tilespmem:s31+$0x10] =	vst v0  }
0x9a: {  	v0 =	vld [tilespmem:s15+$0x60];
	_ =	sdelay $0x4  }
0x9b: {  	v0 =	vtrunc.f32 v0  }
0x9c: {  	v0 =	vcvt.f32.s32 v0;
	_ =	sdelay $0x1  }
0x9d: {  	[tilespmem:s31+$0x20] =	vst v0  }
0x9e: {  	v0 =	vld [tilespmem:s15+$0x70];
	_ =	sdelay $0x4  }
0x9f: {  	v0 =	vtrunc.f32 v0  }
0xa0: {  	v0 =	vcvt.f32.s32 v0;
	_ =	sdelay $0x1  }
0xa1: {  	[tilespmem:s31+$0x30] =	vst v0  }
0xa2: {  	s14 =	simm.s32 $0x0;
	v12 =	vld [tilespmem:$0x8400]  }
0xa3: {  	v3 =	vld [tilespmem:s14+$0x0]  }
0xa4: {  	v4 =	vld [tilespmem:s14+$0x80];
	_ =	sdelay $0x1  }
0xa5: {  	v5 =	vld [tilespmem:s14+$0x100]  }
0xa6: {  	v0 =	vbroadcast v12, $0x0;
	v1 =	vbroadcast v12, $0x1  }
0xa7: {  	v6 =	vld [tilespmem:s14+$0x180];
	v2 =	vbroadcast v12, $0x2  }
0xa8: {  	v7 =	vmul.f32 v3, v0;
	v4 =	vmul.f32 v4, v1  }
0xa9: {  	v8 =	vld [tilespmem:s14+$0x200]  }
0xaa: {  	v3 =	vbroadcast v12, $0x3;
	v5 =	vmul.f32 v5, v2;
	v7 =	vadd.f32 v4, v7  }
0xab: {  	v9 =	vld [tilespmem:s14+$0x280]  }
0xac: {  	v4 =	vbroadcast v12, $0x4;
	v6 =	vmul.f32 v6, v3;
	v7 =	vadd.f32 v5, v7  }
0xad: {  	v10 =	vld [tilespmem:s14+$0x300]  }
0xae: {  	v5 =	vbroadcast v12, $0x5;
	v8 =	vmul.f32 v8, v4;
	v7 =	vadd.f32 v6, v7  }
0xaf: {  	v11 =	vld [tilespmem:s14+$0x380]  }
0xb0: {  	v6 =	vbroadcast v12, $0x6;
	v9 =	vmul.f32 v9, v5;
	v8 =	vadd.f32 v8, v7  }
0xb1: {  	v13 =	vld [tilespmem:s14+$0x1000]  }
0xb2: {  	v7 =	vbroadcast v12, $0x7;
	v10 =	vmul.f32 v10, v6;
	v9 =	vadd.f32 v9, v8  }
0xb3: {  	v14 =	vld [tilespmem:s14+$0x1080]  }
0xb4: {  	v8 =	vbroadcast v12, $0x8;
	v11 =	vmul.f32 v11, v7;
	v10 =	vadd.f32 v10, v9  }
0xb5: {  	v15 =	vld [tilespmem:s14+$0x1100]  }
0xb6: {  	v9 =	vbroadcast v12, $0x9;
	v13 =	vmul.f32 v13, v8;
	v11 =	vadd.f32 v11, v10  }
0xb7: {  	v16 =	vld [tilespmem:s14+$0x1180]  }
0xb8: {  	v10 =	vbroadcast v12, $0xA;
	v14 =	vmul.f32 v14, v9;
	v13 =	vadd.f32 v13, v11  }
0xb9: {  	v17 =	vld [tilespmem:s14+$0x1200]  }
0xba: {  	v11 =	vbroadcast v12, $0xB;
	v13 =	vadd.f32 v14, v13;
	v14 =	vmul.f32 v15, v10;
	_ =	sdelay $0x1  }
0xbb: {  	v12 =	vbroadcast v12, $0xC;
	v13 =	vadd.f32 v14, v13;
	v14 =	vmul.f32 v16, v11;
	_ =	sdelay $0x1  }
0xbc: {  	v13 =	vadd.f32 v14, v13;
	v14 =	vmul.f32 v17, v12;
	_ =	sdelay $0x1  }
0xbd: {  	v13 =	vadd.f32 v14, v13  }
0xbe: {  	s15 =	simm.s32 $0x0  }
0xbf: {  	[tilespmem:s15+$0x8480] =	vst v13  }
0xc0: {  	v13 =	vld [tilespmem:s14+$0x10]  }
0xc1: {  	v14 =	vld [tilespmem:s14+$0x90];
	_ =	sdelay $0x1  }
0xc2: {  	v15 =	vld [tilespmem:s14+$0x110];
	_ =	sdelay $0x1  }
0xc3: {  	v16 =	vld [tilespmem:s14+$0x190]  }
0xc4: {  	v13 =	vmul.f32 v13, v0;
	v14 =	vmul.f32 v14, v1  }
0xc5: {  	v17 =	vld [tilespmem:s14+$0x210]  }
0xc6: {  	v13 =	vadd.f32 v14, v13;
	v14 =	vmul.f32 v15, v2  }
0xc7: {  	v15 =	vld [tilespmem:s14+$0x290]  }
0xc8: {  	v13 =	vadd.f32 v14, v13;
	v14 =	vmul.f32 v16, v3  }
0xc9: {  	v16 =	vld [tilespmem:s14+$0x310]  }
0xca: {  	v13 =	vadd.f32 v14, v13;
	v14 =	vmul.f32 v17, v4  }
0xcb: {  	v17 =	vld [tilespmem:s14+$0x390]  }
0xcc: {  	v13 =	vadd.f32 v14, v13;
	v14 =	vmul.f32 v15, v5  }
0xcd: {  	v15 =	vld [tilespmem:s14+$0x1010]  }
0xce: {  	v13 =	vadd.f32 v14, v13;
	v14 =	vmul.f32 v16, v6  }
0xcf: {  	v16 =	vld [tilespmem:s14+$0x1090]  }
0xd0: {  	v13 =	vadd.f32 v14, v13;
	v14 =	vmul.f32 v17, v7  }
0xd1: {  	v17 =	vld [tilespmem:s14+$0x1110]  }
0xd2: {  	v13 =	vadd.f32 v14, v13;
	v14 =	vmul.f32 v15, v8  }
0xd3: {  	v15 =	vld [tilespmem:s14+$0x1190]  }
0xd4: {  	v13 =	vadd.f32 v14, v13;
	v14 =	vmul.f32 v16, v9  }
0xd5: {  	v16 =	vld [tilespmem:s14+$0x1210]  }
0xd6: {  	v13 =	vadd.f32 v14, v13;
	v14 =	vmul.f32 v17, v10;
	_ =	sdelay $0x1  }
0xd7: {  	v13 =	vadd.f32 v14, v13;
	v14 =	vmul.f32 v15, v11;
	_ =	sdelay $0x1  }
0xd8: {  	v13 =	vadd.f32 v14, v13;
	v14 =	vmul.f32 v16, v12;
	_ =	sdelay $0x1  }
0xd9: {  	v13 =	vadd.f32 v14, v13;
	_ =	sdelay $0x1  }
0xda: {  	[tilespmem:s15+$0x8490] =	vst v13  }
0xdb: {  	v13 =	vld [tilespmem:s14+$0x20]  }
0xdc: {  	v14 =	vld [tilespmem:s14+$0xA0];
	_ =	sdelay $0x1  }
0xdd: {  	v15 =	vld [tilespmem:s14+$0x120];
	_ =	sdelay $0x1  }
0xde: {  	v16 =	vld [tilespmem:s14+$0x1A0]  }
0xdf: {  	v13 =	vmul.f32 v13, v0;
	v14 =	vmul.f32 v14, v1  }
0xe0: {  	v17 =	vld [tilespmem:s14+$0x220]  }
0xe1: {  	v13 =	vadd.f32 v14, v13;
	v14 =	vmul.f32 v15, v2  }
0xe2: {  	v15 =	vld [tilespmem:s14+$0x2A0]  }
0xe3: {  	v13 =	vadd.f32 v14, v13;
	v14 =	vmul.f32 v16, v3  }
0xe4: {  	v16 =	vld [tilespmem:s14+$0x320]  }
0xe5: {  	v13 =	vadd.f32 v14, v13;
	v14 =	vmul.f32 v17, v4  }
0xe6: {  	v17 =	vld [tilespmem:s14+$0x3A0]  }
0xe7: {  	v13 =	vadd.f32 v14, v13;
	v14 =	vmul.f32 v15, v5  }
0xe8: {  	v15 =	vld [tilespmem:s14+$0x1020]  }
0xe9: {  	v13 =	vadd.f32 v14, v13;
	v14 =	vmul.f32 v16, v6  }
0xea: {  	v16 =	vld [tilespmem:s14+$0x10A0]  }
0xeb: {  	v13 =	vadd.f32 v14, v13;
	v14 =	vmul.f32 v17, v7  }
0xec: {  	v17 =	vld [tilespmem:s14+$0x1120]  }
0xed: {  	v13 =	vadd.f32 v14, v13;
	v14 =	vmul.f32 v15, v8  }
0xee: {  	v15 =	vld [tilespmem:s14+$0x11A0]  }
0xef: {  	v13 =	vadd.f32 v14, v13;
	v14 =	vmul.f32 v16, v9  }
0xf0: {  	v16 =	vld [tilespmem:s14+$0x1220]  }
0xf1: {  	v13 =	vadd.f32 v14, v13;
	v14 =	vmul.f32 v17, v10;
	_ =	sdelay $0x1  }
0xf2: {  	v13 =	vadd.f32 v14, v13;
	v14 =	vmul.f32 v15, v11;
	_ =	sdelay $0x1  }
0xf3: {  	v13 =	vadd.f32 v14, v13;
	v14 =	vmul.f32 v16, v12;
	_ =	sdelay $0x1  }
0xf4: {  	v13 =	vadd.f32 v14, v13;
	_ =	sdelay $0x1  }
0xf5: {  	[tilespmem:s15+$0x84A0] =	vst v13  }
0xf6: {  	v13 =	vld [tilespmem:s14+$0x30]  }
0xf7: {  	v14 =	vld [tilespmem:s14+$0xB0];
	_ =	sdelay $0x1  }
0xf8: {  	v15 =	vld [tilespmem:s14+$0x130];
	_ =	sdelay $0x1  }
0xf9: {  	v16 =	vld [tilespmem:s14+$0x1B0]  }
0xfa: {  	v13 =	vmul.f32 v13, v0;
	v14 =	vmul.f32 v14, v1  }
0xfb: {  	v17 =	vld [tilespmem:s14+$0x230]  }
0xfc: {  	v13 =	vadd.f32 v14, v13;
	v14 =	vmul.f32 v15, v2  }
0xfd: {  	v15 =	vld [tilespmem:s14+$0x2B0]  }
0xfe: {  	v13 =	vadd.f32 v14, v13;
	v14 =	vmul.f32 v16, v3  }
0xff: {  	v16 =	vld [tilespmem:s14+$0x330]  }
0x100: {  	v13 =	vadd.f32 v14, v13;
	v14 =	vmul.f32 v17, v4  }
0x101: {  	v17 =	vld [tilespmem:s14+$0x3B0]  }
0x102: {  	v13 =	vadd.f32 v14, v13;
	v14 =	vmul.f32 v15, v5  }
0x103: {  	v15 =	vld [tilespmem:s14+$0x1030]  }
0x104: {  	v13 =	vadd.f32 v14, v13;
	v14 =	vmul.f32 v16, v6  }
0x105: {  	v16 =	vld [tilespmem:s14+$0x10B0]  }
0x106: {  	v13 =	vadd.f32 v14, v13;
	v14 =	vmul.f32 v17, v7  }
0x107: {  	v17 =	vld [tilespmem:s14+$0x1130]  }
0x108: {  	v13 =	vadd.f32 v14, v13;
	v14 =	vmul.f32 v15, v8  }
0x109: {  	v15 =	vld [tilespmem:s14+$0x11B0]  }
0x10a: {  	v13 =	vadd.f32 v14, v13;
	v14 =	vmul.f32 v16, v9  }
0x10b: {  	v16 =	vld [tilespmem:s14+$0x1230]  }
0x10c: {  	v13 =	vadd.f32 v14, v13;
	v14 =	vmul.f32 v17, v10;
	_ =	sdelay $0x1  }
0x10d: {  	v13 =	vadd.f32 v14, v13;
	v14 =	vmul.f32 v15, v11;
	_ =	sdelay $0x1  }
0x10e: {  	v13 =	vadd.f32 v14, v13;
	v14 =	vmul.f32 v16, v12;
	_ =	sdelay $0x1  }
0x10f: {  	v13 =	vadd.f32 v14, v13;
	_ =	sdelay $0x1  }
0x110: {  	[tilespmem:s15+$0x84B0] =	vst v13  }
0x111: {  	v13 =	vld [tilespmem:s14+$0x40]  }
0x112: {  	v14 =	vld [tilespmem:s14+$0xC0];
	_ =	sdelay $0x1  }
0x113: {  	v15 =	vld [tilespmem:s14+$0x140];
	_ =	sdelay $0x1  }
0x114: {  	v16 =	vld [tilespmem:s14+$0x1C0]  }
0x115: {  	v13 =	vmul.f32 v13, v0;
	v14 =	vmul.f32 v14, v1  }
0x116: {  	v17 =	vld [tilespmem:s14+$0x240]  }
0x117: {  	v13 =	vadd.f32 v14, v13;
	v14 =	vmul.f32 v15, v2  }
0x118: {  	v15 =	vld [tilespmem:s14+$0x2C0]  }
0x119: {  	v13 =	vadd.f32 v14, v13;
	v14 =	vmul.f32 v16, v3  }
0x11a: {  	v16 =	vld [tilespmem:s14+$0x340]  }
0x11b: {  	v13 =	vadd.f32 v14, v13;
	v14 =	vmul.f32 v17, v4  }
0x11c: {  	v17 =	vld [tilespmem:s14+$0x3C0]  }
0x11d: {  	v13 =	vadd.f32 v14, v13;
	v14 =	vmul.f32 v15, v5  }
0x11e: {  	v15 =	vld [tilespmem:s14+$0x1040]  }
0x11f: {  	v13 =	vadd.f32 v14, v13;
	v14 =	vmul.f32 v16, v6  }
0x120: {  	v16 =	vld [tilespmem:s14+$0x10C0]  }
0x121: {  	v13 =	vadd.f32 v14, v13;
	v14 =	vmul.f32 v17, v7  }
0x122: {  	v17 =	vld [tilespmem:s14+$0x1140]  }
0x123: {  	v13 =	vadd.f32 v14, v13;
	v14 =	vmul.f32 v15, v8  }
0x124: {  	v15 =	vld [tilespmem:s14+$0x11C0]  }
0x125: {  	v13 =	vadd.f32 v14, v13;
	v14 =	vmul.f32 v16, v9  }
0x126: {  	v16 =	vld [tilespmem:s14+$0x1240]  }
0x127: {  	v13 =	vadd.f32 v14, v13;
	v14 =	vmul.f32 v17, v10;
	_ =	sdelay $0x1  }
0x128: {  	v13 =	vadd.f32 v14, v13;
	v14 =	vmul.f32 v15, v11;
	_ =	sdelay $0x1  }
0x129: {  	v13 =	vadd.f32 v14, v13;
	v14 =	vmul.f32 v16, v12;
	_ =	sdelay $0x1  }
0x12a: {  	v13 =	vadd.f32 v14, v13;
	_ =	sdelay $0x1  }
0x12b: {  	[tilespmem:s15+$0x84C0] =	vst v13  }
0x12c: {  	v13 =	vld [tilespmem:s14+$0xD0]  }
0x12d: {  	v14 =	vld [tilespmem:s14+$0x50];
	_ =	sdelay $0x1  }
0x12e: {  	v15 =	vld [tilespmem:s14+$0x150];
	_ =	sdelay $0x1  }
0x12f: {  	v16 =	vld [tilespmem:s14+$0x1D0]  }
0x130: {  	v13 =	vmul.f32 v13, v1;
	v14 =	vmul.f32 v14, v0  }
0x131: {  	v17 =	vld [tilespmem:s14+$0x250]  }
0x132: {  	v13 =	vadd.f32 v13, v14;
	v14 =	vmul.f32 v15, v2  }
0x133: {  	v15 =	vld [tilespmem:s14+$0x2D0]  }
0x134: {  	v13 =	vadd.f32 v14, v13;
	v14 =	vmul.f32 v16, v3  }
0x135: {  	v16 =	vld [tilespmem:s14+$0x350]  }
0x136: {  	v13 =	vadd.f32 v14, v13;
	v14 =	vmul.f32 v17, v4  }
0x137: {  	v17 =	vld [tilespmem:s14+$0x3D0]  }
0x138: {  	v13 =	vadd.f32 v14, v13;
	v14 =	vmul.f32 v15, v5  }
0x139: {  	v15 =	vld [tilespmem:s14+$0x1050]  }
0x13a: {  	v13 =	vadd.f32 v14, v13;
	v14 =	vmul.f32 v16, v6  }
0x13b: {  	v16 =	vld [tilespmem:s14+$0x10D0]  }
0x13c: {  	v13 =	vadd.f32 v14, v13;
	v14 =	vmul.f32 v17, v7  }
0x13d: {  	v17 =	vld [tilespmem:s14+$0x1150]  }
0x13e: {  	v13 =	vadd.f32 v14, v13;
	v14 =	vmul.f32 v15, v8  }
0x13f: {  	v15 =	vld [tilespmem:s14+$0x11D0]  }
0x140: {  	v13 =	vadd.f32 v14, v13;
	v14 =	vmul.f32 v16, v9  }
0x141: {  	v16 =	vld [tilespmem:s14+$0x1250]  }
0x142: {  	v13 =	vadd.f32 v14, v13;
	v14 =	vmul.f32 v17, v10;
	_ =	sdelay $0x1  }
0x143: {  	v13 =	vadd.f32 v14, v13;
	v14 =	vmul.f32 v15, v11;
	_ =	sdelay $0x1  }
0x144: {  	v13 =	vadd.f32 v14, v13;
	v14 =	vmul.f32 v16, v12;
	_ =	sdelay $0x1  }
0x145: {  	v13 =	vadd.f32 v14, v13;
	_ =	sdelay $0x1  }
0x146: {  	[tilespmem:s15+$0x84D0] =	vst v13  }
0x147: {  	v13 =	vld [tilespmem:s14+$0x60]  }
0x148: {  	v14 =	vld [tilespmem:s14+$0xE0];
	_ =	sdelay $0x1  }
0x149: {  	v15 =	vld [tilespmem:s14+$0x160];
	_ =	sdelay $0x1  }
0x14a: {  	v16 =	vld [tilespmem:s14+$0x1E0]  }
0x14b: {  	v13 =	vmul.f32 v13, v0;
	v14 =	vmul.f32 v14, v1  }
0x14c: {  	v17 =	vld [tilespmem:s14+$0x260]  }
0x14d: {  	v13 =	vadd.f32 v14, v13;
	v14 =	vmul.f32 v15, v2  }
0x14e: {  	v15 =	vld [tilespmem:s14+$0x2E0]  }
0x14f: {  	v13 =	vadd.f32 v14, v13;
	v14 =	vmul.f32 v16, v3  }
0x150: {  	v16 =	vld [tilespmem:s14+$0x360]  }
0x151: {  	v13 =	vadd.f32 v14, v13;
	v14 =	vmul.f32 v17, v4  }
0x152: {  	v17 =	vld [tilespmem:s14+$0x3E0]  }
0x153: {  	v13 =	vadd.f32 v14, v13;
	v14 =	vmul.f32 v15, v5  }
0x154: {  	v15 =	vld [tilespmem:s14+$0x1060]  }
0x155: {  	v13 =	vadd.f32 v14, v13;
	v14 =	vmul.f32 v16, v6  }
0x156: {  	v16 =	vld [tilespmem:s14+$0x10E0]  }
0x157: {  	v13 =	vadd.f32 v14, v13;
	v14 =	vmul.f32 v17, v7  }
0x158: {  	v17 =	vld [tilespmem:s14+$0x1160]  }
0x159: {  	v13 =	vadd.f32 v14, v13;
	v14 =	vmul.f32 v15, v8  }
0x15a: {  	v15 =	vld [tilespmem:s14+$0x11E0]  }
0x15b: {  	v13 =	vadd.f32 v14, v13;
	v14 =	vmul.f32 v16, v9  }
0x15c: {  	v16 =	vld [tilespmem:s14+$0x1260]  }
0x15d: {  	v13 =	vadd.f32 v14, v13;
	v14 =	vmul.f32 v17, v10;
	_ =	sdelay $0x1  }
0x15e: {  	v13 =	vadd.f32 v14, v13;
	v14 =	vmul.f32 v15, v11;
	_ =	sdelay $0x1  }
0x15f: {  	v13 =	vadd.f32 v14, v13;
	v14 =	vmul.f32 v16, v12;
	_ =	sdelay $0x1  }
0x160: {  	v13 =	vadd.f32 v14, v13;
	_ =	sdelay $0x1  }
0x161: {  	[tilespmem:s15+$0x84E0] =	vst v13  }
0x162: {  	v13 =	vld [tilespmem:s14+$0x70]  }
0x163: {  	v14 =	vld [tilespmem:s14+$0xF0]  }
0x164: {  	v19 =	vld [tilespmem:s14+$0x170]  }
0x165: {  	v22 =	vld [tilespmem:s14+$0x1F0]  }
0x166: {  	v18 =	vld [tilespmem:s14+$0x270]  }
0x167: {  	v17 =	vld [tilespmem:s14+$0x2F0]  }
0x168: {  	v15 =	vld [tilespmem:s14+$0x370]  }
0x169: {  	v16 =	vld [tilespmem:s14+$0x3F0];
	v21 =	vmul.f32 v13, v0;
	v14 =	vmul.f32 v14, v1  }
0x16a: {  	v13 =	vld [tilespmem:s14+$0x1070]  }
0x16b: {  	s17 =	simm.s32 $0x0;
	s16 =	simm.s32 $0x200;
	v20 =	vmul.f32 v19, v2;
	v19 =	vmul.f32 v22, v3;
	v21 =	vadd.f32 v14, v21;
	v14 =	vld [tilespmem:s14+$0x10F0]  }
.LBB2_8:
0x16c: {  	p0 =	sne.s32 s16, $0x600  }
0x16d: {  	v20 =	vadd.f32 v20, v21;
	v21 =	vld [tilespmem:s14+$0x1170];
	s17 =	sadd.s32 $0x400, s17;
	s18 =	smov.u32 s16;
	s16 =	sadd.s32 $0x200, s16  }
0x16e: {  	v18 =	vmul.f32 v18, v4;
	v22 =	vld [tilespmem:s14+$0x11F0]  }
0x16f: {  	v19 =	vadd.f32 v19, v20;
	v20 =	vld [tilespmem:s14+$0x1270];
	s14 =	smov.u32 s17  }
0x170: {  	v17 =	vmul.f32 v17, v5  }
0x171: {  	v18 =	vadd.f32 v18, v19  }
0x172: {  	v15 =	vmul.f32 v15, v6  }
0x173: {  	v17 =	vadd.f32 v17, v18  }
0x174: {  	v16 =	vmul.f32 v16, v7  }
0x175: {  	v15 =	vadd.f32 v15, v17  }
0x176: {  	v13 =	vmul.f32 v13, v8  }
0x177: {  	v15 =	vadd.f32 v16, v15  }
0x178: {  	v14 =	vmul.f32 v14, v9  }
0x179: {  	v13 =	vadd.f32 v13, v15  }
0x17a: {  	v15 =	vmul.f32 v21, v10  }
0x17b: {  	v13 =	vadd.f32 v14, v13  }
0x17c: {  	v14 =	vmul.f32 v22, v11  }
0x17d: {  	v13 =	vadd.f32 v15, v13  }
0x17e: {  	v15 =	vmul.f32 v20, v12  }
0x17f: {  	v13 =	vadd.f32 v14, v13;
	_ =	sdelay $0x1  }
0x180: {  	v13 =	vadd.f32 v15, v13;
	_ =	sdelay $0x1  }
0x181: {  	[tilespmem:s15+$0x84F0] =	vst v13  }
0x182: {  	v13 =	vld [tilespmem:s17+$0x0]  }
0x183: {  	v14 =	vld [tilespmem:s17+$0x80]  }
0x184: {  	v15 =	vld [tilespmem:s17+$0x100]  }
0x185: {  	v16 =	vld [tilespmem:s17+$0x180];
	_ =	sdelay $0x1  }
0x186: {  	v13 =	vmul.f32 v13, v0  }
0x187: {  	v14 =	vmul.f32 v14, v1  }
0x188: {  	v17 =	vld [tilespmem:s17+$0x200]  }
0x189: {  	v13 =	vadd.f32 v14, v13;
	v14 =	vmul.f32 v15, v2;
	v15 =	vmul.f32 v16, v3  }
0x18a: {  	v16 =	vld [tilespmem:s17+$0x280]  }
0x18b: {  	v13 =	vadd.f32 v14, v13  }
0x18c: {  	v14 =	vld [tilespmem:s17+$0x300]  }
0x18d: {  	v13 =	vadd.f32 v15, v13;
	v15 =	vmul.f32 v17, v4  }
0x18e: {  	v17 =	vld [tilespmem:s17+$0x380]  }
0x18f: {  	v13 =	vadd.f32 v15, v13;
	v15 =	vmul.f32 v16, v5  }
0x190: {  	v16 =	vld [tilespmem:s17+$0x1000]  }
0x191: {  	v13 =	vadd.f32 v15, v13;
	v14 =	vmul.f32 v14, v6  }
0x192: {  	v15 =	vld [tilespmem:s17+$0x1080]  }
0x193: {  	v13 =	vadd.f32 v14, v13;
	v14 =	vmul.f32 v17, v7  }
0x194: {  	v17 =	vld [tilespmem:s17+$0x1100]  }
0x195: {  	v13 =	vadd.f32 v14, v13;
	v14 =	vmul.f32 v16, v8  }
0x196: {  	v16 =	vld [tilespmem:s17+$0x1180]  }
0x197: {  	v13 =	vadd.f32 v14, v13;
	v14 =	vmul.f32 v15, v9  }
0x198: {  	v15 =	vld [tilespmem:s17+$0x1200]  }
0x199: {  	v13 =	vadd.f32 v14, v13;
	v14 =	vmul.f32 v17, v10;
	_ =	sdelay $0x1  }
0x19a: {  	v13 =	vadd.f32 v14, v13;
	v14 =	vmul.f32 v16, v11;
	_ =	sdelay $0x1  }
0x19b: {  	v13 =	vadd.f32 v14, v13;
	v14 =	vmul.f32 v15, v12;
	_ =	sdelay $0x1  }
0x19c: {  	v13 =	vadd.f32 v14, v13  }
0x19d: {  	s15 =	sshra.s32 s18, $0x2  }
0x19e: {  	[tilespmem:s15+$0x8480] =	vst v13  }
0x19f: {  	v13 =	vld [tilespmem:s17+$0x10]  }
0x1a0: {  	v14 =	vld [tilespmem:s17+$0x90];
	_ =	sdelay $0x1  }
0x1a1: {  	v15 =	vld [tilespmem:s17+$0x110];
	_ =	sdelay $0x1  }
0x1a2: {  	v13 =	vmul.f32 v13, v0;
	v16 =	vld [tilespmem:s17+$0x190]  }
0x1a3: {  	v14 =	vmul.f32 v14, v1  }
0x1a4: {  	v17 =	vld [tilespmem:s17+$0x210]  }
0x1a5: {  	v13 =	vadd.f32 v14, v13;
	v14 =	vmul.f32 v15, v2  }
0x1a6: {  	v15 =	vld [tilespmem:s17+$0x290]  }
0x1a7: {  	v13 =	vadd.f32 v14, v13;
	v14 =	vmul.f32 v16, v3  }
0x1a8: {  	v16 =	vld [tilespmem:s17+$0x310]  }
0x1a9: {  	v13 =	vadd.f32 v14, v13;
	v14 =	vmul.f32 v17, v4  }
0x1aa: {  	v17 =	vld [tilespmem:s17+$0x390]  }
0x1ab: {  	v13 =	vadd.f32 v14, v13;
	v14 =	vmul.f32 v15, v5  }
0x1ac: {  	v15 =	vld [tilespmem:s17+$0x1010]  }
0x1ad: {  	v13 =	vadd.f32 v14, v13;
	v14 =	vmul.f32 v16, v6  }
0x1ae: {  	v16 =	vld [tilespmem:s17+$0x1090]  }
0x1af: {  	v13 =	vadd.f32 v14, v13;
	v14 =	vmul.f32 v17, v7  }
0x1b0: {  	v17 =	vld [tilespmem:s17+$0x1110]  }
0x1b1: {  	v13 =	vadd.f32 v14, v13;
	v14 =	vmul.f32 v15, v8  }
0x1b2: {  	v15 =	vld [tilespmem:s17+$0x1190]  }
0x1b3: {  	v13 =	vadd.f32 v14, v13;
	v14 =	vmul.f32 v16, v9  }
0x1b4: {  	v16 =	vld [tilespmem:s17+$0x1210]  }
0x1b5: {  	v13 =	vadd.f32 v14, v13;
	v14 =	vmul.f32 v17, v10;
	_ =	sdelay $0x1  }
0x1b6: {  	v13 =	vadd.f32 v14, v13;
	v14 =	vmul.f32 v15, v11;
	_ =	sdelay $0x1  }
0x1b7: {  	v13 =	vadd.f32 v14, v13;
	v14 =	vmul.f32 v16, v12;
	_ =	sdelay $0x1  }
0x1b8: {  	v13 =	vadd.f32 v14, v13;
	_ =	sdelay $0x1  }
0x1b9: {  	[tilespmem:s15+$0x8490] =	vst v13  }
0x1ba: {  	v13 =	vld [tilespmem:s17+$0x20]  }
0x1bb: {  	v14 =	vld [tilespmem:s17+$0xA0];
	_ =	sdelay $0x1  }
0x1bc: {  	v15 =	vld [tilespmem:s17+$0x120];
	_ =	sdelay $0x1  }
0x1bd: {  	v13 =	vmul.f32 v13, v0;
	v16 =	vld [tilespmem:s17+$0x1A0]  }
0x1be: {  	v14 =	vmul.f32 v14, v1  }
0x1bf: {  	v17 =	vld [tilespmem:s17+$0x220]  }
0x1c0: {  	v13 =	vadd.f32 v14, v13;
	v14 =	vmul.f32 v15, v2  }
0x1c1: {  	v15 =	vld [tilespmem:s17+$0x2A0]  }
0x1c2: {  	v13 =	vadd.f32 v14, v13;
	v14 =	vmul.f32 v16, v3  }
0x1c3: {  	v16 =	vld [tilespmem:s17+$0x320]  }
0x1c4: {  	v13 =	vadd.f32 v14, v13;
	v14 =	vmul.f32 v17, v4  }
0x1c5: {  	v17 =	vld [tilespmem:s17+$0x3A0]  }
0x1c6: {  	v13 =	vadd.f32 v14, v13;
	v14 =	vmul.f32 v15, v5  }
0x1c7: {  	v15 =	vld [tilespmem:s17+$0x1020]  }
0x1c8: {  	v13 =	vadd.f32 v14, v13;
	v14 =	vmul.f32 v16, v6  }
0x1c9: {  	v16 =	vld [tilespmem:s17+$0x10A0]  }
0x1ca: {  	v13 =	vadd.f32 v14, v13;
	v14 =	vmul.f32 v17, v7  }
0x1cb: {  	v17 =	vld [tilespmem:s17+$0x1120]  }
0x1cc: {  	v13 =	vadd.f32 v14, v13;
	v14 =	vmul.f32 v15, v8  }
0x1cd: {  	v15 =	vld [tilespmem:s17+$0x11A0]  }
0x1ce: {  	v13 =	vadd.f32 v14, v13;
	v14 =	vmul.f32 v16, v9  }
0x1cf: {  	v16 =	vld [tilespmem:s17+$0x1220]  }
0x1d0: {  	v13 =	vadd.f32 v14, v13;
	v14 =	vmul.f32 v17, v10;
	_ =	sdelay $0x1  }
0x1d1: {  	v13 =	vadd.f32 v14, v13;
	v14 =	vmul.f32 v15, v11;
	_ =	sdelay $0x1  }
0x1d2: {  	v13 =	vadd.f32 v14, v13;
	v14 =	vmul.f32 v16, v12;
	_ =	sdelay $0x1  }
0x1d3: {  	v13 =	vadd.f32 v14, v13;
	_ =	sdelay $0x1  }
0x1d4: {  	[tilespmem:s15+$0x84A0] =	vst v13  }
0x1d5: {  	v13 =	vld [tilespmem:s17+$0x30]  }
0x1d6: {  	v14 =	vld [tilespmem:s17+$0xB0];
	_ =	sdelay $0x1  }
0x1d7: {  	v15 =	vld [tilespmem:s17+$0x130];
	_ =	sdelay $0x1  }
0x1d8: {  	v13 =	vmul.f32 v13, v0;
	v16 =	vld [tilespmem:s17+$0x1B0]  }
0x1d9: {  	v14 =	vmul.f32 v14, v1  }
0x1da: {  	v17 =	vld [tilespmem:s17+$0x230]  }
0x1db: {  	v13 =	vadd.f32 v14, v13;
	v14 =	vmul.f32 v15, v2  }
0x1dc: {  	v15 =	vld [tilespmem:s17+$0x2B0]  }
0x1dd: {  	v13 =	vadd.f32 v14, v13;
	v14 =	vmul.f32 v16, v3  }
0x1de: {  	v16 =	vld [tilespmem:s17+$0x330]  }
0x1df: {  	v13 =	vadd.f32 v14, v13;
	v14 =	vmul.f32 v17, v4  }
0x1e0: {  	v17 =	vld [tilespmem:s17+$0x3B0]  }
0x1e1: {  	v13 =	vadd.f32 v14, v13;
	v14 =	vmul.f32 v15, v5  }
0x1e2: {  	v15 =	vld [tilespmem:s17+$0x1030]  }
0x1e3: {  	v13 =	vadd.f32 v14, v13;
	v14 =	vmul.f32 v16, v6  }
0x1e4: {  	v16 =	vld [tilespmem:s17+$0x10B0]  }
0x1e5: {  	v13 =	vadd.f32 v14, v13;
	v14 =	vmul.f32 v17, v7  }
0x1e6: {  	v17 =	vld [tilespmem:s17+$0x1130]  }
0x1e7: {  	v13 =	vadd.f32 v14, v13;
	v14 =	vmul.f32 v15, v8  }
0x1e8: {  	v15 =	vld [tilespmem:s17+$0x11B0]  }
0x1e9: {  	v13 =	vadd.f32 v14, v13;
	v14 =	vmul.f32 v16, v9  }
0x1ea: {  	v16 =	vld [tilespmem:s17+$0x1230]  }
0x1eb: {  	v13 =	vadd.f32 v14, v13;
	v14 =	vmul.f32 v17, v10;
	_ =	sdelay $0x1  }
0x1ec: {  	v13 =	vadd.f32 v14, v13;
	v14 =	vmul.f32 v15, v11;
	_ =	sdelay $0x1  }
0x1ed: {  	v13 =	vadd.f32 v14, v13;
	v14 =	vmul.f32 v16, v12;
	_ =	sdelay $0x1  }
0x1ee: {  	v13 =	vadd.f32 v14, v13;
	_ =	sdelay $0x1  }
0x1ef: {  	[tilespmem:s15+$0x84B0] =	vst v13  }
0x1f0: {  	v13 =	vld [tilespmem:s17+$0x40]  }
0x1f1: {  	v14 =	vld [tilespmem:s17+$0xC0];
	_ =	sdelay $0x1  }
0x1f2: {  	v15 =	vld [tilespmem:s17+$0x140];
	_ =	sdelay $0x1  }
0x1f3: {  	v13 =	vmul.f32 v13, v0;
	v16 =	vld [tilespmem:s17+$0x1C0]  }
0x1f4: {  	v14 =	vmul.f32 v14, v1  }
0x1f5: {  	v17 =	vld [tilespmem:s17+$0x240]  }
0x1f6: {  	v13 =	vadd.f32 v14, v13;
	v14 =	vmul.f32 v15, v2  }
0x1f7: {  	v15 =	vld [tilespmem:s17+$0x2C0]  }
0x1f8: {  	v13 =	vadd.f32 v14, v13;
	v14 =	vmul.f32 v16, v3  }
0x1f9: {  	v16 =	vld [tilespmem:s17+$0x340]  }
0x1fa: {  	v13 =	vadd.f32 v14, v13;
	v14 =	vmul.f32 v17, v4  }
0x1fb: {  	v17 =	vld [tilespmem:s17+$0x3C0]  }
0x1fc: {  	v13 =	vadd.f32 v14, v13;
	v14 =	vmul.f32 v15, v5  }
0x1fd: {  	v15 =	vld [tilespmem:s17+$0x1040]  }
0x1fe: {  	v13 =	vadd.f32 v14, v13;
	v14 =	vmul.f32 v16, v6  }
0x1ff: {  	v16 =	vld [tilespmem:s17+$0x10C0]  }
0x200: {  	v13 =	vadd.f32 v14, v13;
	v14 =	vmul.f32 v17, v7  }
0x201: {  	v17 =	vld [tilespmem:s17+$0x1140]  }
0x202: {  	v13 =	vadd.f32 v14, v13;
	v14 =	vmul.f32 v15, v8  }
0x203: {  	v15 =	vld [tilespmem:s17+$0x11C0]  }
0x204: {  	v13 =	vadd.f32 v14, v13;
	v14 =	vmul.f32 v16, v9  }
0x205: {  	v16 =	vld [tilespmem:s17+$0x1240]  }
0x206: {  	v13 =	vadd.f32 v14, v13;
	v14 =	vmul.f32 v17, v10;
	_ =	sdelay $0x1  }
0x207: {  	v13 =	vadd.f32 v14, v13;
	v14 =	vmul.f32 v15, v11;
	_ =	sdelay $0x1  }
0x208: {  	v13 =	vadd.f32 v14, v13;
	v14 =	vmul.f32 v16, v12;
	_ =	sdelay $0x1  }
0x209: {  	v13 =	vadd.f32 v14, v13;
	_ =	sdelay $0x1  }
0x20a: {  	[tilespmem:s15+$0x84C0] =	vst v13  }
0x20b: {  	v13 =	vld [tilespmem:s17+$0xD0]  }
0x20c: {  	v14 =	vld [tilespmem:s17+$0x50]  }
0x20d: {  	v15 =	vld [tilespmem:s17+$0x150]  }
0x20e: {  	v16 =	vld [tilespmem:s17+$0x1D0]  }
0x20f: {  	v17 =	vld [tilespmem:s17+$0x250]  }
0x210: {  	v13 =	vmul.f32 v13, v1;
	v18 =	vld [tilespmem:s17+$0x2D0]  }
0x211: {  	v14 =	vmul.f32 v14, v0;
	v19 =	vld [tilespmem:s17+$0x350]  }
0x212: {  	v20 =	vld [tilespmem:s17+$0x3D0]  }
0x213: {  	v13 =	vadd.f32 v13, v14;
	v14 =	vmul.f32 v15, v2;
	v15 =	vld [tilespmem:s17+$0x1050]  }
0x214: {  	v21 =	vld [tilespmem:s17+$0x10D0]  }
0x215: {  	v13 =	vadd.f32 v14, v13;
	v14 =	vmul.f32 v16, v3;
	v16 =	vld [tilespmem:s17+$0x1150]  }
0x216: {  	v22 =	vld [tilespmem:s17+$0x11D0]  }
0x217: {  	v13 =	vadd.f32 v14, v13;
	v14 =	vmul.f32 v17, v4;
	v17 =	vld [tilespmem:s17+$0x1250];
	_ =	sdelay $0x1  }
0x218: {  	v13 =	vadd.f32 v14, v13;
	v14 =	vmul.f32 v18, v5;
	_ =	sdelay $0x1  }
0x219: {  	v13 =	vadd.f32 v14, v13;
	v14 =	vmul.f32 v19, v6;
	_ =	sdelay $0x1  }
0x21a: {  	v13 =	vadd.f32 v14, v13;
	v14 =	vmul.f32 v20, v7;
	_ =	sdelay $0x1  }
0x21b: {  	v13 =	vadd.f32 v14, v13;
	v14 =	vmul.f32 v15, v8;
	_ =	sdelay $0x1  }
0x21c: {  	v13 =	vadd.f32 v14, v13;
	v14 =	vmul.f32 v21, v9;
	_ =	sdelay $0x1  }
0x21d: {  	v13 =	vadd.f32 v14, v13;
	v14 =	vmul.f32 v16, v10;
	_ =	sdelay $0x1  }
0x21e: {  	v13 =	vadd.f32 v14, v13;
	v14 =	vmul.f32 v22, v11;
	_ =	sdelay $0x1  }
0x21f: {  	v13 =	vadd.f32 v14, v13;
	v14 =	vmul.f32 v17, v12;
	_ =	sdelay $0x1  }
0x220: {  	v13 =	vadd.f32 v14, v13;
	_ =	sdelay $0x1  }
0x221: {  	[tilespmem:s15+$0x84D0] =	vst v13  }
0x222: {  	v13 =	vld [tilespmem:s17+$0x60]  }
0x223: {  	v14 =	vld [tilespmem:s17+$0xE0]  }
0x224: {  	v15 =	vld [tilespmem:s17+$0x160]  }
0x225: {  	v16 =	vld [tilespmem:s17+$0x1E0]  }
0x226: {  	v17 =	vld [tilespmem:s17+$0x260]  }
0x227: {  	v13 =	vmul.f32 v13, v0;
	v18 =	vld [tilespmem:s17+$0x2E0]  }
0x228: {  	v14 =	vmul.f32 v14, v1;
	v19 =	vld [tilespmem:s17+$0x360]  }
0x229: {  	v20 =	vld [tilespmem:s17+$0x3E0]  }
0x22a: {  	v13 =	vadd.f32 v14, v13;
	v14 =	vmul.f32 v15, v2;
	v15 =	vld [tilespmem:s17+$0x1060]  }
0x22b: {  	v21 =	vld [tilespmem:s17+$0x10E0]  }
0x22c: {  	v13 =	vadd.f32 v14, v13;
	v14 =	vmul.f32 v16, v3;
	v16 =	vld [tilespmem:s17+$0x1160]  }
0x22d: {  	v22 =	vld [tilespmem:s17+$0x11E0]  }
0x22e: {  	v13 =	vadd.f32 v14, v13;
	v14 =	vmul.f32 v17, v4;
	v17 =	vld [tilespmem:s17+$0x1260];
	_ =	sdelay $0x1  }
0x22f: {  	v13 =	vadd.f32 v14, v13;
	v14 =	vmul.f32 v18, v5;
	_ =	sdelay $0x1  }
0x230: {  	v13 =	vadd.f32 v14, v13;
	v14 =	vmul.f32 v19, v6;
	_ =	sdelay $0x1  }
0x231: {  	v13 =	vadd.f32 v14, v13;
	v14 =	vmul.f32 v20, v7;
	_ =	sdelay $0x1  }
0x232: {  	v13 =	vadd.f32 v14, v13;
	v14 =	vmul.f32 v15, v8;
	_ =	sdelay $0x1  }
0x233: {  	v13 =	vadd.f32 v14, v13;
	v14 =	vmul.f32 v21, v9;
	_ =	sdelay $0x1  }
0x234: {  	v13 =	vadd.f32 v14, v13;
	v14 =	vmul.f32 v16, v10;
	_ =	sdelay $0x1  }
0x235: {  	v13 =	vadd.f32 v14, v13;
	v14 =	vmul.f32 v22, v11;
	_ =	sdelay $0x1  }
0x236: {  	v13 =	vadd.f32 v14, v13;
	v14 =	vmul.f32 v17, v12;
	_ =	sdelay $0x1  }
0x237: {  	v13 =	vadd.f32 v14, v13;
	_ =	sdelay $0x1  }
0x238: {  	[tilespmem:s15+$0x84E0] =	vst v13  }
0x239: {  	v13 =	vld [tilespmem:s17+$0x70]  }
0x23a: {  	v14 =	vld [tilespmem:s17+$0xF0]  }
0x23b: {  	v16 =	vld [tilespmem:s17+$0x170]  }
0x23c: {  	v19 =	vld [tilespmem:s17+$0x1F0]  }
0x23d: {  	v18 =	vld [tilespmem:s17+$0x270]  }
.Ltmp3:
0x23e: {  	v13 =	vmul.f32 v13, v0;
	v17 =	vld [tilespmem:s17+$0x2F0];
	(pc) =	sbr.rel @p0 .LBB2_8-.Ltmp3, $4  }
0x23f: {  	v14 =	vmul.f32 v14, v1;
	v15 =	vld [tilespmem:s17+$0x370]  }
0x240: {  	v20 =	vmul.f32 v16, v2;
	v16 =	vld [tilespmem:s17+$0x3F0]  }
0x241: {  	v21 =	vadd.f32 v14, v13;
	v13 =	vld [tilespmem:s17+$0x1070]  }
0x242: {  	v19 =	vmul.f32 v19, v3;
	v14 =	vld [tilespmem:s17+$0x10F0]  }
0x243: {  	v0 =	vadd.f32 v20, v21;
	_ =	sdelay $0x1  }
0x244: {  	v1 =	vmul.f32 v18, v4;
	v0 =	vadd.f32 v19, v0;
	_ =	sdelay $0x1  }
0x245: {  	v2 =	vmul.f32 v17, v5;
	v0 =	vadd.f32 v1, v0;
	_ =	sdelay $0x1  }
0x246: {  	v57 =	vmul.f32 v15, v6;
	v0 =	vadd.f32 v2, v0;
	_ =	sdelay $0x1  }
0x247: {  	v58 =	vmul.f32 v16, v7;
	v0 =	vadd.f32 v57, v0  }
0x248: {  	v59 =	vld [tilespmem:s14+$0x1170]  }
0x249: {  	v3 =	vmul.f32 v13, v8;
	v0 =	vadd.f32 v58, v0  }
0x24a: {  	v60 =	vld [tilespmem:s14+$0x11F0]  }
0x24b: {  	v61 =	vmul.f32 v14, v9;
	v0 =	vadd.f32 v3, v0  }
0x24c: {  	v62 =	vld [tilespmem:s14+$0x1270]  }
0x24d: {  	v1 =	vmul.f32 v59, v10;
	v0 =	vadd.f32 v61, v0;
	_ =	sdelay $0x1  }
0x24e: {  	v2 =	vmul.f32 v60, v11;
	v0 =	vadd.f32 v1, v0;
	_ =	sdelay $0x1  }
0x24f: {  	v63 =	vmul.f32 v62, v12;
	v0 =	vadd.f32 v2, v0;
	_ =	sdelay $0x1  }
0x250: {  	v0 =	vadd.f32 v63, v0;
	_ =	sdelay $0x1  }
0x251: {  	[tilespmem:s15+$0x84F0] =	vst v0  }
0x252: {  	[hbm4b:s4+s3] =	stream.linear.scatter [tilespmem:s11], [sflag:$0x2], $0x3400, $0x38;
	[tilespmem:$0x8680] =	vst v63  }
0x253: {  	s13 =	sadd.s32 $0x1, s13;
	_ =	swait.ge [sflag:s9], $0x3400  }
0x254: {  	p0 =	sne.s32 s13, s6;
	[sflag:s9] =	ssyncset.done $0x0  }
.Ltmp4:
0x255: {  	[sflag:s9] =	ssyncadd.s32 $0xFFFFCC00;
	(pc) =	sbr.rel @p0 .LBB2_1-.Ltmp4, $4  }
0x256: {  	[hbm4b:s5+s3] =	stream.linear.scatter [tilespmem:s12], [sflag:$0x2], $0x200, $0x38;
	[tilespmem:$0x8680] =	vst v63  }
0x257: {  	_ =	swait.ge [sflag:s9], $0x200  }
0x258: {  	[sflag:s9] =	ssyncset.done $0x0  }
0x259: {  	[sflag:s9] =	ssyncadd.s32 $0xFFFFFE00  }
0x25a: {  	_ =	sfence.sel $0x180000  }
0x25b: {  	[bflag:$0x0] =	sbarrier.arrive $0xFFFF  }
0x25c: {  	p0 =	sne.s32 s0, $0x0;
	_ =	strace $0x90000047  }
0x25d: {  	s0 =	sadd.s32 @!p0 $0x100000, s1;
	[bflag:$0x2] =	sbarrier.arrive $0xFFFF  }
0x25e: {  	[sflag:s0] =	ssyncadd.tile.s32 @!p0 $0x1;
	_ =	shalt  }
.Lfunc_end2:
_tile_overlayer_lowered:
.L_overlay_start_2:
0x25f: {  	(tag) =	ssettag $0x2  }
0x260: {  	s0 =	rddreg [dreg:$0x0];
	s2 =	stileid.u32  }
0x261: {  	s1 =	rddreg [dreg:$0x1];
	p0 =	sne.s32 s2, $0x0  }
0x262: {  	s3 =	rddreg [dreg:$0x2];
	[bflag:$0x3] =	sbarrier.arrive $0xFFFF;
	s2 =	simm.s32 @!p0 $0x1C02  }
0x263: {  	[timem:s3], [sflag:s2] =	dma.local @!p0 [hbm:s0], s1  }
0x264: {  	s0 =	simm.s32 @!p0 $0x2  }
0x265: {  	_ =	swait.ge @!p0 [sflag:s0], s1  }
0x266: {  	s1 =	ssub.s32 @!p0 $0x0, s1;
	[sflag:s0] =	ssyncset.done @!p0 $0x0  }
0x267: {  	[sflag:s0] =	ssyncadd.s32 @!p0 s1  }
0x268: {  	[bflag:$0x3] =	sbarrier.arrive $0xFFFF  }
0x269: {  	_ =	shalt  }

// kernel: _run.9.cloned.1.call-start
scs
__scs_entry_jumppad:
0x0: {  	(pc) =	sbr.rel $0x88, $3  }
0x1: {  	(tag) =	ssettag $0x0;
	lr =	simm.s32 $0x1  }
0x2: {  	[smem:$0x3F85] =	sst lr;
	_ =	strace $0xD0000000  }
0x3: {  	_ = 	snop  }
0x4: {  	_ = 	snop  }
0x5: {  	_ = 	snop  }
0x6: {  	_ = 	snop  }
0x7: {  	_ = 	snop  }
__scs_overlays_trampoline_lowered:
0x8: {  	[smem:$0x3F94] =	sst s0  }
0x9: {  	[smem:$0x3F95] =	sst s1  }
0xa: {  	[smem:$0x3F96] =	sst s2  }
0xb: {  	[smem:$0x3F97] =	sst s3  }
0xc: {  	[smem:$0x3F98] =	sst s4  }
0xd: {  	[smem:$0x3F99] =	sst s5  }
0xe: {  	[smem:$0x3F9A] =	sst s6  }
0xf: {  	[smem:$0x3F9B] =	sst s7  }
0x10: {  	[smem:$0x3F9C] =	sst s8  }
0x11: {  	[smem:$0x3F9D] =	sst s9;
	s0 =	simm.s32 @!p0 $0x0  }
0x12: {  	s1 =	sld [smem:$0x3F83];
	s0 =	simm.s32 @p0 $0x1  }
0x13: {  	[smem:$0x3F9E] =	sst s0;
	s0 =	simm.s32 @!p1 $0x0  }
0x14: {  	s2 =	sld [smem:$0x3F82];
	s0 =	simm.s32 @p1 $0x1  }
0x15: {  	[smem:$0x3F9F] =	sst s0;
	s0 =	simm.s32 @!p2 $0x0  }
0x16: {  	s3 =	sld [smem:$0x3FDB];
	s0 =	simm.s32 @p2 $0x1  }
0x17: {  	s4 =	simm.s32 $0x1BF5;
	[smem:$0x3FA1] =	sst s0  }
0x18: {  	s0 =	sld [smem:$0x3F84];
	_ =	swait.ge [sflag:s4], $0x0  }
0x19: {  	s7 =	sld [smem:$0x3F85]  }
0x1a: {  	s8 =	sadd.s32 $0xFFFFE003, lr  }
0x1b: {  	s9 =	sadd.s32 $0xFFFFFEF7, lr;
	s5 =	simm.s32 $0xFFFFFFFF;
	p2 =	slt.u32 s8, $0xFFFFF086  }
0x1c: {  	p1 =	slt.u32 s9, $0xF7A;
	s5 =	simm.s32 @!p2 $0x0  }
0x1d: {  	s5 =	simm.s32 @p1 $0x1;
	p0 =	seq.s32 s7, s2  }
0x1e: {  	s7 =	smul.u32 @!p0 $0xF7A, s2;
	p2 =	seq.s32 @!p0 s5, $0x0  }
0x1f: {  	s9 =	smul.u32 $0xF7A, s1;
	s8 =	simm.s32 @!p0 $0x1BF5;
	p2 =	por !p2, p0  }
0x20: {  	[sflag:s8] =	ssyncset.s32 @!p0 $0xFFFFF086;
	s6 =	sadd.s32 @!p0 s3, s7;
	s7 =	simm.s32 @!p0 $0x108  }
0x21: {  	s3 =	sadd.s32 s3, s9;
	s6 =	sadd.s32 @!p0 $0x88, s6;
	s7 =	simm.s32 @p2 $0x1082  }
0x22: {  	[simem:s7], [sflag:s8] =	dma.local @!p0 [hbm:s6], $0xF7A  }
0x23: {  	s9 =	sor.u32 $0xD0000000, s2;
	s6 =	simm.s32 $0x108;
	_ =	swait.ge @!p0 [sflag:s8], $0x0  }
0x24: {  	s3 =	sadd.s32 $0x88, s3;
	s6 =	simm.s32 @!p1 $0x1082;
	[sflag:s4] =	ssyncset.s32 $0xFFFFF086  }
0x25: {  	[simem:s6], [sflag:s4] =	dma.local [hbm:s3], $0xF7A  }
0x26: {  	[smem:$0x3F85] =	sst s1;
	(tag) =	ssettag s2;
	_ =	strace s9  }
0x27: {  	s1 =	sld [smem:$0x3F95]  }
0x28: {  	s2 =	sld [smem:$0x3F96]  }
0x29: {  	s4 =	sld [smem:$0x3F98]  }
0x2a: {  	p0 =	seq.s32 s5, $0x0;
	s5 =	sld [smem:$0x3F99]  }
0x2b: {  	s6 =	sld [smem:$0x3F9A]  }
0x2c: {  	s7 =	sld [smem:$0x3F9B]  }
0x2d: {  	s3 =	simm.s32 $0x108;
	s8 =	sld [smem:$0x3F9C]  }
0x2e: {  	s3 =	simm.s32 @!p0 $0x1082;
	s9 =	sld [smem:$0x3F9D]  }
0x2f: {  	lr =	sadd.s32 s0, s3;
	s0 =	sld [smem:$0x3F94]  }
0x30: {  	s3 =	sld [smem:$0x3F97]  }
0x31: {  	[smem:$0x3FA0] =	sst s10  }
0x32: {  	s10 =	sld [smem:$0x3F9E];
	_ =	sdelay $0x3  }
0x33: {  	p0 =	seq.s32 s10, $0x1;
	s10 =	sld [smem:$0x3FA0];
	_ =	sdelay $0x3  }
0x34: {  	[smem:$0x3FA0] =	sst s10  }
0x35: {  	s10 =	sld [smem:$0x3F9F];
	_ =	sdelay $0x3  }
0x36: {  	p1 =	seq.s32 s10, $0x1;
	s10 =	sld [smem:$0x3FA0];
	_ =	sdelay $0x3  }
0x37: {  	[smem:$0x3FA0] =	sst s10  }
0x38: {  	s10 =	sld [smem:$0x3FA1]  }
0x39: {  	_ = 	snop;
	(pc) =	sbr.ind lr, $3  }
0x3a: {  	_ = 	snop  }
0x3b: {  	_ = 	snop  }
0x3c: {  	p2 =	seq.s32 s10, $0x1;
	s10 =	sld [smem:$0x3FA0]  }
0x3d: {  	_ =	shalt  }
0x3e: {  	_ =	shalt  }
0x3f: {  	_ =	shalt  }
0x40: {  	_ =	shalt  }
0x41: {  	_ =	shalt  }
0x42: {  	_ =	shalt  }
0x43: {  	_ =	shalt  }
0x44: {  	_ =	shalt  }
0x45: {  	_ =	shalt  }
0x46: {  	_ =	shalt  }
0x47: {  	_ =	shalt  }
0x48: {  	_ =	shalt  }
0x49: {  	_ =	shalt  }
0x4a: {  	_ =	shalt  }
0x4b: {  	_ =	shalt  }
0x4c: {  	_ =	shalt  }
0x4d: {  	_ =	shalt  }
0x4e: {  	_ =	shalt  }
0x4f: {  	_ =	shalt  }
0x50: {  	_ =	shalt  }
0x51: {  	_ =	shalt  }
0x52: {  	_ =	shalt  }
0x53: {  	_ =	shalt  }
0x54: {  	_ =	shalt  }
0x55: {  	_ =	shalt  }
0x56: {  	_ =	shalt  }
0x57: {  	_ =	shalt  }
0x58: {  	_ =	shalt  }
0x59: {  	_ =	shalt  }
0x5a: {  	_ =	shalt  }
0x5b: {  	_ =	shalt  }
0x5c: {  	_ =	shalt  }
0x5d: {  	_ =	shalt  }
0x5e: {  	_ =	shalt  }
0x5f: {  	_ =	shalt  }
0x60: {  	_ =	shalt  }
0x61: {  	_ =	shalt  }
0x62: {  	_ =	shalt  }
0x63: {  	_ =	shalt  }
0x64: {  	_ =	shalt  }
0x65: {  	_ =	shalt  }
0x66: {  	_ =	shalt  }
0x67: {  	_ =	shalt  }
0x68: {  	_ =	shalt  }
0x69: {  	_ =	shalt  }
0x6a: {  	_ =	shalt  }
0x6b: {  	_ =	shalt  }
0x6c: {  	_ =	shalt  }
0x6d: {  	_ =	shalt  }
0x6e: {  	_ =	shalt  }
0x6f: {  	_ =	shalt  }
0x70: {  	_ =	shalt  }
0x71: {  	_ =	shalt  }
0x72: {  	_ =	shalt  }
0x73: {  	_ =	shalt  }
0x74: {  	_ =	shalt  }
0x75: {  	_ =	shalt  }
0x76: {  	_ =	shalt  }
0x77: {  	_ =	shalt  }
0x78: {  	_ =	shalt  }
0x79: {  	_ =	shalt  }
0x7a: {  	_ =	shalt  }
0x7b: {  	_ =	shalt  }
0x7c: {  	_ =	shalt  }
0x7d: {  	_ =	shalt  }
0x7e: {  	_ =	shalt  }
0x7f: {  	_ =	shalt  }
0x80: {  	_ =	shalt  }
0x81: {  	_ =	shalt  }
0x82: {  	_ =	shalt  }
0x83: {  	_ =	shalt  }
0x84: {  	_ =	shalt  }
0x85: {  	_ =	shalt  }
0x86: {  	_ =	shalt  }
0x87: {  	_ =	shalt  }
.Lfunc_end0:
.L_simem_size_0:
called_computation.1_lowered:
.L_overlay_start_0:
0x88: {  	s2 =	sld [smem:$0x3FD9]  }
0x89: {  	s3 =	sld [smem:$0x3FFE];
	_ =	sdelay $0x1  }
0x8a: {  	s1 =	srdreg.scid  }
0x8b: {  	s0 =	sand.u32 $0x1, s1  }
0x8c: {  	s25 =	sshll.u32 s0, $0xA;
	s2 =	sadd.s32 s3, s2  }
0x8d: {  	s2 =	sadd.s32 s2, s25  }
0x8e: {  	[smem:$0x3FAC] =	sst s2  }
0x8f: {  	_ = 	snop  }
0x90: {  	s2 =	sld [smem:$0x3FC8]  }
0x91: {  	s3 =	sld [smem:$0x3FC7]  }
0x92: {  	s4 =	sld [smem:$0x3FC6]  }
0x93: {  	s5 =	sld [smem:$0x3FC5]  }
0x94: {  	s6 =	sld [smem:$0x3FC4]  }
0x95: {  	s7 =	sld [smem:$0x3FC3]  }
0x96: {  	s8 =	sld [smem:$0x3FC2]  }
0x97: {  	s9 =	sld [smem:$0x3FC1]  }
0x98: {  	s10 =	sld [smem:$0x3FC0]  }
0x99: {  	s11 =	sld [smem:$0x3FBF]  }
0x9a: {  	s12 =	sld [smem:$0x3FBE]  }
0x9b: {  	s13 =	sld [smem:$0x3FBD]  }
0x9c: {  	s14 =	sld [smem:$0x3FD0];
	(tm) =	ssettm $0x1  }
0x9d: {  	s15 =	sld [smem:$0x3FFB];
	_ =	sdelay $0x3  }
0x9e: {  	_ =	strace s15  }
0x9f: {  	s15 =	sld [smem:$0x3FFC];
	_ =	sdelay $0x3  }
0xa0: {  	_ =	strace s15  }
0xa1: {  	s15 =	sld [smem:$0x3FFD];
	_ =	sdelay $0x3  }
0xa2: {  	_ =	strace s15  }
0xa3: {  	_ =	strace $0x8FFFFFFF  }
0xa4: {  	s26 =	sld [smem:$0x3FDB];
	_ =	sdelay $0x1  }
0xa5: {  	s16 =	simm.s32 $_scs_section_size  }
0xa6: {  	s17 =	simm.s32 $_size__tile_task_arg_handler_lowered;
	s18 =	simm.s32 $_tile_task_arg_handler_lowered  }
0xa7: {  	s30 =	simm.s32 $0x1BFF;
	s29 =	sshll.u32 s18, $0x1;
	s16 =	sadd.s32 s16, s26  }
0xa8: {  	s19 =	simm.s32 $0x60;
	s28 =	sshll.u32 s17, $0x1;
	s17 =	sadd.s32 s29, s16  }
0xa9: {  	[timem:s19], [sflag:s30] =	dma.local [hbm:s17], s28  }
0xaa: {  	_ =	swait.ge [sflag:s30], s28  }
0xab: {  	s31 =	simm.s32 $_tile_overlayer_lowered;
	s15 =	ssub.s32 $0x0, s28;
	[sflag:s30] =	ssyncset.done $0x0  }
0xac: {  	s19 =	simm.s32 $_size__tile_overlayer_lowered;
	s17 =	sshll.u32 s31, $0x1;
	[sflag:s30] =	ssyncadd.s32 s15  }
0xad: {  	s21 =	simm.s32 $0x0;
	s20 =	sshll.u32 s19, $0x1;
	s17 =	sadd.s32 s17, s16  }
0xae: {  	[timem:s21], [sflag:s30] =	dma.local [hbm:s17], s20  }
0xaf: {  	_ =	swait.ge [sflag:s30], s20  }
0xb0: {  	s22 =	ssub.s32 $0x0, s20;
	[sflag:s30] =	ssyncset.done $0x0  }
0xb1: {  	[sflag:s30] =	ssyncadd.s32 s22;
	_ =	sdelay $0x1  }
0xb2: {  	s23 =	simm.s32 $0x1B8B  }
0xb3: {  	_ =	swait.ge [sflag:s23], $0x1  }
0xb4: {  	[sflag:s23] =	ssyncset.done $0x0  }
0xb5: {  	s25 =	simm.s32 $0x1B8E;
	s24 =	sld [smem:$0x3FFE];
	[sflag:s23] =	ssyncadd.s32 $0xFFFFFFFF  }
0xb6: {  	s26 =	simm.s32 $execute0_lowered;
	[smem:$0x3FD2] =	sst s25  }
0xb7: {  	s18 =	sshll.u32 s26, $0x1;
	_ =	strace $0x80000049;
	[dreg:$0x1] =	wrdreg $0xFFFFFFFF  }
0xb8: {  	s16 =	sadd.s32 s16, s18;
	s28 =	simm.s32 $_size_execute0_lowered;
	[dreg:$0x0] =	wrdreg $0x0  }
0xb9: {  	s18 =	sshll.u32 s28, $0x1;
	[dreg:$0x2] =	wrdreg s16  }
0xba: {  	[dreg:$0x3] =	wrdreg s18  }
0xbb: {  	[dreg:$0x4] =	wrdreg $0xC0  }
0xbc: {  	_ =	task [dreg:s21], $0x5FFFF  }
0xbd: {  	[dreg:$0x1] =	wrdreg $0xFFFFFFFF  }
0xbe: {  	[dreg:$0x0] =	wrdreg $0x30  }
0xbf: {  	[dreg:$0x2] =	wrdreg $0x0  }
0xc0: {  	[dreg:$0x3] =	wrdreg $0x9  }
0xc1: {  	_ =	task [dreg:s21], $0x4FFFF  }
0xc2: {  	[dreg:$0x1] =	wrdreg $0xFFFFFFFF  }
0xc3: {  	[dreg:$0x0] =	wrdreg $0x60  }
0xc4: {  	[dreg:$0x2] =	wrdreg s24  }
0xc5: {  	[dreg:$0x3] =	wrdreg s2  }
0xc6: {  	[dreg:$0x4] =	wrdreg s3  }
0xc7: {  	[dreg:$0x5] =	wrdreg s4  }
0xc8: {  	[dreg:$0x6] =	wrdreg s5  }
0xc9: {  	[dreg:$0x7] =	wrdreg s6  }
0xca: {  	[dreg:$0x8] =	wrdreg s7  }
0xcb: {  	[dreg:$0x9] =	wrdreg s8  }
0xcc: {  	[dreg:$0xa] =	wrdreg s9  }
0xcd: {  	[dreg:$0xb] =	wrdreg s10  }
0xce: {  	[dreg:$0xc] =	wrdreg s11  }
0xcf: {  	[dreg:$0xd] =	wrdreg s12  }
0xd0: {  	[dreg:$0xe] =	wrdreg s13  }
0xd1: {  	[dreg:$0xf] =	wrdreg s14  }
0xd2: {  	_ =	task.clear_ibuf [dreg:s21], $0x10FFFF;
	_ =	strace $0x90000049  }
0xd3: {  	s29 =	simm.s32 $0x9;
	_ =	strace $0x8000004B  }
0xd4: {  	_ =	swait.ge [sflag:s29], $0x1  }
0xd5: {  	[sflag:s29] =	ssyncadd.s32 $0xFFFFFFFF  }
0xd6: {  	_ =	strace $0x9000004B  }
0xd7: {  	_ =	sfence  }
0xd8: {  	s30 =	sld [smem:$0x0];
	_ =	sdelay $0x2  }
0xd9: {  	s31 =	sshll.u32 s1, $0xD;
	s1 =	sshrl.u32 s1, $0x2  }
0xda: {  	s3 =	sand.u32 $0x4000, s31;
	s1 =	sadd.s32 s1, s30  }
0xdb: {  	s0 =	sor.u32 s3, s0;
	s1 =	sshll.u32 s1, $0x11  }
0xdc: {  	s0 =	sor.u32 s1, s0  }
0xdd: {  	s0 =	sadd.s32 $0x8F2B, s0  }
0xde: {  	[sflag:s0] =	ssyncadd.remote.s32 $0x1  }
0xdf: {  	_ =	sfence.sel $0xFFFF  }
0xe0: {  	[dreg:$0x0] =	wrdreg $0xFFFFFFFF;
	(pc) =	sbr.abs _section_cstart, $3  }
0xe1: {  	[dreg:$0x1] =	wrdreg $0xFFFFFFFF  }
0xe2: {  	_ =	task.clear_ibuf [dreg:s21], $0x2FFFF;
	_ =	strace $0x9FFFFFFF  }
0xe3: {  	(tm) =	ssettm $0x7FFFFFFF  }
tec
_tile_task_arg_handler_lowered:
.L_overlay_start_1:
0x0: {  	(tag) =	ssettag $0x1  }
0x1: {  	s0 =	rddreg [dreg:$0x0]  }
0x2: {  	s1 =	rddreg [dreg:$0x1]  }
0x3: {  	s2 =	rddreg [dreg:$0x2]  }
0x4: {  	s3 =	rddreg [dreg:$0x3]  }
0x5: {  	s4 =	rddreg [dreg:$0x4]  }
0x6: {  	s5 =	rddreg [dreg:$0x5]  }
0x7: {  	s6 =	rddreg [dreg:$0x6]  }
0x8: {  	s7 =	rddreg [dreg:$0x7]  }
0x9: {  	s8 =	rddreg [dreg:$0x8]  }
0xa: {  	s9 =	rddreg [dreg:$0x9]  }
0xb: {  	s10 =	rddreg [dreg:$0xa]  }
0xc: {  	s11 =	rddreg [dreg:$0xb]  }
0xd: {  	s12 =	rddreg [dreg:$0xc]  }
0xe: {  	s13 =	rddreg [dreg:$0xd]  }
0xf: {  	[smem:s0] =	sst s1  }
0x10: {  	[smem:s0+$0x1] =	sst s2  }
0x11: {  	[smem:s0+$0x2] =	sst s3  }
0x12: {  	[smem:s0+$0x3] =	sst s4  }
0x13: {  	[smem:s0+$0x4] =	sst s5  }
0x14: {  	[smem:s0+$0x5] =	sst s6  }
0x15: {  	[smem:s0+$0x6] =	sst s7  }
0x16: {  	[smem:s0+$0x7] =	sst s8  }
0x17: {  	[smem:s0+$0x8] =	sst s9  }
0x18: {  	[smem:s0+$0x9] =	sst s10  }
0x19: {  	[smem:s0+$0xA] =	sst s11  }
0x1a: {  	[smem:s0+$0xB] =	sst s12  }
0x1b: {  	[smem:s0+$0xC] =	sst s13;
	_ =	shalt  }
.Lfunc_end2:
execute0_lowered:
.L_overlay_start_2:
0x1c: {  	(tag) =	ssettag $0x2  }
0x1d: {  	s10 =	rddreg [dreg:$0x0]  }
0x1e: {  	s0 =	rddreg [dreg:$0x1]  }
0x1f: {  	s1 =	rddreg [dreg:$0x2]  }
0x20: {  	s2 =	rddreg [dreg:$0x3]  }
0x21: {  	s3 =	rddreg [dreg:$0x4]  }
0x22: {  	s4 =	rddreg [dreg:$0x5]  }
0x23: {  	s5 =	rddreg [dreg:$0x6]  }
0x24: {  	s6 =	rddreg [dreg:$0x7]  }
0x25: {  	s7 =	rddreg [dreg:$0x8]  }
0x26: {  	s8 =	rddreg [dreg:$0x9]  }
0x27: {  	s9 =	rddreg [dreg:$0xa]  }
0x28: {  	s11 =	rddreg [dreg:$0xb]  }
0x29: {  	s12 =	rddreg [dreg:$0xc]  }
0x2a: {  	s13 =	rddreg [dreg:$0xd]  }
0x2b: {  	s15 =	srdreg.scid;
	s16 =	stileid.u32  }
0x2c: {  	s14 =	simm.s32 $0x0;
	s20 =	simm.s32 $0x3000;
	s21 =	simm.s32 $0x80  }
0x2d: {  	s22 =	simm.s32 $0x1680;
	s23 =	simm.s32 $0x2E80;
	s24 =	simm.s32 $0x1700  }
0x2e: {  	s25 =	simm.s32 $0x2F00;
	s28 =	simm.s32 $0x2F80;
	[smem:$0x7FF] =	sst s14  }
0x2f: {  	s15 =	sand.u32 $0x1, s15;
	s16 =	sshll.u32 s16, $0x1;
	s17 =	sld [smem:$0x0]  }
0x30: {  	s29 =	simm.s32 $0x1;
	s16 =	sor.u32 s15, s16;
	s15 =	ssub.s32 $0x2, s15  }
0x31: {  	s30 =	simm.s32 $0x0;
	s26 =	smul.u32 $0x680, s16;
	s31 =	sshrl.u32 s15, $0x1  }
0x32: {  	s18 =	sshll.u32 s16, $0x6;
	s19 =	ssub.s32 s15, s31;
	[dreg:$0xe] =	wrdreg s17  }
0x33: {  	s17 =	sadd.s32 s26, s10;
	s10 =	sadd.s32 s18, s10;
	s26 =	simm.s32 $0x1780  }
0x34: {  	_ =	strace $0x8000004A;
	s15 =	sadd.s32 $0x1C00, s17;
	s16 =	sadd.s32 $0x1400, s10  }
0x35: {  	s17 =	sadd.s32 s13, s18;
	s18 =	smax.u32 s19, $0x1;
	s19 =	simm.s32 $0x2  }
.LBB3_1:
0x36: {  	[tilespmem:s14], [sflag:$0x2] =	stream.linear.gather [hbm4b:s15+s14], $0x1800, $0x38;
	[tilespmem:$0x3200] =	vst v63  }
0x37: {  	_ =	swait.ge [sflag:s19], $0x1800  }
0x38: {  	[sflag:s19] =	ssyncset.done $0x0  }
0x39: {  	[sflag:s19] =	ssyncadd.s32 $0xFFFFE800  }
0x3a: {  	[tilespmem:s20], [sflag:$0x1] =	stream.linear.gather [hbm4b:s16+s14], $0x200, $0x38;
	[tilespmem:$0x3200] =	vst v63  }
0x3b: {  	s10 =	simm.s32 $0x1800  }
0x3c: {  	[tilespmem:s10], [sflag:$0x1] =	stream.indirect.gather [hbm4b:s0+s21], $0x1, s14, s21, $0xb8;
	[tilespmem:$0x3200] =	vst v63  }
0x3d: {  	s13 =	simm.s32 $0x1880  }
0x3e: {  	[tilespmem:s13], [sflag:$0x1] =	stream.indirect.gather [hbm4b:s0+s21], $0x1, s21, s21, $0xb8;
	[tilespmem:$0x3200] =	vst v63  }
0x3f: {  	s31 =	simm.s32 $0x100;
	s13 =	simm.s32 $0x1900  }
0x40: {  	[tilespmem:s13], [sflag:$0x1] =	stream.indirect.gather [hbm4b:s0+s21], $0x1, s31, s21, $0xb8;
	[tilespmem:$0x3200] =	vst v63  }
0x41: {  	s13 =	simm.s32 $0x180;
	s31 =	simm.s32 $0x1980  }
0x42: {  	[tilespmem:s31], [sflag:$0x1] =	stream.indirect.gather [hbm4b:s0+s21], $0x1, s13, s21, $0xb8;
	[tilespmem:$0x3200] =	vst v63  }
0x43: {  	s13 =	simm.s32 $0x200;
	s31 =	simm.s32 $0x1A00  }
0x44: {  	[tilespmem:s31], [sflag:$0x1] =	stream.indirect.gather [hbm4b:s1+s21], $0x1, s13, s21, $0xb8;
	[tilespmem:$0x3200] =	vst v63  }
0x45: {  	s13 =	simm.s32 $0x280;
	s31 =	simm.s32 $0x1A80  }
0x46: {  	[tilespmem:s31], [sflag:$0x1] =	stream.indirect.gather [hbm4b:s1+s21], $0x1, s13, s21, $0xb8;
	[tilespmem:$0x3200] =	vst v63  }
0x47: {  	s13 =	simm.s32 $0x300;
	s31 =	simm.s32 $0x1B00  }
0x48: {  	[tilespmem:s31], [sflag:$0x1] =	stream.indirect.gather [hbm4b:s1+s21], $0x1, s13, s21, $0xb8;
	[tilespmem:$0x3200] =	vst v63  }
0x49: {  	s13 =	simm.s32 $0x380;
	s31 =	simm.s32 $0x1B80  }
0x4a: {  	[tilespmem:s31], [sflag:$0x1] =	stream.indirect.gather [hbm4b:s1+s21], $0x1, s13, s21, $0xb8;
	[tilespmem:$0x3200] =	vst v63  }
0x4b: {  	s13 =	simm.s32 $0x400;
	s31 =	simm.s32 $0x1C00  }
0x4c: {  	[tilespmem:s31], [sflag:$0x1] =	stream.indirect.gather [hbm4b:s2+s21], $0x1, s13, s21, $0xb8;
	[tilespmem:$0x3200] =	vst v63  }
0x4d: {  	s13 =	simm.s32 $0x480;
	s31 =	simm.s32 $0x1C80  }
0x4e: {  	[tilespmem:s31], [sflag:$0x1] =	stream.indirect.gather [hbm4b:s2+s21], $0x1, s13, s21, $0xb8;
	[tilespmem:$0x3200] =	vst v63  }
0x4f: {  	s13 =	simm.s32 $0x500;
	s31 =	simm.s32 $0x1D00  }
0x50: {  	[tilespmem:s31], [sflag:$0x1] =	stream.indirect.gather [hbm4b:s2+s21], $0x1, s13, s21, $0xb8;
	[tilespmem:$0x3200] =	vst v63  }
0x51: {  	s13 =	simm.s32 $0x580;
	s31 =	simm.s32 $0x1D80  }
0x52: {  	[tilespmem:s31], [sflag:$0x1] =	stream.indirect.gather [hbm4b:s2+s21], $0x1, s13, s21, $0xb8;
	[tilespmem:$0x3200] =	vst v63  }
0x53: {  	s13 =	simm.s32 $0x600;
	s31 =	simm.s32 $0x1E00  }
0x54: {  	[tilespmem:s31], [sflag:$0x1] =	stream.indirect.gather [hbm4b:s3+s21], $0x1, s13, s21, $0xb8;
	[tilespmem:$0x3200] =	vst v63  }
0x55: {  	s13 =	simm.s32 $0x680;
	s31 =	simm.s32 $0x1E80  }
0x56: {  	[tilespmem:s31], [sflag:$0x1] =	stream.indirect.gather [hbm4b:s3+s21], $0x1, s13, s21, $0xb8;
	[tilespmem:$0x3200] =	vst v63  }
0x57: {  	s13 =	simm.s32 $0x700;
	s31 =	simm.s32 $0x1F00  }
0x58: {  	[tilespmem:s31], [sflag:$0x1] =	stream.indirect.gather [hbm4b:s3+s21], $0x1, s13, s21, $0xb8;
	[tilespmem:$0x3200] =	vst v63  }
0x59: {  	s13 =	simm.s32 $0x780;
	s31 =	simm.s32 $0x1F80  }
0x5a: {  	[tilespmem:s31], [sflag:$0x1] =	stream.indirect.gather [hbm4b:s3+s21], $0x1, s13, s21, $0xb8;
	[tilespmem:$0x3200] =	vst v63  }
0x5b: {  	s13 =	simm.s32 $0x800;
	s31 =	simm.s32 $0x2000  }
0x5c: {  	[tilespmem:s31], [sflag:$0x1] =	stream.indirect.gather [hbm4b:s4+s21], $0x1, s13, s21, $0xb8;
	[tilespmem:$0x3200] =	vst v63  }
0x5d: {  	s13 =	simm.s32 $0x880;
	s31 =	simm.s32 $0x2080  }
0x5e: {  	[tilespmem:s31], [sflag:$0x1] =	stream.indirect.gather [hbm4b:s4+s21], $0x1, s13, s21, $0xb8;
	[tilespmem:$0x3200] =	vst v63  }
0x5f: {  	s13 =	simm.s32 $0x900;
	s31 =	simm.s32 $0x2100  }
0x60: {  	[tilespmem:s31], [sflag:$0x1] =	stream.indirect.gather [hbm4b:s4+s21], $0x1, s13, s21, $0xb8;
	[tilespmem:$0x3200] =	vst v63  }
0x61: {  	s13 =	simm.s32 $0x980;
	s31 =	simm.s32 $0x2180  }
0x62: {  	[tilespmem:s31], [sflag:$0x1] =	stream.indirect.gather [hbm4b:s4+s21], $0x1, s13, s21, $0xb8;
	[tilespmem:$0x3200] =	vst v63  }
0x63: {  	s13 =	simm.s32 $0xA00;
	s31 =	simm.s32 $0x2200  }
0x64: {  	[tilespmem:s31], [sflag:$0x1] =	stream.indirect.gather [hbm4b:s5+s21], $0x1, s13, s21, $0xb8;
	[tilespmem:$0x3200] =	vst v63  }
0x65: {  	s13 =	simm.s32 $0xA80;
	s31 =	simm.s32 $0x2280  }
0x66: {  	[tilespmem:s31], [sflag:$0x1] =	stream.indirect.gather [hbm4b:s5+s21], $0x1, s13, s21, $0xb8;
	[tilespmem:$0x3200] =	vst v63  }
0x67: {  	s13 =	simm.s32 $0xB00;
	s31 =	simm.s32 $0x2300  }
0x68: {  	[tilespmem:s31], [sflag:$0x1] =	stream.indirect.gather [hbm4b:s5+s21], $0x1, s13, s21, $0xb8;
	[tilespmem:$0x3200] =	vst v63  }
0x69: {  	s13 =	simm.s32 $0xB80;
	s31 =	simm.s32 $0x2380  }
0x6a: {  	[tilespmem:s31], [sflag:$0x1] =	stream.indirect.gather [hbm4b:s5+s21], $0x1, s13, s21, $0xb8;
	[tilespmem:$0x3200] =	vst v63  }
0x6b: {  	s13 =	simm.s32 $0xC00;
	s31 =	simm.s32 $0x2400  }
0x6c: {  	[tilespmem:s31], [sflag:$0x1] =	stream.indirect.gather [hbm4b:s6+s21], $0x1, s13, s21, $0xb8;
	[tilespmem:$0x3200] =	vst v63  }
0x6d: {  	s13 =	simm.s32 $0xC80;
	s31 =	simm.s32 $0x2480  }
0x6e: {  	[tilespmem:s31], [sflag:$0x1] =	stream.indirect.gather [hbm4b:s6+s21], $0x1, s13, s21, $0xb8;
	[tilespmem:$0x3200] =	vst v63  }
0x6f: {  	s13 =	simm.s32 $0xD00;
	s31 =	simm.s32 $0x2500  }
0x70: {  	[tilespmem:s31], [sflag:$0x1] =	stream.indirect.gather [hbm4b:s6+s21], $0x1, s13, s21, $0xb8;
	[tilespmem:$0x3200] =	vst v63  }
0x71: {  	s13 =	simm.s32 $0xD80;
	s31 =	simm.s32 $0x2580  }
0x72: {  	[tilespmem:s31], [sflag:$0x1] =	stream.indirect.gather [hbm4b:s6+s21], $0x1, s13, s21, $0xb8;
	[tilespmem:$0x3200] =	vst v63  }
0x73: {  	s13 =	simm.s32 $0xE00;
	s31 =	simm.s32 $0x2600  }
0x74: {  	[tilespmem:s31], [sflag:$0x1] =	stream.indirect.gather [hbm4b:s7+s21], $0x1, s13, s21, $0xb8;
	[tilespmem:$0x3200] =	vst v63  }
0x75: {  	s13 =	simm.s32 $0xE80;
	s31 =	simm.s32 $0x2680  }
0x76: {  	[tilespmem:s31], [sflag:$0x1] =	stream.indirect.gather [hbm4b:s7+s21], $0x1, s13, s21, $0xb8;
	[tilespmem:$0x3200] =	vst v63  }
0x77: {  	s13 =	simm.s32 $0xF00;
	s31 =	simm.s32 $0x2700  }
0x78: {  	[tilespmem:s31], [sflag:$0x1] =	stream.indirect.gather [hbm4b:s7+s21], $0x1, s13, s21, $0xb8;
	[tilespmem:$0x3200] =	vst v63  }
0x79: {  	s13 =	simm.s32 $0xF80;
	s31 =	simm.s32 $0x2780  }
0x7a: {  	[tilespmem:s31], [sflag:$0x1] =	stream.indirect.gather [hbm4b:s7+s21], $0x1, s13, s21, $0xb8;
	[tilespmem:$0x3200] =	vst v63  }
0x7b: {  	s13 =	simm.s32 $0x1000;
	s31 =	simm.s32 $0x2800  }
0x7c: {  	[tilespmem:s31], [sflag:$0x1] =	stream.indirect.gather [hbm4b:s8+s21], $0x1, s13, s21, $0xb8;
	[tilespmem:$0x3200] =	vst v63  }
0x7d: {  	s13 =	simm.s32 $0x1080;
	s31 =	simm.s32 $0x2880  }
0x7e: {  	[tilespmem:s31], [sflag:$0x1] =	stream.indirect.gather [hbm4b:s8+s21], $0x1, s13, s21, $0xb8;
	[tilespmem:$0x3200] =	vst v63  }
0x7f: {  	s13 =	simm.s32 $0x1100;
	s31 =	simm.s32 $0x2900  }
0x80: {  	[tilespmem:s31], [sflag:$0x1] =	stream.indirect.gather [hbm4b:s8+s21], $0x1, s13, s21, $0xb8;
	[tilespmem:$0x3200] =	vst v63  }
0x81: {  	s13 =	simm.s32 $0x1180;
	s31 =	simm.s32 $0x2980  }
0x82: {  	[tilespmem:s31], [sflag:$0x1] =	stream.indirect.gather [hbm4b:s8+s21], $0x1, s13, s21, $0xb8;
	[tilespmem:$0x3200] =	vst v63  }
0x83: {  	s13 =	simm.s32 $0x1200;
	s31 =	simm.s32 $0x2A00  }
0x84: {  	[tilespmem:s31], [sflag:$0x1] =	stream.indirect.gather [hbm4b:s9+s21], $0x1, s13, s21, $0xb8;
	[tilespmem:$0x3200] =	vst v63  }
0x85: {  	s13 =	simm.s32 $0x1280;
	s31 =	simm.s32 $0x2A80  }
0x86: {  	[tilespmem:s31], [sflag:$0x1] =	stream.indirect.gather [hbm4b:s9+s21], $0x1, s13, s21, $0xb8;
	[tilespmem:$0x3200] =	vst v63  }
0x87: {  	s13 =	simm.s32 $0x1300;
	s31 =	simm.s32 $0x2B00  }
0x88: {  	[tilespmem:s31], [sflag:$0x1] =	stream.indirect.gather [hbm4b:s9+s21], $0x1, s13, s21, $0xb8;
	[tilespmem:$0x3200] =	vst v63  }
0x89: {  	s13 =	simm.s32 $0x1380;
	s31 =	simm.s32 $0x2B80  }
0x8a: {  	[tilespmem:s31], [sflag:$0x1] =	stream.indirect.gather [hbm4b:s9+s21], $0x1, s13, s21, $0xb8;
	[tilespmem:$0x3200] =	vst v63  }
0x8b: {  	s13 =	simm.s32 $0x1400;
	s31 =	simm.s32 $0x2C00  }
0x8c: {  	[tilespmem:s31], [sflag:$0x1] =	stream.indirect.gather [hbm4b:s11+s21], $0x1, s13, s21, $0xb8;
	[tilespmem:$0x3200] =	vst v63  }
0x8d: {  	s13 =	simm.s32 $0x1480;
	s31 =	simm.s32 $0x2C80  }
0x8e: {  	[tilespmem:s31], [sflag:$0x1] =	stream.indirect.gather [hbm4b:s11+s21], $0x1, s13, s21, $0xb8;
	[tilespmem:$0x3200] =	vst v63  }
0x8f: {  	s13 =	simm.s32 $0x1500;
	s31 =	simm.s32 $0x2D00  }
0x90: {  	[tilespmem:s31], [sflag:$0x1] =	stream.indirect.gather [hbm4b:s11+s21], $0x1, s13, s21, $0xb8;
	[tilespmem:$0x3200] =	vst v63  }
0x91: {  	s13 =	simm.s32 $0x1580;
	s31 =	simm.s32 $0x2D80  }
0x92: {  	[tilespmem:s31], [sflag:$0x1] =	stream.indirect.gather [hbm4b:s11+s21], $0x1, s13, s21, $0xb8;
	[tilespmem:$0x3200] =	vst v63  }
0x93: {  	s13 =	simm.s32 $0x1600;
	s31 =	simm.s32 $0x2E00  }
0x94: {  	[tilespmem:s31], [sflag:$0x1] =	stream.indirect.gather [hbm4b:s12+s21], $0x1, s13, s21, $0xb8;
	[tilespmem:$0x3200] =	vst v63  }
0x95: {  	_ = 	snop  }
0x96: {  	[tilespmem:s23], [sflag:$0x1] =	stream.indirect.gather [hbm4b:s12+s21], $0x1, s22, s21, $0xb8;
	[tilespmem:$0x3200] =	vst v63  }
0x97: {  	_ = 	snop  }
0x98: {  	[tilespmem:s25], [sflag:$0x1] =	stream.indirect.gather [hbm4b:s12+s21], $0x1, s24, s21, $0xb8;
	[tilespmem:$0x3200] =	vst v63  }
0x99: {  	_ = 	snop  }
0x9a: {  	[tilespmem:s28], [sflag:$0x1] =	stream.indirect.gather [hbm4b:s12+s21], $0x1, s26, s21, $0xb8;
	[tilespmem:$0x3200] =	vst v63  }
0x9b: {  	_ =	swait.ge [sflag:s29], $0x200  }
0x9c: {  	[sflag:s29] =	ssyncset.done $0x0  }
0x9d: {  	s10 =	simm.s32 $0x30;
	[sflag:s29] =	ssyncadd.s32 $0xFFFFFE00  }
.LBB3_2:
0x9e: {  	p0 =	sne.s32 s10, $0x1  }
.Ltmp0:
0x9f: {  	_ = 	snop;
	(pc) =	sbr.rel @p0 .LBB3_2-.Ltmp0, $4  }
0xa0: {  	_ = 	snop  }
0xa1: {  	_ =	swait.ge [sflag:s29], $0x80  }
0xa2: {  	[sflag:s29] =	ssyncset.done $0x0  }
0xa3: {  	s10 =	sadd.s32 $0xFFFFFFFF, s10;
	[sflag:s29] =	ssyncadd.s32 $0xFFFFFF80  }
0xa4: {  	s31 =	simm.s32 $0x0  }
0xa5: {  	v13 =	vld [tilespmem:s31+$0x2E00]  }
0xa6: {  	v12 =	vld [tilespmem:s31+$0x2E10]  }
0xa7: {  	v11 =	vld [tilespmem:s31+$0x2E20]  }
0xa8: {  	v10 =	vld [tilespmem:s31+$0x2E30]  }
0xa9: {  	v1 =	vld [tilespmem:s31+$0x2E40]  }
0xaa: {  	v0 =	vld [tilespmem:s31+$0x2E50]  }
0xab: {  	v20 =	vld [tilespmem:s31+$0x2C00]  }
0xac: {  	v21 =	vld [tilespmem:s31+$0x2C10]  }
0xad: {  	v17 =	vld [tilespmem:s31+$0x2C20]  }
0xae: {  	v16 =	vld [tilespmem:s31+$0x2C30]  }
0xaf: {  	v3 =	vld [tilespmem:s31+$0x2C40]  }
0xb0: {  	v2 =	vld [tilespmem:s31+$0x2C50]  }
0xb1: {  	v24 =	vld [tilespmem:s31+$0x2A00]  }
0xb2: {  	v25 =	vld [tilespmem:s31+$0x2A10]  }
0xb3: {  	v31 =	vld [tilespmem:s31+$0x2A20]  }
0xb4: {  	v34 =	vld [tilespmem:s31+$0x2A30]  }
0xb5: {  	v5 =	vld [tilespmem:s31+$0x2A40]  }
0xb6: {  	v4 =	vld [tilespmem:s31+$0x2A50]  }
0xb7: {  	v26 =	vld [tilespmem:s31+$0x2800]  }
0xb8: {  	v27 =	vld [tilespmem:s31+$0x2810]  }
0xb9: {  	v28 =	vld [tilespmem:s31+$0x2820]  }
0xba: {  	v35 =	vld [tilespmem:s31+$0x2830]  }
0xbb: {  	v7 =	vld [tilespmem:s31+$0x2840]  }
0xbc: {  	v6 =	vld [tilespmem:s31+$0x2850]  }
0xbd: {  	v32 =	vld [tilespmem:s31+$0x2600]  }
0xbe: {  	v33 =	vld [tilespmem:s31+$0x2610]  }
0xbf: {  	v41 =	vld [tilespmem:s31+$0x2620]  }
0xc0: {  	v42 =	vld [tilespmem:s31+$0x2630]  }
0xc1: {  	v9 =	vld [tilespmem:s31+$0x2640]  }
0xc2: {  	v8 =	vld [tilespmem:s31+$0x2650]  }
0xc3: {  	v37 =	vld [tilespmem:s31+$0x2400]  }
0xc4: {  	v38 =	vld [tilespmem:s31+$0x2410]  }
0xc5: {  	v39 =	vld [tilespmem:s31+$0x2420]  }
0xc6: {  	v40 =	vld [tilespmem:s31+$0x2430]  }
0xc7: {  	v15 =	vld [tilespmem:s31+$0x2440]  }
0xc8: {  	v14 =	vld [tilespmem:s31+$0x2450]  }
0xc9: {  	v30 =	vld [tilespmem:s31+$0x2200]  }
0xca: {  	v36 =	vld [tilespmem:s31+$0x2210]  }
0xcb: {  	v43 =	vld [tilespmem:s31+$0x2220]  }
0xcc: {  	v44 =	vld [tilespmem:s31+$0x2230]  }
0xcd: {  	v19 =	vld [tilespmem:s31+$0x2240]  }
0xce: {  	v18 =	vld [tilespmem:s31+$0x2250]  }
0xcf: {  	v23 =	vld [tilespmem:s31+$0x2000]  }
0xd0: {  	v29 =	vld [tilespmem:s31+$0x2010]  }
0xd1: {  	v22 =	vld [tilespmem:s31+$0x1E00]  }
0xd2: {  	v45 =	vld [tilespmem:s31+$0x1E10]  }
0xd3: {  	v46 =	vld [tilespmem:s31+$0x1C00]  }
0xd4: {  	v47 =	vld [tilespmem:s31+$0x1C10]  }
0xd5: {  	v48 =	vld [tilespmem:s31+$0x1A00]  }
0xd6: {  	v49 =	vld [tilespmem:s31+$0x1A10]  }
0xd7: {  	v50 =	vld [tilespmem:s31+$0x1800]  }
0xd8: {  	v51 =	vld [tilespmem:s31+$0x1810]  }
0xd9: {  	v52 =	vld [tilespmem:s31+$0x1820]  }
0xda: {  	v53 =	vld [tilespmem:s31+$0x1830]  }
0xdb: {  	v54 =	vld [tilespmem:s31+$0x3000]  }
0xdc: {  	v55 =	vld [tilespmem:s31+$0x3010]  }
0xdd: {  	v56 =	vld [tilespmem:s31+$0x3020]  }
0xde: {  	v57 =	vld [tilespmem:s31+$0x3030]  }
0xdf: {  	v58 =	vld [tilespmem:s31+$0x1A20]  }
0xe0: {  	v50 =	vadd.f32 v50, v54;
	v54 =	vld [tilespmem:s31+$0x1A30]  }
0xe1: {  	v51 =	vadd.f32 v51, v55;
	v55 =	vld [tilespmem:s31+$0x1C20]  }
0xe2: {  	v62 =	vld [tilespmem:s31+$0x1C30];
	v61 =	vadd.f32 v52, v56;
	v48 =	vadd.f32 v48, v50  }
0xe3: {  	v63 =	vld [tilespmem:s31+$0x1E20];
	v53 =	vadd.f32 v53, v57;
	v49 =	vadd.f32 v49, v51  }
0xe4: {  	v59 =	vld [tilespmem:s31+$0x1E30];
	v58 =	vadd.f32 v58, v61;
	v46 =	vadd.f32 v46, v48  }
0xe5: {  	v60 =	vld [tilespmem:s31+$0x2020];
	v47 =	vadd.f32 v47, v49;
	v53 =	vadd.f32 v54, v53  }
0xe6: {  	v61 =	vld [tilespmem:s31+$0x2030];
	v48 =	vadd.f32 v55, v58;
	v46 =	vadd.f32 v22, v46  }
0xe7: {  	v45 =	vadd.f32 v45, v47;
	v22 =	vld [tilespmem:s31+$0x2040];
	v62 =	vadd.f32 v62, v53  }
0xe8: {  	v48 =	vadd.f32 v63, v48;
	v46 =	vadd.f32 v23, v46;
	v23 =	vld [tilespmem:s31+$0x2050]  }
0xe9: {  	v45 =	vadd.f32 v29, v45;
	v29 =	vld [tilespmem:s31+$0x1E40];
	v47 =	vadd.f32 v59, v62  }
0xea: {  	v48 =	vadd.f32 v60, v48;
	v46 =	vadd.f32 v30, v46;
	v30 =	vld [tilespmem:s31+$0x1E50]  }
0xeb: {  	v45 =	vadd.f32 v36, v45;
	v36 =	vld [tilespmem:s31+$0x1C40];
	v47 =	vadd.f32 v61, v47  }
0xec: {  	v43 =	vadd.f32 v43, v48;
	v46 =	vadd.f32 v37, v46;
	v37 =	vld [tilespmem:s31+$0x1C50]  }
0xed: {  	v45 =	vadd.f32 v38, v45;
	v38 =	vld [tilespmem:s31+$0x1A40];
	v44 =	vadd.f32 v44, v47  }
0xee: {  	v43 =	vadd.f32 v39, v43;
	v39 =	vld [tilespmem:s31+$0x1A50];
	v32 =	vadd.f32 v32, v46  }
0xef: {  	v45 =	vadd.f32 v33, v45;
	v33 =	vld [tilespmem:s31+$0x1850];
	v44 =	vadd.f32 v40, v44  }
0xf0: {  	v40 =	vld [tilespmem:s31+$0x1840];
	v41 =	vadd.f32 v41, v43;
	v26 =	vadd.f32 v26, v32  }
0xf1: {  	v63 =	vadd.f32 v27, v45;
	v32 =	vld [tilespmem:s31+$0x1860];
	v42 =	vadd.f32 v42, v44  }
0xf2: {  	v27 =	vld [tilespmem:s31+$0x1870];
	v41 =	vadd.f32 v28, v41;
	v24 =	vadd.f32 v24, v26  }
0xf3: {  	v43 =	vadd.f32 v25, v63;
	v26 =	vld [tilespmem:s31+$0x3040];
	v35 =	vadd.f32 v35, v42  }
0xf4: {  	v25 =	vadd.f32 v31, v41;
	v28 =	vadd.f32 v20, v24;
	v20 =	vld [tilespmem:s31+$0x3050]  }
0xf5: {  	s10 =	simm.s32 $0x200;
	v31 =	vadd.f32 v21, v43;
	v21 =	vld [tilespmem:s31+$0x3060];
	v24 =	vadd.f32 v34, v35  }
.LBB3_4:
0xf6: {  	p0 =	sne.s32 s10, $0x600;
	v13 =	vadd.f32 v13, v28;
	v17 =	vadd.f32 v17, v25;
	v25 =	vld [tilespmem:s31+$0x3070]  }
0xf7: {  	v12 =	vadd.f32 v12, v31;
	v16 =	vadd.f32 v16, v24;
	v24 =	vld [tilespmem:s31+$0x1A60]  }
0xf8: {  	v11 =	vadd.f32 v11, v17;
	v17 =	vadd.f32 v40, v26;
	v26 =	vld [tilespmem:s31+$0x1A70]  }
0xf9: {  	v10 =	vadd.f32 v10, v16;
	v16 =	vadd.f32 v33, v20;
	v20 =	vld [tilespmem:s31+$0x1C60]  }
0xfa: {  	v17 =	vadd.f32 v38, v17;
	v21 =	vadd.f32 v32, v21;
	v28 =	vld [tilespmem:s31+$0x1C70]  }
0xfb: {  	v16 =	vadd.f32 v39, v16;
	v31 =	vld [tilespmem:s31+$0x1E60];
	v25 =	vadd.f32 v27, v25  }
0xfc: {  	v17 =	vadd.f32 v36, v17;
	v21 =	vadd.f32 v24, v21;
	v24 =	vld [tilespmem:s31+$0x1E70]  }
0xfd: {  	v16 =	vadd.f32 v37, v16;
	v27 =	vld [tilespmem:s31+$0x2060];
	v25 =	vadd.f32 v26, v25  }
0xfe: {  	v17 =	vadd.f32 v29, v17;
	v20 =	vadd.f32 v20, v21;
	v21 =	vld [tilespmem:s31+$0x2070]  }
0xff: {  	v16 =	vadd.f32 v30, v16;
	v26 =	vld [tilespmem:s31+$0x2260];
	v25 =	vadd.f32 v28, v25  }
0x100: {  	v17 =	vadd.f32 v22, v17;
	v20 =	vadd.f32 v31, v20;
	v22 =	vld [tilespmem:s31+$0x2270]  }
0x101: {  	v16 =	vadd.f32 v23, v16;
	v23 =	vld [tilespmem:s31+$0x2460];
	v24 =	vadd.f32 v24, v25  }
0x102: {  	v17 =	vadd.f32 v19, v17;
	v19 =	vadd.f32 v27, v20;
	v20 =	vld [tilespmem:s31+$0x2470]  }
0x103: {  	v16 =	vadd.f32 v18, v16;
	v18 =	vld [tilespmem:s31+$0x2660];
	v21 =	vadd.f32 v21, v24  }
0x104: {  	v15 =	vadd.f32 v15, v17;
	v17 =	vadd.f32 v26, v19;
	v19 =	vld [tilespmem:s31+$0x2670]  }
0x105: {  	v14 =	vadd.f32 v14, v16;
	v16 =	vld [tilespmem:s31+$0x2860];
	v21 =	vadd.f32 v22, v21  }
0x106: {  	v9 =	vadd.f32 v9, v15;
	v15 =	vadd.f32 v23, v17;
	v17 =	vld [tilespmem:s31+$0x2870]  }
0x107: {  	v8 =	vadd.f32 v8, v14;
	v14 =	vld [tilespmem:s31+$0x2A60];
	v20 =	vadd.f32 v20, v21  }
0x108: {  	v7 =	vadd.f32 v7, v9;
	v9 =	vadd.f32 v18, v15;
	v15 =	vld [tilespmem:s31+$0x2A70]  }
0x109: {  	v6 =	vadd.f32 v6, v8;
	v8 =	vld [tilespmem:s31+$0x2C60];
	v18 =	vadd.f32 v19, v20  }
0x10a: {  	v5 =	vadd.f32 v5, v7;
	v7 =	vadd.f32 v16, v9;
	v9 =	vld [tilespmem:s31+$0x2C70]  }
0x10b: {  	v4 =	vadd.f32 v4, v6;
	v6 =	vld [tilespmem:s31+$0x2E60];
	v16 =	vadd.f32 v17, v18  }
0x10c: {  	s13 =	sshra.s32 s10, $0x2;
	[tilespmem:s31+$0x3000] =	vst v13;
	v3 =	vadd.f32 v3, v5;
	v5 =	vadd.f32 v14, v7;
	v7 =	vld [tilespmem:s31+$0x2E70]  }
0x10d: {  	v13 =	vld [tilespmem:s13+$0x2E00];
	[tilespmem:s31+$0x3010] =	vst v12;
	v2 =	vadd.f32 v2, v4;
	v4 =	vadd.f32 v15, v16  }
0x10e: {  	v12 =	vld [tilespmem:s13+$0x2E10];
	[tilespmem:s31+$0x3020] =	vst v11;
	v1 =	vadd.f32 v1, v3;
	v3 =	vadd.f32 v8, v5  }
0x10f: {  	v11 =	vld [tilespmem:s13+$0x2E20];
	[tilespmem:s31+$0x3030] =	vst v10;
	v0 =	vadd.f32 v0, v2;
	v2 =	vadd.f32 v9, v4  }
0x110: {  	v10 =	vld [tilespmem:s13+$0x2E30];
	[tilespmem:s31+$0x3040] =	vst v1;
	v3 =	vadd.f32 v6, v3  }
0x111: {  	v1 =	vld [tilespmem:s13+$0x2E40];
	[tilespmem:s31+$0x3050] =	vst v0;
	v2 =	vadd.f32 v7, v2  }
0x112: {  	v0 =	vld [tilespmem:s13+$0x2E50];
	[tilespmem:s31+$0x3060] =	vst v3  }
0x113: {  	v20 =	vld [tilespmem:s13+$0x2C00];
	[tilespmem:s31+$0x3070] =	vst v2;
	s31 =	smov.u32 s13  }
0x114: {  	v21 =	vld [tilespmem:s31+$0x2C10]  }
0x115: {  	v17 =	vld [tilespmem:s31+$0x2C20]  }
0x116: {  	v16 =	vld [tilespmem:s31+$0x2C30]  }
0x117: {  	v3 =	vld [tilespmem:s31+$0x2C40]  }
0x118: {  	v2 =	vld [tilespmem:s31+$0x2C50]  }
0x119: {  	v27 =	vld [tilespmem:s31+$0x2A00]  }
0x11a: {  	v26 =	vld [tilespmem:s31+$0x2A10]  }
0x11b: {  	v25 =	vld [tilespmem:s31+$0x2A20]  }
0x11c: {  	v24 =	vld [tilespmem:s31+$0x2A30]  }
0x11d: {  	v5 =	vld [tilespmem:s31+$0x2A40]  }
0x11e: {  	v4 =	vld [tilespmem:s31+$0x2A50]  }
0x11f: {  	v33 =	vld [tilespmem:s31+$0x2800]  }
0x120: {  	v32 =	vld [tilespmem:s31+$0x2810]  }
0x121: {  	v31 =	vld [tilespmem:s31+$0x2820]  }
0x122: {  	v28 =	vld [tilespmem:s31+$0x2830]  }
0x123: {  	v7 =	vld [tilespmem:s31+$0x2840]  }
0x124: {  	v6 =	vld [tilespmem:s31+$0x2850]  }
0x125: {  	v39 =	vld [tilespmem:s31+$0x2600]  }
0x126: {  	v40 =	vld [tilespmem:s31+$0x2610]  }
0x127: {  	v35 =	vld [tilespmem:s31+$0x2620]  }
0x128: {  	v34 =	vld [tilespmem:s31+$0x2630]  }
0x129: {  	v9 =	vld [tilespmem:s31+$0x2640]  }
0x12a: {  	v8 =	vld [tilespmem:s31+$0x2650]  }
0x12b: {  	v37 =	vld [tilespmem:s31+$0x2400]  }
0x12c: {  	v38 =	vld [tilespmem:s31+$0x2410]  }
0x12d: {  	v41 =	vld [tilespmem:s31+$0x2420]  }
0x12e: {  	v42 =	vld [tilespmem:s31+$0x2430]  }
0x12f: {  	v15 =	vld [tilespmem:s31+$0x2440]  }
0x130: {  	v14 =	vld [tilespmem:s31+$0x2450]  }
0x131: {  	v30 =	vld [tilespmem:s31+$0x2200]  }
0x132: {  	v36 =	vld [tilespmem:s31+$0x2210]  }
0x133: {  	v43 =	vld [tilespmem:s31+$0x2220]  }
0x134: {  	v44 =	vld [tilespmem:s31+$0x2230]  }
0x135: {  	v19 =	vld [tilespmem:s31+$0x2240]  }
0x136: {  	v18 =	vld [tilespmem:s31+$0x2250]  }
0x137: {  	v23 =	vld [tilespmem:s31+$0x2000]  }
0x138: {  	v29 =	vld [tilespmem:s31+$0x2010]  }
0x139: {  	v22 =	vld [tilespmem:s31+$0x1E00]  }
0x13a: {  	v45 =	vld [tilespmem:s31+$0x1E10]  }
0x13b: {  	v46 =	vld [tilespmem:s31+$0x1C00]  }
0x13c: {  	v47 =	vld [tilespmem:s31+$0x1C10]  }
0x13d: {  	v48 =	vld [tilespmem:s31+$0x1A00]  }
0x13e: {  	v49 =	vld [tilespmem:s31+$0x1A10]  }
0x13f: {  	v50 =	vld [tilespmem:s31+$0x1800]  }
0x140: {  	v51 =	vld [tilespmem:s31+$0x1810]  }
0x141: {  	v52 =	vld [tilespmem:s31+$0x1820]  }
0x142: {  	v53 =	vld [tilespmem:s31+$0x1830]  }
0x143: {  	v54 =	vld [tilespmem:s31+$0x3000]  }
0x144: {  	v55 =	vld [tilespmem:s31+$0x3010]  }
0x145: {  	v56 =	vld [tilespmem:s31+$0x3020]  }
0x146: {  	v57 =	vld [tilespmem:s31+$0x3030]  }
0x147: {  	v58 =	vld [tilespmem:s31+$0x1A20]  }
0x148: {  	v50 =	vadd.f32 v50, v54;
	v54 =	vld [tilespmem:s31+$0x1A30]  }
0x149: {  	v51 =	vadd.f32 v51, v55;
	v55 =	vld [tilespmem:s31+$0x1C20]  }
0x14a: {  	v48 =	vadd.f32 v48, v50;
	v50 =	vadd.f32 v52, v56;
	v52 =	vld [tilespmem:s31+$0x1C30]  }
0x14b: {  	v49 =	vadd.f32 v49, v51;
	v51 =	vld [tilespmem:s31+$0x1E20];
	v53 =	vadd.f32 v53, v57  }
0x14c: {  	v46 =	vadd.f32 v46, v48;
	v48 =	vadd.f32 v58, v50;
	v50 =	vld [tilespmem:s31+$0x1E30]  }
0x14d: {  	v47 =	vadd.f32 v47, v49;
	v49 =	vld [tilespmem:s31+$0x2020];
	v53 =	vadd.f32 v54, v53  }
0x14e: {  	v46 =	vadd.f32 v22, v46;
	v48 =	vadd.f32 v55, v48;
	v54 =	vld [tilespmem:s31+$0x2030]  }
0x14f: {  	v45 =	vadd.f32 v45, v47;
	v47 =	vadd.f32 v52, v53;
	v22 =	vld [tilespmem:s31+$0x2040]  }
0x150: {  	v46 =	vadd.f32 v23, v46;
	v48 =	vadd.f32 v51, v48;
	v23 =	vld [tilespmem:s31+$0x2050]  }
0x151: {  	v45 =	vadd.f32 v29, v45;
	v47 =	vadd.f32 v50, v47;
	v29 =	vld [tilespmem:s31+$0x1E40]  }
0x152: {  	v46 =	vadd.f32 v30, v46;
	v48 =	vadd.f32 v49, v48;
	v30 =	vld [tilespmem:s31+$0x1E50]  }
0x153: {  	v45 =	vadd.f32 v36, v45;
	v47 =	vadd.f32 v54, v47;
	v36 =	vld [tilespmem:s31+$0x1C40]  }
0x154: {  	v46 =	vadd.f32 v37, v46;
	v43 =	vadd.f32 v43, v48;
	v37 =	vld [tilespmem:s31+$0x1C50]  }
0x155: {  	v45 =	vadd.f32 v38, v45;
	v44 =	vadd.f32 v44, v47;
	v38 =	vld [tilespmem:s31+$0x1A40]  }
0x156: {  	v46 =	vadd.f32 v39, v46;
	v41 =	vadd.f32 v41, v43;
	v39 =	vld [tilespmem:s31+$0x1A50]  }
0x157: {  	v43 =	vadd.f32 v40, v45;
	v42 =	vadd.f32 v42, v44;
	v40 =	vld [tilespmem:s31+$0x1840]  }
0x158: {  	v44 =	vadd.f32 v33, v46;
	v35 =	vadd.f32 v35, v41;
	v33 =	vld [tilespmem:s31+$0x1850]  }
.Ltmp1:
0x159: {  	v41 =	vadd.f32 v32, v43;
	v34 =	vadd.f32 v34, v42;
	v32 =	vld [tilespmem:s31+$0x1860];
	(pc) =	sbr.rel @p0 .LBB3_4-.Ltmp1, $4  }
0x15a: {  	v42 =	vadd.f32 v27, v44;
	v31 =	vadd.f32 v31, v35;
	v27 =	vld [tilespmem:s31+$0x1870]  }
0x15b: {  	v35 =	vadd.f32 v26, v41;
	v34 =	vadd.f32 v28, v34;
	v26 =	vld [tilespmem:s31+$0x3040]  }
0x15c: {  	v28 =	vadd.f32 v20, v42;
	v25 =	vadd.f32 v25, v31;
	v20 =	vld [tilespmem:s31+$0x3050]  }
0x15d: {  	s10 =	sadd.s32 $0x200, s10;
	v31 =	vadd.f32 v21, v35;
	v24 =	vadd.f32 v24, v34;
	v21 =	vld [tilespmem:s31+$0x3060]  }
0x15e: {  	v34 =	vld [tilespmem:s31+$0x3070];
	v13 =	vadd.f32 v13, v28;
	v17 =	vadd.f32 v17, v25  }
0x15f: {  	v56 =	vld [tilespmem:s31+$0x1A60];
	v12 =	vadd.f32 v12, v31;
	v16 =	vadd.f32 v16, v24  }
0x160: {  	v57 =	vld [tilespmem:s31+$0x1A70];
	v11 =	vadd.f32 v11, v17;
	v58 =	vadd.f32 v40, v26  }
0x161: {  	v59 =	vld [tilespmem:s31+$0x1C60];
	v10 =	vadd.f32 v10, v16;
	v60 =	vadd.f32 v33, v20  }
0x162: {  	v61 =	vld [tilespmem:s31+$0x1C70];
	v17 =	vadd.f32 v38, v58;
	v21 =	vadd.f32 v32, v21  }
0x163: {  	v62 =	vld [tilespmem:s31+$0x1E60];
	v16 =	vadd.f32 v39, v60;
	v27 =	vadd.f32 v27, v34  }
0x164: {  	v63 =	vld [tilespmem:s31+$0x1E70];
	v17 =	vadd.f32 v36, v17;
	v21 =	vadd.f32 v56, v21  }
0x165: {  	v32 =	vld [tilespmem:s31+$0x2060];
	v16 =	vadd.f32 v37, v16;
	v24 =	vadd.f32 v57, v27  }
0x166: {  	v33 =	vld [tilespmem:s31+$0x2070];
	v17 =	vadd.f32 v29, v17;
	v21 =	vadd.f32 v59, v21  }
0x167: {  	v34 =	vld [tilespmem:s31+$0x2260];
	v16 =	vadd.f32 v30, v16;
	v20 =	vadd.f32 v61, v24  }
0x168: {  	v35 =	vld [tilespmem:s31+$0x2270];
	v17 =	vadd.f32 v22, v17;
	v21 =	vadd.f32 v62, v21  }
0x169: {  	v36 =	vld [tilespmem:s31+$0x2460];
	v16 =	vadd.f32 v23, v16;
	v20 =	vadd.f32 v63, v20  }
0x16a: {  	v37 =	vld [tilespmem:s31+$0x2470];
	v17 =	vadd.f32 v19, v17;
	v38 =	vadd.f32 v32, v21  }
0x16b: {  	v39 =	vld [tilespmem:s31+$0x2660];
	v16 =	vadd.f32 v18, v16;
	v40 =	vadd.f32 v33, v20  }
0x16c: {  	v41 =	vld [tilespmem:s31+$0x2670];
	v15 =	vadd.f32 v15, v17;
	v42 =	vadd.f32 v34, v38  }
0x16d: {  	v43 =	vld [tilespmem:s31+$0x2860];
	v14 =	vadd.f32 v14, v16;
	v44 =	vadd.f32 v35, v40  }
0x16e: {  	v45 =	vld [tilespmem:s31+$0x2870];
	v9 =	vadd.f32 v9, v15;
	v46 =	vadd.f32 v36, v42  }
0x16f: {  	v47 =	vld [tilespmem:s31+$0x2A60];
	v8 =	vadd.f32 v8, v14;
	v48 =	vadd.f32 v37, v44  }
0x170: {  	v49 =	vld [tilespmem:s31+$0x2A70];
	v7 =	vadd.f32 v7, v9;
	v50 =	vadd.f32 v39, v46  }
0x171: {  	v51 =	vld [tilespmem:s31+$0x2C60];
	v6 =	vadd.f32 v6, v8;
	v52 =	vadd.f32 v41, v48  }
0x172: {  	v53 =	vld [tilespmem:s31+$0x2C70];
	v5 =	vadd.f32 v5, v7;
	v54 =	vadd.f32 v43, v50  }
0x173: {  	v55 =	vld [tilespmem:s31+$0x2E60];
	v4 =	vadd.f32 v4, v6;
	v56 =	vadd.f32 v45, v52  }
0x174: {  	[tilespmem:s31+$0x3000] =	vst v13;
	v58 =	vld [tilespmem:s31+$0x2E70];
	v3 =	vadd.f32 v3, v5;
	v57 =	vadd.f32 v47, v54  }
0x175: {  	[tilespmem:s31+$0x3010] =	vst v12;
	v2 =	vadd.f32 v2, v4;
	v59 =	vadd.f32 v49, v56  }
0x176: {  	[tilespmem:s31+$0x3020] =	vst v11;
	v1 =	vadd.f32 v1, v3;
	v60 =	vadd.f32 v51, v57  }
0x177: {  	[tilespmem:s31+$0x3030] =	vst v10;
	v0 =	vadd.f32 v0, v2;
	v61 =	vadd.f32 v53, v59  }
0x178: {  	[tilespmem:s31+$0x3040] =	vst v1;
	v62 =	vadd.f32 v55, v60  }
0x179: {  	s30 =	sadd.s32 $0x1, s30;
	[tilespmem:s31+$0x3050] =	vst v0;
	v63 =	vadd.f32 v58, v61  }
0x17a: {  	p0 =	sne.s32 s30, s18;
	[tilespmem:s31+$0x3060] =	vst v62  }
.Ltmp2:
0x17b: {  	[tilespmem:s31+$0x3070] =	vst v63;
	(pc) =	sbr.rel @p0 .LBB3_1-.Ltmp2, $4  }
0x17c: {  	[hbm4b:s17+s14] =	stream.linear.scatter [tilespmem:s20], [sflag:$0x2], $0x200, $0x38;
	[tilespmem:$0x3200] =	vst v63  }
0x17d: {  	_ =	swait.ge [sflag:s19], $0x200  }
0x17e: {  	[sflag:s19] =	ssyncset.done $0x0  }
0x17f: {  	[sflag:s19] =	ssyncadd.s32 $0xFFFFFE00  }
0x180: {  	_ =	sfence.sel $0x180000  }
0x181: {  	[bflag:$0x0] =	sbarrier.arrive $0xFFFF  }
0x182: {  	_ =	strace $0x9000004A  }
0x183: {  	s0 =	stileid.u32;
	[bflag:$0x2] =	sbarrier.arrive $0xFFFF  }
0x184: {  	p0 =	sne.s32 s0, $0x0;
	s0 =	rddreg [dreg:$0xe]  }
0x185: {  	s0 =	sadd.s32 @!p0 $0x100000, s0  }
0x186: {  	[sflag:s0] =	ssyncadd.tile.s32 @!p0 $0x1;
	_ =	shalt  }
.Lfunc_end3:
_tile_overlayer_lowered:
.L_overlay_start_3:
0x187: {  	(tag) =	ssettag $0x3  }
0x188: {  	s0 =	rddreg [dreg:$0x0];
	s2 =	stileid.u32  }
0x189: {  	s1 =	rddreg [dreg:$0x1];
	p0 =	sne.s32 s2, $0x0  }
0x18a: {  	s3 =	rddreg [dreg:$0x2];
	[bflag:$0x3] =	sbarrier.arrive $0xFFFF;
	s2 =	simm.s32 @!p0 $0x1C02  }
0x18b: {  	[timem:s3], [sflag:s2] =	dma.local @!p0 [hbm:s0], s1  }
0x18c: {  	s0 =	simm.s32 @!p0 $0x2  }
0x18d: {  	_ =	swait.ge @!p0 [sflag:s0], s1  }
0x18e: {  	s1 =	ssub.s32 @!p0 $0x0, s1;
	[sflag:s0] =	ssyncset.done @!p0 $0x0  }
0x18f: {  	[sflag:s0] =	ssyncadd.s32 @!p0 s1  }
0x190: {  	[bflag:$0x3] =	sbarrier.arrive $0xFFFF  }
0x191: {  	_ =	shalt  }

</sc_bundles>
